<compile_context>
chip_gen: v7x
topology: tpu7x:2x2x1
jax: 0.10.2.dev20260603
libtpu: 0.0.44.dev20260713+nightly
codegen_flags: <defaults>
</compile_context>

<pallas_src>
import functools

import jax
import jax.numpy as jnp
from jax import lax
from jax.experimental import pallas as pl
from jax.experimental.pallas import tpu as pltpu
from jax.experimental.pallas import tpu_sc as plsc

N = 10000
E = 320000
D = 128
R = 8
NB = 30

NC = 2
NS = 16
NW = NC * NS
C = 128
NCH = 80
EPW = NCH * C
EPAD = EPW * NW
CA = 512
NCHA = EPAD // NS // CA
TOTCH = EPAD // C
CN = 120
CS = TOTCH // NS - CN
RND = 40
NPAD = 10240
RPT = NPAD // NS

BN = 400
NBLK = N // BN

_mesh = plsc.VectorSubcoreMesh(core_axis_name="c", subcore_axis_name="s")


def _i16(v):
    return jnp.zeros((16,), jnp.int32) + v


HR = 640
HRPT = HR // NS


def _cw_body(ed_hbm, zero_hbm, w_hbm, g_hbm,
             acc_sh, hist, eda, edb, edc, edd, wbuf, gbuf, ivb, sA, sB):
    c = lax.axis_index("c")
    s = lax.axis_index("s")
    pltpu.sync_copy(zero_hbm.at[pl.ds(s * HRPT, HRPT)], acc_sh.at[pl.ds(s * HRPT, HRPT)])
    pltpu.sync_copy(zero_hbm.at[pl.ds(0, HR)], hist)

    base_a = s * (EPAD // NS)

    def issue_a(j, buf, sem):
        off = base_a + j * CA
        pltpu.async_copy(ed_hbm.at[:, pl.ds(off, CA)], buf, sem)

    def wait_a(buf, sem):
        pltpu.make_async_copy(ed_hbm.at[:, pl.ds(0, CA)], buf, sem).wait()

    def count(buf):
        for g in range(CA // 16):
            dv = buf[0, pl.ds(g * 16, 16)]
            ev = buf[1, pl.ds(g * 16, 16)]
            seg = dv * R + jnp.minimum(ev, R - 1)
            plsc.addupdate_scatter(hist,
                                   [lax.shift_right_logical(seg, 7),
                                    jnp.bitwise_and(seg, 127)],
                                   jnp.zeros((16,), jnp.float32) + 1.0,
                                   mask=ev < R)

    issue_a(0, eda, sA)

    def loop_a(jj, _):
        issue_a(jj + 1, edb, sB)
        wait_a(eda, sA)
        count(eda)
        issue_a(jnp.minimum(jj + 2, NCHA - 1), eda, sA)
        wait_a(edb, sB)
        count(edb)
        return 0

    lax.fori_loop(0, NCHA // 2, lambda t, x: loop_a(t * 2, x), 0)
    wait_a(eda, sA)
    plsc.subcore_barrier()

    def merge(p, _):
        def wr(g, _):
            ivb[0, pl.ds(g * 16, 16)] = lax.iota(jnp.int32, 16) + (p * C + g * 16)
            return 0

        lax.fori_loop(0, C // 16, wr, 0)
        pltpu.sync_copy(hist.at[pl.ds(p * C, C)], acc_sh.at[ivb.at[0]], add=True)
        return 0

    lax.fori_loop(0, HR // C, merge, 0)
    plsc.subcore_barrier()
    pltpu.sync_copy(acc_sh, hist)

    wid = c * NS + s
    base = wid * EPW

    def issue_b(j, buf, sem):
        off = base + j * C
        pltpu.async_copy(ed_hbm.at[:, pl.ds(off, C)], buf, sem)

    def wait_b(buf, sem):
        pltpu.make_async_copy(ed_hbm.at[:, pl.ds(0, C)], buf, sem).wait()

    def weights(buf, j):
        def grp(k, _):
            dv = buf[0, pl.ds(k * 16, 16)]
            ev = buf[1, pl.ds(k * 16, 16)]
            sv = buf[2, pl.ds(k * 16, 16)]
            seg = dv * R + jnp.minimum(ev, R - 1)
            cnt = plsc.load_gather(hist,
                                   [lax.shift_right_logical(seg, 7),
                                    jnp.bitwise_and(seg, 127)])
            wbuf[j, pl.ds(k * 16, 16)] = jnp.where(ev < R, 1.0 / jnp.maximum(cnt, 1.0), 0.0)
            gbuf[j, pl.ds(k * 16, 16)] = jnp.where(ev < R, ev, 0) * N + sv
            return 0

        lax.fori_loop(0, C // 16, grp, 0)

    issue_b(0, edc, sA)

    def loop_b(jj, _):
        issue_b(jj + 1, edd, sB)
        wait_b(edc, sA)
        weights(edc, jj)
        issue_b(jnp.minimum(jj + 2, NCH - 1), edc, sA)
        wait_b(edd, sB)
        weights(edd, jj + 1)
        return 0

    lax.fori_loop(0, NCH // 2, lambda t, x: loop_b(t * 2, x), 0)
    wait_b(edc, sA)
    pltpu.sync_copy(wbuf, w_hbm.at[pl.ds(wid * NCH, NCH)])
    pltpu.sync_copy(gbuf, g_hbm.at[pl.ds(wid * NCH, NCH)])


_sc_cw = pl.kernel(
    _cw_body,
    out_type=[jax.ShapeDtypeStruct((TOTCH, C), jnp.float32),
              jax.ShapeDtypeStruct((TOTCH, C), jnp.int32)],
    mesh=_mesh,
    scratch_types=[
        pltpu.VMEM_SHARED((HR, 128), jnp.float32),
        pltpu.VMEM((HR, 128), jnp.float32),
        pltpu.VMEM((3, CA), jnp.int32),
        pltpu.VMEM((3, CA), jnp.int32),
        pltpu.VMEM((3, C), jnp.int32),
        pltpu.VMEM((3, C), jnp.int32),
        pltpu.VMEM((NCH, C), jnp.float32),
        pltpu.VMEM((NCH, C), jnp.int32),
        pltpu.VMEM((1, C), jnp.int32),
        pltpu.SemaphoreType.DMA,
        pltpu.SemaphoreType.DMA,
    ],
    compiler_params=pltpu.CompilerParams(needs_layout_passes=False),
)


def _agg_body(tab_hbm, g_hbm, w_hbm, d_hbm, zero_hbm, out_hbm,
              acc_sh, gv, wv, dv, rowsA, rowsB, sA, sB):
    c = lax.axis_index("c")
    s = lax.axis_index("s")
    pltpu.sync_copy(zero_hbm.at[pl.ds(s * RPT, RPT)], acc_sh.at[pl.ds(s * RPT, RPT)])
    plsc.subcore_barrier()

    nrounds = jnp.where(c == 0, CN // RND, CS // RND)
    tile_base = jnp.where(c == 0, s * CN, NS * CN + s * CS)

    def issue(j, rows, sem):
        pltpu.async_copy(tab_hbm.at[gv.at[j]], rows, sem)

    def wait(rows, sem):
        pltpu.make_async_copy(tab_hbm.at[gv.at[0]], rows, sem).wait()

    def scale_scatter(rows, j):
        def edge(i, _):
            wb = plsc.load_gather(wv, [_i16(j), _i16(i)])
            for t in range(D // 16):
                rows[i, pl.ds(t * 16, 16)] = rows[i, pl.ds(t * 16, 16)] * wb
            return 0

        lax.fori_loop(0, C, edge, 0)
        pltpu.sync_copy(rows, acc_sh.at[dv.at[j]], add=True)

    def rnd(r, _):
        cb = tile_base + r * RND
        pltpu.sync_copy(g_hbm.at[pl.ds(cb, RND)], gv)
        pltpu.sync_copy(w_hbm.at[pl.ds(cb, RND)], wv)
        pltpu.sync_copy(d_hbm.at[pl.ds(cb, RND)], dv)
        issue(0, rowsA, sA)

        def loop(jj, _):
            issue(jj + 1, rowsB, sB)
            wait(rowsA, sA)
            scale_scatter(rowsA, jj)
            issue(jnp.minimum(jj + 2, RND - 1), rowsA, sA)
            wait(rowsB, sB)
            scale_scatter(rowsB, jj + 1)
            return 0

        lax.fori_loop(0, RND // 2, lambda t, x: loop(t * 2, x), 0)
        wait(rowsA, sA)
        return 0

    lax.fori_loop(0, nrounds, rnd, 0)
    plsc.subcore_barrier()
    pltpu.sync_copy(acc_sh.at[pl.ds(s * RPT, RPT)], out_hbm.at[c].at[pl.ds(s * RPT, RPT)])


_sc_agg = pl.kernel(
    _agg_body,
    out_type=jax.ShapeDtypeStruct((NC, NPAD, D), jnp.float32),
    mesh=_mesh,
    scratch_types=[
        pltpu.VMEM_SHARED((NPAD, D), jnp.float32),
        pltpu.VMEM((RND, C), jnp.int32),
        pltpu.VMEM((RND, C), jnp.float32),
        pltpu.VMEM((RND, C), jnp.int32),
        pltpu.VMEM((C, D), jnp.float32),
        pltpu.VMEM((C, D), jnp.float32),
        pltpu.SemaphoreType.DMA,
        pltpu.SemaphoreType.DMA,
    ],
    compiler_params=pltpu.CompilerParams(needs_layout_passes=False),
)


def _wr_body(c0_ref, b0_ref, c1_ref, b1_ref, w0_ref, w1_ref):
    w0_ref[...] = jnp.dot(c0_ref[...], b0_ref[...], preferred_element_type=jnp.float32)
    w1_ref[...] = jnp.dot(c1_ref[...], b1_ref[...], preferred_element_type=jnp.float32)


_wr_kernel = pl.pallas_call(
    _wr_body,
    out_shape=[jax.ShapeDtypeStruct((R, D * D), jnp.float32),
               jax.ShapeDtypeStruct((R, D * D), jnp.float32)],
)


def _xw_body(x_ref, wr_ref, root_ref, bias_ref, xw_ref, hr_ref):
    xb = x_ref[...]
    for r in range(R):
        xw_ref[r] = jnp.dot(xb, wr_ref[r], preferred_element_type=jnp.float32)
    hr_ref[...] = jnp.dot(xb, root_ref[...], preferred_element_type=jnp.float32) + bias_ref[...]


_xw_kernel = pl.pallas_call(
    _xw_body,
    grid=(NBLK,),
    in_specs=[
        pl.BlockSpec((BN, D), lambda i: (i, 0)),
        pl.BlockSpec((R, D, D), lambda i: (0, 0, 0)),
        pl.BlockSpec((D, D), lambda i: (0, 0)),
        pl.BlockSpec((1, D), lambda i: (0, 0)),
    ],
    out_specs=[
        pl.BlockSpec((R, BN, D), lambda i: (0, i, 0)),
        pl.BlockSpec((BN, D), lambda i: (i, 0)),
    ],
    out_shape=[jax.ShapeDtypeStruct((R, N, D), jnp.float32),
               jax.ShapeDtypeStruct((N, D), jnp.float32)],
)


def _stats_body(aggp_ref, hr_ref, hpre_ref, mom_ref):
    i = pl.program_id(0)
    h = aggp_ref[0] + aggp_ref[1] + hr_ref[...]
    hpre_ref[...] = h
    s1 = jnp.sum(h, axis=0, keepdims=True)
    s2 = jnp.sum(h * h, axis=0, keepdims=True)
    upd = jnp.concatenate([s1, s2, jnp.zeros((6, D), jnp.float32)], axis=0)

    @pl.when(i == 0)
    def _():
        mom_ref[...] = upd

    @pl.when(i > 0)
    def _():
        mom_ref[...] += upd


_stats_kernel = pl.pallas_call(
    _stats_body,
    grid=(NBLK,),
    in_specs=[
        pl.BlockSpec((NC, BN, D), lambda i: (0, i, 0)),
        pl.BlockSpec((BN, D), lambda i: (i, 0)),
    ],
    out_specs=[
        pl.BlockSpec((BN, D), lambda i: (i, 0)),
        pl.BlockSpec((8, D), lambda i: (0, 0)),
    ],
    out_shape=[jax.ShapeDtypeStruct((N, D), jnp.float32),
               jax.ShapeDtypeStruct((8, D), jnp.float32)],
)


def _bn_scale(mom_ref, gamma_ref, beta_ref):
    mu = mom_ref[0:1] / N
    var = mom_ref[1:2] / N - mu * mu
    a = gamma_ref[...] * lax.rsqrt(var + 1e-5)
    b = beta_ref[...] - mu * a
    return a, b


def _apply_body(hpre_ref, mom_ref, gamma_ref, beta_ref, wr_ref, root_ref, bias_ref,
                xw_ref, hr_ref):
    a, b = _bn_scale(mom_ref, gamma_ref, beta_ref)
    h1 = jax.nn.relu(hpre_ref[...] * a + b)
    for r in range(R):
        xw_ref[r] = jnp.dot(h1, wr_ref[r], preferred_element_type=jnp.float32)
    hr_ref[...] = jnp.dot(h1, root_ref[...], preferred_element_type=jnp.float32) + bias_ref[...]


_apply_kernel = pl.pallas_call(
    _apply_body,
    grid=(NBLK,),
    in_specs=[
        pl.BlockSpec((BN, D), lambda i: (i, 0)),
        pl.BlockSpec((8, D), lambda i: (0, 0)),
        pl.BlockSpec((1, D), lambda i: (0, 0)),
        pl.BlockSpec((1, D), lambda i: (0, 0)),
        pl.BlockSpec((R, D, D), lambda i: (0, 0, 0)),
        pl.BlockSpec((D, D), lambda i: (0, 0)),
        pl.BlockSpec((1, D), lambda i: (0, 0)),
    ],
    out_specs=[
        pl.BlockSpec((R, BN, D), lambda i: (0, i, 0)),
        pl.BlockSpec((BN, D), lambda i: (i, 0)),
    ],
    out_shape=[jax.ShapeDtypeStruct((R, N, D), jnp.float32),
               jax.ShapeDtypeStruct((N, D), jnp.float32)],
)


def _final_body(hpre_ref, mom_ref, gamma_ref, beta_ref, wf_ref, bf_ref, out_ref):
    a, b = _bn_scale(mom_ref, gamma_ref, beta_ref)
    h1 = jax.nn.relu(hpre_ref[...] * a + b)
    out_ref[...] = jnp.dot(h1, wf_ref[...], preferred_element_type=jnp.float32) + bf_ref[...]


_final_kernel = pl.pallas_call(
    _final_body,
    grid=(NBLK,),
    in_specs=[
        pl.BlockSpec((BN, D), lambda i: (i, 0)),
        pl.BlockSpec((8, D), lambda i: (0, 0)),
        pl.BlockSpec((1, D), lambda i: (0, 0)),
        pl.BlockSpec((1, D), lambda i: (0, 0)),
        pl.BlockSpec((D, D), lambda i: (0, 0)),
        pl.BlockSpec((1, D), lambda i: (0, 0)),
    ],
    out_specs=pl.BlockSpec((BN, D), lambda i: (i, 0)),
    out_shape=jax.ShapeDtypeStruct((N, D), jnp.float32),
)


def kernel(x, edge_index, edge_type, basis0, comp0, root0, bias0, gamma0, beta0,
           basis1, comp1, root1, bias1, gamma1, beta1, Wf, bf):
    pad = EPAD - E
    src_p = jnp.pad(edge_index[0], (0, pad))
    dst_p = jnp.pad(edge_index[1], (0, pad))
    et_p = jnp.pad(edge_type, (0, pad), constant_values=R)
    ed3 = jnp.stack([dst_p, et_p, src_p])
    dst3 = dst_p.reshape(TOTCH, C)
    zerosD = jnp.zeros((NPAD, D), jnp.float32)

    w_e, gidx = _sc_cw(ed3, zerosD)

    wr0f, wr1f = _wr_kernel(comp0, basis0.reshape(NB, D * D),
                            comp1, basis1.reshape(NB, D * D))
    wr0 = wr0f.reshape(R, D, D)
    wr1 = wr1f.reshape(R, D, D)

    xw0, hr0 = _xw_kernel(x, wr0, root0, bias0.reshape(1, D))
    agg0p = _sc_agg(xw0.reshape(R * N, D), gidx, w_e, dst3, zerosD)
    hpre0, mom0 = _stats_kernel(agg0p, hr0)

    xw1, hr1 = _apply_kernel(hpre0, mom0, gamma0.reshape(1, D), beta0.reshape(1, D),
                             wr1, root1, bias1.reshape(1, D))
    agg1p = _sc_agg(xw1.reshape(R * N, D), gidx, w_e, dst3, zerosD)
    hpre1, mom1 = _stats_kernel(agg1p, hr1)

    return _final_kernel(hpre1, mom1, gamma1.reshape(1, D), beta1.reshape(1, D),
                         Wf, bf.reshape(1, D))

# --- scband reference (transcript-rebuilt; emitter-appended) ---
"""Pipeline reference for scband-rgcnencoder-10101763080454 (READ-ONLY COPY).

The authoritative reference and input builder live on the scoring server;
editing this copy changes nothing except your own understanding.
"""

import jax, jax.numpy as jnp
import numpy as np

N = 10000
E = 320000
D_IN = 128
HID = [128, 128]
R = 8
NB = 30


def setup_inputs(seed: int = 0) -> dict:
    key = jax.random.key(seed)
    ks = jax.random.split(key, 24)
    inp = {}
    inp["x"] = jax.random.normal(ks[0], (N, D_IN), dtype=jnp.float32)
    inp["edge_index"] = jax.random.randint(ks[1], (2, E), 0, N, dtype=jnp.int32)
    inp["edge_type"] = jax.random.randint(ks[2], (E,), 0, R, dtype=jnp.int32)
    dims = [D_IN] + HID
    k = 3
    for i in range(2):
        s_in = 1.0 / np.sqrt(dims[i])
        inp[f"basis{i}"] = jax.random.normal(ks[k], (NB, dims[i], dims[i + 1]), dtype=jnp.float32) * s_in; k += 1
        inp[f"comp{i}"] = jax.random.normal(ks[k], (R, NB), dtype=jnp.float32) * (1.0 / np.sqrt(NB)); k += 1
        inp[f"root{i}"] = jax.random.normal(ks[k], (dims[i], dims[i + 1]), dtype=jnp.float32) * s_in; k += 1
        inp[f"bias{i}"] = jnp.zeros((dims[i + 1],), dtype=jnp.float32)
        inp[f"gamma{i}"] = jnp.ones((dims[i + 1],), dtype=jnp.float32)
        inp[f"beta{i}"] = jnp.zeros((dims[i + 1],), dtype=jnp.float32)
    inp["Wf"] = jax.random.normal(ks[k], (HID[1], HID[1]), dtype=jnp.float32) * (1.0 / np.sqrt(HID[1])); k += 1
    inp["bf"] = jnp.zeros((HID[1],), dtype=jnp.float32)
    return inp


def _rgcn_conv(x, edge_index, edge_type, basis, comp, root, bias):
    # basis decomposition: W_r = sum_b comp[r,b] * basis[b]
    Wr = jnp.einsum("rb,bio->rio", comp, basis)  # [R, in, out]
    xw = jnp.einsum("ni,rio->rno", x, Wr)        # [R, N, out]
    src = edge_index[0]
    dst = edge_index[1]
    msg = xw[edge_type, src]                      # [E, out] gather
    seg = dst * R + edge_type                     # per-(dst, relation) segment
    sums = jax.ops.segment_sum(msg, seg, num_segments=N * R)
    cnt = jnp.bincount(seg, length=N * R).astype(x.dtype)
    mean = sums / jnp.maximum(cnt, 1.0)[:, None]  # per-relation mean aggregation
    agg = mean.reshape(N, R, -1).sum(axis=1)
    return agg + x @ root + bias


def _batchnorm(h, gamma, beta):
    mu = h.mean(axis=0)
    var = h.var(axis=0)
    return (h - mu) / jnp.sqrt(var + 1e-5) * gamma + beta


def reference(x, edge_index, edge_type, basis0, comp0, root0, bias0, gamma0, beta0,
              basis1, comp1, root1, bias1, gamma1, beta1, Wf, bf):
    h = _rgcn_conv(x, edge_index, edge_type, basis0, comp0, root0, bias0)
    h = _batchnorm(h, gamma0, beta0)
    h = jax.nn.relu(h)
    # dropout is identity in eval mode
    h = _rgcn_conv(h, edge_index, edge_type, basis1, comp1, root1, bias1)
    h = _batchnorm(h, gamma1, beta1)
    h = jax.nn.relu(h)
    out = h @ Wf + bf
    return out

if __name__ == "__main__":
    import jax
    _d = setup_inputs()
    print(jax.jit(kernel)(*tuple(_d.values())))

</pallas_src>

<mosaic_0001>
#map = affine_map<(d0, d1) -> (0, 0)>
#map1 = affine_map<(d0, d1) -> (0, 0, 0)>
module attributes {stable_mosaic.version = 14 : i64} {
  func.func @_agg_body(%arg0: i32, %arg1: i32, %arg2: memref<80000x128xf32, #tpu.memory_space<hbm>>, %arg3: memref<2560x128xi32, #tpu.memory_space<hbm>>, %arg4: memref<2560x128xf32, #tpu.memory_space<hbm>>, %arg5: memref<2560x128xi32, #tpu.memory_space<hbm>>, %arg6: memref<10240x128xf32, #tpu.memory_space<hbm>>, %arg7: memref<2x10240x128xf32, #tpu.memory_space<hbm>>, %arg8: memref<10240x128xf32, #tpu.memory_space<vmem_shared>>, %arg9: memref<40x128xi32, #tpu.memory_space<vmem>>, %arg10: memref<40x128xf32, #tpu.memory_space<vmem>>, %arg11: memref<40x128xi32, #tpu.memory_space<vmem>>, %arg12: memref<128x128xf32, #tpu.memory_space<vmem>>, %arg13: memref<128x128xf32, #tpu.memory_space<vmem>>, %arg14: memref<!tpu.dma_semaphore, #tpu.memory_space<semaphore_mem>>, %arg15: memref<!tpu.dma_semaphore, #tpu.memory_space<semaphore_mem>>) attributes {dimension_semantics = [#tpu.dimension_semantics<core_parallel>, #tpu.dimension_semantics<subcore_parallel>], iteration_bounds = array<i64: 2, 16>, scalar_prefetch = 0 : i64, scratch_operands = 8 : i64, tpu.core_type = #tpu.core_type<sc_vector_subcore>, window_params = [{transform_indices = #map}, {transform_indices = #map}, {transform_indices = #map}, {transform_indices = #map}, {transform_indices = #map}, {transform_indices = #map1}]} {
    %mul3A = arith.constant 640 : i32
    %mul3A_0 = arith.muli %arg1, %mul3A : i32
    %mul3A_1 = arith.constant 640 : i32
    %mul3A_2 = arith.muli %arg1, %mul3A_1 : i32
    "tpu.region"() ({
      %run_scoped3A = tpu.sem_alloc : memref<!tpu.dma_semaphore, #tpu.memory_space<semaphore_mem>>
      %dma_start3A = arith.constant 0 : i32
      %dma_start3A_29 = tpu.memref_slice %arg8[%mul3A_2, %dma_start3A] : memref<10240x128xf32, #tpu.memory_space<vmem_shared>> -> memref<640x128xf32, #tpu.memory_space<vmem_shared>>
      %dma_start3A_30 = arith.constant 0 : i32
      %dma_start3A_31 = tpu.memref_slice %arg6[%mul3A_0, %dma_start3A_30] : memref<10240x128xf32, #tpu.memory_space<hbm>> -> memref<640x128xf32, #tpu.memory_space<hbm>>
      tpu.enqueue_dma source(%dma_start3A_31 : memref<640x128xf32, #tpu.memory_space<hbm>>) target(%dma_start3A_29 : memref<640x128xf32, #tpu.memory_space<vmem_shared>>) target_semaphore(%run_scoped3A : memref<!tpu.dma_semaphore, #tpu.memory_space<semaphore_mem>>)
      %dma_wait3A = arith.constant 0 : i32
      %dma_wait3A_32 = tpu.memref_slice %arg8[%mul3A_2, %dma_wait3A] : memref<10240x128xf32, #tpu.memory_space<vmem_shared>> -> memref<640x128xf32, #tpu.memory_space<vmem_shared>>
      %dma_wait3A_33 = arith.constant 0 : i32
      %dma_wait3A_34 = tpu.memref_slice %arg6[%mul3A_0, %dma_wait3A_33] : memref<10240x128xf32, #tpu.memory_space<hbm>> -> memref<640x128xf32, #tpu.memory_space<hbm>>
      tpu.wait_dma2 semaphore(%run_scoped3A : memref<!tpu.dma_semaphore, #tpu.memory_space<semaphore_mem>>) src(%dma_wait3A_34 : memref<640x128xf32, #tpu.memory_space<hbm>>) dst(%dma_wait3A_32 : memref<640x128xf32, #tpu.memory_space<vmem_shared>>)
      tpu.yield
    }) : () -> ()
    %barrier3A = arith.constant 0 : index
    tpu.barrier barrier_id(%barrier3A)
    %eq3A = arith.constant 0 : i32
    %eq3A_3 = arith.cmpi eq, %arg0, %eq3A : i32
    %jit3A = arith.constant 3 : i32
    %jit3A_4 = arith.constant 1 : i32
    %select_n3A = arith.select %eq3A_3, %jit3A, %jit3A_4 : i32
    %eq3A_5 = arith.constant 0 : i32
    %eq3A_6 = arith.cmpi eq, %arg0, %eq3A_5 : i32
    %mul3A_7 = arith.constant 120 : i32
    %mul3A_8 = arith.muli %arg1, %mul3A_7 : i32
    %mul3A_9 = arith.constant 40 : i32
    %mul3A_10 = arith.muli %arg1, %mul3A_9 : i32
    %add3A = arith.constant 1920 : i32
    %add3A_11 = arith.addi %add3A, %mul3A_10 : i32
    %select_n3A_12 = arith.select %eq3A_6, %mul3A_8, %add3A_11 : i32
    %while3A = arith.constant 0 : i32
    %while3A_13 = arith.constant 0 : i32
    %while3A_14 = arith.subi %select_n3A, %while3A : i32
    %while3A_15 = arith.addi %while3A, %while3A_14 : i32
    %while3A_16 = arith.constant 1 : i32
    %while3A_17 = arith.divsi %while3A_14, %while3A_16 : i32
    %while3A_18 = arith.muli %while3A_17, %while3A_16 : i32
    %while3A_19 = arith.addi %while3A, %while3A_18 : i32
    %while3A_20 = arith.constant 1 : i32
    %while3A_21 = scf.for %while3A_29 = %while3A to %while3A_19 step %while3A_20 iter_args(%while3A_30 = %while3A_13) -> (i32)  : i32 {
      %mul3A_31 = arith.constant 40 : i32
      %mul3A_32 = arith.muli %while3A_29, %mul3A_31 : i32
      %add3A_33 = arith.addi %select_n3A_12, %mul3A_32 : i32
      "tpu.region"() ({
        %run_scoped3A = tpu.sem_alloc : memref<!tpu.dma_semaphore, #tpu.memory_space<semaphore_mem>>
        %dma_start3A_53 = arith.constant 0 : i32
        %dma_start3A_54 = tpu.memref_slice %arg3[%add3A_33, %dma_start3A_53] : memref<2560x128xi32, #tpu.memory_space<hbm>> -> memref<40x128xi32, #tpu.memory_space<hbm>>
        %dma_start3A_55 = arith.constant 0 : i32
        %dma_start3A_56 = tpu.memref_slice %arg3[%add3A_33, %dma_start3A_55] : memref<2560x128xi32, #tpu.memory_space<hbm>> -> memref<40x128xi32, #tpu.memory_space<hbm>>
        tpu.enqueue_dma source(%dma_start3A_56 : memref<40x128xi32, #tpu.memory_space<hbm>>) target(%arg9 : memref<40x128xi32, #tpu.memory_space<vmem>>) target_semaphore(%run_scoped3A : memref<!tpu.dma_semaphore, #tpu.memory_space<semaphore_mem>>)
        %dma_wait3A_57 = arith.constant 0 : i32
        %dma_wait3A_58 = tpu.memref_slice %arg3[%add3A_33, %dma_wait3A_57] : memref<2560x128xi32, #tpu.memory_space<hbm>> -> memref<40x128xi32, #tpu.memory_space<hbm>>
        %dma_wait3A_59 = arith.constant 0 : i32
        %dma_wait3A_60 = tpu.memref_slice %arg3[%add3A_33, %dma_wait3A_59] : memref<2560x128xi32, #tpu.memory_space<hbm>> -> memref<40x128xi32, #tpu.memory_space<hbm>>
        tpu.wait_dma2 semaphore(%run_scoped3A : memref<!tpu.dma_semaphore, #tpu.memory_space<semaphore_mem>>) src(%dma_wait3A_60 : memref<40x128xi32, #tpu.memory_space<hbm>>) dst(%arg9 : memref<40x128xi32, #tpu.memory_space<vmem>>)
        tpu.yield
      }) : () -> ()
      "tpu.region"() ({
        %run_scoped3A = tpu.sem_alloc : memref<!tpu.dma_semaphore, #tpu.memory_space<semaphore_mem>>
        %dma_start3A_53 = arith.constant 0 : i32
        %dma_start3A_54 = tpu.memref_slice %arg4[%add3A_33, %dma_start3A_53] : memref<2560x128xf32, #tpu.memory_space<hbm>> -> memref<40x128xf32, #tpu.memory_space<hbm>>
        %dma_start3A_55 = arith.constant 0 : i32
        %dma_start3A_56 = tpu.memref_slice %arg4[%add3A_33, %dma_start3A_55] : memref<2560x128xf32, #tpu.memory_space<hbm>> -> memref<40x128xf32, #tpu.memory_space<hbm>>
        tpu.enqueue_dma source(%dma_start3A_56 : memref<40x128xf32, #tpu.memory_space<hbm>>) target(%arg10 : memref<40x128xf32, #tpu.memory_space<vmem>>) target_semaphore(%run_scoped3A : memref<!tpu.dma_semaphore, #tpu.memory_space<semaphore_mem>>)
        %dma_wait3A_57 = arith.constant 0 : i32
        %dma_wait3A_58 = tpu.memref_slice %arg4[%add3A_33, %dma_wait3A_57] : memref<2560x128xf32, #tpu.memory_space<hbm>> -> memref<40x128xf32, #tpu.memory_space<hbm>>
        %dma_wait3A_59 = arith.constant 0 : i32
        %dma_wait3A_60 = tpu.memref_slice %arg4[%add3A_33, %dma_wait3A_59] : memref<2560x128xf32, #tpu.memory_space<hbm>> -> memref<40x128xf32, #tpu.memory_space<hbm>>
        tpu.wait_dma2 semaphore(%run_scoped3A : memref<!tpu.dma_semaphore, #tpu.memory_space<semaphore_mem>>) src(%dma_wait3A_60 : memref<40x128xf32, #tpu.memory_space<hbm>>) dst(%arg10 : memref<40x128xf32, #tpu.memory_space<vmem>>)
        tpu.yield
      }) : () -> ()
      "tpu.region"() ({
        %run_scoped3A = tpu.sem_alloc : memref<!tpu.dma_semaphore, #tpu.memory_space<semaphore_mem>>
        %dma_start3A_53 = arith.constant 0 : i32
        %dma_start3A_54 = tpu.memref_slice %arg5[%add3A_33, %dma_start3A_53] : memref<2560x128xi32, #tpu.memory_space<hbm>> -> memref<40x128xi32, #tpu.memory_space<hbm>>
        %dma_start3A_55 = arith.constant 0 : i32
        %dma_start3A_56 = tpu.memref_slice %arg5[%add3A_33, %dma_start3A_55] : memref<2560x128xi32, #tpu.memory_space<hbm>> -> memref<40x128xi32, #tpu.memory_space<hbm>>
        tpu.enqueue_dma source(%dma_start3A_56 : memref<40x128xi32, #tpu.memory_space<hbm>>) target(%arg11 : memref<40x128xi32, #tpu.memory_space<vmem>>) target_semaphore(%run_scoped3A : memref<!tpu.dma_semaphore, #tpu.memory_space<semaphore_mem>>)
        %dma_wait3A_57 = arith.constant 0 : i32
        %dma_wait3A_58 = tpu.memref_slice %arg5[%add3A_33, %dma_wait3A_57] : memref<2560x128xi32, #tpu.memory_space<hbm>> -> memref<40x128xi32, #tpu.memory_space<hbm>>
        %dma_wait3A_59 = arith.constant 0 : i32
        %dma_wait3A_60 = tpu.memref_slice %arg5[%add3A_33, %dma_wait3A_59] : memref<2560x128xi32, #tpu.memory_space<hbm>> -> memref<40x128xi32, #tpu.memory_space<hbm>>
        tpu.wait_dma2 semaphore(%run_scoped3A : memref<!tpu.dma_semaphore, #tpu.memory_space<semaphore_mem>>) src(%dma_wait3A_60 : memref<40x128xi32, #tpu.memory_space<hbm>>) dst(%arg11 : memref<40x128xi32, #tpu.memory_space<vmem>>)
        tpu.yield
      }) : () -> ()
      %dma_start3A = arith.constant 0 : i32
      %dma_start3A_34 = arith.constant 0 : i32
      %dma_start3A_35 = tpu.memref_slice %arg9[%dma_start3A, %dma_start3A_34] : memref<40x128xi32, #tpu.memory_space<vmem>> -> memref<1x128xi32, #tpu.memory_space<vmem>>
      %dma_start3A_36 = tpu.memref_squeeze %dma_start3A_35 : memref<1x128xi32, #tpu.memory_space<vmem>> -> memref<128xi32, #tpu.memory_space<vmem>>
      %dma_start3A_37 = arith.constant 0 : i32
      %dma_start3A_38 = arith.constant 0 : i32
      %dma_start3A_39 = tpu.memref_slice %arg2[%dma_start3A_37, %dma_start3A_38] : memref<80000x128xf32, #tpu.memory_space<hbm>> -> memref<80000x128xf32, #tpu.memory_space<hbm>>
      tpu.enqueue_indirect_dma source(%dma_start3A_39 : memref<80000x128xf32, #tpu.memory_space<hbm>>) target(%arg12 : memref<128x128xf32, #tpu.memory_space<vmem>>) offsets(%dma_start3A_36 : memref<128xi32, #tpu.memory_space<vmem>>) semaphore(%arg14 : memref<!tpu.dma_semaphore, #tpu.memory_space<semaphore_mem>>)
      %scan3A = arith.constant 0 : i32
      %scan3A_40 = arith.constant 0 : i32
      %scan3A_41 = arith.constant 20 : i32
      %scan3A_42 = arith.addi %scan3A_40, %scan3A_41 : i32
      %scan3A_43 = arith.constant 1 : i32
      %scan3A_44 = scf.for %scan3A_53 = %scan3A_40 to %scan3A_42 step %scan3A_43 iter_args(%scan3A_54 = %scan3A) -> (i32)  : i32 {
        %mul3A_55 = arith.constant 2 : i32
        %mul3A_56 = arith.muli %scan3A_53, %mul3A_55 : i32
        %add3A_57 = arith.constant 1 : i32
        %add3A_58 = arith.addi %mul3A_56, %add3A_57 : i32
        %dma_start3A_59 = arith.constant 0 : i32
        %dma_start3A_60 = tpu.memref_slice %arg9[%add3A_58, %dma_start3A_59] : memref<40x128xi32, #tpu.memory_space<vmem>> -> memref<1x128xi32, #tpu.memory_space<vmem>>
        %dma_start3A_61 = tpu.memref_squeeze %dma_start3A_60 : memref<1x128xi32, #tpu.memory_space<vmem>> -> memref<128xi32, #tpu.memory_space<vmem>>
        %dma_start3A_62 = arith.constant 0 : i32
        %dma_start3A_63 = arith.constant 0 : i32
        %dma_start3A_64 = tpu.memref_slice %arg2[%dma_start3A_62, %dma_start3A_63] : memref<80000x128xf32, #tpu.memory_space<hbm>> -> memref<80000x128xf32, #tpu.memory_space<hbm>>
        tpu.enqueue_indirect_dma source(%dma_start3A_64 : memref<80000x128xf32, #tpu.memory_space<hbm>>) target(%arg13 : memref<128x128xf32, #tpu.memory_space<vmem>>) offsets(%dma_start3A_61 : memref<128xi32, #tpu.memory_space<vmem>>) semaphore(%arg15 : memref<!tpu.dma_semaphore, #tpu.memory_space<semaphore_mem>>)
        %dma_wait3A_65 = arith.constant 0 : i32
        %dma_wait3A_66 = arith.constant 0 : i32
        %dma_wait3A_67 = tpu.memref_slice %arg9[%dma_wait3A_65, %dma_wait3A_66] : memref<40x128xi32, #tpu.memory_space<vmem>> -> memref<1x128xi32, #tpu.memory_space<vmem>>
        %dma_wait3A_68 = tpu.memref_squeeze %dma_wait3A_67 : memref<1x128xi32, #tpu.memory_space<vmem>> -> memref<128xi32, #tpu.memory_space<vmem>>
        %dma_wait3A_69 = arith.constant 0 : i32
        %dma_wait3A_70 = arith.constant 0 : i32
        %dma_wait3A_71 = tpu.memref_slice %arg2[%dma_wait3A_69, %dma_wait3A_70] : memref<80000x128xf32, #tpu.memory_space<hbm>> -> memref<80000x128xf32, #tpu.memory_space<hbm>>
        tpu.wait_indirect_dma semaphore(%arg14 : memref<!tpu.dma_semaphore, #tpu.memory_space<semaphore_mem>>) src(%dma_wait3A_71 : memref<80000x128xf32, #tpu.memory_space<hbm>>) dst(%arg12 : memref<128x128xf32, #tpu.memory_space<vmem>>)
        %scan3A_72 = arith.constant 0 : i32
        %scan3A_73 = arith.constant 0 : i32
        %scan3A_74 = arith.constant 128 : i32
        %scan3A_75 = arith.addi %scan3A_73, %scan3A_74 : i32
        %scan3A_76 = arith.constant 1 : i32
        %scan3A_77 = scf.for %scan3A_105 = %scan3A_73 to %scan3A_75 step %scan3A_76 iter_args(%scan3A_106 = %scan3A_72) -> (i32)  : i32 {
          %broadcast_in_dim3A = arith.constant 0 : i32
          %broadcast_in_dim3A_107 = vector.broadcast %broadcast_in_dim3A : i32 to vector<16xi32>
          %add3A_108 = vector.broadcast %mul3A_56 : i32 to vector<16xi32>
          %add3A_109 = arith.addi %broadcast_in_dim3A_107, %add3A_108 : vector<16xi32>
          %broadcast_in_dim3A_110 = arith.constant 0 : i32
          %broadcast_in_dim3A_111 = vector.broadcast %broadcast_in_dim3A_110 : i32 to vector<16xi32>
          %add3A_112 = vector.broadcast %scan3A_105 : i32 to vector<16xi32>
          %add3A_113 = arith.addi %broadcast_in_dim3A_111, %add3A_112 : vector<16xi32>
          %gather3A = tpu.vector_load_idx %arg10[%add3A_109, %add3A_113] : memref<40x128xf32, #tpu.memory_space<vmem>>[vector<16xi32>, vector<16xi32>], vector<16xf32>,
          %get3A = arith.index_cast %scan3A_105 : i32 to index
          %get3A_114 = arith.constant 0 : index
          %get3A_115 = tpu.vector_load %arg12[%get3A, %get3A_114] {strides = array<i32>} : memref<128x128xf32, #tpu.memory_space<vmem>>, vector<16xf32>,
          %mul3A_116 = arith.mulf %get3A_115, %gather3A : vector<16xf32>
          %swap3A = arith.index_cast %scan3A_105 : i32 to index
          %swap3A_117 = arith.constant 0 : index
          %swap3A_118 = tpu.vector_load %arg12[%swap3A, %swap3A_117] {strides = array<i32>} : memref<128x128xf32, #tpu.memory_space<vmem>>, vector<16xf32>,
          tpu.vector_store %arg12[%swap3A, %swap3A_117], %mul3A_116 {strides = array<i32>} : memref<128x128xf32, #tpu.memory_space<vmem>>, vector<16xf32>,
          %get3A_119 = arith.index_cast %scan3A_105 : i32 to index
          %get3A_120 = arith.constant 16 : index
          %get3A_121 = tpu.vector_load %arg12[%get3A_119, %get3A_120] {strides = array<i32>} : memref<128x128xf32, #tpu.memory_space<vmem>>, vector<16xf32>,
          %mul3A_122 = arith.mulf %get3A_121, %gather3A : vector<16xf32>
          %swap3A_123 = arith.index_cast %scan3A_105 : i32 to index
          %swap3A_124 = arith.constant 16 : index
          %swap3A_125 = tpu.vector_load %arg12[%swap3A_123, %swap3A_124] {strides = array<i32>} : memref<128x128xf32, #tpu.memory_space<vmem>>, vector<16xf32>,
          tpu.vector_store %arg12[%swap3A_123, %swap3A_124], %mul3A_122 {strides = array<i32>} : memref<128x128xf32, #tpu.memory_space<vmem>>, vector<16xf32>,
          %get3A_126 = arith.index_cast %scan3A_105 : i32 to index
          %get3A_127 = arith.constant 32 : index
          %get3A_128 = tpu.vector_load %arg12[%get3A_126, %get3A_127] {strides = array<i32>} : memref<128x128xf32, #tpu.memory_space<vmem>>, vector<16xf32>,
          %mul3A_129 = arith.mulf %get3A_128, %gather3A : vector<16xf32>
          %swap3A_130 = arith.index_cast %scan3A_105 : i32 to index
          %swap3A_131 = arith.constant 32 : index
          %swap3A_132 = tpu.vector_load %arg12[%swap3A_130, %swap3A_131] {strides = array<i32>} : memref<128x128xf32, #tpu.memory_space<vmem>>, vector<16xf32>,
          tpu.vector_store %arg12[%swap3A_130, %swap3A_131], %mul3A_129 {strides = array<i32>} : memref<128x128xf32, #tpu.memory_space<vmem>>, vector<16xf32>,
          %get3A_133 = arith.index_cast %scan3A_105 : i32 to index
          %get3A_134 = arith.constant 48 : index
          %get3A_135 = tpu.vector_load %arg12[%get3A_133, %get3A_134] {strides = array<i32>} : memref<128x128xf32, #tpu.memory_space<vmem>>, vector<16xf32>,
          %mul3A_136 = arith.mulf %get3A_135, %gather3A : vector<16xf32>
          %swap3A_137 = arith.index_cast %scan3A_105 : i32 to index
          %swap3A_138 = arith.constant 48 : index
          %swap3A_139 = tpu.vector_load %arg12[%swap3A_137, %swap3A_138] {strides = array<i32>} : memref<128x128xf32, #tpu.memory_space<vmem>>, vector<16xf32>,
          tpu.vector_store %arg12[%swap3A_137, %swap3A_138], %mul3A_136 {strides = array<i32>} : memref<128x128xf32, #tpu.memory_space<vmem>>, vector<16xf32>,
          %get3A_140 = arith.index_cast %scan3A_105 : i32 to index
          %get3A_141 = arith.constant 64 : index
          %get3A_142 = tpu.vector_load %arg12[%get3A_140, %get3A_141] {strides = array<i32>} : memref<128x128xf32, #tpu.memory_space<vmem>>, vector<16xf32>,
          %mul3A_143 = arith.mulf %get3A_142, %gather3A : vector<16xf32>
          %swap3A_144 = arith.index_cast %scan3A_105 : i32 to index
          %swap3A_145 = arith.constant 64 : index
          %swap3A_146 = tpu.vector_load %arg12[%swap3A_144, %swap3A_145] {strides = array<i32>} : memref<128x128xf32, #tpu.memory_space<vmem>>, vector<16xf32>,
          tpu.vector_store %arg12[%swap3A_144, %swap3A_145], %mul3A_143 {strides = array<i32>} : memref<128x128xf32, #tpu.memory_space<vmem>>, vector<16xf32>,
          %get3A_147 = arith.index_cast %scan3A_105 : i32 to index
          %get3A_148 = arith.constant 80 : index
          %get3A_149 = tpu.vector_load %arg12[%get3A_147, %get3A_148] {strides = array<i32>} : memref<128x128xf32, #tpu.memory_space<vmem>>, vector<16xf32>,
          %mul3A_150 = arith.mulf %get3A_149, %gather3A : vector<16xf32>
          %swap3A_151 = arith.index_cast %scan3A_105 : i32 to index
          %swap3A_152 = arith.constant 80 : index
          %swap3A_153 = tpu.vector_load %arg12[%swap3A_151, %swap3A_152] {strides = array<i32>} : memref<128x128xf32, #tpu.memory_space<vmem>>, vector<16xf32>,
          tpu.vector_store %arg12[%swap3A_151, %swap3A_152], %mul3A_150 {strides = array<i32>} : memref<128x128xf32, #tpu.memory_space<vmem>>, vector<16xf32>,
          %get3A_154 = arith.index_cast %scan3A_105 : i32 to index
          %get3A_155 = arith.constant 96 : index
          %get3A_156 = tpu.vector_load %arg12[%get3A_154, %get3A_155] {strides = array<i32>} : memref<128x128xf32, #tpu.memory_space<vmem>>, vector<16xf32>,
          %mul3A_157 = arith.mulf %get3A_156, %gather3A : vector<16xf32>
          %swap3A_158 = arith.index_cast %scan3A_105 : i32 to index
          %swap3A_159 = arith.constant 96 : index
          %swap3A_160 = tpu.vector_load %arg12[%swap3A_158, %swap3A_159] {strides = array<i32>} : memref<128x128xf32, #tpu.memory_space<vmem>>, vector<16xf32>,
          tpu.vector_store %arg12[%swap3A_158, %swap3A_159], %mul3A_157 {strides = array<i32>} : memref<128x128xf32, #tpu.memory_space<vmem>>, vector<16xf32>,
          %get3A_161 = arith.index_cast %scan3A_105 : i32 to index
          %get3A_162 = arith.constant 112 : index
          %get3A_163 = tpu.vector_load %arg12[%get3A_161, %get3A_162] {strides = array<i32>} : memref<128x128xf32, #tpu.memory_space<vmem>>, vector<16xf32>,
          %mul3A_164 = arith.mulf %get3A_163, %gather3A : vector<16xf32>
          %swap3A_165 = arith.index_cast %scan3A_105 : i32 to index
          %swap3A_166 = arith.constant 112 : index
          %swap3A_167 = tpu.vector_load %arg12[%swap3A_165, %swap3A_166] {strides = array<i32>} : memref<128x128xf32, #tpu.memory_space<vmem>>, vector<16xf32>,
          tpu.vector_store %arg12[%swap3A_165, %swap3A_166], %mul3A_164 {strides = array<i32>} : memref<128x128xf32, #tpu.memory_space<vmem>>, vector<16xf32>,
          %scan3A_168 = arith.constant 0 : i32
          scf.yield %scan3A_168 : i32
        }
        %scan3A_78 = arith.constant 128 : i32
        "tpu.region"() ({
          %run_scoped3A = tpu.sem_alloc : memref<!tpu.dma_semaphore, #tpu.memory_space<semaphore_mem>>
          %dma_start3A_105 = arith.constant 0 : i32
          %dma_start3A_106 = tpu.memref_slice %arg11[%mul3A_56, %dma_start3A_105] : memref<40x128xi32, #tpu.memory_space<vmem>> -> memref<1x128xi32, #tpu.memory_space<vmem>>
          %dma_start3A_107 = tpu.memref_squeeze %dma_start3A_106 : memref<1x128xi32, #tpu.memory_space<vmem>> -> memref<128xi32, #tpu.memory_space<vmem>>
          %dma_start3A_108 = arith.constant 0 : i32
          %dma_start3A_109 = arith.constant 0 : i32
          %dma_start3A_110 = tpu.memref_slice %arg8[%dma_start3A_108, %dma_start3A_109] : memref<10240x128xf32, #tpu.memory_space<vmem_shared>> -> memref<10240x128xf32, #tpu.memory_space<vmem_shared>>
          tpu.enqueue_indirect_dma source(%arg12 : memref<128x128xf32, #tpu.memory_space<vmem>>) target(%dma_start3A_110 : memref<10240x128xf32, #tpu.memory_space<vmem_shared>>) offsets(%dma_start3A_107 : memref<128xi32, #tpu.memory_space<vmem>>) semaphore(%run_scoped3A : memref<!tpu.dma_semaphore, #tpu.memory_space<semaphore_mem>>) {add = true}
          %dma_wait3A_111 = arith.constant 0 : i32
          %dma_wait3A_112 = tpu.memref_slice %arg11[%mul3A_56, %dma_wait3A_111] : memref<40x128xi32, #tpu.memory_space<vmem>> -> memref<1x128xi32, #tpu.memory_space<vmem>>
          %dma_wait3A_113 = tpu.memref_squeeze %dma_wait3A_112 : memref<1x128xi32, #tpu.memory_space<vmem>> -> memref<128xi32, #tpu.memory_space<vmem>>
          %dma_wait3A_114 = arith.constant 0 : i32
          %dma_wait3A_115 = arith.constant 0 : i32
          %dma_wait3A_116 = tpu.memref_slice %arg8[%dma_wait3A_114, %dma_wait3A_115] : memref<10240x128xf32, #tpu.memory_space<vmem_shared>> -> memref<10240x128xf32, #tpu.memory_space<vmem_shared>>
          tpu.wait_indirect_dma semaphore(%run_scoped3A : memref<!tpu.dma_semaphore, #tpu.memory_space<semaphore_mem>>) src(%arg12 : memref<128x128xf32, #tpu.memory_space<vmem>>) dst(%dma_wait3A_116 : memref<10240x128xf32, #tpu.memory_space<vmem_shared>>)
          tpu.yield
        }) : () -> ()
        %add3A_79 = arith.constant 2 : i32
        %add3A_80 = arith.addi %mul3A_56, %add3A_79 : i32
        %min3A = arith.constant 39 : i32
        %min3A_81 = arith.minsi %add3A_80, %min3A : i32
        %dma_start3A_82 = arith.constant 0 : i32
        %dma_start3A_83 = tpu.memref_slice %arg9[%min3A_81, %dma_start3A_82] : memref<40x128xi32, #tpu.memory_space<vmem>> -> memref<1x128xi32, #tpu.memory_space<vmem>>
        %dma_start3A_84 = tpu.memref_squeeze %dma_start3A_83 : memref<1x128xi32, #tpu.memory_space<vmem>> -> memref<128xi32, #tpu.memory_space<vmem>>
        %dma_start3A_85 = arith.constant 0 : i32
        %dma_start3A_86 = arith.constant 0 : i32
        %dma_start3A_87 = tpu.memref_slice %arg2[%dma_start3A_85, %dma_start3A_86] : memref<80000x128xf32, #tpu.memory_space<hbm>> -> memref<80000x128xf32, #tpu.memory_space<hbm>>
        tpu.enqueue_indirect_dma source(%dma_start3A_87 : memref<80000x128xf32, #tpu.memory_space<hbm>>) target(%arg12 : memref<128x128xf32, #tpu.memory_space<vmem>>) offsets(%dma_start3A_84 : memref<128xi32, #tpu.memory_space<vmem>>) semaphore(%arg14 : memref<!tpu.dma_semaphore, #tpu.memory_space<semaphore_mem>>)
        %dma_wait3A_88 = arith.constant 0 : i32
        %dma_wait3A_89 = arith.constant 0 : i32
        %dma_wait3A_90 = tpu.memref_slice %arg9[%dma_wait3A_88, %dma_wait3A_89] : memref<40x128xi32, #tpu.memory_space<vmem>> -> memref<1x128xi32, #tpu.memory_space<vmem>>
        %dma_wait3A_91 = tpu.memref_squeeze %dma_wait3A_90 : memref<1x128xi32, #tpu.memory_space<vmem>> -> memref<128xi32, #tpu.memory_space<vmem>>
        %dma_wait3A_92 = arith.constant 0 : i32
        %dma_wait3A_93 = arith.constant 0 : i32
        %dma_wait3A_94 = tpu.memref_slice %arg2[%dma_wait3A_92, %dma_wait3A_93] : memref<80000x128xf32, #tpu.memory_space<hbm>> -> memref<80000x128xf32, #tpu.memory_space<hbm>>
        tpu.wait_indirect_dma semaphore(%arg15 : memref<!tpu.dma_semaphore, #tpu.memory_space<semaphore_mem>>) src(%dma_wait3A_94 : memref<80000x128xf32, #tpu.memory_space<hbm>>) dst(%arg13 : memref<128x128xf32, #tpu.memory_space<vmem>>)
        %add3A_95 = arith.constant 1 : i32
        %add3A_96 = arith.addi %mul3A_56, %add3A_95 : i32
        %scan3A_97 = arith.constant 0 : i32
        %scan3A_98 = arith.constant 0 : i32
        %scan3A_99 = arith.constant 128 : i32
        %scan3A_100 = arith.addi %scan3A_98, %scan3A_99 : i32
        %scan3A_101 = arith.constant 1 : i32
        %scan3A_102 = scf.for %scan3A_105 = %scan3A_98 to %scan3A_100 step %scan3A_101 iter_args(%scan3A_106 = %scan3A_97) -> (i32)  : i32 {
          %broadcast_in_dim3A = arith.constant 0 : i32
          %broadcast_in_dim3A_107 = vector.broadcast %broadcast_in_dim3A : i32 to vector<16xi32>
          %add3A_108 = vector.broadcast %add3A_96 : i32 to vector<16xi32>
          %add3A_109 = arith.addi %broadcast_in_dim3A_107, %add3A_108 : vector<16xi32>
          %broadcast_in_dim3A_110 = arith.constant 0 : i32
          %broadcast_in_dim3A_111 = vector.broadcast %broadcast_in_dim3A_110 : i32 to vector<16xi32>
          %add3A_112 = vector.broadcast %scan3A_105 : i32 to vector<16xi32>
          %add3A_113 = arith.addi %broadcast_in_dim3A_111, %add3A_112 : vector<16xi32>
          %gather3A = tpu.vector_load_idx %arg10[%add3A_109, %add3A_113] : memref<40x128xf32, #tpu.memory_space<vmem>>[vector<16xi32>, vector<16xi32>], vector<16xf32>,
          %get3A = arith.index_cast %scan3A_105 : i32 to index
          %get3A_114 = arith.constant 0 : index
          %get3A_115 = tpu.vector_load %arg13[%get3A, %get3A_114] {strides = array<i32>} : memref<128x128xf32, #tpu.memory_space<vmem>>, vector<16xf32>,
          %mul3A_116 = arith.mulf %get3A_115, %gather3A : vector<16xf32>
          %swap3A = arith.index_cast %scan3A_105 : i32 to index
          %swap3A_117 = arith.constant 0 : index
          %swap3A_118 = tpu.vector_load %arg13[%swap3A, %swap3A_117] {strides = array<i32>} : memref<128x128xf32, #tpu.memory_space<vmem>>, vector<16xf32>,
          tpu.vector_store %arg13[%swap3A, %swap3A_117], %mul3A_116 {strides = array<i32>} : memref<128x128xf32, #tpu.memory_space<vmem>>, vector<16xf32>,
          %get3A_119 = arith.index_cast %scan3A_105 : i32 to index
          %get3A_120 = arith.constant 16 : index
          %get3A_121 = tpu.vector_load %arg13[%get3A_119, %get3A_120] {strides = array<i32>} : memref<128x128xf32, #tpu.memory_space<vmem>>, vector<16xf32>,
          %mul3A_122 = arith.mulf %get3A_121, %gather3A : vector<16xf32>
          %swap3A_123 = arith.index_cast %scan3A_105 : i32 to index
          %swap3A_124 = arith.constant 16 : index
          %swap3A_125 = tpu.vector_load %arg13[%swap3A_123, %swap3A_124] {strides = array<i32>} : memref<128x128xf32, #tpu.memory_space<vmem>>, vector<16xf32>,
          tpu.vector_store %arg13[%swap3A_123, %swap3A_124], %mul3A_122 {strides = array<i32>} : memref<128x128xf32, #tpu.memory_space<vmem>>, vector<16xf32>,
          %get3A_126 = arith.index_cast %scan3A_105 : i32 to index
          %get3A_127 = arith.constant 32 : index
          %get3A_128 = tpu.vector_load %arg13[%get3A_126, %get3A_127] {strides = array<i32>} : memref<128x128xf32, #tpu.memory_space<vmem>>, vector<16xf32>,
          %mul3A_129 = arith.mulf %get3A_128, %gather3A : vector<16xf32>
          %swap3A_130 = arith.index_cast %scan3A_105 : i32 to index
          %swap3A_131 = arith.constant 32 : index
          %swap3A_132 = tpu.vector_load %arg13[%swap3A_130, %swap3A_131] {strides = array<i32>} : memref<128x128xf32, #tpu.memory_space<vmem>>, vector<16xf32>,
          tpu.vector_store %arg13[%swap3A_130, %swap3A_131], %mul3A_129 {strides = array<i32>} : memref<128x128xf32, #tpu.memory_space<vmem>>, vector<16xf32>,
          %get3A_133 = arith.index_cast %scan3A_105 : i32 to index
          %get3A_134 = arith.constant 48 : index
          %get3A_135 = tpu.vector_load %arg13[%get3A_133, %get3A_134] {strides = array<i32>} : memref<128x128xf32, #tpu.memory_space<vmem>>, vector<16xf32>,
          %mul3A_136 = arith.mulf %get3A_135, %gather3A : vector<16xf32>
          %swap3A_137 = arith.index_cast %scan3A_105 : i32 to index
          %swap3A_138 = arith.constant 48 : index
          %swap3A_139 = tpu.vector_load %arg13[%swap3A_137, %swap3A_138] {strides = array<i32>} : memref<128x128xf32, #tpu.memory_space<vmem>>, vector<16xf32>,
          tpu.vector_store %arg13[%swap3A_137, %swap3A_138], %mul3A_136 {strides = array<i32>} : memref<128x128xf32, #tpu.memory_space<vmem>>, vector<16xf32>,
          %get3A_140 = arith.index_cast %scan3A_105 : i32 to index
          %get3A_141 = arith.constant 64 : index
          %get3A_142 = tpu.vector_load %arg13[%get3A_140, %get3A_141] {strides = array<i32>} : memref<128x128xf32, #tpu.memory_space<vmem>>, vector<16xf32>,
          %mul3A_143 = arith.mulf %get3A_142, %gather3A : vector<16xf32>
          %swap3A_144 = arith.index_cast %scan3A_105 : i32 to index
          %swap3A_145 = arith.constant 64 : index
          %swap3A_146 = tpu.vector_load %arg13[%swap3A_144, %swap3A_145] {strides = array<i32>} : memref<128x128xf32, #tpu.memory_space<vmem>>, vector<16xf32>,
          tpu.vector_store %arg13[%swap3A_144, %swap3A_145], %mul3A_143 {strides = array<i32>} : memref<128x128xf32, #tpu.memory_space<vmem>>, vector<16xf32>,
          %get3A_147 = arith.index_cast %scan3A_105 : i32 to index
          %get3A_148 = arith.constant 80 : index
          %get3A_149 = tpu.vector_load %arg13[%get3A_147, %get3A_148] {strides = array<i32>} : memref<128x128xf32, #tpu.memory_space<vmem>>, vector<16xf32>,
          %mul3A_150 = arith.mulf %get3A_149, %gather3A : vector<16xf32>
          %swap3A_151 = arith.index_cast %scan3A_105 : i32 to index
          %swap3A_152 = arith.constant 80 : index
          %swap3A_153 = tpu.vector_load %arg13[%swap3A_151, %swap3A_152] {strides = array<i32>} : memref<128x128xf32, #tpu.memory_space<vmem>>, vector<16xf32>,
          tpu.vector_store %arg13[%swap3A_151, %swap3A_152], %mul3A_150 {strides = array<i32>} : memref<128x128xf32, #tpu.memory_space<vmem>>, vector<16xf32>,
          %get3A_154 = arith.index_cast %scan3A_105 : i32 to index
          %get3A_155 = arith.constant 96 : index
          %get3A_156 = tpu.vector_load %arg13[%get3A_154, %get3A_155] {strides = array<i32>} : memref<128x128xf32, #tpu.memory_space<vmem>>, vector<16xf32>,
          %mul3A_157 = arith.mulf %get3A_156, %gather3A : vector<16xf32>
          %swap3A_158 = arith.index_cast %scan3A_105 : i32 to index
          %swap3A_159 = arith.constant 96 : index
          %swap3A_160 = tpu.vector_load %arg13[%swap3A_158, %swap3A_159] {strides = array<i32>} : memref<128x128xf32, #tpu.memory_space<vmem>>, vector<16xf32>,
          tpu.vector_store %arg13[%swap3A_158, %swap3A_159], %mul3A_157 {strides = array<i32>} : memref<128x128xf32, #tpu.memory_space<vmem>>, vector<16xf32>,
          %get3A_161 = arith.index_cast %scan3A_105 : i32 to index
          %get3A_162 = arith.constant 112 : index
          %get3A_163 = tpu.vector_load %arg13[%get3A_161, %get3A_162] {strides = array<i32>} : memref<128x128xf32, #tpu.memory_space<vmem>>, vector<16xf32>,
          %mul3A_164 = arith.mulf %get3A_163, %gather3A : vector<16xf32>
          %swap3A_165 = arith.index_cast %scan3A_105 : i32 to index
          %swap3A_166 = arith.constant 112 : index
          %swap3A_167 = tpu.vector_load %arg13[%swap3A_165, %swap3A_166] {strides = array<i32>} : memref<128x128xf32, #tpu.memory_space<vmem>>, vector<16xf32>,
          tpu.vector_store %arg13[%swap3A_165, %swap3A_166], %mul3A_164 {strides = array<i32>} : memref<128x128xf32, #tpu.memory_space<vmem>>, vector<16xf32>,
          %scan3A_168 = arith.constant 0 : i32
          scf.yield %scan3A_168 : i32
        }
        %scan3A_103 = arith.constant 128 : i32
        "tpu.region"() ({
          %run_scoped3A = tpu.sem_alloc : memref<!tpu.dma_semaphore, #tpu.memory_space<semaphore_mem>>
          %dma_start3A_105 = arith.constant 0 : i32
          %dma_start3A_106 = tpu.memref_slice %arg11[%add3A_96, %dma_start3A_105] : memref<40x128xi32, #tpu.memory_space<vmem>> -> memref<1x128xi32, #tpu.memory_space<vmem>>
          %dma_start3A_107 = tpu.memref_squeeze %dma_start3A_106 : memref<1x128xi32, #tpu.memory_space<vmem>> -> memref<128xi32, #tpu.memory_space<vmem>>
          %dma_start3A_108 = arith.constant 0 : i32
          %dma_start3A_109 = arith.constant 0 : i32
          %dma_start3A_110 = tpu.memref_slice %arg8[%dma_start3A_108, %dma_start3A_109] : memref<10240x128xf32, #tpu.memory_space<vmem_shared>> -> memref<10240x128xf32, #tpu.memory_space<vmem_shared>>
          tpu.enqueue_indirect_dma source(%arg13 : memref<128x128xf32, #tpu.memory_space<vmem>>) target(%dma_start3A_110 : memref<10240x128xf32, #tpu.memory_space<vmem_shared>>) offsets(%dma_start3A_107 : memref<128xi32, #tpu.memory_space<vmem>>) semaphore(%run_scoped3A : memref<!tpu.dma_semaphore, #tpu.memory_space<semaphore_mem>>) {add = true}
          %dma_wait3A_111 = arith.constant 0 : i32
          %dma_wait3A_112 = tpu.memref_slice %arg11[%add3A_96, %dma_wait3A_111] : memref<40x128xi32, #tpu.memory_space<vmem>> -> memref<1x128xi32, #tpu.memory_space<vmem>>
          %dma_wait3A_113 = tpu.memref_squeeze %dma_wait3A_112 : memref<1x128xi32, #tpu.memory_space<vmem>> -> memref<128xi32, #tpu.memory_space<vmem>>
          %dma_wait3A_114 = arith.constant 0 : i32
          %dma_wait3A_115 = arith.constant 0 : i32
          %dma_wait3A_116 = tpu.memref_slice %arg8[%dma_wait3A_114, %dma_wait3A_115] : memref<10240x128xf32, #tpu.memory_space<vmem_shared>> -> memref<10240x128xf32, #tpu.memory_space<vmem_shared>>
          tpu.wait_indirect_dma semaphore(%run_scoped3A : memref<!tpu.dma_semaphore, #tpu.memory_space<semaphore_mem>>) src(%arg13 : memref<128x128xf32, #tpu.memory_space<vmem>>) dst(%dma_wait3A_116 : memref<10240x128xf32, #tpu.memory_space<vmem_shared>>)
          tpu.yield
        }) : () -> ()
        %scan3A_104 = arith.constant 0 : i32
        scf.yield %scan3A_104 : i32
      }
      %scan3A_45 = arith.constant 20 : i32
      %dma_wait3A = arith.constant 0 : i32
      %dma_wait3A_46 = arith.constant 0 : i32
      %dma_wait3A_47 = tpu.memref_slice %arg9[%dma_wait3A, %dma_wait3A_46] : memref<40x128xi32, #tpu.memory_space<vmem>> -> memref<1x128xi32, #tpu.memory_space<vmem>>
      %dma_wait3A_48 = tpu.memref_squeeze %dma_wait3A_47 : memref<1x128xi32, #tpu.memory_space<vmem>> -> memref<128xi32, #tpu.memory_space<vmem>>
      %dma_wait3A_49 = arith.constant 0 : i32
      %dma_wait3A_50 = arith.constant 0 : i32
      %dma_wait3A_51 = tpu.memref_slice %arg2[%dma_wait3A_49, %dma_wait3A_50] : memref<80000x128xf32, #tpu.memory_space<hbm>> -> memref<80000x128xf32, #tpu.memory_space<hbm>>
      tpu.wait_indirect_dma semaphore(%arg14 : memref<!tpu.dma_semaphore, #tpu.memory_space<semaphore_mem>>) src(%dma_wait3A_51 : memref<80000x128xf32, #tpu.memory_space<hbm>>) dst(%arg12 : memref<128x128xf32, #tpu.memory_space<vmem>>)
      %while3A_52 = arith.constant 0 : i32
      scf.yield %while3A_52 : i32
    }
    %while3A_22 = arith.constant 1 : i32
    %while3A_23 = scf.for %while3A_29 = %while3A_19 to %while3A_15 step %while3A_22 iter_args(%while3A_30 = %while3A_21) -> (i32)  : i32 {
      %mul3A_31 = arith.constant 40 : i32
      %mul3A_32 = arith.muli %while3A_29, %mul3A_31 : i32
      %add3A_33 = arith.addi %select_n3A_12, %mul3A_32 : i32
      "tpu.region"() ({
        %run_scoped3A = tpu.sem_alloc : memref<!tpu.dma_semaphore, #tpu.memory_space<semaphore_mem>>
        %dma_start3A_53 = arith.constant 0 : i32
        %dma_start3A_54 = tpu.memref_slice %arg3[%add3A_33, %dma_start3A_53] : memref<2560x128xi32, #tpu.memory_space<hbm>> -> memref<40x128xi32, #tpu.memory_space<hbm>>
        %dma_start3A_55 = arith.constant 0 : i32
        %dma_start3A_56 = tpu.memref_slice %arg3[%add3A_33, %dma_start3A_55] : memref<2560x128xi32, #tpu.memory_space<hbm>> -> memref<40x128xi32, #tpu.memory_space<hbm>>
        tpu.enqueue_dma source(%dma_start3A_56 : memref<40x128xi32, #tpu.memory_space<hbm>>) target(%arg9 : memref<40x128xi32, #tpu.memory_space<vmem>>) target_semaphore(%run_scoped3A : memref<!tpu.dma_semaphore, #tpu.memory_space<semaphore_mem>>)
        %dma_wait3A_57 = arith.constant 0 : i32
        %dma_wait3A_58 = tpu.memref_slice %arg3[%add3A_33, %dma_wait3A_57] : memref<2560x128xi32, #tpu.memory_space<hbm>> -> memref<40x128xi32, #tpu.memory_space<hbm>>
        %dma_wait3A_59 = arith.constant 0 : i32
        %dma_wait3A_60 = tpu.memref_slice %arg3[%add3A_33, %dma_wait3A_59] : memref<2560x128xi32, #tpu.memory_space<hbm>> -> memref<40x128xi32, #tpu.memory_space<hbm>>
        tpu.wait_dma2 semaphore(%run_scoped3A : memref<!tpu.dma_semaphore, #tpu.memory_space<semaphore_mem>>) src(%dma_wait3A_60 : memref<40x128xi32, #tpu.memory_space<hbm>>) dst(%arg9 : memref<40x128xi32, #tpu.memory_space<vmem>>)
        tpu.yield
      }) : () -> ()
      "tpu.region"() ({
        %run_scoped3A = tpu.sem_alloc : memref<!tpu.dma_semaphore, #tpu.memory_space<semaphore_mem>>
        %dma_start3A_53 = arith.constant 0 : i32
        %dma_start3A_54 = tpu.memref_slice %arg4[%add3A_33, %dma_start3A_53] : memref<2560x128xf32, #tpu.memory_space<hbm>> -> memref<40x128xf32, #tpu.memory_space<hbm>>
        %dma_start3A_55 = arith.constant 0 : i32
        %dma_start3A_56 = tpu.memref_slice %arg4[%add3A_33, %dma_start3A_55] : memref<2560x128xf32, #tpu.memory_space<hbm>> -> memref<40x128xf32, #tpu.memory_space<hbm>>
        tpu.enqueue_dma source(%dma_start3A_56 : memref<40x128xf32, #tpu.memory_space<hbm>>) target(%arg10 : memref<40x128xf32, #tpu.memory_space<vmem>>) target_semaphore(%run_scoped3A : memref<!tpu.dma_semaphore, #tpu.memory_space<semaphore_mem>>)
        %dma_wait3A_57 = arith.constant 0 : i32
        %dma_wait3A_58 = tpu.memref_slice %arg4[%add3A_33, %dma_wait3A_57] : memref<2560x128xf32, #tpu.memory_space<hbm>> -> memref<40x128xf32, #tpu.memory_space<hbm>>
        %dma_wait3A_59 = arith.constant 0 : i32
        %dma_wait3A_60 = tpu.memref_slice %arg4[%add3A_33, %dma_wait3A_59] : memref<2560x128xf32, #tpu.memory_space<hbm>> -> memref<40x128xf32, #tpu.memory_space<hbm>>
        tpu.wait_dma2 semaphore(%run_scoped3A : memref<!tpu.dma_semaphore, #tpu.memory_space<semaphore_mem>>) src(%dma_wait3A_60 : memref<40x128xf32, #tpu.memory_space<hbm>>) dst(%arg10 : memref<40x128xf32, #tpu.memory_space<vmem>>)
        tpu.yield
      }) : () -> ()
      "tpu.region"() ({
        %run_scoped3A = tpu.sem_alloc : memref<!tpu.dma_semaphore, #tpu.memory_space<semaphore_mem>>
        %dma_start3A_53 = arith.constant 0 : i32
        %dma_start3A_54 = tpu.memref_slice %arg5[%add3A_33, %dma_start3A_53] : memref<2560x128xi32, #tpu.memory_space<hbm>> -> memref<40x128xi32, #tpu.memory_space<hbm>>
        %dma_start3A_55 = arith.constant 0 : i32
        %dma_start3A_56 = tpu.memref_slice %arg5[%add3A_33, %dma_start3A_55] : memref<2560x128xi32, #tpu.memory_space<hbm>> -> memref<40x128xi32, #tpu.memory_space<hbm>>
        tpu.enqueue_dma source(%dma_start3A_56 : memref<40x128xi32, #tpu.memory_space<hbm>>) target(%arg11 : memref<40x128xi32, #tpu.memory_space<vmem>>) target_semaphore(%run_scoped3A : memref<!tpu.dma_semaphore, #tpu.memory_space<semaphore_mem>>)
        %dma_wait3A_57 = arith.constant 0 : i32
        %dma_wait3A_58 = tpu.memref_slice %arg5[%add3A_33, %dma_wait3A_57] : memref<2560x128xi32, #tpu.memory_space<hbm>> -> memref<40x128xi32, #tpu.memory_space<hbm>>
        %dma_wait3A_59 = arith.constant 0 : i32
        %dma_wait3A_60 = tpu.memref_slice %arg5[%add3A_33, %dma_wait3A_59] : memref<2560x128xi32, #tpu.memory_space<hbm>> -> memref<40x128xi32, #tpu.memory_space<hbm>>
        tpu.wait_dma2 semaphore(%run_scoped3A : memref<!tpu.dma_semaphore, #tpu.memory_space<semaphore_mem>>) src(%dma_wait3A_60 : memref<40x128xi32, #tpu.memory_space<hbm>>) dst(%arg11 : memref<40x128xi32, #tpu.memory_space<vmem>>)
        tpu.yield
      }) : () -> ()
      %dma_start3A = arith.constant 0 : i32
      %dma_start3A_34 = arith.constant 0 : i32
      %dma_start3A_35 = tpu.memref_slice %arg9[%dma_start3A, %dma_start3A_34] : memref<40x128xi32, #tpu.memory_space<vmem>> -> memref<1x128xi32, #tpu.memory_space<vmem>>
      %dma_start3A_36 = tpu.memref_squeeze %dma_start3A_35 : memref<1x128xi32, #tpu.memory_space<vmem>> -> memref<128xi32, #tpu.memory_space<vmem>>
      %dma_start3A_37 = arith.constant 0 : i32
      %dma_start3A_38 = arith.constant 0 : i32
      %dma_start3A_39 = tpu.memref_slice %arg2[%dma_start3A_37, %dma_start3A_38] : memref<80000x128xf32, #tpu.memory_space<hbm>> -> memref<80000x128xf32, #tpu.memory_space<hbm>>
      tpu.enqueue_indirect_dma source(%dma_start3A_39 : memref<80000x128xf32, #tpu.memory_space<hbm>>) target(%arg12 : memref<128x128xf32, #tpu.memory_space<vmem>>) offsets(%dma_start3A_36 : memref<128xi32, #tpu.memory_space<vmem>>) semaphore(%arg14 : memref<!tpu.dma_semaphore, #tpu.memory_space<semaphore_mem>>)
      %scan3A = arith.constant 0 : i32
      %scan3A_40 = arith.constant 0 : i32
      %scan3A_41 = arith.constant 20 : i32
      %scan3A_42 = arith.addi %scan3A_40, %scan3A_41 : i32
      %scan3A_43 = arith.constant 1 : i32
      %scan3A_44 = scf.for %scan3A_53 = %scan3A_40 to %scan3A_42 step %scan3A_43 iter_args(%scan3A_54 = %scan3A) -> (i32)  : i32 {
        %mul3A_55 = arith.constant 2 : i32
        %mul3A_56 = arith.muli %scan3A_53, %mul3A_55 : i32
        %add3A_57 = arith.constant 1 : i32
        %add3A_58 = arith.addi %mul3A_56, %add3A_57 : i32
        %dma_start3A_59 = arith.constant 0 : i32
        %dma_start3A_60 = tpu.memref_slice %arg9[%add3A_58, %dma_start3A_59] : memref<40x128xi32, #tpu.memory_space<vmem>> -> memref<1x128xi32, #tpu.memory_space<vmem>>
        %dma_start3A_61 = tpu.memref_squeeze %dma_start3A_60 : memref<1x128xi32, #tpu.memory_space<vmem>> -> memref<128xi32, #tpu.memory_space<vmem>>
        %dma_start3A_62 = arith.constant 0 : i32
        %dma_start3A_63 = arith.constant 0 : i32
        %dma_start3A_64 = tpu.memref_slice %arg2[%dma_start3A_62, %dma_start3A_63] : memref<80000x128xf32, #tpu.memory_space<hbm>> -> memref<80000x128xf32, #tpu.memory_space<hbm>>
        tpu.enqueue_indirect_dma source(%dma_start3A_64 : memref<80000x128xf32, #tpu.memory_space<hbm>>) target(%arg13 : memref<128x128xf32, #tpu.memory_space<vmem>>) offsets(%dma_start3A_61 : memref<128xi32, #tpu.memory_space<vmem>>) semaphore(%arg15 : memref<!tpu.dma_semaphore, #tpu.memory_space<semaphore_mem>>)
        %dma_wait3A_65 = arith.constant 0 : i32
        %dma_wait3A_66 = arith.constant 0 : i32
        %dma_wait3A_67 = tpu.memref_slice %arg9[%dma_wait3A_65, %dma_wait3A_66] : memref<40x128xi32, #tpu.memory_space<vmem>> -> memref<1x128xi32, #tpu.memory_space<vmem>>
        %dma_wait3A_68 = tpu.memref_squeeze %dma_wait3A_67 : memref<1x128xi32, #tpu.memory_space<vmem>> -> memref<128xi32, #tpu.memory_space<vmem>>
        %dma_wait3A_69 = arith.constant 0 : i32
        %dma_wait3A_70 = arith.constant 0 : i32
        %dma_wait3A_71 = tpu.memref_slice %arg2[%dma_wait3A_69, %dma_wait3A_70] : memref<80000x128xf32, #tpu.memory_space<hbm>> -> memref<80000x128xf32, #tpu.memory_space<hbm>>
        tpu.wait_indirect_dma semaphore(%arg14 : memref<!tpu.dma_semaphore, #tpu.memory_space<semaphore_mem>>) src(%dma_wait3A_71 : memref<80000x128xf32, #tpu.memory_space<hbm>>) dst(%arg12 : memref<128x128xf32, #tpu.memory_space<vmem>>)
        %scan3A_72 = arith.constant 0 : i32
        %scan3A_73 = arith.constant 0 : i32
        %scan3A_74 = arith.constant 128 : i32
        %scan3A_75 = arith.addi %scan3A_73, %scan3A_74 : i32
        %scan3A_76 = arith.constant 1 : i32
        %scan3A_77 = scf.for %scan3A_105 = %scan3A_73 to %scan3A_75 step %scan3A_76 iter_args(%scan3A_106 = %scan3A_72) -> (i32)  : i32 {
          %broadcast_in_dim3A = arith.constant 0 : i32
          %broadcast_in_dim3A_107 = vector.broadcast %broadcast_in_dim3A : i32 to vector<16xi32>
          %add3A_108 = vector.broadcast %mul3A_56 : i32 to vector<16xi32>
          %add3A_109 = arith.addi %broadcast_in_dim3A_107, %add3A_108 : vector<16xi32>
          %broadcast_in_dim3A_110 = arith.constant 0 : i32
          %broadcast_in_dim3A_111 = vector.broadcast %broadcast_in_dim3A_110 : i32 to vector<16xi32>
          %add3A_112 = vector.broadcast %scan3A_105 : i32 to vector<16xi32>
          %add3A_113 = arith.addi %broadcast_in_dim3A_111, %add3A_112 : vector<16xi32>
          %gather3A = tpu.vector_load_idx %arg10[%add3A_109, %add3A_113] : memref<40x128xf32, #tpu.memory_space<vmem>>[vector<16xi32>, vector<16xi32>], vector<16xf32>,
          %get3A = arith.index_cast %scan3A_105 : i32 to index
          %get3A_114 = arith.constant 0 : index
          %get3A_115 = tpu.vector_load %arg12[%get3A, %get3A_114] {strides = array<i32>} : memref<128x128xf32, #tpu.memory_space<vmem>>, vector<16xf32>,
          %mul3A_116 = arith.mulf %get3A_115, %gather3A : vector<16xf32>
          %swap3A = arith.index_cast %scan3A_105 : i32 to index
          %swap3A_117 = arith.constant 0 : index
          %swap3A_118 = tpu.vector_load %arg12[%swap3A, %swap3A_117] {strides = array<i32>} : memref<128x128xf32, #tpu.memory_space<vmem>>, vector<16xf32>,
          tpu.vector_store %arg12[%swap3A, %swap3A_117], %mul3A_116 {strides = array<i32>} : memref<128x128xf32, #tpu.memory_space<vmem>>, vector<16xf32>,
          %get3A_119 = arith.index_cast %scan3A_105 : i32 to index
          %get3A_120 = arith.constant 16 : index
          %get3A_121 = tpu.vector_load %arg12[%get3A_119, %get3A_120] {strides = array<i32>} : memref<128x128xf32, #tpu.memory_space<vmem>>, vector<16xf32>,
          %mul3A_122 = arith.mulf %get3A_121, %gather3A : vector<16xf32>
          %swap3A_123 = arith.index_cast %scan3A_105 : i32 to index
          %swap3A_124 = arith.constant 16 : index
          %swap3A_125 = tpu.vector_load %arg12[%swap3A_123, %swap3A_124] {strides = array<i32>} : memref<128x128xf32, #tpu.memory_space<vmem>>, vector<16xf32>,
          tpu.vector_store %arg12[%swap3A_123, %swap3A_124], %mul3A_122 {strides = array<i32>} : memref<128x128xf32, #tpu.memory_space<vmem>>, vector<16xf32>,
          %get3A_126 = arith.index_cast %scan3A_105 : i32 to index
          %get3A_127 = arith.constant 32 : index
          %get3A_128 = tpu.vector_load %arg12[%get3A_126, %get3A_127] {strides = array<i32>} : memref<128x128xf32, #tpu.memory_space<vmem>>, vector<16xf32>,
          %mul3A_129 = arith.mulf %get3A_128, %gather3A : vector<16xf32>
          %swap3A_130 = arith.index_cast %scan3A_105 : i32 to index
          %swap3A_131 = arith.constant 32 : index
          %swap3A_132 = tpu.vector_load %arg12[%swap3A_130, %swap3A_131] {strides = array<i32>} : memref<128x128xf32, #tpu.memory_space<vmem>>, vector<16xf32>,
          tpu.vector_store %arg12[%swap3A_130, %swap3A_131], %mul3A_129 {strides = array<i32>} : memref<128x128xf32, #tpu.memory_space<vmem>>, vector<16xf32>,
          %get3A_133 = arith.index_cast %scan3A_105 : i32 to index
          %get3A_134 = arith.constant 48 : index
          %get3A_135 = tpu.vector_load %arg12[%get3A_133, %get3A_134] {strides = array<i32>} : memref<128x128xf32, #tpu.memory_space<vmem>>, vector<16xf32>,
          %mul3A_136 = arith.mulf %get3A_135, %gather3A : vector<16xf32>
          %swap3A_137 = arith.index_cast %scan3A_105 : i32 to index
          %swap3A_138 = arith.constant 48 : index
          %swap3A_139 = tpu.vector_load %arg12[%swap3A_137, %swap3A_138] {strides = array<i32>} : memref<128x128xf32, #tpu.memory_space<vmem>>, vector<16xf32>,
          tpu.vector_store %arg12[%swap3A_137, %swap3A_138], %mul3A_136 {strides = array<i32>} : memref<128x128xf32, #tpu.memory_space<vmem>>, vector<16xf32>,
          %get3A_140 = arith.index_cast %scan3A_105 : i32 to index
          %get3A_141 = arith.constant 64 : index
          %get3A_142 = tpu.vector_load %arg12[%get3A_140, %get3A_141] {strides = array<i32>} : memref<128x128xf32, #tpu.memory_space<vmem>>, vector<16xf32>,
          %mul3A_143 = arith.mulf %get3A_142, %gather3A : vector<16xf32>
          %swap3A_144 = arith.index_cast %scan3A_105 : i32 to index
          %swap3A_145 = arith.constant 64 : index
          %swap3A_146 = tpu.vector_load %arg12[%swap3A_144, %swap3A_145] {strides = array<i32>} : memref<128x128xf32, #tpu.memory_space<vmem>>, vector<16xf32>,
          tpu.vector_store %arg12[%swap3A_144, %swap3A_145], %mul3A_143 {strides = array<i32>} : memref<128x128xf32, #tpu.memory_space<vmem>>, vector<16xf32>,
          %get3A_147 = arith.index_cast %scan3A_105 : i32 to index
          %get3A_148 = arith.constant 80 : index
          %get3A_149 = tpu.vector_load %arg12[%get3A_147, %get3A_148] {strides = array<i32>} : memref<128x128xf32, #tpu.memory_space<vmem>>, vector<16xf32>,
          %mul3A_150 = arith.mulf %get3A_149, %gather3A : vector<16xf32>
          %swap3A_151 = arith.index_cast %scan3A_105 : i32 to index
          %swap3A_152 = arith.constant 80 : index
          %swap3A_153 = tpu.vector_load %arg12[%swap3A_151, %swap3A_152] {strides = array<i32>} : memref<128x128xf32, #tpu.memory_space<vmem>>, vector<16xf32>,
          tpu.vector_store %arg12[%swap3A_151, %swap3A_152], %mul3A_150 {strides = array<i32>} : memref<128x128xf32, #tpu.memory_space<vmem>>, vector<16xf32>,
          %get3A_154 = arith.index_cast %scan3A_105 : i32 to index
          %get3A_155 = arith.constant 96 : index
          %get3A_156 = tpu.vector_load %arg12[%get3A_154, %get3A_155] {strides = array<i32>} : memref<128x128xf32, #tpu.memory_space<vmem>>, vector<16xf32>,
          %mul3A_157 = arith.mulf %get3A_156, %gather3A : vector<16xf32>
          %swap3A_158 = arith.index_cast %scan3A_105 : i32 to index
          %swap3A_159 = arith.constant 96 : index
          %swap3A_160 = tpu.vector_load %arg12[%swap3A_158, %swap3A_159] {strides = array<i32>} : memref<128x128xf32, #tpu.memory_space<vmem>>, vector<16xf32>,
          tpu.vector_store %arg12[%swap3A_158, %swap3A_159], %mul3A_157 {strides = array<i32>} : memref<128x128xf32, #tpu.memory_space<vmem>>, vector<16xf32>,
          %get3A_161 = arith.index_cast %scan3A_105 : i32 to index
          %get3A_162 = arith.constant 112 : index
          %get3A_163 = tpu.vector_load %arg12[%get3A_161, %get3A_162] {strides = array<i32>} : memref<128x128xf32, #tpu.memory_space<vmem>>, vector<16xf32>,
          %mul3A_164 = arith.mulf %get3A_163, %gather3A : vector<16xf32>
          %swap3A_165 = arith.index_cast %scan3A_105 : i32 to index
          %swap3A_166 = arith.constant 112 : index
          %swap3A_167 = tpu.vector_load %arg12[%swap3A_165, %swap3A_166] {strides = array<i32>} : memref<128x128xf32, #tpu.memory_space<vmem>>, vector<16xf32>,
          tpu.vector_store %arg12[%swap3A_165, %swap3A_166], %mul3A_164 {strides = array<i32>} : memref<128x128xf32, #tpu.memory_space<vmem>>, vector<16xf32>,
          %scan3A_168 = arith.constant 0 : i32
          scf.yield %scan3A_168 : i32
        }
        %scan3A_78 = arith.constant 128 : i32
        "tpu.region"() ({
          %run_scoped3A = tpu.sem_alloc : memref<!tpu.dma_semaphore, #tpu.memory_space<semaphore_mem>>
          %dma_start3A_105 = arith.constant 0 : i32
          %dma_start3A_106 = tpu.memref_slice %arg11[%mul3A_56, %dma_start3A_105] : memref<40x128xi32, #tpu.memory_space<vmem>> -> memref<1x128xi32, #tpu.memory_space<vmem>>
          %dma_start3A_107 = tpu.memref_squeeze %dma_start3A_106 : memref<1x128xi32, #tpu.memory_space<vmem>> -> memref<128xi32, #tpu.memory_space<vmem>>
          %dma_start3A_108 = arith.constant 0 : i32
          %dma_start3A_109 = arith.constant 0 : i32
          %dma_start3A_110 = tpu.memref_slice %arg8[%dma_start3A_108, %dma_start3A_109] : memref<10240x128xf32, #tpu.memory_space<vmem_shared>> -> memref<10240x128xf32, #tpu.memory_space<vmem_shared>>
          tpu.enqueue_indirect_dma source(%arg12 : memref<128x128xf32, #tpu.memory_space<vmem>>) target(%dma_start3A_110 : memref<10240x128xf32, #tpu.memory_space<vmem_shared>>) offsets(%dma_start3A_107 : memref<128xi32, #tpu.memory_space<vmem>>) semaphore(%run_scoped3A : memref<!tpu.dma_semaphore, #tpu.memory_space<semaphore_mem>>) {add = true}
          %dma_wait3A_111 = arith.constant 0 : i32
          %dma_wait3A_112 = tpu.memref_slice %arg11[%mul3A_56, %dma_wait3A_111] : memref<40x128xi32, #tpu.memory_space<vmem>> -> memref<1x128xi32, #tpu.memory_space<vmem>>
          %dma_wait3A_113 = tpu.memref_squeeze %dma_wait3A_112 : memref<1x128xi32, #tpu.memory_space<vmem>> -> memref<128xi32, #tpu.memory_space<vmem>>
          %dma_wait3A_114 = arith.constant 0 : i32
          %dma_wait3A_115 = arith.constant 0 : i32
          %dma_wait3A_116 = tpu.memref_slice %arg8[%dma_wait3A_114, %dma_wait3A_115] : memref<10240x128xf32, #tpu.memory_space<vmem_shared>> -> memref<10240x128xf32, #tpu.memory_space<vmem_shared>>
          tpu.wait_indirect_dma semaphore(%run_scoped3A : memref<!tpu.dma_semaphore, #tpu.memory_space<semaphore_mem>>) src(%arg12 : memref<128x128xf32, #tpu.memory_space<vmem>>) dst(%dma_wait3A_116 : memref<10240x128xf32, #tpu.memory_space<vmem_shared>>)
          tpu.yield
        }) : () -> ()
        %add3A_79 = arith.constant 2 : i32
        %add3A_80 = arith.addi %mul3A_56, %add3A_79 : i32
        %min3A = arith.constant 39 : i32
        %min3A_81 = arith.minsi %add3A_80, %min3A : i32
        %dma_start3A_82 = arith.constant 0 : i32
        %dma_start3A_83 = tpu.memref_slice %arg9[%min3A_81, %dma_start3A_82] : memref<40x128xi32, #tpu.memory_space<vmem>> -> memref<1x128xi32, #tpu.memory_space<vmem>>
        %dma_start3A_84 = tpu.memref_squeeze %dma_start3A_83 : memref<1x128xi32, #tpu.memory_space<vmem>> -> memref<128xi32, #tpu.memory_space<vmem>>
        %dma_start3A_85 = arith.constant 0 : i32
        %dma_start3A_86 = arith.constant 0 : i32
        %dma_start3A_87 = tpu.memref_slice %arg2[%dma_start3A_85, %dma_start3A_86] : memref<80000x128xf32, #tpu.memory_space<hbm>> -> memref<80000x128xf32, #tpu.memory_space<hbm>>
        tpu.enqueue_indirect_dma source(%dma_start3A_87 : memref<80000x128xf32, #tpu.memory_space<hbm>>) target(%arg12 : memref<128x128xf32, #tpu.memory_space<vmem>>) offsets(%dma_start3A_84 : memref<128xi32, #tpu.memory_space<vmem>>) semaphore(%arg14 : memref<!tpu.dma_semaphore, #tpu.memory_space<semaphore_mem>>)
        %dma_wait3A_88 = arith.constant 0 : i32
        %dma_wait3A_89 = arith.constant 0 : i32
        %dma_wait3A_90 = tpu.memref_slice %arg9[%dma_wait3A_88, %dma_wait3A_89] : memref<40x128xi32, #tpu.memory_space<vmem>> -> memref<1x128xi32, #tpu.memory_space<vmem>>
        %dma_wait3A_91 = tpu.memref_squeeze %dma_wait3A_90 : memref<1x128xi32, #tpu.memory_space<vmem>> -> memref<128xi32, #tpu.memory_space<vmem>>
        %dma_wait3A_92 = arith.constant 0 : i32
        %dma_wait3A_93 = arith.constant 0 : i32
        %dma_wait3A_94 = tpu.memref_slice %arg2[%dma_wait3A_92, %dma_wait3A_93] : memref<80000x128xf32, #tpu.memory_space<hbm>> -> memref<80000x128xf32, #tpu.memory_space<hbm>>
        tpu.wait_indirect_dma semaphore(%arg15 : memref<!tpu.dma_semaphore, #tpu.memory_space<semaphore_mem>>) src(%dma_wait3A_94 : memref<80000x128xf32, #tpu.memory_space<hbm>>) dst(%arg13 : memref<128x128xf32, #tpu.memory_space<vmem>>)
        %add3A_95 = arith.constant 1 : i32
        %add3A_96 = arith.addi %mul3A_56, %add3A_95 : i32
        %scan3A_97 = arith.constant 0 : i32
        %scan3A_98 = arith.constant 0 : i32
        %scan3A_99 = arith.constant 128 : i32
        %scan3A_100 = arith.addi %scan3A_98, %scan3A_99 : i32
        %scan3A_101 = arith.constant 1 : i32
        %scan3A_102 = scf.for %scan3A_105 = %scan3A_98 to %scan3A_100 step %scan3A_101 iter_args(%scan3A_106 = %scan3A_97) -> (i32)  : i32 {
          %broadcast_in_dim3A = arith.constant 0 : i32
          %broadcast_in_dim3A_107 = vector.broadcast %broadcast_in_dim3A : i32 to vector<16xi32>
          %add3A_108 = vector.broadcast %add3A_96 : i32 to vector<16xi32>
          %add3A_109 = arith.addi %broadcast_in_dim3A_107, %add3A_108 : vector<16xi32>
          %broadcast_in_dim3A_110 = arith.constant 0 : i32
          %broadcast_in_dim3A_111 = vector.broadcast %broadcast_in_dim3A_110 : i32 to vector<16xi32>
          %add3A_112 = vector.broadcast %scan3A_105 : i32 to vector<16xi32>
          %add3A_113 = arith.addi %broadcast_in_dim3A_111, %add3A_112 : vector<16xi32>
          %gather3A = tpu.vector_load_idx %arg10[%add3A_109, %add3A_113] : memref<40x128xf32, #tpu.memory_space<vmem>>[vector<16xi32>, vector<16xi32>], vector<16xf32>,
          %get3A = arith.index_cast %scan3A_105 : i32 to index
          %get3A_114 = arith.constant 0 : index
          %get3A_115 = tpu.vector_load %arg13[%get3A, %get3A_114] {strides = array<i32>} : memref<128x128xf32, #tpu.memory_space<vmem>>, vector<16xf32>,
          %mul3A_116 = arith.mulf %get3A_115, %gather3A : vector<16xf32>
          %swap3A = arith.index_cast %scan3A_105 : i32 to index
          %swap3A_117 = arith.constant 0 : index
          %swap3A_118 = tpu.vector_load %arg13[%swap3A, %swap3A_117] {strides = array<i32>} : memref<128x128xf32, #tpu.memory_space<vmem>>, vector<16xf32>,
          tpu.vector_store %arg13[%swap3A, %swap3A_117], %mul3A_116 {strides = array<i32>} : memref<128x128xf32, #tpu.memory_space<vmem>>, vector<16xf32>,
          %get3A_119 = arith.index_cast %scan3A_105 : i32 to index
          %get3A_120 = arith.constant 16 : index
          %get3A_121 = tpu.vector_load %arg13[%get3A_119, %get3A_120] {strides = array<i32>} : memref<128x128xf32, #tpu.memory_space<vmem>>, vector<16xf32>,
          %mul3A_122 = arith.mulf %get3A_121, %gather3A : vector<16xf32>
          %swap3A_123 = arith.index_cast %scan3A_105 : i32 to index
          %swap3A_124 = arith.constant 16 : index
          %swap3A_125 = tpu.vector_load %arg13[%swap3A_123, %swap3A_124] {strides = array<i32>} : memref<128x128xf32, #tpu.memory_space<vmem>>, vector<16xf32>,
          tpu.vector_store %arg13[%swap3A_123, %swap3A_124], %mul3A_122 {strides = array<i32>} : memref<128x128xf32, #tpu.memory_space<vmem>>, vector<16xf32>,
          %get3A_126 = arith.index_cast %scan3A_105 : i32 to index
          %get3A_127 = arith.constant 32 : index
          %get3A_128 = tpu.vector_load %arg13[%get3A_126, %get3A_127] {strides = array<i32>} : memref<128x128xf32, #tpu.memory_space<vmem>>, vector<16xf32>,
          %mul3A_129 = arith.mulf %get3A_128, %gather3A : vector<16xf32>
          %swap3A_130 = arith.index_cast %scan3A_105 : i32 to index
          %swap3A_131 = arith.constant 32 : index
          %swap3A_132 = tpu.vector_load %arg13[%swap3A_130, %swap3A_131] {strides = array<i32>} : memref<128x128xf32, #tpu.memory_space<vmem>>, vector<16xf32>,
          tpu.vector_store %arg13[%swap3A_130, %swap3A_131], %mul3A_129 {strides = array<i32>} : memref<128x128xf32, #tpu.memory_space<vmem>>, vector<16xf32>,
          %get3A_133 = arith.index_cast %scan3A_105 : i32 to index
          %get3A_134 = arith.constant 48 : index
          %get3A_135 = tpu.vector_load %arg13[%get3A_133, %get3A_134] {strides = array<i32>} : memref<128x128xf32, #tpu.memory_space<vmem>>, vector<16xf32>,
          %mul3A_136 = arith.mulf %get3A_135, %gather3A : vector<16xf32>
          %swap3A_137 = arith.index_cast %scan3A_105 : i32 to index
          %swap3A_138 = arith.constant 48 : index
          %swap3A_139 = tpu.vector_load %arg13[%swap3A_137, %swap3A_138] {strides = array<i32>} : memref<128x128xf32, #tpu.memory_space<vmem>>, vector<16xf32>,
          tpu.vector_store %arg13[%swap3A_137, %swap3A_138], %mul3A_136 {strides = array<i32>} : memref<128x128xf32, #tpu.memory_space<vmem>>, vector<16xf32>,
          %get3A_140 = arith.index_cast %scan3A_105 : i32 to index
          %get3A_141 = arith.constant 64 : index
          %get3A_142 = tpu.vector_load %arg13[%get3A_140, %get3A_141] {strides = array<i32>} : memref<128x128xf32, #tpu.memory_space<vmem>>, vector<16xf32>,
          %mul3A_143 = arith.mulf %get3A_142, %gather3A : vector<16xf32>
          %swap3A_144 = arith.index_cast %scan3A_105 : i32 to index
          %swap3A_145 = arith.constant 64 : index
          %swap3A_146 = tpu.vector_load %arg13[%swap3A_144, %swap3A_145] {strides = array<i32>} : memref<128x128xf32, #tpu.memory_space<vmem>>, vector<16xf32>,
          tpu.vector_store %arg13[%swap3A_144, %swap3A_145], %mul3A_143 {strides = array<i32>} : memref<128x128xf32, #tpu.memory_space<vmem>>, vector<16xf32>,
          %get3A_147 = arith.index_cast %scan3A_105 : i32 to index
          %get3A_148 = arith.constant 80 : index
          %get3A_149 = tpu.vector_load %arg13[%get3A_147, %get3A_148] {strides = array<i32>} : memref<128x128xf32, #tpu.memory_space<vmem>>, vector<16xf32>,
          %mul3A_150 = arith.mulf %get3A_149, %gather3A : vector<16xf32>
          %swap3A_151 = arith.index_cast %scan3A_105 : i32 to index
          %swap3A_152 = arith.constant 80 : index
          %swap3A_153 = tpu.vector_load %arg13[%swap3A_151, %swap3A_152] {strides = array<i32>} : memref<128x128xf32, #tpu.memory_space<vmem>>, vector<16xf32>,
          tpu.vector_store %arg13[%swap3A_151, %swap3A_152], %mul3A_150 {strides = array<i32>} : memref<128x128xf32, #tpu.memory_space<vmem>>, vector<16xf32>,
          %get3A_154 = arith.index_cast %scan3A_105 : i32 to index
          %get3A_155 = arith.constant 96 : index
          %get3A_156 = tpu.vector_load %arg13[%get3A_154, %get3A_155] {strides = array<i32>} : memref<128x128xf32, #tpu.memory_space<vmem>>, vector<16xf32>,
          %mul3A_157 = arith.mulf %get3A_156, %gather3A : vector<16xf32>
          %swap3A_158 = arith.index_cast %scan3A_105 : i32 to index
          %swap3A_159 = arith.constant 96 : index
          %swap3A_160 = tpu.vector_load %arg13[%swap3A_158, %swap3A_159] {strides = array<i32>} : memref<128x128xf32, #tpu.memory_space<vmem>>, vector<16xf32>,
          tpu.vector_store %arg13[%swap3A_158, %swap3A_159], %mul3A_157 {strides = array<i32>} : memref<128x128xf32, #tpu.memory_space<vmem>>, vector<16xf32>,
          %get3A_161 = arith.index_cast %scan3A_105 : i32 to index
          %get3A_162 = arith.constant 112 : index
          %get3A_163 = tpu.vector_load %arg13[%get3A_161, %get3A_162] {strides = array<i32>} : memref<128x128xf32, #tpu.memory_space<vmem>>, vector<16xf32>,
          %mul3A_164 = arith.mulf %get3A_163, %gather3A : vector<16xf32>
          %swap3A_165 = arith.index_cast %scan3A_105 : i32 to index
          %swap3A_166 = arith.constant 112 : index
          %swap3A_167 = tpu.vector_load %arg13[%swap3A_165, %swap3A_166] {strides = array<i32>} : memref<128x128xf32, #tpu.memory_space<vmem>>, vector<16xf32>,
          tpu.vector_store %arg13[%swap3A_165, %swap3A_166], %mul3A_164 {strides = array<i32>} : memref<128x128xf32, #tpu.memory_space<vmem>>, vector<16xf32>,
          %scan3A_168 = arith.constant 0 : i32
          scf.yield %scan3A_168 : i32
        }
        %scan3A_103 = arith.constant 128 : i32
        "tpu.region"() ({
          %run_scoped3A = tpu.sem_alloc : memref<!tpu.dma_semaphore, #tpu.memory_space<semaphore_mem>>
          %dma_start3A_105 = arith.constant 0 : i32
          %dma_start3A_106 = tpu.memref_slice %arg11[%add3A_96, %dma_start3A_105] : memref<40x128xi32, #tpu.memory_space<vmem>> -> memref<1x128xi32, #tpu.memory_space<vmem>>
          %dma_start3A_107 = tpu.memref_squeeze %dma_start3A_106 : memref<1x128xi32, #tpu.memory_space<vmem>> -> memref<128xi32, #tpu.memory_space<vmem>>
          %dma_start3A_108 = arith.constant 0 : i32
          %dma_start3A_109 = arith.constant 0 : i32
          %dma_start3A_110 = tpu.memref_slice %arg8[%dma_start3A_108, %dma_start3A_109] : memref<10240x128xf32, #tpu.memory_space<vmem_shared>> -> memref<10240x128xf32, #tpu.memory_space<vmem_shared>>
          tpu.enqueue_indirect_dma source(%arg13 : memref<128x128xf32, #tpu.memory_space<vmem>>) target(%dma_start3A_110 : memref<10240x128xf32, #tpu.memory_space<vmem_shared>>) offsets(%dma_start3A_107 : memref<128xi32, #tpu.memory_space<vmem>>) semaphore(%run_scoped3A : memref<!tpu.dma_semaphore, #tpu.memory_space<semaphore_mem>>) {add = true}
          %dma_wait3A_111 = arith.constant 0 : i32
          %dma_wait3A_112 = tpu.memref_slice %arg11[%add3A_96, %dma_wait3A_111] : memref<40x128xi32, #tpu.memory_space<vmem>> -> memref<1x128xi32, #tpu.memory_space<vmem>>
          %dma_wait3A_113 = tpu.memref_squeeze %dma_wait3A_112 : memref<1x128xi32, #tpu.memory_space<vmem>> -> memref<128xi32, #tpu.memory_space<vmem>>
          %dma_wait3A_114 = arith.constant 0 : i32
          %dma_wait3A_115 = arith.constant 0 : i32
          %dma_wait3A_116 = tpu.memref_slice %arg8[%dma_wait3A_114, %dma_wait3A_115] : memref<10240x128xf32, #tpu.memory_space<vmem_shared>> -> memref<10240x128xf32, #tpu.memory_space<vmem_shared>>
          tpu.wait_indirect_dma semaphore(%run_scoped3A : memref<!tpu.dma_semaphore, #tpu.memory_space<semaphore_mem>>) src(%arg13 : memref<128x128xf32, #tpu.memory_space<vmem>>) dst(%dma_wait3A_116 : memref<10240x128xf32, #tpu.memory_space<vmem_shared>>)
          tpu.yield
        }) : () -> ()
        %scan3A_104 = arith.constant 0 : i32
        scf.yield %scan3A_104 : i32
      }
      %scan3A_45 = arith.constant 20 : i32
      %dma_wait3A = arith.constant 0 : i32
      %dma_wait3A_46 = arith.constant 0 : i32
      %dma_wait3A_47 = tpu.memref_slice %arg9[%dma_wait3A, %dma_wait3A_46] : memref<40x128xi32, #tpu.memory_space<vmem>> -> memref<1x128xi32, #tpu.memory_space<vmem>>
      %dma_wait3A_48 = tpu.memref_squeeze %dma_wait3A_47 : memref<1x128xi32, #tpu.memory_space<vmem>> -> memref<128xi32, #tpu.memory_space<vmem>>
      %dma_wait3A_49 = arith.constant 0 : i32
      %dma_wait3A_50 = arith.constant 0 : i32
      %dma_wait3A_51 = tpu.memref_slice %arg2[%dma_wait3A_49, %dma_wait3A_50] : memref<80000x128xf32, #tpu.memory_space<hbm>> -> memref<80000x128xf32, #tpu.memory_space<hbm>>
      tpu.wait_indirect_dma semaphore(%arg14 : memref<!tpu.dma_semaphore, #tpu.memory_space<semaphore_mem>>) src(%dma_wait3A_51 : memref<80000x128xf32, #tpu.memory_space<hbm>>) dst(%arg12 : memref<128x128xf32, #tpu.memory_space<vmem>>)
      %while3A_52 = arith.constant 0 : i32
      scf.yield %while3A_52 : i32
    }
    %barrier3A_24 = arith.constant 0 : index
    tpu.barrier barrier_id(%barrier3A_24)
    %mul3A_25 = arith.constant 640 : i32
    %mul3A_26 = arith.muli %arg1, %mul3A_25 : i32
    %mul3A_27 = arith.constant 640 : i32
    %mul3A_28 = arith.muli %arg1, %mul3A_27 : i32
    "tpu.region"() ({
      %run_scoped3A = tpu.sem_alloc : memref<!tpu.dma_semaphore, #tpu.memory_space<semaphore_mem>>
      %dma_start3A = arith.constant 0 : i32
      %dma_start3A_29 = arith.constant 0 : i32
      %dma_start3A_30 = tpu.memref_slice %arg7[%arg0, %dma_start3A, %dma_start3A_29] : memref<2x10240x128xf32, #tpu.memory_space<hbm>> -> memref<1x10240x128xf32, #tpu.memory_space<hbm>>
      %dma_start3A_31 = tpu.memref_squeeze %dma_start3A_30 : memref<1x10240x128xf32, #tpu.memory_space<hbm>> -> memref<10240x128xf32, #tpu.memory_space<hbm>>
      %dma_start3A_32 = arith.constant 0 : i32
      %dma_start3A_33 = tpu.memref_slice %dma_start3A_31[%mul3A_28, %dma_start3A_32] : memref<10240x128xf32, #tpu.memory_space<hbm>> -> memref<640x128xf32, #tpu.memory_space<hbm>>
      %dma_start3A_34 = arith.constant 0 : i32
      %dma_start3A_35 = tpu.memref_slice %arg8[%mul3A_26, %dma_start3A_34] : memref<10240x128xf32, #tpu.memory_space<vmem_shared>> -> memref<640x128xf32, #tpu.memory_space<vmem_shared>>
      tpu.enqueue_dma source(%dma_start3A_35 : memref<640x128xf32, #tpu.memory_space<vmem_shared>>) target(%dma_start3A_33 : memref<640x128xf32, #tpu.memory_space<hbm>>) target_semaphore(%run_scoped3A : memref<!tpu.dma_semaphore, #tpu.memory_space<semaphore_mem>>)
      %dma_wait3A = arith.constant 0 : i32
      %dma_wait3A_36 = arith.constant 0 : i32
      %dma_wait3A_37 = tpu.memref_slice %arg7[%arg0, %dma_wait3A, %dma_wait3A_36] : memref<2x10240x128xf32, #tpu.memory_space<hbm>> -> memref<1x10240x128xf32, #tpu.memory_space<hbm>>
      %dma_wait3A_38 = tpu.memref_squeeze %dma_wait3A_37 : memref<1x10240x128xf32, #tpu.memory_space<hbm>> -> memref<10240x128xf32, #tpu.memory_space<hbm>>
      %dma_wait3A_39 = arith.constant 0 : i32
      %dma_wait3A_40 = tpu.memref_slice %dma_wait3A_38[%mul3A_28, %dma_wait3A_39] : memref<10240x128xf32, #tpu.memory_space<hbm>> -> memref<640x128xf32, #tpu.memory_space<hbm>>
      %dma_wait3A_41 = arith.constant 0 : i32
      %dma_wait3A_42 = tpu.memref_slice %arg8[%mul3A_26, %dma_wait3A_41] : memref<10240x128xf32, #tpu.memory_space<vmem_shared>> -> memref<640x128xf32, #tpu.memory_space<vmem_shared>>
      tpu.wait_dma2 semaphore(%run_scoped3A : memref<!tpu.dma_semaphore, #tpu.memory_space<semaphore_mem>>) src(%dma_wait3A_42 : memref<640x128xf32, #tpu.memory_space<vmem_shared>>) dst(%dma_wait3A_40 : memref<640x128xf32, #tpu.memory_space<hbm>>)
      tpu.yield
    }) : () -> ()
    return
  }
}

#map = affine_map<(d0, d1) -> (0, 0)>
module attributes {stable_mosaic.version = 14 : i64} {
  func.func @_cw_body(%arg0: i32, %arg1: i32, %arg2: memref<3x327680xi32, #tpu.memory_space<hbm>>, %arg3: memref<10240x128xf32, #tpu.memory_space<hbm>>, %arg4: memref<2560x128xf32, #tpu.memory_space<hbm>>, %arg5: memref<2560x128xi32, #tpu.memory_space<hbm>>, %arg6: memref<640x128xf32, #tpu.memory_space<vmem_shared>>, %arg7: memref<640x128xf32, #tpu.memory_space<vmem>>, %arg8: memref<3x512xi32, #tpu.memory_space<vmem>>, %arg9: memref<3x512xi32, #tpu.memory_space<vmem>>, %arg10: memref<3x128xi32, #tpu.memory_space<vmem>>, %arg11: memref<3x128xi32, #tpu.memory_space<vmem>>, %arg12: memref<80x128xf32, #tpu.memory_space<vmem>>, %arg13: memref<80x128xi32, #tpu.memory_space<vmem>>, %arg14: memref<1x128xi32, #tpu.memory_space<vmem>>, %arg15: memref<!tpu.dma_semaphore, #tpu.memory_space<semaphore_mem>>, %arg16: memref<!tpu.dma_semaphore, #tpu.memory_space<semaphore_mem>>) attributes {dimension_semantics = [#tpu.dimension_semantics<core_parallel>, #tpu.dimension_semantics<subcore_parallel>], iteration_bounds = array<i64: 2, 16>, scalar_prefetch = 0 : i64, scratch_operands = 11 : i64, tpu.core_type = #tpu.core_type<sc_vector_subcore>, window_params = [{transform_indices = #map}, {transform_indices = #map}, {transform_indices = #map}, {transform_indices = #map}]} {
    %mul3A = arith.constant 40 : i32
    %mul3A_0 = arith.muli %arg1, %mul3A : i32
    %mul3A_1 = arith.constant 40 : i32
    %mul3A_2 = arith.muli %arg1, %mul3A_1 : i32
    "tpu.region"() ({
      %run_scoped3A = tpu.sem_alloc : memref<!tpu.dma_semaphore, #tpu.memory_space<semaphore_mem>>
      %dma_start3A_56 = arith.constant 0 : i32
      %dma_start3A_57 = tpu.memref_slice %arg6[%mul3A_2, %dma_start3A_56] : memref<640x128xf32, #tpu.memory_space<vmem_shared>> -> memref<40x128xf32, #tpu.memory_space<vmem_shared>>
      %dma_start3A_58 = arith.constant 0 : i32
      %dma_start3A_59 = tpu.memref_slice %arg3[%mul3A_0, %dma_start3A_58] : memref<10240x128xf32, #tpu.memory_space<hbm>> -> memref<40x128xf32, #tpu.memory_space<hbm>>
      tpu.enqueue_dma source(%dma_start3A_59 : memref<40x128xf32, #tpu.memory_space<hbm>>) target(%dma_start3A_57 : memref<40x128xf32, #tpu.memory_space<vmem_shared>>) target_semaphore(%run_scoped3A : memref<!tpu.dma_semaphore, #tpu.memory_space<semaphore_mem>>)
      %dma_wait3A_60 = arith.constant 0 : i32
      %dma_wait3A_61 = tpu.memref_slice %arg6[%mul3A_2, %dma_wait3A_60] : memref<640x128xf32, #tpu.memory_space<vmem_shared>> -> memref<40x128xf32, #tpu.memory_space<vmem_shared>>
      %dma_wait3A_62 = arith.constant 0 : i32
      %dma_wait3A_63 = tpu.memref_slice %arg3[%mul3A_0, %dma_wait3A_62] : memref<10240x128xf32, #tpu.memory_space<hbm>> -> memref<40x128xf32, #tpu.memory_space<hbm>>
      tpu.wait_dma2 semaphore(%run_scoped3A : memref<!tpu.dma_semaphore, #tpu.memory_space<semaphore_mem>>) src(%dma_wait3A_63 : memref<40x128xf32, #tpu.memory_space<hbm>>) dst(%dma_wait3A_61 : memref<40x128xf32, #tpu.memory_space<vmem_shared>>)
      tpu.yield
    }) : () -> ()
    "tpu.region"() ({
      %run_scoped3A = tpu.sem_alloc : memref<!tpu.dma_semaphore, #tpu.memory_space<semaphore_mem>>
      %dma_start3A_56 = arith.constant 0 : i32
      %dma_start3A_57 = arith.constant 0 : i32
      %dma_start3A_58 = tpu.memref_slice %arg3[%dma_start3A_56, %dma_start3A_57] : memref<10240x128xf32, #tpu.memory_space<hbm>> -> memref<640x128xf32, #tpu.memory_space<hbm>>
      %dma_start3A_59 = arith.constant 0 : i32
      %dma_start3A_60 = arith.constant 0 : i32
      %dma_start3A_61 = tpu.memref_slice %arg3[%dma_start3A_59, %dma_start3A_60] : memref<10240x128xf32, #tpu.memory_space<hbm>> -> memref<640x128xf32, #tpu.memory_space<hbm>>
      tpu.enqueue_dma source(%dma_start3A_61 : memref<640x128xf32, #tpu.memory_space<hbm>>) target(%arg7 : memref<640x128xf32, #tpu.memory_space<vmem>>) target_semaphore(%run_scoped3A : memref<!tpu.dma_semaphore, #tpu.memory_space<semaphore_mem>>)
      %dma_wait3A_62 = arith.constant 0 : i32
      %dma_wait3A_63 = arith.constant 0 : i32
      %dma_wait3A_64 = tpu.memref_slice %arg3[%dma_wait3A_62, %dma_wait3A_63] : memref<10240x128xf32, #tpu.memory_space<hbm>> -> memref<640x128xf32, #tpu.memory_space<hbm>>
      %dma_wait3A_65 = arith.constant 0 : i32
      %dma_wait3A_66 = arith.constant 0 : i32
      %dma_wait3A_67 = tpu.memref_slice %arg3[%dma_wait3A_65, %dma_wait3A_66] : memref<10240x128xf32, #tpu.memory_space<hbm>> -> memref<640x128xf32, #tpu.memory_space<hbm>>
      tpu.wait_dma2 semaphore(%run_scoped3A : memref<!tpu.dma_semaphore, #tpu.memory_space<semaphore_mem>>) src(%dma_wait3A_67 : memref<640x128xf32, #tpu.memory_space<hbm>>) dst(%arg7 : memref<640x128xf32, #tpu.memory_space<vmem>>)
      tpu.yield
    }) : () -> ()
    %mul3A_3 = arith.constant 20480 : i32
    %mul3A_4 = arith.muli %arg1, %mul3A_3 : i32
    %add3A = arith.constant 0 : i32
    %add3A_5 = arith.addi %mul3A_4, %add3A : i32
    %dma_start3A = arith.constant 0 : i32
    %dma_start3A_6 = tpu.memref_slice %arg2[%dma_start3A, %add3A_5] : memref<3x327680xi32, #tpu.memory_space<hbm>> -> memref<3x512xi32, #tpu.memory_space<hbm>>
    %dma_start3A_7 = arith.constant 0 : i32
    %dma_start3A_8 = tpu.memref_slice %arg2[%dma_start3A_7, %add3A_5] : memref<3x327680xi32, #tpu.memory_space<hbm>> -> memref<3x512xi32, #tpu.memory_space<hbm>>
    tpu.enqueue_dma source(%dma_start3A_8 : memref<3x512xi32, #tpu.memory_space<hbm>>) target(%arg8 : memref<3x512xi32, #tpu.memory_space<vmem>>) target_semaphore(%arg15 : memref<!tpu.dma_semaphore, #tpu.memory_space<semaphore_mem>>)
    %scan3A = arith.constant 0 : i32
    %scan3A_9 = arith.constant 0 : i32
    %scan3A_10 = arith.constant 20 : i32
    %scan3A_11 = arith.addi %scan3A_9, %scan3A_10 : i32
    %scan3A_12 = arith.constant 1 : i32
    %scan3A_13 = scf.for %scan3A_56 = %scan3A_9 to %scan3A_11 step %scan3A_12 iter_args(%scan3A_57 = %scan3A) -> (i32)  : i32 {
      %mul3A_58 = arith.constant 2 : i32
      %mul3A_59 = arith.muli %scan3A_56, %mul3A_58 : i32
      %add3A_60 = arith.constant 1 : i32
      %add3A_61 = arith.addi %mul3A_59, %add3A_60 : i32
      %mul3A_62 = arith.constant 512 : i32
      %mul3A_63 = arith.muli %add3A_61, %mul3A_62 : i32
      %add3A_64 = arith.addi %mul3A_4, %mul3A_63 : i32
      %dma_start3A_65 = arith.constant 0 : i32
      %dma_start3A_66 = tpu.memref_slice %arg2[%dma_start3A_65, %add3A_64] : memref<3x327680xi32, #tpu.memory_space<hbm>> -> memref<3x512xi32, #tpu.memory_space<hbm>>
      %dma_start3A_67 = arith.constant 0 : i32
      %dma_start3A_68 = tpu.memref_slice %arg2[%dma_start3A_67, %add3A_64] : memref<3x327680xi32, #tpu.memory_space<hbm>> -> memref<3x512xi32, #tpu.memory_space<hbm>>
      tpu.enqueue_dma source(%dma_start3A_68 : memref<3x512xi32, #tpu.memory_space<hbm>>) target(%arg9 : memref<3x512xi32, #tpu.memory_space<vmem>>) target_semaphore(%arg16 : memref<!tpu.dma_semaphore, #tpu.memory_space<semaphore_mem>>)
      %dma_wait3A_69 = arith.constant 0 : i32
      %dma_wait3A_70 = arith.constant 0 : i32
      %dma_wait3A_71 = tpu.memref_slice %arg2[%dma_wait3A_69, %dma_wait3A_70] : memref<3x327680xi32, #tpu.memory_space<hbm>> -> memref<3x512xi32, #tpu.memory_space<hbm>>
      %dma_wait3A_72 = arith.constant 0 : i32
      %dma_wait3A_73 = arith.constant 0 : i32
      %dma_wait3A_74 = tpu.memref_slice %arg2[%dma_wait3A_72, %dma_wait3A_73] : memref<3x327680xi32, #tpu.memory_space<hbm>> -> memref<3x512xi32, #tpu.memory_space<hbm>>
      tpu.wait_dma2 semaphore(%arg15 : memref<!tpu.dma_semaphore, #tpu.memory_space<semaphore_mem>>) src(%dma_wait3A_74 : memref<3x512xi32, #tpu.memory_space<hbm>>) dst(%arg8 : memref<3x512xi32, #tpu.memory_space<vmem>>)
      %get3A = arith.constant 0 : i32
      %get3A_75 = arith.index_cast %get3A : i32 to index
      %get3A_76 = arith.constant 0 : index
      %get3A_77 = tpu.vector_load %arg8[%get3A_75, %get3A_76] {strides = array<i32>} : memref<3x512xi32, #tpu.memory_space<vmem>>, vector<16xi32>,
      %get3A_78 = arith.constant 1 : i32
      %get3A_79 = arith.index_cast %get3A_78 : i32 to index
      %get3A_80 = arith.constant 0 : index
      %get3A_81 = tpu.vector_load %arg8[%get3A_79, %get3A_80] {strides = array<i32>} : memref<3x512xi32, #tpu.memory_space<vmem>>, vector<16xi32>,
      %mul3A_82 = arith.constant 8 : i32
      %mul3A_83 = vector.broadcast %mul3A_82 : i32 to vector<16xi32>
      %mul3A_84 = arith.muli %get3A_77, %mul3A_83 : vector<16xi32>
      %min3A = arith.constant 7 : i32
      %min3A_85 = vector.broadcast %min3A : i32 to vector<16xi32>
      %min3A_86 = arith.minsi %get3A_81, %min3A_85 : vector<16xi32>
      %add3A_87 = arith.addi %mul3A_84, %min3A_86 : vector<16xi32>
      %shift_right_logical3A = arith.constant 7 : i32
      %shift_right_logical3A_88 = vector.broadcast %shift_right_logical3A : i32 to vector<16xi32>
      %shift_right_logical3A_89 = arith.shrui %add3A_87, %shift_right_logical3A_88 : vector<16xi32>
      %and3A = arith.constant 127 : i32
      %and3A_90 = vector.broadcast %and3A : i32 to vector<16xi32>
      %and3A_91 = arith.andi %add3A_87, %and3A_90 : vector<16xi32>
      %broadcast_in_dim3A = arith.constant 0.000000e+00 : f32
      %broadcast_in_dim3A_92 = vector.broadcast %broadcast_in_dim3A : f32 to vector<16xf32>
      %add3A_93 = arith.constant 1.000000e+00 : f32
      %add3A_94 = vector.broadcast %add3A_93 : f32 to vector<16xf32>
      %add3A_95 = arith.addf %broadcast_in_dim3A_92, %add3A_94 : vector<16xf32>
      %lt3A = arith.constant 8 : i32
      %lt3A_96 = vector.broadcast %lt3A : i32 to vector<16xi32>
      %lt3A_97 = arith.cmpi slt, %get3A_81, %lt3A_96 : vector<16xi32>
      tpu.vector_store_idx %arg7[%shift_right_logical3A_89, %and3A_91], %add3A_95 masked %lt3A_97 {add = true} : memref<640x128xf32, #tpu.memory_space<vmem>>[vector<16xi32>, vector<16xi32>], vector<16xf32>, vector<16xi1>
      %get3A_98 = arith.constant 0 : i32
      %get3A_99 = arith.index_cast %get3A_98 : i32 to index
      %get3A_100 = arith.constant 16 : index
      %get3A_101 = tpu.vector_load %arg8[%get3A_99, %get3A_100] {strides = array<i32>} : memref<3x512xi32, #tpu.memory_space<vmem>>, vector<16xi32>,
      %get3A_102 = arith.constant 1 : i32
      %get3A_103 = arith.index_cast %get3A_102 : i32 to index
      %get3A_104 = arith.constant 16 : index
      %get3A_105 = tpu.vector_load %arg8[%get3A_103, %get3A_104] {strides = array<i32>} : memref<3x512xi32, #tpu.memory_space<vmem>>, vector<16xi32>,
      %mul3A_106 = arith.constant 8 : i32
      %mul3A_107 = vector.broadcast %mul3A_106 : i32 to vector<16xi32>
      %mul3A_108 = arith.muli %get3A_101, %mul3A_107 : vector<16xi32>
      %min3A_109 = arith.constant 7 : i32
      %min3A_110 = vector.broadcast %min3A_109 : i32 to vector<16xi32>
      %min3A_111 = arith.minsi %get3A_105, %min3A_110 : vector<16xi32>
      %add3A_112 = arith.addi %mul3A_108, %min3A_111 : vector<16xi32>
      %shift_right_logical3A_113 = arith.constant 7 : i32
      %shift_right_logical3A_114 = vector.broadcast %shift_right_logical3A_113 : i32 to vector<16xi32>
      %shift_right_logical3A_115 = arith.shrui %add3A_112, %shift_right_logical3A_114 : vector<16xi32>
      %and3A_116 = arith.constant 127 : i32
      %and3A_117 = vector.broadcast %and3A_116 : i32 to vector<16xi32>
      %and3A_118 = arith.andi %add3A_112, %and3A_117 : vector<16xi32>
      %broadcast_in_dim3A_119 = arith.constant 0.000000e+00 : f32
      %broadcast_in_dim3A_120 = vector.broadcast %broadcast_in_dim3A_119 : f32 to vector<16xf32>
      %add3A_121 = arith.constant 1.000000e+00 : f32
      %add3A_122 = vector.broadcast %add3A_121 : f32 to vector<16xf32>
      %add3A_123 = arith.addf %broadcast_in_dim3A_120, %add3A_122 : vector<16xf32>
      %lt3A_124 = arith.constant 8 : i32
      %lt3A_125 = vector.broadcast %lt3A_124 : i32 to vector<16xi32>
      %lt3A_126 = arith.cmpi slt, %get3A_105, %lt3A_125 : vector<16xi32>
      tpu.vector_store_idx %arg7[%shift_right_logical3A_115, %and3A_118], %add3A_123 masked %lt3A_126 {add = true} : memref<640x128xf32, #tpu.memory_space<vmem>>[vector<16xi32>, vector<16xi32>], vector<16xf32>, vector<16xi1>
      %get3A_127 = arith.constant 0 : i32
      %get3A_128 = arith.index_cast %get3A_127 : i32 to index
      %get3A_129 = arith.constant 32 : index
      %get3A_130 = tpu.vector_load %arg8[%get3A_128, %get3A_129] {strides = array<i32>} : memref<3x512xi32, #tpu.memory_space<vmem>>, vector<16xi32>,
      %get3A_131 = arith.constant 1 : i32
      %get3A_132 = arith.index_cast %get3A_131 : i32 to index
      %get3A_133 = arith.constant 32 : index
      %get3A_134 = tpu.vector_load %arg8[%get3A_132, %get3A_133] {strides = array<i32>} : memref<3x512xi32, #tpu.memory_space<vmem>>, vector<16xi32>,
      %mul3A_135 = arith.constant 8 : i32
      %mul3A_136 = vector.broadcast %mul3A_135 : i32 to vector<16xi32>
      %mul3A_137 = arith.muli %get3A_130, %mul3A_136 : vector<16xi32>
      %min3A_138 = arith.constant 7 : i32
      %min3A_139 = vector.broadcast %min3A_138 : i32 to vector<16xi32>
      %min3A_140 = arith.minsi %get3A_134, %min3A_139 : vector<16xi32>
      %add3A_141 = arith.addi %mul3A_137, %min3A_140 : vector<16xi32>
      %shift_right_logical3A_142 = arith.constant 7 : i32
      %shift_right_logical3A_143 = vector.broadcast %shift_right_logical3A_142 : i32 to vector<16xi32>
      %shift_right_logical3A_144 = arith.shrui %add3A_141, %shift_right_logical3A_143 : vector<16xi32>
      %and3A_145 = arith.constant 127 : i32
      %and3A_146 = vector.broadcast %and3A_145 : i32 to vector<16xi32>
      %and3A_147 = arith.andi %add3A_141, %and3A_146 : vector<16xi32>
      %broadcast_in_dim3A_148 = arith.constant 0.000000e+00 : f32
      %broadcast_in_dim3A_149 = vector.broadcast %broadcast_in_dim3A_148 : f32 to vector<16xf32>
      %add3A_150 = arith.constant 1.000000e+00 : f32
      %add3A_151 = vector.broadcast %add3A_150 : f32 to vector<16xf32>
      %add3A_152 = arith.addf %broadcast_in_dim3A_149, %add3A_151 : vector<16xf32>
      %lt3A_153 = arith.constant 8 : i32
      %lt3A_154 = vector.broadcast %lt3A_153 : i32 to vector<16xi32>
      %lt3A_155 = arith.cmpi slt, %get3A_134, %lt3A_154 : vector<16xi32>
      tpu.vector_store_idx %arg7[%shift_right_logical3A_144, %and3A_147], %add3A_152 masked %lt3A_155 {add = true} : memref<640x128xf32, #tpu.memory_space<vmem>>[vector<16xi32>, vector<16xi32>], vector<16xf32>, vector<16xi1>
      %get3A_156 = arith.constant 0 : i32
      %get3A_157 = arith.index_cast %get3A_156 : i32 to index
      %get3A_158 = arith.constant 48 : index
      %get3A_159 = tpu.vector_load %arg8[%get3A_157, %get3A_158] {strides = array<i32>} : memref<3x512xi32, #tpu.memory_space<vmem>>, vector<16xi32>,
      %get3A_160 = arith.constant 1 : i32
      %get3A_161 = arith.index_cast %get3A_160 : i32 to index
      %get3A_162 = arith.constant 48 : index
      %get3A_163 = tpu.vector_load %arg8[%get3A_161, %get3A_162] {strides = array<i32>} : memref<3x512xi32, #tpu.memory_space<vmem>>, vector<16xi32>,
      %mul3A_164 = arith.constant 8 : i32
      %mul3A_165 = vector.broadcast %mul3A_164 : i32 to vector<16xi32>
      %mul3A_166 = arith.muli %get3A_159, %mul3A_165 : vector<16xi32>
      %min3A_167 = arith.constant 7 : i32
      %min3A_168 = vector.broadcast %min3A_167 : i32 to vector<16xi32>
      %min3A_169 = arith.minsi %get3A_163, %min3A_168 : vector<16xi32>
      %add3A_170 = arith.addi %mul3A_166, %min3A_169 : vector<16xi32>
      %shift_right_logical3A_171 = arith.constant 7 : i32
      %shift_right_logical3A_172 = vector.broadcast %shift_right_logical3A_171 : i32 to vector<16xi32>
      %shift_right_logical3A_173 = arith.shrui %add3A_170, %shift_right_logical3A_172 : vector<16xi32>
      %and3A_174 = arith.constant 127 : i32
      %and3A_175 = vector.broadcast %and3A_174 : i32 to vector<16xi32>
      %and3A_176 = arith.andi %add3A_170, %and3A_175 : vector<16xi32>
      %broadcast_in_dim3A_177 = arith.constant 0.000000e+00 : f32
      %broadcast_in_dim3A_178 = vector.broadcast %broadcast_in_dim3A_177 : f32 to vector<16xf32>
      %add3A_179 = arith.constant 1.000000e+00 : f32
      %add3A_180 = vector.broadcast %add3A_179 : f32 to vector<16xf32>
      %add3A_181 = arith.addf %broadcast_in_dim3A_178, %add3A_180 : vector<16xf32>
      %lt3A_182 = arith.constant 8 : i32
      %lt3A_183 = vector.broadcast %lt3A_182 : i32 to vector<16xi32>
      %lt3A_184 = arith.cmpi slt, %get3A_163, %lt3A_183 : vector<16xi32>
      tpu.vector_store_idx %arg7[%shift_right_logical3A_173, %and3A_176], %add3A_181 masked %lt3A_184 {add = true} : memref<640x128xf32, #tpu.memory_space<vmem>>[vector<16xi32>, vector<16xi32>], vector<16xf32>, vector<16xi1>
      %get3A_185 = arith.constant 0 : i32
      %get3A_186 = arith.index_cast %get3A_185 : i32 to index
      %get3A_187 = arith.constant 64 : index
      %get3A_188 = tpu.vector_load %arg8[%get3A_186, %get3A_187] {strides = array<i32>} : memref<3x512xi32, #tpu.memory_space<vmem>>, vector<16xi32>,
      %get3A_189 = arith.constant 1 : i32
      %get3A_190 = arith.index_cast %get3A_189 : i32 to index
      %get3A_191 = arith.constant 64 : index
      %get3A_192 = tpu.vector_load %arg8[%get3A_190, %get3A_191] {strides = array<i32>} : memref<3x512xi32, #tpu.memory_space<vmem>>, vector<16xi32>,
      %mul3A_193 = arith.constant 8 : i32
      %mul3A_194 = vector.broadcast %mul3A_193 : i32 to vector<16xi32>
      %mul3A_195 = arith.muli %get3A_188, %mul3A_194 : vector<16xi32>
      %min3A_196 = arith.constant 7 : i32
      %min3A_197 = vector.broadcast %min3A_196 : i32 to vector<16xi32>
      %min3A_198 = arith.minsi %get3A_192, %min3A_197 : vector<16xi32>
      %add3A_199 = arith.addi %mul3A_195, %min3A_198 : vector<16xi32>
      %shift_right_logical3A_200 = arith.constant 7 : i32
      %shift_right_logical3A_201 = vector.broadcast %shift_right_logical3A_200 : i32 to vector<16xi32>
      %shift_right_logical3A_202 = arith.shrui %add3A_199, %shift_right_logical3A_201 : vector<16xi32>
      %and3A_203 = arith.constant 127 : i32
      %and3A_204 = vector.broadcast %and3A_203 : i32 to vector<16xi32>
      %and3A_205 = arith.andi %add3A_199, %and3A_204 : vector<16xi32>
      %broadcast_in_dim3A_206 = arith.constant 0.000000e+00 : f32
      %broadcast_in_dim3A_207 = vector.broadcast %broadcast_in_dim3A_206 : f32 to vector<16xf32>
      %add3A_208 = arith.constant 1.000000e+00 : f32
      %add3A_209 = vector.broadcast %add3A_208 : f32 to vector<16xf32>
      %add3A_210 = arith.addf %broadcast_in_dim3A_207, %add3A_209 : vector<16xf32>
      %lt3A_211 = arith.constant 8 : i32
      %lt3A_212 = vector.broadcast %lt3A_211 : i32 to vector<16xi32>
      %lt3A_213 = arith.cmpi slt, %get3A_192, %lt3A_212 : vector<16xi32>
      tpu.vector_store_idx %arg7[%shift_right_logical3A_202, %and3A_205], %add3A_210 masked %lt3A_213 {add = true} : memref<640x128xf32, #tpu.memory_space<vmem>>[vector<16xi32>, vector<16xi32>], vector<16xf32>, vector<16xi1>
      %get3A_214 = arith.constant 0 : i32
      %get3A_215 = arith.index_cast %get3A_214 : i32 to index
      %get3A_216 = arith.constant 80 : index
      %get3A_217 = tpu.vector_load %arg8[%get3A_215, %get3A_216] {strides = array<i32>} : memref<3x512xi32, #tpu.memory_space<vmem>>, vector<16xi32>,
      %get3A_218 = arith.constant 1 : i32
      %get3A_219 = arith.index_cast %get3A_218 : i32 to index
      %get3A_220 = arith.constant 80 : index
      %get3A_221 = tpu.vector_load %arg8[%get3A_219, %get3A_220] {strides = array<i32>} : memref<3x512xi32, #tpu.memory_space<vmem>>, vector<16xi32>,
      %mul3A_222 = arith.constant 8 : i32
      %mul3A_223 = vector.broadcast %mul3A_222 : i32 to vector<16xi32>
      %mul3A_224 = arith.muli %get3A_217, %mul3A_223 : vector<16xi32>
      %min3A_225 = arith.constant 7 : i32
      %min3A_226 = vector.broadcast %min3A_225 : i32 to vector<16xi32>
      %min3A_227 = arith.minsi %get3A_221, %min3A_226 : vector<16xi32>
      %add3A_228 = arith.addi %mul3A_224, %min3A_227 : vector<16xi32>
      %shift_right_logical3A_229 = arith.constant 7 : i32
      %shift_right_logical3A_230 = vector.broadcast %shift_right_logical3A_229 : i32 to vector<16xi32>
      %shift_right_logical3A_231 = arith.shrui %add3A_228, %shift_right_logical3A_230 : vector<16xi32>
      %and3A_232 = arith.constant 127 : i32
      %and3A_233 = vector.broadcast %and3A_232 : i32 to vector<16xi32>
      %and3A_234 = arith.andi %add3A_228, %and3A_233 : vector<16xi32>
      %broadcast_in_dim3A_235 = arith.constant 0.000000e+00 : f32
      %broadcast_in_dim3A_236 = vector.broadcast %broadcast_in_dim3A_235 : f32 to vector<16xf32>
      %add3A_237 = arith.constant 1.000000e+00 : f32
      %add3A_238 = vector.broadcast %add3A_237 : f32 to vector<16xf32>
      %add3A_239 = arith.addf %broadcast_in_dim3A_236, %add3A_238 : vector<16xf32>
      %lt3A_240 = arith.constant 8 : i32
      %lt3A_241 = vector.broadcast %lt3A_240 : i32 to vector<16xi32>
      %lt3A_242 = arith.cmpi slt, %get3A_221, %lt3A_241 : vector<16xi32>
      tpu.vector_store_idx %arg7[%shift_right_logical3A_231, %and3A_234], %add3A_239 masked %lt3A_242 {add = true} : memref<640x128xf32, #tpu.memory_space<vmem>>[vector<16xi32>, vector<16xi32>], vector<16xf32>, vector<16xi1>
      %get3A_243 = arith.constant 0 : i32
      %get3A_244 = arith.index_cast %get3A_243 : i32 to index
      %get3A_245 = arith.constant 96 : index
      %get3A_246 = tpu.vector_load %arg8[%get3A_244, %get3A_245] {strides = array<i32>} : memref<3x512xi32, #tpu.memory_space<vmem>>, vector<16xi32>,
      %get3A_247 = arith.constant 1 : i32
      %get3A_248 = arith.index_cast %get3A_247 : i32 to index
      %get3A_249 = arith.constant 96 : index
      %get3A_250 = tpu.vector_load %arg8[%get3A_248, %get3A_249] {strides = array<i32>} : memref<3x512xi32, #tpu.memory_space<vmem>>, vector<16xi32>,
      %mul3A_251 = arith.constant 8 : i32
      %mul3A_252 = vector.broadcast %mul3A_251 : i32 to vector<16xi32>
      %mul3A_253 = arith.muli %get3A_246, %mul3A_252 : vector<16xi32>
      %min3A_254 = arith.constant 7 : i32
      %min3A_255 = vector.broadcast %min3A_254 : i32 to vector<16xi32>
      %min3A_256 = arith.minsi %get3A_250, %min3A_255 : vector<16xi32>
      %add3A_257 = arith.addi %mul3A_253, %min3A_256 : vector<16xi32>
      %shift_right_logical3A_258 = arith.constant 7 : i32
      %shift_right_logical3A_259 = vector.broadcast %shift_right_logical3A_258 : i32 to vector<16xi32>
      %shift_right_logical3A_260 = arith.shrui %add3A_257, %shift_right_logical3A_259 : vector<16xi32>
      %and3A_261 = arith.constant 127 : i32
      %and3A_262 = vector.broadcast %and3A_261 : i32 to vector<16xi32>
      %and3A_263 = arith.andi %add3A_257, %and3A_262 : vector<16xi32>
      %broadcast_in_dim3A_264 = arith.constant 0.000000e+00 : f32
      %broadcast_in_dim3A_265 = vector.broadcast %broadcast_in_dim3A_264 : f32 to vector<16xf32>
      %add3A_266 = arith.constant 1.000000e+00 : f32
      %add3A_267 = vector.broadcast %add3A_266 : f32 to vector<16xf32>
      %add3A_268 = arith.addf %broadcast_in_dim3A_265, %add3A_267 : vector<16xf32>
      %lt3A_269 = arith.constant 8 : i32
      %lt3A_270 = vector.broadcast %lt3A_269 : i32 to vector<16xi32>
      %lt3A_271 = arith.cmpi slt, %get3A_250, %lt3A_270 : vector<16xi32>
      tpu.vector_store_idx %arg7[%shift_right_logical3A_260, %and3A_263], %add3A_268 masked %lt3A_271 {add = true} : memref<640x128xf32, #tpu.memory_space<vmem>>[vector<16xi32>, vector<16xi32>], vector<16xf32>, vector<16xi1>
      %get3A_272 = arith.constant 0 : i32
      %get3A_273 = arith.index_cast %get3A_272 : i32 to index
      %get3A_274 = arith.constant 112 : index
      %get3A_275 = tpu.vector_load %arg8[%get3A_273, %get3A_274] {strides = array<i32>} : memref<3x512xi32, #tpu.memory_space<vmem>>, vector<16xi32>,
      %get3A_276 = arith.constant 1 : i32
      %get3A_277 = arith.index_cast %get3A_276 : i32 to index
      %get3A_278 = arith.constant 112 : index
      %get3A_279 = tpu.vector_load %arg8[%get3A_277, %get3A_278] {strides = array<i32>} : memref<3x512xi32, #tpu.memory_space<vmem>>, vector<16xi32>,
      %mul3A_280 = arith.constant 8 : i32
      %mul3A_281 = vector.broadcast %mul3A_280 : i32 to vector<16xi32>
      %mul3A_282 = arith.muli %get3A_275, %mul3A_281 : vector<16xi32>
      %min3A_283 = arith.constant 7 : i32
      %min3A_284 = vector.broadcast %min3A_283 : i32 to vector<16xi32>
      %min3A_285 = arith.minsi %get3A_279, %min3A_284 : vector<16xi32>
      %add3A_286 = arith.addi %mul3A_282, %min3A_285 : vector<16xi32>
      %shift_right_logical3A_287 = arith.constant 7 : i32
      %shift_right_logical3A_288 = vector.broadcast %shift_right_logical3A_287 : i32 to vector<16xi32>
      %shift_right_logical3A_289 = arith.shrui %add3A_286, %shift_right_logical3A_288 : vector<16xi32>
      %and3A_290 = arith.constant 127 : i32
      %and3A_291 = vector.broadcast %and3A_290 : i32 to vector<16xi32>
      %and3A_292 = arith.andi %add3A_286, %and3A_291 : vector<16xi32>
      %broadcast_in_dim3A_293 = arith.constant 0.000000e+00 : f32
      %broadcast_in_dim3A_294 = vector.broadcast %broadcast_in_dim3A_293 : f32 to vector<16xf32>
      %add3A_295 = arith.constant 1.000000e+00 : f32
      %add3A_296 = vector.broadcast %add3A_295 : f32 to vector<16xf32>
      %add3A_297 = arith.addf %broadcast_in_dim3A_294, %add3A_296 : vector<16xf32>
      %lt3A_298 = arith.constant 8 : i32
      %lt3A_299 = vector.broadcast %lt3A_298 : i32 to vector<16xi32>
      %lt3A_300 = arith.cmpi slt, %get3A_279, %lt3A_299 : vector<16xi32>
      tpu.vector_store_idx %arg7[%shift_right_logical3A_289, %and3A_292], %add3A_297 masked %lt3A_300 {add = true} : memref<640x128xf32, #tpu.memory_space<vmem>>[vector<16xi32>, vector<16xi32>], vector<16xf32>, vector<16xi1>
      %get3A_301 = arith.constant 0 : i32
      %get3A_302 = arith.index_cast %get3A_301 : i32 to index
      %get3A_303 = arith.constant 128 : index
      %get3A_304 = tpu.vector_load %arg8[%get3A_302, %get3A_303] {strides = array<i32>} : memref<3x512xi32, #tpu.memory_space<vmem>>, vector<16xi32>,
      %get3A_305 = arith.constant 1 : i32
      %get3A_306 = arith.index_cast %get3A_305 : i32 to index
      %get3A_307 = arith.constant 128 : index
      %get3A_308 = tpu.vector_load %arg8[%get3A_306, %get3A_307] {strides = array<i32>} : memref<3x512xi32, #tpu.memory_space<vmem>>, vector<16xi32>,
      %mul3A_309 = arith.constant 8 : i32
      %mul3A_310 = vector.broadcast %mul3A_309 : i32 to vector<16xi32>
      %mul3A_311 = arith.muli %get3A_304, %mul3A_310 : vector<16xi32>
      %min3A_312 = arith.constant 7 : i32
      %min3A_313 = vector.broadcast %min3A_312 : i32 to vector<16xi32>
      %min3A_314 = arith.minsi %get3A_308, %min3A_313 : vector<16xi32>
      %add3A_315 = arith.addi %mul3A_311, %min3A_314 : vector<16xi32>
      %shift_right_logical3A_316 = arith.constant 7 : i32
      %shift_right_logical3A_317 = vector.broadcast %shift_right_logical3A_316 : i32 to vector<16xi32>
      %shift_right_logical3A_318 = arith.shrui %add3A_315, %shift_right_logical3A_317 : vector<16xi32>
      %and3A_319 = arith.constant 127 : i32
      %and3A_320 = vector.broadcast %and3A_319 : i32 to vector<16xi32>
      %and3A_321 = arith.andi %add3A_315, %and3A_320 : vector<16xi32>
      %broadcast_in_dim3A_322 = arith.constant 0.000000e+00 : f32
      %broadcast_in_dim3A_323 = vector.broadcast %broadcast_in_dim3A_322 : f32 to vector<16xf32>
      %add3A_324 = arith.constant 1.000000e+00 : f32
      %add3A_325 = vector.broadcast %add3A_324 : f32 to vector<16xf32>
      %add3A_326 = arith.addf %broadcast_in_dim3A_323, %add3A_325 : vector<16xf32>
      %lt3A_327 = arith.constant 8 : i32
      %lt3A_328 = vector.broadcast %lt3A_327 : i32 to vector<16xi32>
      %lt3A_329 = arith.cmpi slt, %get3A_308, %lt3A_328 : vector<16xi32>
      tpu.vector_store_idx %arg7[%shift_right_logical3A_318, %and3A_321], %add3A_326 masked %lt3A_329 {add = true} : memref<640x128xf32, #tpu.memory_space<vmem>>[vector<16xi32>, vector<16xi32>], vector<16xf32>, vector<16xi1>
      %get3A_330 = arith.constant 0 : i32
      %get3A_331 = arith.index_cast %get3A_330 : i32 to index
      %get3A_332 = arith.constant 144 : index
      %get3A_333 = tpu.vector_load %arg8[%get3A_331, %get3A_332] {strides = array<i32>} : memref<3x512xi32, #tpu.memory_space<vmem>>, vector<16xi32>,
      %get3A_334 = arith.constant 1 : i32
      %get3A_335 = arith.index_cast %get3A_334 : i32 to index
      %get3A_336 = arith.constant 144 : index
      %get3A_337 = tpu.vector_load %arg8[%get3A_335, %get3A_336] {strides = array<i32>} : memref<3x512xi32, #tpu.memory_space<vmem>>, vector<16xi32>,
      %mul3A_338 = arith.constant 8 : i32
      %mul3A_339 = vector.broadcast %mul3A_338 : i32 to vector<16xi32>
      %mul3A_340 = arith.muli %get3A_333, %mul3A_339 : vector<16xi32>
      %min3A_341 = arith.constant 7 : i32
      %min3A_342 = vector.broadcast %min3A_341 : i32 to vector<16xi32>
      %min3A_343 = arith.minsi %get3A_337, %min3A_342 : vector<16xi32>
      %add3A_344 = arith.addi %mul3A_340, %min3A_343 : vector<16xi32>
      %shift_right_logical3A_345 = arith.constant 7 : i32
      %shift_right_logical3A_346 = vector.broadcast %shift_right_logical3A_345 : i32 to vector<16xi32>
      %shift_right_logical3A_347 = arith.shrui %add3A_344, %shift_right_logical3A_346 : vector<16xi32>
      %and3A_348 = arith.constant 127 : i32
      %and3A_349 = vector.broadcast %and3A_348 : i32 to vector<16xi32>
      %and3A_350 = arith.andi %add3A_344, %and3A_349 : vector<16xi32>
      %broadcast_in_dim3A_351 = arith.constant 0.000000e+00 : f32
      %broadcast_in_dim3A_352 = vector.broadcast %broadcast_in_dim3A_351 : f32 to vector<16xf32>
      %add3A_353 = arith.constant 1.000000e+00 : f32
      %add3A_354 = vector.broadcast %add3A_353 : f32 to vector<16xf32>
      %add3A_355 = arith.addf %broadcast_in_dim3A_352, %add3A_354 : vector<16xf32>
      %lt3A_356 = arith.constant 8 : i32
      %lt3A_357 = vector.broadcast %lt3A_356 : i32 to vector<16xi32>
      %lt3A_358 = arith.cmpi slt, %get3A_337, %lt3A_357 : vector<16xi32>
      tpu.vector_store_idx %arg7[%shift_right_logical3A_347, %and3A_350], %add3A_355 masked %lt3A_358 {add = true} : memref<640x128xf32, #tpu.memory_space<vmem>>[vector<16xi32>, vector<16xi32>], vector<16xf32>, vector<16xi1>
      %get3A_359 = arith.constant 0 : i32
      %get3A_360 = arith.index_cast %get3A_359 : i32 to index
      %get3A_361 = arith.constant 160 : index
      %get3A_362 = tpu.vector_load %arg8[%get3A_360, %get3A_361] {strides = array<i32>} : memref<3x512xi32, #tpu.memory_space<vmem>>, vector<16xi32>,
      %get3A_363 = arith.constant 1 : i32
      %get3A_364 = arith.index_cast %get3A_363 : i32 to index
      %get3A_365 = arith.constant 160 : index
      %get3A_366 = tpu.vector_load %arg8[%get3A_364, %get3A_365] {strides = array<i32>} : memref<3x512xi32, #tpu.memory_space<vmem>>, vector<16xi32>,
      %mul3A_367 = arith.constant 8 : i32
      %mul3A_368 = vector.broadcast %mul3A_367 : i32 to vector<16xi32>
      %mul3A_369 = arith.muli %get3A_362, %mul3A_368 : vector<16xi32>
      %min3A_370 = arith.constant 7 : i32
      %min3A_371 = vector.broadcast %min3A_370 : i32 to vector<16xi32>
      %min3A_372 = arith.minsi %get3A_366, %min3A_371 : vector<16xi32>
      %add3A_373 = arith.addi %mul3A_369, %min3A_372 : vector<16xi32>
      %shift_right_logical3A_374 = arith.constant 7 : i32
      %shift_right_logical3A_375 = vector.broadcast %shift_right_logical3A_374 : i32 to vector<16xi32>
      %shift_right_logical3A_376 = arith.shrui %add3A_373, %shift_right_logical3A_375 : vector<16xi32>
      %and3A_377 = arith.constant 127 : i32
      %and3A_378 = vector.broadcast %and3A_377 : i32 to vector<16xi32>
      %and3A_379 = arith.andi %add3A_373, %and3A_378 : vector<16xi32>
      %broadcast_in_dim3A_380 = arith.constant 0.000000e+00 : f32
      %broadcast_in_dim3A_381 = vector.broadcast %broadcast_in_dim3A_380 : f32 to vector<16xf32>
      %add3A_382 = arith.constant 1.000000e+00 : f32
      %add3A_383 = vector.broadcast %add3A_382 : f32 to vector<16xf32>
      %add3A_384 = arith.addf %broadcast_in_dim3A_381, %add3A_383 : vector<16xf32>
      %lt3A_385 = arith.constant 8 : i32
      %lt3A_386 = vector.broadcast %lt3A_385 : i32 to vector<16xi32>
      %lt3A_387 = arith.cmpi slt, %get3A_366, %lt3A_386 : vector<16xi32>
      tpu.vector_store_idx %arg7[%shift_right_logical3A_376, %and3A_379], %add3A_384 masked %lt3A_387 {add = true} : memref<640x128xf32, #tpu.memory_space<vmem>>[vector<16xi32>, vector<16xi32>], vector<16xf32>, vector<16xi1>
      %get3A_388 = arith.constant 0 : i32
      %get3A_389 = arith.index_cast %get3A_388 : i32 to index
      %get3A_390 = arith.constant 176 : index
      %get3A_391 = tpu.vector_load %arg8[%get3A_389, %get3A_390] {strides = array<i32>} : memref<3x512xi32, #tpu.memory_space<vmem>>, vector<16xi32>,
      %get3A_392 = arith.constant 1 : i32
      %get3A_393 = arith.index_cast %get3A_392 : i32 to index
      %get3A_394 = arith.constant 176 : index
      %get3A_395 = tpu.vector_load %arg8[%get3A_393, %get3A_394] {strides = array<i32>} : memref<3x512xi32, #tpu.memory_space<vmem>>, vector<16xi32>,
      %mul3A_396 = arith.constant 8 : i32
      %mul3A_397 = vector.broadcast %mul3A_396 : i32 to vector<16xi32>
      %mul3A_398 = arith.muli %get3A_391, %mul3A_397 : vector<16xi32>
      %min3A_399 = arith.constant 7 : i32
      %min3A_400 = vector.broadcast %min3A_399 : i32 to vector<16xi32>
      %min3A_401 = arith.minsi %get3A_395, %min3A_400 : vector<16xi32>
      %add3A_402 = arith.addi %mul3A_398, %min3A_401 : vector<16xi32>
      %shift_right_logical3A_403 = arith.constant 7 : i32
      %shift_right_logical3A_404 = vector.broadcast %shift_right_logical3A_403 : i32 to vector<16xi32>
      %shift_right_logical3A_405 = arith.shrui %add3A_402, %shift_right_logical3A_404 : vector<16xi32>
      %and3A_406 = arith.constant 127 : i32
      %and3A_407 = vector.broadcast %and3A_406 : i32 to vector<16xi32>
      %and3A_408 = arith.andi %add3A_402, %and3A_407 : vector<16xi32>
      %broadcast_in_dim3A_409 = arith.constant 0.000000e+00 : f32
      %broadcast_in_dim3A_410 = vector.broadcast %broadcast_in_dim3A_409 : f32 to vector<16xf32>
      %add3A_411 = arith.constant 1.000000e+00 : f32
      %add3A_412 = vector.broadcast %add3A_411 : f32 to vector<16xf32>
      %add3A_413 = arith.addf %broadcast_in_dim3A_410, %add3A_412 : vector<16xf32>
      %lt3A_414 = arith.constant 8 : i32
      %lt3A_415 = vector.broadcast %lt3A_414 : i32 to vector<16xi32>
      %lt3A_416 = arith.cmpi slt, %get3A_395, %lt3A_415 : vector<16xi32>
      tpu.vector_store_idx %arg7[%shift_right_logical3A_405, %and3A_408], %add3A_413 masked %lt3A_416 {add = true} : memref<640x128xf32, #tpu.memory_space<vmem>>[vector<16xi32>, vector<16xi32>], vector<16xf32>, vector<16xi1>
      %get3A_417 = arith.constant 0 : i32
      %get3A_418 = arith.index_cast %get3A_417 : i32 to index
      %get3A_419 = arith.constant 192 : index
      %get3A_420 = tpu.vector_load %arg8[%get3A_418, %get3A_419] {strides = array<i32>} : memref<3x512xi32, #tpu.memory_space<vmem>>, vector<16xi32>,
      %get3A_421 = arith.constant 1 : i32
      %get3A_422 = arith.index_cast %get3A_421 : i32 to index
      %get3A_423 = arith.constant 192 : index
      %get3A_424 = tpu.vector_load %arg8[%get3A_422, %get3A_423] {strides = array<i32>} : memref<3x512xi32, #tpu.memory_space<vmem>>, vector<16xi32>,
      %mul3A_425 = arith.constant 8 : i32
      %mul3A_426 = vector.broadcast %mul3A_425 : i32 to vector<16xi32>
      %mul3A_427 = arith.muli %get3A_420, %mul3A_426 : vector<16xi32>
      %min3A_428 = arith.constant 7 : i32
      %min3A_429 = vector.broadcast %min3A_428 : i32 to vector<16xi32>
      %min3A_430 = arith.minsi %get3A_424, %min3A_429 : vector<16xi32>
      %add3A_431 = arith.addi %mul3A_427, %min3A_430 : vector<16xi32>
      %shift_right_logical3A_432 = arith.constant 7 : i32
      %shift_right_logical3A_433 = vector.broadcast %shift_right_logical3A_432 : i32 to vector<16xi32>
      %shift_right_logical3A_434 = arith.shrui %add3A_431, %shift_right_logical3A_433 : vector<16xi32>
      %and3A_435 = arith.constant 127 : i32
      %and3A_436 = vector.broadcast %and3A_435 : i32 to vector<16xi32>
      %and3A_437 = arith.andi %add3A_431, %and3A_436 : vector<16xi32>
      %broadcast_in_dim3A_438 = arith.constant 0.000000e+00 : f32
      %broadcast_in_dim3A_439 = vector.broadcast %broadcast_in_dim3A_438 : f32 to vector<16xf32>
      %add3A_440 = arith.constant 1.000000e+00 : f32
      %add3A_441 = vector.broadcast %add3A_440 : f32 to vector<16xf32>
      %add3A_442 = arith.addf %broadcast_in_dim3A_439, %add3A_441 : vector<16xf32>
      %lt3A_443 = arith.constant 8 : i32
      %lt3A_444 = vector.broadcast %lt3A_443 : i32 to vector<16xi32>
      %lt3A_445 = arith.cmpi slt, %get3A_424, %lt3A_444 : vector<16xi32>
      tpu.vector_store_idx %arg7[%shift_right_logical3A_434, %and3A_437], %add3A_442 masked %lt3A_445 {add = true} : memref<640x128xf32, #tpu.memory_space<vmem>>[vector<16xi32>, vector<16xi32>], vector<16xf32>, vector<16xi1>
      %get3A_446 = arith.constant 0 : i32
      %get3A_447 = arith.index_cast %get3A_446 : i32 to index
      %get3A_448 = arith.constant 208 : index
      %get3A_449 = tpu.vector_load %arg8[%get3A_447, %get3A_448] {strides = array<i32>} : memref<3x512xi32, #tpu.memory_space<vmem>>, vector<16xi32>,
      %get3A_450 = arith.constant 1 : i32
      %get3A_451 = arith.index_cast %get3A_450 : i32 to index
      %get3A_452 = arith.constant 208 : index
      %get3A_453 = tpu.vector_load %arg8[%get3A_451, %get3A_452] {strides = array<i32>} : memref<3x512xi32, #tpu.memory_space<vmem>>, vector<16xi32>,
      %mul3A_454 = arith.constant 8 : i32
      %mul3A_455 = vector.broadcast %mul3A_454 : i32 to vector<16xi32>
      %mul3A_456 = arith.muli %get3A_449, %mul3A_455 : vector<16xi32>
      %min3A_457 = arith.constant 7 : i32
      %min3A_458 = vector.broadcast %min3A_457 : i32 to vector<16xi32>
      %min3A_459 = arith.minsi %get3A_453, %min3A_458 : vector<16xi32>
      %add3A_460 = arith.addi %mul3A_456, %min3A_459 : vector<16xi32>
      %shift_right_logical3A_461 = arith.constant 7 : i32
      %shift_right_logical3A_462 = vector.broadcast %shift_right_logical3A_461 : i32 to vector<16xi32>
      %shift_right_logical3A_463 = arith.shrui %add3A_460, %shift_right_logical3A_462 : vector<16xi32>
      %and3A_464 = arith.constant 127 : i32
      %and3A_465 = vector.broadcast %and3A_464 : i32 to vector<16xi32>
      %and3A_466 = arith.andi %add3A_460, %and3A_465 : vector<16xi32>
      %broadcast_in_dim3A_467 = arith.constant 0.000000e+00 : f32
      %broadcast_in_dim3A_468 = vector.broadcast %broadcast_in_dim3A_467 : f32 to vector<16xf32>
      %add3A_469 = arith.constant 1.000000e+00 : f32
      %add3A_470 = vector.broadcast %add3A_469 : f32 to vector<16xf32>
      %add3A_471 = arith.addf %broadcast_in_dim3A_468, %add3A_470 : vector<16xf32>
      %lt3A_472 = arith.constant 8 : i32
      %lt3A_473 = vector.broadcast %lt3A_472 : i32 to vector<16xi32>
      %lt3A_474 = arith.cmpi slt, %get3A_453, %lt3A_473 : vector<16xi32>
      tpu.vector_store_idx %arg7[%shift_right_logical3A_463, %and3A_466], %add3A_471 masked %lt3A_474 {add = true} : memref<640x128xf32, #tpu.memory_space<vmem>>[vector<16xi32>, vector<16xi32>], vector<16xf32>, vector<16xi1>
      %get3A_475 = arith.constant 0 : i32
      %get3A_476 = arith.index_cast %get3A_475 : i32 to index
      %get3A_477 = arith.constant 224 : index
      %get3A_478 = tpu.vector_load %arg8[%get3A_476, %get3A_477] {strides = array<i32>} : memref<3x512xi32, #tpu.memory_space<vmem>>, vector<16xi32>,
      %get3A_479 = arith.constant 1 : i32
      %get3A_480 = arith.index_cast %get3A_479 : i32 to index
      %get3A_481 = arith.constant 224 : index
      %get3A_482 = tpu.vector_load %arg8[%get3A_480, %get3A_481] {strides = array<i32>} : memref<3x512xi32, #tpu.memory_space<vmem>>, vector<16xi32>,
      %mul3A_483 = arith.constant 8 : i32
      %mul3A_484 = vector.broadcast %mul3A_483 : i32 to vector<16xi32>
      %mul3A_485 = arith.muli %get3A_478, %mul3A_484 : vector<16xi32>
      %min3A_486 = arith.constant 7 : i32
      %min3A_487 = vector.broadcast %min3A_486 : i32 to vector<16xi32>
      %min3A_488 = arith.minsi %get3A_482, %min3A_487 : vector<16xi32>
      %add3A_489 = arith.addi %mul3A_485, %min3A_488 : vector<16xi32>
      %shift_right_logical3A_490 = arith.constant 7 : i32
      %shift_right_logical3A_491 = vector.broadcast %shift_right_logical3A_490 : i32 to vector<16xi32>
      %shift_right_logical3A_492 = arith.shrui %add3A_489, %shift_right_logical3A_491 : vector<16xi32>
      %and3A_493 = arith.constant 127 : i32
      %and3A_494 = vector.broadcast %and3A_493 : i32 to vector<16xi32>
      %and3A_495 = arith.andi %add3A_489, %and3A_494 : vector<16xi32>
      %broadcast_in_dim3A_496 = arith.constant 0.000000e+00 : f32
      %broadcast_in_dim3A_497 = vector.broadcast %broadcast_in_dim3A_496 : f32 to vector<16xf32>
      %add3A_498 = arith.constant 1.000000e+00 : f32
      %add3A_499 = vector.broadcast %add3A_498 : f32 to vector<16xf32>
      %add3A_500 = arith.addf %broadcast_in_dim3A_497, %add3A_499 : vector<16xf32>
      %lt3A_501 = arith.constant 8 : i32
      %lt3A_502 = vector.broadcast %lt3A_501 : i32 to vector<16xi32>
      %lt3A_503 = arith.cmpi slt, %get3A_482, %lt3A_502 : vector<16xi32>
      tpu.vector_store_idx %arg7[%shift_right_logical3A_492, %and3A_495], %add3A_500 masked %lt3A_503 {add = true} : memref<640x128xf32, #tpu.memory_space<vmem>>[vector<16xi32>, vector<16xi32>], vector<16xf32>, vector<16xi1>
      %get3A_504 = arith.constant 0 : i32
      %get3A_505 = arith.index_cast %get3A_504 : i32 to index
      %get3A_506 = arith.constant 240 : index
      %get3A_507 = tpu.vector_load %arg8[%get3A_505, %get3A_506] {strides = array<i32>} : memref<3x512xi32, #tpu.memory_space<vmem>>, vector<16xi32>,
      %get3A_508 = arith.constant 1 : i32
      %get3A_509 = arith.index_cast %get3A_508 : i32 to index
      %get3A_510 = arith.constant 240 : index
      %get3A_511 = tpu.vector_load %arg8[%get3A_509, %get3A_510] {strides = array<i32>} : memref<3x512xi32, #tpu.memory_space<vmem>>, vector<16xi32>,
      %mul3A_512 = arith.constant 8 : i32
      %mul3A_513 = vector.broadcast %mul3A_512 : i32 to vector<16xi32>
      %mul3A_514 = arith.muli %get3A_507, %mul3A_513 : vector<16xi32>
      %min3A_515 = arith.constant 7 : i32
      %min3A_516 = vector.broadcast %min3A_515 : i32 to vector<16xi32>
      %min3A_517 = arith.minsi %get3A_511, %min3A_516 : vector<16xi32>
      %add3A_518 = arith.addi %mul3A_514, %min3A_517 : vector<16xi32>
      %shift_right_logical3A_519 = arith.constant 7 : i32
      %shift_right_logical3A_520 = vector.broadcast %shift_right_logical3A_519 : i32 to vector<16xi32>
      %shift_right_logical3A_521 = arith.shrui %add3A_518, %shift_right_logical3A_520 : vector<16xi32>
      %and3A_522 = arith.constant 127 : i32
      %and3A_523 = vector.broadcast %and3A_522 : i32 to vector<16xi32>
      %and3A_524 = arith.andi %add3A_518, %and3A_523 : vector<16xi32>
      %broadcast_in_dim3A_525 = arith.constant 0.000000e+00 : f32
      %broadcast_in_dim3A_526 = vector.broadcast %broadcast_in_dim3A_525 : f32 to vector<16xf32>
      %add3A_527 = arith.constant 1.000000e+00 : f32
      %add3A_528 = vector.broadcast %add3A_527 : f32 to vector<16xf32>
      %add3A_529 = arith.addf %broadcast_in_dim3A_526, %add3A_528 : vector<16xf32>
      %lt3A_530 = arith.constant 8 : i32
      %lt3A_531 = vector.broadcast %lt3A_530 : i32 to vector<16xi32>
      %lt3A_532 = arith.cmpi slt, %get3A_511, %lt3A_531 : vector<16xi32>
      tpu.vector_store_idx %arg7[%shift_right_logical3A_521, %and3A_524], %add3A_529 masked %lt3A_532 {add = true} : memref<640x128xf32, #tpu.memory_space<vmem>>[vector<16xi32>, vector<16xi32>], vector<16xf32>, vector<16xi1>
      %get3A_533 = arith.constant 0 : i32
      %get3A_534 = arith.index_cast %get3A_533 : i32 to index
      %get3A_535 = arith.constant 256 : index
      %get3A_536 = tpu.vector_load %arg8[%get3A_534, %get3A_535] {strides = array<i32>} : memref<3x512xi32, #tpu.memory_space<vmem>>, vector<16xi32>,
      %get3A_537 = arith.constant 1 : i32
      %get3A_538 = arith.index_cast %get3A_537 : i32 to index
      %get3A_539 = arith.constant 256 : index
      %get3A_540 = tpu.vector_load %arg8[%get3A_538, %get3A_539] {strides = array<i32>} : memref<3x512xi32, #tpu.memory_space<vmem>>, vector<16xi32>,
      %mul3A_541 = arith.constant 8 : i32
      %mul3A_542 = vector.broadcast %mul3A_541 : i32 to vector<16xi32>
      %mul3A_543 = arith.muli %get3A_536, %mul3A_542 : vector<16xi32>
      %min3A_544 = arith.constant 7 : i32
      %min3A_545 = vector.broadcast %min3A_544 : i32 to vector<16xi32>
      %min3A_546 = arith.minsi %get3A_540, %min3A_545 : vector<16xi32>
      %add3A_547 = arith.addi %mul3A_543, %min3A_546 : vector<16xi32>
      %shift_right_logical3A_548 = arith.constant 7 : i32
      %shift_right_logical3A_549 = vector.broadcast %shift_right_logical3A_548 : i32 to vector<16xi32>
      %shift_right_logical3A_550 = arith.shrui %add3A_547, %shift_right_logical3A_549 : vector<16xi32>
      %and3A_551 = arith.constant 127 : i32
      %and3A_552 = vector.broadcast %and3A_551 : i32 to vector<16xi32>
      %and3A_553 = arith.andi %add3A_547, %and3A_552 : vector<16xi32>
      %broadcast_in_dim3A_554 = arith.constant 0.000000e+00 : f32
      %broadcast_in_dim3A_555 = vector.broadcast %broadcast_in_dim3A_554 : f32 to vector<16xf32>
      %add3A_556 = arith.constant 1.000000e+00 : f32
      %add3A_557 = vector.broadcast %add3A_556 : f32 to vector<16xf32>
      %add3A_558 = arith.addf %broadcast_in_dim3A_555, %add3A_557 : vector<16xf32>
      %lt3A_559 = arith.constant 8 : i32
      %lt3A_560 = vector.broadcast %lt3A_559 : i32 to vector<16xi32>
      %lt3A_561 = arith.cmpi slt, %get3A_540, %lt3A_560 : vector<16xi32>
      tpu.vector_store_idx %arg7[%shift_right_logical3A_550, %and3A_553], %add3A_558 masked %lt3A_561 {add = true} : memref<640x128xf32, #tpu.memory_space<vmem>>[vector<16xi32>, vector<16xi32>], vector<16xf32>, vector<16xi1>
      %get3A_562 = arith.constant 0 : i32
      %get3A_563 = arith.index_cast %get3A_562 : i32 to index
      %get3A_564 = arith.constant 272 : index
      %get3A_565 = tpu.vector_load %arg8[%get3A_563, %get3A_564] {strides = array<i32>} : memref<3x512xi32, #tpu.memory_space<vmem>>, vector<16xi32>,
      %get3A_566 = arith.constant 1 : i32
      %get3A_567 = arith.index_cast %get3A_566 : i32 to index
      %get3A_568 = arith.constant 272 : index
      %get3A_569 = tpu.vector_load %arg8[%get3A_567, %get3A_568] {strides = array<i32>} : memref<3x512xi32, #tpu.memory_space<vmem>>, vector<16xi32>,
      %mul3A_570 = arith.constant 8 : i32
      %mul3A_571 = vector.broadcast %mul3A_570 : i32 to vector<16xi32>
      %mul3A_572 = arith.muli %get3A_565, %mul3A_571 : vector<16xi32>
      %min3A_573 = arith.constant 7 : i32
      %min3A_574 = vector.broadcast %min3A_573 : i32 to vector<16xi32>
      %min3A_575 = arith.minsi %get3A_569, %min3A_574 : vector<16xi32>
      %add3A_576 = arith.addi %mul3A_572, %min3A_575 : vector<16xi32>
      %shift_right_logical3A_577 = arith.constant 7 : i32
      %shift_right_logical3A_578 = vector.broadcast %shift_right_logical3A_577 : i32 to vector<16xi32>
      %shift_right_logical3A_579 = arith.shrui %add3A_576, %shift_right_logical3A_578 : vector<16xi32>
      %and3A_580 = arith.constant 127 : i32
      %and3A_581 = vector.broadcast %and3A_580 : i32 to vector<16xi32>
      %and3A_582 = arith.andi %add3A_576, %and3A_581 : vector<16xi32>
      %broadcast_in_dim3A_583 = arith.constant 0.000000e+00 : f32
      %broadcast_in_dim3A_584 = vector.broadcast %broadcast_in_dim3A_583 : f32 to vector<16xf32>
      %add3A_585 = arith.constant 1.000000e+00 : f32
      %add3A_586 = vector.broadcast %add3A_585 : f32 to vector<16xf32>
      %add3A_587 = arith.addf %broadcast_in_dim3A_584, %add3A_586 : vector<16xf32>
      %lt3A_588 = arith.constant 8 : i32
      %lt3A_589 = vector.broadcast %lt3A_588 : i32 to vector<16xi32>
      %lt3A_590 = arith.cmpi slt, %get3A_569, %lt3A_589 : vector<16xi32>
      tpu.vector_store_idx %arg7[%shift_right_logical3A_579, %and3A_582], %add3A_587 masked %lt3A_590 {add = true} : memref<640x128xf32, #tpu.memory_space<vmem>>[vector<16xi32>, vector<16xi32>], vector<16xf32>, vector<16xi1>
      %get3A_591 = arith.constant 0 : i32
      %get3A_592 = arith.index_cast %get3A_591 : i32 to index
      %get3A_593 = arith.constant 288 : index
      %get3A_594 = tpu.vector_load %arg8[%get3A_592, %get3A_593] {strides = array<i32>} : memref<3x512xi32, #tpu.memory_space<vmem>>, vector<16xi32>,
      %get3A_595 = arith.constant 1 : i32
      %get3A_596 = arith.index_cast %get3A_595 : i32 to index
      %get3A_597 = arith.constant 288 : index
      %get3A_598 = tpu.vector_load %arg8[%get3A_596, %get3A_597] {strides = array<i32>} : memref<3x512xi32, #tpu.memory_space<vmem>>, vector<16xi32>,
      %mul3A_599 = arith.constant 8 : i32
      %mul3A_600 = vector.broadcast %mul3A_599 : i32 to vector<16xi32>
      %mul3A_601 = arith.muli %get3A_594, %mul3A_600 : vector<16xi32>
      %min3A_602 = arith.constant 7 : i32
      %min3A_603 = vector.broadcast %min3A_602 : i32 to vector<16xi32>
      %min3A_604 = arith.minsi %get3A_598, %min3A_603 : vector<16xi32>
      %add3A_605 = arith.addi %mul3A_601, %min3A_604 : vector<16xi32>
      %shift_right_logical3A_606 = arith.constant 7 : i32
      %shift_right_logical3A_607 = vector.broadcast %shift_right_logical3A_606 : i32 to vector<16xi32>
      %shift_right_logical3A_608 = arith.shrui %add3A_605, %shift_right_logical3A_607 : vector<16xi32>
      %and3A_609 = arith.constant 127 : i32
      %and3A_610 = vector.broadcast %and3A_609 : i32 to vector<16xi32>
      %and3A_611 = arith.andi %add3A_605, %and3A_610 : vector<16xi32>
      %broadcast_in_dim3A_612 = arith.constant 0.000000e+00 : f32
      %broadcast_in_dim3A_613 = vector.broadcast %broadcast_in_dim3A_612 : f32 to vector<16xf32>
      %add3A_614 = arith.constant 1.000000e+00 : f32
      %add3A_615 = vector.broadcast %add3A_614 : f32 to vector<16xf32>
      %add3A_616 = arith.addf %broadcast_in_dim3A_613, %add3A_615 : vector<16xf32>
      %lt3A_617 = arith.constant 8 : i32
      %lt3A_618 = vector.broadcast %lt3A_617 : i32 to vector<16xi32>
      %lt3A_619 = arith.cmpi slt, %get3A_598, %lt3A_618 : vector<16xi32>
      tpu.vector_store_idx %arg7[%shift_right_logical3A_608, %and3A_611], %add3A_616 masked %lt3A_619 {add = true} : memref<640x128xf32, #tpu.memory_space<vmem>>[vector<16xi32>, vector<16xi32>], vector<16xf32>, vector<16xi1>
      %get3A_620 = arith.constant 0 : i32
      %get3A_621 = arith.index_cast %get3A_620 : i32 to index
      %get3A_622 = arith.constant 304 : index
      %get3A_623 = tpu.vector_load %arg8[%get3A_621, %get3A_622] {strides = array<i32>} : memref<3x512xi32, #tpu.memory_space<vmem>>, vector<16xi32>,
      %get3A_624 = arith.constant 1 : i32
      %get3A_625 = arith.index_cast %get3A_624 : i32 to index
      %get3A_626 = arith.constant 304 : index
      %get3A_627 = tpu.vector_load %arg8[%get3A_625, %get3A_626] {strides = array<i32>} : memref<3x512xi32, #tpu.memory_space<vmem>>, vector<16xi32>,
      %mul3A_628 = arith.constant 8 : i32
      %mul3A_629 = vector.broadcast %mul3A_628 : i32 to vector<16xi32>
      %mul3A_630 = arith.muli %get3A_623, %mul3A_629 : vector<16xi32>
      %min3A_631 = arith.constant 7 : i32
      %min3A_632 = vector.broadcast %min3A_631 : i32 to vector<16xi32>
      %min3A_633 = arith.minsi %get3A_627, %min3A_632 : vector<16xi32>
      %add3A_634 = arith.addi %mul3A_630, %min3A_633 : vector<16xi32>
      %shift_right_logical3A_635 = arith.constant 7 : i32
      %shift_right_logical3A_636 = vector.broadcast %shift_right_logical3A_635 : i32 to vector<16xi32>
      %shift_right_logical3A_637 = arith.shrui %add3A_634, %shift_right_logical3A_636 : vector<16xi32>
      %and3A_638 = arith.constant 127 : i32
      %and3A_639 = vector.broadcast %and3A_638 : i32 to vector<16xi32>
      %and3A_640 = arith.andi %add3A_634, %and3A_639 : vector<16xi32>
      %broadcast_in_dim3A_641 = arith.constant 0.000000e+00 : f32
      %broadcast_in_dim3A_642 = vector.broadcast %broadcast_in_dim3A_641 : f32 to vector<16xf32>
      %add3A_643 = arith.constant 1.000000e+00 : f32
      %add3A_644 = vector.broadcast %add3A_643 : f32 to vector<16xf32>
      %add3A_645 = arith.addf %broadcast_in_dim3A_642, %add3A_644 : vector<16xf32>
      %lt3A_646 = arith.constant 8 : i32
      %lt3A_647 = vector.broadcast %lt3A_646 : i32 to vector<16xi32>
      %lt3A_648 = arith.cmpi slt, %get3A_627, %lt3A_647 : vector<16xi32>
      tpu.vector_store_idx %arg7[%shift_right_logical3A_637, %and3A_640], %add3A_645 masked %lt3A_648 {add = true} : memref<640x128xf32, #tpu.memory_space<vmem>>[vector<16xi32>, vector<16xi32>], vector<16xf32>, vector<16xi1>
      %get3A_649 = arith.constant 0 : i32
      %get3A_650 = arith.index_cast %get3A_649 : i32 to index
      %get3A_651 = arith.constant 320 : index
      %get3A_652 = tpu.vector_load %arg8[%get3A_650, %get3A_651] {strides = array<i32>} : memref<3x512xi32, #tpu.memory_space<vmem>>, vector<16xi32>,
      %get3A_653 = arith.constant 1 : i32
      %get3A_654 = arith.index_cast %get3A_653 : i32 to index
      %get3A_655 = arith.constant 320 : index
      %get3A_656 = tpu.vector_load %arg8[%get3A_654, %get3A_655] {strides = array<i32>} : memref<3x512xi32, #tpu.memory_space<vmem>>, vector<16xi32>,
      %mul3A_657 = arith.constant 8 : i32
      %mul3A_658 = vector.broadcast %mul3A_657 : i32 to vector<16xi32>
      %mul3A_659 = arith.muli %get3A_652, %mul3A_658 : vector<16xi32>
      %min3A_660 = arith.constant 7 : i32
      %min3A_661 = vector.broadcast %min3A_660 : i32 to vector<16xi32>
      %min3A_662 = arith.minsi %get3A_656, %min3A_661 : vector<16xi32>
      %add3A_663 = arith.addi %mul3A_659, %min3A_662 : vector<16xi32>
      %shift_right_logical3A_664 = arith.constant 7 : i32
      %shift_right_logical3A_665 = vector.broadcast %shift_right_logical3A_664 : i32 to vector<16xi32>
      %shift_right_logical3A_666 = arith.shrui %add3A_663, %shift_right_logical3A_665 : vector<16xi32>
      %and3A_667 = arith.constant 127 : i32
      %and3A_668 = vector.broadcast %and3A_667 : i32 to vector<16xi32>
      %and3A_669 = arith.andi %add3A_663, %and3A_668 : vector<16xi32>
      %broadcast_in_dim3A_670 = arith.constant 0.000000e+00 : f32
      %broadcast_in_dim3A_671 = vector.broadcast %broadcast_in_dim3A_670 : f32 to vector<16xf32>
      %add3A_672 = arith.constant 1.000000e+00 : f32
      %add3A_673 = vector.broadcast %add3A_672 : f32 to vector<16xf32>
      %add3A_674 = arith.addf %broadcast_in_dim3A_671, %add3A_673 : vector<16xf32>
      %lt3A_675 = arith.constant 8 : i32
      %lt3A_676 = vector.broadcast %lt3A_675 : i32 to vector<16xi32>
      %lt3A_677 = arith.cmpi slt, %get3A_656, %lt3A_676 : vector<16xi32>
      tpu.vector_store_idx %arg7[%shift_right_logical3A_666, %and3A_669], %add3A_674 masked %lt3A_677 {add = true} : memref<640x128xf32, #tpu.memory_space<vmem>>[vector<16xi32>, vector<16xi32>], vector<16xf32>, vector<16xi1>
      %get3A_678 = arith.constant 0 : i32
      %get3A_679 = arith.index_cast %get3A_678 : i32 to index
      %get3A_680 = arith.constant 336 : index
      %get3A_681 = tpu.vector_load %arg8[%get3A_679, %get3A_680] {strides = array<i32>} : memref<3x512xi32, #tpu.memory_space<vmem>>, vector<16xi32>,
      %get3A_682 = arith.constant 1 : i32
      %get3A_683 = arith.index_cast %get3A_682 : i32 to index
      %get3A_684 = arith.constant 336 : index
      %get3A_685 = tpu.vector_load %arg8[%get3A_683, %get3A_684] {strides = array<i32>} : memref<3x512xi32, #tpu.memory_space<vmem>>, vector<16xi32>,
      %mul3A_686 = arith.constant 8 : i32
      %mul3A_687 = vector.broadcast %mul3A_686 : i32 to vector<16xi32>
      %mul3A_688 = arith.muli %get3A_681, %mul3A_687 : vector<16xi32>
      %min3A_689 = arith.constant 7 : i32
      %min3A_690 = vector.broadcast %min3A_689 : i32 to vector<16xi32>
      %min3A_691 = arith.minsi %get3A_685, %min3A_690 : vector<16xi32>
      %add3A_692 = arith.addi %mul3A_688, %min3A_691 : vector<16xi32>
      %shift_right_logical3A_693 = arith.constant 7 : i32
      %shift_right_logical3A_694 = vector.broadcast %shift_right_logical3A_693 : i32 to vector<16xi32>
      %shift_right_logical3A_695 = arith.shrui %add3A_692, %shift_right_logical3A_694 : vector<16xi32>
      %and3A_696 = arith.constant 127 : i32
      %and3A_697 = vector.broadcast %and3A_696 : i32 to vector<16xi32>
      %and3A_698 = arith.andi %add3A_692, %and3A_697 : vector<16xi32>
      %broadcast_in_dim3A_699 = arith.constant 0.000000e+00 : f32
      %broadcast_in_dim3A_700 = vector.broadcast %broadcast_in_dim3A_699 : f32 to vector<16xf32>
      %add3A_701 = arith.constant 1.000000e+00 : f32
      %add3A_702 = vector.broadcast %add3A_701 : f32 to vector<16xf32>
      %add3A_703 = arith.addf %broadcast_in_dim3A_700, %add3A_702 : vector<16xf32>
      %lt3A_704 = arith.constant 8 : i32
      %lt3A_705 = vector.broadcast %lt3A_704 : i32 to vector<16xi32>
      %lt3A_706 = arith.cmpi slt, %get3A_685, %lt3A_705 : vector<16xi32>
      tpu.vector_store_idx %arg7[%shift_right_logical3A_695, %and3A_698], %add3A_703 masked %lt3A_706 {add = true} : memref<640x128xf32, #tpu.memory_space<vmem>>[vector<16xi32>, vector<16xi32>], vector<16xf32>, vector<16xi1>
      %get3A_707 = arith.constant 0 : i32
      %get3A_708 = arith.index_cast %get3A_707 : i32 to index
      %get3A_709 = arith.constant 352 : index
      %get3A_710 = tpu.vector_load %arg8[%get3A_708, %get3A_709] {strides = array<i32>} : memref<3x512xi32, #tpu.memory_space<vmem>>, vector<16xi32>,
      %get3A_711 = arith.constant 1 : i32
      %get3A_712 = arith.index_cast %get3A_711 : i32 to index
      %get3A_713 = arith.constant 352 : index
      %get3A_714 = tpu.vector_load %arg8[%get3A_712, %get3A_713] {strides = array<i32>} : memref<3x512xi32, #tpu.memory_space<vmem>>, vector<16xi32>,
      %mul3A_715 = arith.constant 8 : i32
      %mul3A_716 = vector.broadcast %mul3A_715 : i32 to vector<16xi32>
      %mul3A_717 = arith.muli %get3A_710, %mul3A_716 : vector<16xi32>
      %min3A_718 = arith.constant 7 : i32
      %min3A_719 = vector.broadcast %min3A_718 : i32 to vector<16xi32>
      %min3A_720 = arith.minsi %get3A_714, %min3A_719 : vector<16xi32>
      %add3A_721 = arith.addi %mul3A_717, %min3A_720 : vector<16xi32>
      %shift_right_logical3A_722 = arith.constant 7 : i32
      %shift_right_logical3A_723 = vector.broadcast %shift_right_logical3A_722 : i32 to vector<16xi32>
      %shift_right_logical3A_724 = arith.shrui %add3A_721, %shift_right_logical3A_723 : vector<16xi32>
      %and3A_725 = arith.constant 127 : i32
      %and3A_726 = vector.broadcast %and3A_725 : i32 to vector<16xi32>
      %and3A_727 = arith.andi %add3A_721, %and3A_726 : vector<16xi32>
      %broadcast_in_dim3A_728 = arith.constant 0.000000e+00 : f32
      %broadcast_in_dim3A_729 = vector.broadcast %broadcast_in_dim3A_728 : f32 to vector<16xf32>
      %add3A_730 = arith.constant 1.000000e+00 : f32
      %add3A_731 = vector.broadcast %add3A_730 : f32 to vector<16xf32>
      %add3A_732 = arith.addf %broadcast_in_dim3A_729, %add3A_731 : vector<16xf32>
      %lt3A_733 = arith.constant 8 : i32
      %lt3A_734 = vector.broadcast %lt3A_733 : i32 to vector<16xi32>
      %lt3A_735 = arith.cmpi slt, %get3A_714, %lt3A_734 : vector<16xi32>
      tpu.vector_store_idx %arg7[%shift_right_logical3A_724, %and3A_727], %add3A_732 masked %lt3A_735 {add = true} : memref<640x128xf32, #tpu.memory_space<vmem>>[vector<16xi32>, vector<16xi32>], vector<16xf32>, vector<16xi1>
      %get3A_736 = arith.constant 0 : i32
      %get3A_737 = arith.index_cast %get3A_736 : i32 to index
      %get3A_738 = arith.constant 368 : index
      %get3A_739 = tpu.vector_load %arg8[%get3A_737, %get3A_738] {strides = array<i32>} : memref<3x512xi32, #tpu.memory_space<vmem>>, vector<16xi32>,
      %get3A_740 = arith.constant 1 : i32
      %get3A_741 = arith.index_cast %get3A_740 : i32 to index
      %get3A_742 = arith.constant 368 : index
      %get3A_743 = tpu.vector_load %arg8[%get3A_741, %get3A_742] {strides = array<i32>} : memref<3x512xi32, #tpu.memory_space<vmem>>, vector<16xi32>,
      %mul3A_744 = arith.constant 8 : i32
      %mul3A_745 = vector.broadcast %mul3A_744 : i32 to vector<16xi32>
      %mul3A_746 = arith.muli %get3A_739, %mul3A_745 : vector<16xi32>
      %min3A_747 = arith.constant 7 : i32
      %min3A_748 = vector.broadcast %min3A_747 : i32 to vector<16xi32>
      %min3A_749 = arith.minsi %get3A_743, %min3A_748 : vector<16xi32>
      %add3A_750 = arith.addi %mul3A_746, %min3A_749 : vector<16xi32>
      %shift_right_logical3A_751 = arith.constant 7 : i32
      %shift_right_logical3A_752 = vector.broadcast %shift_right_logical3A_751 : i32 to vector<16xi32>
      %shift_right_logical3A_753 = arith.shrui %add3A_750, %shift_right_logical3A_752 : vector<16xi32>
      %and3A_754 = arith.constant 127 : i32
      %and3A_755 = vector.broadcast %and3A_754 : i32 to vector<16xi32>
      %and3A_756 = arith.andi %add3A_750, %and3A_755 : vector<16xi32>
      %broadcast_in_dim3A_757 = arith.constant 0.000000e+00 : f32
      %broadcast_in_dim3A_758 = vector.broadcast %broadcast_in_dim3A_757 : f32 to vector<16xf32>
      %add3A_759 = arith.constant 1.000000e+00 : f32
      %add3A_760 = vector.broadcast %add3A_759 : f32 to vector<16xf32>
      %add3A_761 = arith.addf %broadcast_in_dim3A_758, %add3A_760 : vector<16xf32>
      %lt3A_762 = arith.constant 8 : i32
      %lt3A_763 = vector.broadcast %lt3A_762 : i32 to vector<16xi32>
      %lt3A_764 = arith.cmpi slt, %get3A_743, %lt3A_763 : vector<16xi32>
      tpu.vector_store_idx %arg7[%shift_right_logical3A_753, %and3A_756], %add3A_761 masked %lt3A_764 {add = true} : memref<640x128xf32, #tpu.memory_space<vmem>>[vector<16xi32>, vector<16xi32>], vector<16xf32>, vector<16xi1>
      %get3A_765 = arith.constant 0 : i32
      %get3A_766 = arith.index_cast %get3A_765 : i32 to index
      %get3A_767 = arith.constant 384 : index
      %get3A_768 = tpu.vector_load %arg8[%get3A_766, %get3A_767] {strides = array<i32>} : memref<3x512xi32, #tpu.memory_space<vmem>>, vector<16xi32>,
      %get3A_769 = arith.constant 1 : i32
      %get3A_770 = arith.index_cast %get3A_769 : i32 to index
      %get3A_771 = arith.constant 384 : index
      %get3A_772 = tpu.vector_load %arg8[%get3A_770, %get3A_771] {strides = array<i32>} : memref<3x512xi32, #tpu.memory_space<vmem>>, vector<16xi32>,
      %mul3A_773 = arith.constant 8 : i32
      %mul3A_774 = vector.broadcast %mul3A_773 : i32 to vector<16xi32>
      %mul3A_775 = arith.muli %get3A_768, %mul3A_774 : vector<16xi32>
      %min3A_776 = arith.constant 7 : i32
      %min3A_777 = vector.broadcast %min3A_776 : i32 to vector<16xi32>
      %min3A_778 = arith.minsi %get3A_772, %min3A_777 : vector<16xi32>
      %add3A_779 = arith.addi %mul3A_775, %min3A_778 : vector<16xi32>
      %shift_right_logical3A_780 = arith.constant 7 : i32
      %shift_right_logical3A_781 = vector.broadcast %shift_right_logical3A_780 : i32 to vector<16xi32>
      %shift_right_logical3A_782 = arith.shrui %add3A_779, %shift_right_logical3A_781 : vector<16xi32>
      %and3A_783 = arith.constant 127 : i32
      %and3A_784 = vector.broadcast %and3A_783 : i32 to vector<16xi32>
      %and3A_785 = arith.andi %add3A_779, %and3A_784 : vector<16xi32>
      %broadcast_in_dim3A_786 = arith.constant 0.000000e+00 : f32
      %broadcast_in_dim3A_787 = vector.broadcast %broadcast_in_dim3A_786 : f32 to vector<16xf32>
      %add3A_788 = arith.constant 1.000000e+00 : f32
      %add3A_789 = vector.broadcast %add3A_788 : f32 to vector<16xf32>
      %add3A_790 = arith.addf %broadcast_in_dim3A_787, %add3A_789 : vector<16xf32>
      %lt3A_791 = arith.constant 8 : i32
      %lt3A_792 = vector.broadcast %lt3A_791 : i32 to vector<16xi32>
      %lt3A_793 = arith.cmpi slt, %get3A_772, %lt3A_792 : vector<16xi32>
      tpu.vector_store_idx %arg7[%shift_right_logical3A_782, %and3A_785], %add3A_790 masked %lt3A_793 {add = true} : memref<640x128xf32, #tpu.memory_space<vmem>>[vector<16xi32>, vector<16xi32>], vector<16xf32>, vector<16xi1>
      %get3A_794 = arith.constant 0 : i32
      %get3A_795 = arith.index_cast %get3A_794 : i32 to index
      %get3A_796 = arith.constant 400 : index
      %get3A_797 = tpu.vector_load %arg8[%get3A_795, %get3A_796] {strides = array<i32>} : memref<3x512xi32, #tpu.memory_space<vmem>>, vector<16xi32>,
      %get3A_798 = arith.constant 1 : i32
      %get3A_799 = arith.index_cast %get3A_798 : i32 to index
      %get3A_800 = arith.constant 400 : index
      %get3A_801 = tpu.vector_load %arg8[%get3A_799, %get3A_800] {strides = array<i32>} : memref<3x512xi32, #tpu.memory_space<vmem>>, vector<16xi32>,
      %mul3A_802 = arith.constant 8 : i32
      %mul3A_803 = vector.broadcast %mul3A_802 : i32 to vector<16xi32>
      %mul3A_804 = arith.muli %get3A_797, %mul3A_803 : vector<16xi32>
      %min3A_805 = arith.constant 7 : i32
      %min3A_806 = vector.broadcast %min3A_805 : i32 to vector<16xi32>
      %min3A_807 = arith.minsi %get3A_801, %min3A_806 : vector<16xi32>
      %add3A_808 = arith.addi %mul3A_804, %min3A_807 : vector<16xi32>
      %shift_right_logical3A_809 = arith.constant 7 : i32
      %shift_right_logical3A_810 = vector.broadcast %shift_right_logical3A_809 : i32 to vector<16xi32>
      %shift_right_logical3A_811 = arith.shrui %add3A_808, %shift_right_logical3A_810 : vector<16xi32>
      %and3A_812 = arith.constant 127 : i32
      %and3A_813 = vector.broadcast %and3A_812 : i32 to vector<16xi32>
      %and3A_814 = arith.andi %add3A_808, %and3A_813 : vector<16xi32>
      %broadcast_in_dim3A_815 = arith.constant 0.000000e+00 : f32
      %broadcast_in_dim3A_816 = vector.broadcast %broadcast_in_dim3A_815 : f32 to vector<16xf32>
      %add3A_817 = arith.constant 1.000000e+00 : f32
      %add3A_818 = vector.broadcast %add3A_817 : f32 to vector<16xf32>
      %add3A_819 = arith.addf %broadcast_in_dim3A_816, %add3A_818 : vector<16xf32>
      %lt3A_820 = arith.constant 8 : i32
      %lt3A_821 = vector.broadcast %lt3A_820 : i32 to vector<16xi32>
      %lt3A_822 = arith.cmpi slt, %get3A_801, %lt3A_821 : vector<16xi32>
      tpu.vector_store_idx %arg7[%shift_right_logical3A_811, %and3A_814], %add3A_819 masked %lt3A_822 {add = true} : memref<640x128xf32, #tpu.memory_space<vmem>>[vector<16xi32>, vector<16xi32>], vector<16xf32>, vector<16xi1>
      %get3A_823 = arith.constant 0 : i32
      %get3A_824 = arith.index_cast %get3A_823 : i32 to index
      %get3A_825 = arith.constant 416 : index
      %get3A_826 = tpu.vector_load %arg8[%get3A_824, %get3A_825] {strides = array<i32>} : memref<3x512xi32, #tpu.memory_space<vmem>>, vector<16xi32>,
      %get3A_827 = arith.constant 1 : i32
      %get3A_828 = arith.index_cast %get3A_827 : i32 to index
      %get3A_829 = arith.constant 416 : index
      %get3A_830 = tpu.vector_load %arg8[%get3A_828, %get3A_829] {strides = array<i32>} : memref<3x512xi32, #tpu.memory_space<vmem>>, vector<16xi32>,
      %mul3A_831 = arith.constant 8 : i32
      %mul3A_832 = vector.broadcast %mul3A_831 : i32 to vector<16xi32>
      %mul3A_833 = arith.muli %get3A_826, %mul3A_832 : vector<16xi32>
      %min3A_834 = arith.constant 7 : i32
      %min3A_835 = vector.broadcast %min3A_834 : i32 to vector<16xi32>
      %min3A_836 = arith.minsi %get3A_830, %min3A_835 : vector<16xi32>
      %add3A_837 = arith.addi %mul3A_833, %min3A_836 : vector<16xi32>
      %shift_right_logical3A_838 = arith.constant 7 : i32
      %shift_right_logical3A_839 = vector.broadcast %shift_right_logical3A_838 : i32 to vector<16xi32>
      %shift_right_logical3A_840 = arith.shrui %add3A_837, %shift_right_logical3A_839 : vector<16xi32>
      %and3A_841 = arith.constant 127 : i32
      %and3A_842 = vector.broadcast %and3A_841 : i32 to vector<16xi32>
      %and3A_843 = arith.andi %add3A_837, %and3A_842 : vector<16xi32>
      %broadcast_in_dim3A_844 = arith.constant 0.000000e+00 : f32
      %broadcast_in_dim3A_845 = vector.broadcast %broadcast_in_dim3A_844 : f32 to vector<16xf32>
      %add3A_846 = arith.constant 1.000000e+00 : f32
      %add3A_847 = vector.broadcast %add3A_846 : f32 to vector<16xf32>
      %add3A_848 = arith.addf %broadcast_in_dim3A_845, %add3A_847 : vector<16xf32>
      %lt3A_849 = arith.constant 8 : i32
      %lt3A_850 = vector.broadcast %lt3A_849 : i32 to vector<16xi32>
      %lt3A_851 = arith.cmpi slt, %get3A_830, %lt3A_850 : vector<16xi32>
      tpu.vector_store_idx %arg7[%shift_right_logical3A_840, %and3A_843], %add3A_848 masked %lt3A_851 {add = true} : memref<640x128xf32, #tpu.memory_space<vmem>>[vector<16xi32>, vector<16xi32>], vector<16xf32>, vector<16xi1>
      %get3A_852 = arith.constant 0 : i32
      %get3A_853 = arith.index_cast %get3A_852 : i32 to index
      %get3A_854 = arith.constant 432 : index
      %get3A_855 = tpu.vector_load %arg8[%get3A_853, %get3A_854] {strides = array<i32>} : memref<3x512xi32, #tpu.memory_space<vmem>>, vector<16xi32>,
      %get3A_856 = arith.constant 1 : i32
      %get3A_857 = arith.index_cast %get3A_856 : i32 to index
      %get3A_858 = arith.constant 432 : index
      %get3A_859 = tpu.vector_load %arg8[%get3A_857, %get3A_858] {strides = array<i32>} : memref<3x512xi32, #tpu.memory_space<vmem>>, vector<16xi32>,
      %mul3A_860 = arith.constant 8 : i32
      %mul3A_861 = vector.broadcast %mul3A_860 : i32 to vector<16xi32>
      %mul3A_862 = arith.muli %get3A_855, %mul3A_861 : vector<16xi32>
      %min3A_863 = arith.constant 7 : i32
      %min3A_864 = vector.broadcast %min3A_863 : i32 to vector<16xi32>
      %min3A_865 = arith.minsi %get3A_859, %min3A_864 : vector<16xi32>
      %add3A_866 = arith.addi %mul3A_862, %min3A_865 : vector<16xi32>
      %shift_right_logical3A_867 = arith.constant 7 : i32
      %shift_right_logical3A_868 = vector.broadcast %shift_right_logical3A_867 : i32 to vector<16xi32>
      %shift_right_logical3A_869 = arith.shrui %add3A_866, %shift_right_logical3A_868 : vector<16xi32>
      %and3A_870 = arith.constant 127 : i32
      %and3A_871 = vector.broadcast %and3A_870 : i32 to vector<16xi32>
      %and3A_872 = arith.andi %add3A_866, %and3A_871 : vector<16xi32>
      %broadcast_in_dim3A_873 = arith.constant 0.000000e+00 : f32
      %broadcast_in_dim3A_874 = vector.broadcast %broadcast_in_dim3A_873 : f32 to vector<16xf32>
      %add3A_875 = arith.constant 1.000000e+00 : f32
      %add3A_876 = vector.broadcast %add3A_875 : f32 to vector<16xf32>
      %add3A_877 = arith.addf %broadcast_in_dim3A_874, %add3A_876 : vector<16xf32>
      %lt3A_878 = arith.constant 8 : i32
      %lt3A_879 = vector.broadcast %lt3A_878 : i32 to vector<16xi32>
      %lt3A_880 = arith.cmpi slt, %get3A_859, %lt3A_879 : vector<16xi32>
      tpu.vector_store_idx %arg7[%shift_right_logical3A_869, %and3A_872], %add3A_877 masked %lt3A_880 {add = true} : memref<640x128xf32, #tpu.memory_space<vmem>>[vector<16xi32>, vector<16xi32>], vector<16xf32>, vector<16xi1>
      %get3A_881 = arith.constant 0 : i32
      %get3A_882 = arith.index_cast %get3A_881 : i32 to index
      %get3A_883 = arith.constant 448 : index
      %get3A_884 = tpu.vector_load %arg8[%get3A_882, %get3A_883] {strides = array<i32>} : memref<3x512xi32, #tpu.memory_space<vmem>>, vector<16xi32>,
      %get3A_885 = arith.constant 1 : i32
      %get3A_886 = arith.index_cast %get3A_885 : i32 to index
      %get3A_887 = arith.constant 448 : index
      %get3A_888 = tpu.vector_load %arg8[%get3A_886, %get3A_887] {strides = array<i32>} : memref<3x512xi32, #tpu.memory_space<vmem>>, vector<16xi32>,
      %mul3A_889 = arith.constant 8 : i32
      %mul3A_890 = vector.broadcast %mul3A_889 : i32 to vector<16xi32>
      %mul3A_891 = arith.muli %get3A_884, %mul3A_890 : vector<16xi32>
      %min3A_892 = arith.constant 7 : i32
      %min3A_893 = vector.broadcast %min3A_892 : i32 to vector<16xi32>
      %min3A_894 = arith.minsi %get3A_888, %min3A_893 : vector<16xi32>
      %add3A_895 = arith.addi %mul3A_891, %min3A_894 : vector<16xi32>
      %shift_right_logical3A_896 = arith.constant 7 : i32
      %shift_right_logical3A_897 = vector.broadcast %shift_right_logical3A_896 : i32 to vector<16xi32>
      %shift_right_logical3A_898 = arith.shrui %add3A_895, %shift_right_logical3A_897 : vector<16xi32>
      %and3A_899 = arith.constant 127 : i32
      %and3A_900 = vector.broadcast %and3A_899 : i32 to vector<16xi32>
      %and3A_901 = arith.andi %add3A_895, %and3A_900 : vector<16xi32>
      %broadcast_in_dim3A_902 = arith.constant 0.000000e+00 : f32
      %broadcast_in_dim3A_903 = vector.broadcast %broadcast_in_dim3A_902 : f32 to vector<16xf32>
      %add3A_904 = arith.constant 1.000000e+00 : f32
      %add3A_905 = vector.broadcast %add3A_904 : f32 to vector<16xf32>
      %add3A_906 = arith.addf %broadcast_in_dim3A_903, %add3A_905 : vector<16xf32>
      %lt3A_907 = arith.constant 8 : i32
      %lt3A_908 = vector.broadcast %lt3A_907 : i32 to vector<16xi32>
      %lt3A_909 = arith.cmpi slt, %get3A_888, %lt3A_908 : vector<16xi32>
      tpu.vector_store_idx %arg7[%shift_right_logical3A_898, %and3A_901], %add3A_906 masked %lt3A_909 {add = true} : memref<640x128xf32, #tpu.memory_space<vmem>>[vector<16xi32>, vector<16xi32>], vector<16xf32>, vector<16xi1>
      %get3A_910 = arith.constant 0 : i32
      %get3A_911 = arith.index_cast %get3A_910 : i32 to index
      %get3A_912 = arith.constant 464 : index
      %get3A_913 = tpu.vector_load %arg8[%get3A_911, %get3A_912] {strides = array<i32>} : memref<3x512xi32, #tpu.memory_space<vmem>>, vector<16xi32>,
      %get3A_914 = arith.constant 1 : i32
      %get3A_915 = arith.index_cast %get3A_914 : i32 to index
      %get3A_916 = arith.constant 464 : index
      %get3A_917 = tpu.vector_load %arg8[%get3A_915, %get3A_916] {strides = array<i32>} : memref<3x512xi32, #tpu.memory_space<vmem>>, vector<16xi32>,
      %mul3A_918 = arith.constant 8 : i32
      %mul3A_919 = vector.broadcast %mul3A_918 : i32 to vector<16xi32>
      %mul3A_920 = arith.muli %get3A_913, %mul3A_919 : vector<16xi32>
      %min3A_921 = arith.constant 7 : i32
      %min3A_922 = vector.broadcast %min3A_921 : i32 to vector<16xi32>
      %min3A_923 = arith.minsi %get3A_917, %min3A_922 : vector<16xi32>
      %add3A_924 = arith.addi %mul3A_920, %min3A_923 : vector<16xi32>
      %shift_right_logical3A_925 = arith.constant 7 : i32
      %shift_right_logical3A_926 = vector.broadcast %shift_right_logical3A_925 : i32 to vector<16xi32>
      %shift_right_logical3A_927 = arith.shrui %add3A_924, %shift_right_logical3A_926 : vector<16xi32>
      %and3A_928 = arith.constant 127 : i32
      %and3A_929 = vector.broadcast %and3A_928 : i32 to vector<16xi32>
      %and3A_930 = arith.andi %add3A_924, %and3A_929 : vector<16xi32>
      %broadcast_in_dim3A_931 = arith.constant 0.000000e+00 : f32
      %broadcast_in_dim3A_932 = vector.broadcast %broadcast_in_dim3A_931 : f32 to vector<16xf32>
      %add3A_933 = arith.constant 1.000000e+00 : f32
      %add3A_934 = vector.broadcast %add3A_933 : f32 to vector<16xf32>
      %add3A_935 = arith.addf %broadcast_in_dim3A_932, %add3A_934 : vector<16xf32>
      %lt3A_936 = arith.constant 8 : i32
      %lt3A_937 = vector.broadcast %lt3A_936 : i32 to vector<16xi32>
      %lt3A_938 = arith.cmpi slt, %get3A_917, %lt3A_937 : vector<16xi32>
      tpu.vector_store_idx %arg7[%shift_right_logical3A_927, %and3A_930], %add3A_935 masked %lt3A_938 {add = true} : memref<640x128xf32, #tpu.memory_space<vmem>>[vector<16xi32>, vector<16xi32>], vector<16xf32>, vector<16xi1>
      %get3A_939 = arith.constant 0 : i32
      %get3A_940 = arith.index_cast %get3A_939 : i32 to index
      %get3A_941 = arith.constant 480 : index
      %get3A_942 = tpu.vector_load %arg8[%get3A_940, %get3A_941] {strides = array<i32>} : memref<3x512xi32, #tpu.memory_space<vmem>>, vector<16xi32>,
      %get3A_943 = arith.constant 1 : i32
      %get3A_944 = arith.index_cast %get3A_943 : i32 to index
      %get3A_945 = arith.constant 480 : index
      %get3A_946 = tpu.vector_load %arg8[%get3A_944, %get3A_945] {strides = array<i32>} : memref<3x512xi32, #tpu.memory_space<vmem>>, vector<16xi32>,
      %mul3A_947 = arith.constant 8 : i32
      %mul3A_948 = vector.broadcast %mul3A_947 : i32 to vector<16xi32>
      %mul3A_949 = arith.muli %get3A_942, %mul3A_948 : vector<16xi32>
      %min3A_950 = arith.constant 7 : i32
      %min3A_951 = vector.broadcast %min3A_950 : i32 to vector<16xi32>
      %min3A_952 = arith.minsi %get3A_946, %min3A_951 : vector<16xi32>
      %add3A_953 = arith.addi %mul3A_949, %min3A_952 : vector<16xi32>
      %shift_right_logical3A_954 = arith.constant 7 : i32
      %shift_right_logical3A_955 = vector.broadcast %shift_right_logical3A_954 : i32 to vector<16xi32>
      %shift_right_logical3A_956 = arith.shrui %add3A_953, %shift_right_logical3A_955 : vector<16xi32>
      %and3A_957 = arith.constant 127 : i32
      %and3A_958 = vector.broadcast %and3A_957 : i32 to vector<16xi32>
      %and3A_959 = arith.andi %add3A_953, %and3A_958 : vector<16xi32>
      %broadcast_in_dim3A_960 = arith.constant 0.000000e+00 : f32
      %broadcast_in_dim3A_961 = vector.broadcast %broadcast_in_dim3A_960 : f32 to vector<16xf32>
      %add3A_962 = arith.constant 1.000000e+00 : f32
      %add3A_963 = vector.broadcast %add3A_962 : f32 to vector<16xf32>
      %add3A_964 = arith.addf %broadcast_in_dim3A_961, %add3A_963 : vector<16xf32>
      %lt3A_965 = arith.constant 8 : i32
      %lt3A_966 = vector.broadcast %lt3A_965 : i32 to vector<16xi32>
      %lt3A_967 = arith.cmpi slt, %get3A_946, %lt3A_966 : vector<16xi32>
      tpu.vector_store_idx %arg7[%shift_right_logical3A_956, %and3A_959], %add3A_964 masked %lt3A_967 {add = true} : memref<640x128xf32, #tpu.memory_space<vmem>>[vector<16xi32>, vector<16xi32>], vector<16xf32>, vector<16xi1>
      %get3A_968 = arith.constant 0 : i32
      %get3A_969 = arith.index_cast %get3A_968 : i32 to index
      %get3A_970 = arith.constant 496 : index
      %get3A_971 = tpu.vector_load %arg8[%get3A_969, %get3A_970] {strides = array<i32>} : memref<3x512xi32, #tpu.memory_space<vmem>>, vector<16xi32>,
      %get3A_972 = arith.constant 1 : i32
      %get3A_973 = arith.index_cast %get3A_972 : i32 to index
      %get3A_974 = arith.constant 496 : index
      %get3A_975 = tpu.vector_load %arg8[%get3A_973, %get3A_974] {strides = array<i32>} : memref<3x512xi32, #tpu.memory_space<vmem>>, vector<16xi32>,
      %mul3A_976 = arith.constant 8 : i32
      %mul3A_977 = vector.broadcast %mul3A_976 : i32 to vector<16xi32>
      %mul3A_978 = arith.muli %get3A_971, %mul3A_977 : vector<16xi32>
      %min3A_979 = arith.constant 7 : i32
      %min3A_980 = vector.broadcast %min3A_979 : i32 to vector<16xi32>
      %min3A_981 = arith.minsi %get3A_975, %min3A_980 : vector<16xi32>
      %add3A_982 = arith.addi %mul3A_978, %min3A_981 : vector<16xi32>
      %shift_right_logical3A_983 = arith.constant 7 : i32
      %shift_right_logical3A_984 = vector.broadcast %shift_right_logical3A_983 : i32 to vector<16xi32>
      %shift_right_logical3A_985 = arith.shrui %add3A_982, %shift_right_logical3A_984 : vector<16xi32>
      %and3A_986 = arith.constant 127 : i32
      %and3A_987 = vector.broadcast %and3A_986 : i32 to vector<16xi32>
      %and3A_988 = arith.andi %add3A_982, %and3A_987 : vector<16xi32>
      %broadcast_in_dim3A_989 = arith.constant 0.000000e+00 : f32
      %broadcast_in_dim3A_990 = vector.broadcast %broadcast_in_dim3A_989 : f32 to vector<16xf32>
      %add3A_991 = arith.constant 1.000000e+00 : f32
      %add3A_992 = vector.broadcast %add3A_991 : f32 to vector<16xf32>
      %add3A_993 = arith.addf %broadcast_in_dim3A_990, %add3A_992 : vector<16xf32>
      %lt3A_994 = arith.constant 8 : i32
      %lt3A_995 = vector.broadcast %lt3A_994 : i32 to vector<16xi32>
      %lt3A_996 = arith.cmpi slt, %get3A_975, %lt3A_995 : vector<16xi32>
      tpu.vector_store_idx %arg7[%shift_right_logical3A_985, %and3A_988], %add3A_993 masked %lt3A_996 {add = true} : memref<640x128xf32, #tpu.memory_space<vmem>>[vector<16xi32>, vector<16xi32>], vector<16xf32>, vector<16xi1>
      %add3A_997 = arith.constant 2 : i32
      %add3A_998 = arith.addi %mul3A_59, %add3A_997 : i32
      %min3A_999 = arith.constant 39 : i32
      %min3A_1000 = arith.minsi %add3A_998, %min3A_999 : i32
      %mul3A_1001 = arith.constant 512 : i32
      %mul3A_1002 = arith.muli %min3A_1000, %mul3A_1001 : i32
      %add3A_1003 = arith.addi %mul3A_4, %mul3A_1002 : i32
      %dma_start3A_1004 = arith.constant 0 : i32
      %dma_start3A_1005 = tpu.memref_slice %arg2[%dma_start3A_1004, %add3A_1003] : memref<3x327680xi32, #tpu.memory_space<hbm>> -> memref<3x512xi32, #tpu.memory_space<hbm>>
      %dma_start3A_1006 = arith.constant 0 : i32
      %dma_start3A_1007 = tpu.memref_slice %arg2[%dma_start3A_1006, %add3A_1003] : memref<3x327680xi32, #tpu.memory_space<hbm>> -> memref<3x512xi32, #tpu.memory_space<hbm>>
      tpu.enqueue_dma source(%dma_start3A_1007 : memref<3x512xi32, #tpu.memory_space<hbm>>) target(%arg8 : memref<3x512xi32, #tpu.memory_space<vmem>>) target_semaphore(%arg15 : memref<!tpu.dma_semaphore, #tpu.memory_space<semaphore_mem>>)
      %dma_wait3A_1008 = arith.constant 0 : i32
      %dma_wait3A_1009 = arith.constant 0 : i32
      %dma_wait3A_1010 = tpu.memref_slice %arg2[%dma_wait3A_1008, %dma_wait3A_1009] : memref<3x327680xi32, #tpu.memory_space<hbm>> -> memref<3x512xi32, #tpu.memory_space<hbm>>
      %dma_wait3A_1011 = arith.constant 0 : i32
      %dma_wait3A_1012 = arith.constant 0 : i32
      %dma_wait3A_1013 = tpu.memref_slice %arg2[%dma_wait3A_1011, %dma_wait3A_1012] : memref<3x327680xi32, #tpu.memory_space<hbm>> -> memref<3x512xi32, #tpu.memory_space<hbm>>
      tpu.wait_dma2 semaphore(%arg16 : memref<!tpu.dma_semaphore, #tpu.memory_space<semaphore_mem>>) src(%dma_wait3A_1013 : memref<3x512xi32, #tpu.memory_space<hbm>>) dst(%arg9 : memref<3x512xi32, #tpu.memory_space<vmem>>)
      %get3A_1014 = arith.constant 0 : i32
      %get3A_1015 = arith.index_cast %get3A_1014 : i32 to index
      %get3A_1016 = arith.constant 0 : index
      %get3A_1017 = tpu.vector_load %arg9[%get3A_1015, %get3A_1016] {strides = array<i32>} : memref<3x512xi32, #tpu.memory_space<vmem>>, vector<16xi32>,
      %get3A_1018 = arith.constant 1 : i32
      %get3A_1019 = arith.index_cast %get3A_1018 : i32 to index
      %get3A_1020 = arith.constant 0 : index
      %get3A_1021 = tpu.vector_load %arg9[%get3A_1019, %get3A_1020] {strides = array<i32>} : memref<3x512xi32, #tpu.memory_space<vmem>>, vector<16xi32>,
      %mul3A_1022 = arith.constant 8 : i32
      %mul3A_1023 = vector.broadcast %mul3A_1022 : i32 to vector<16xi32>
      %mul3A_1024 = arith.muli %get3A_1017, %mul3A_1023 : vector<16xi32>
      %min3A_1025 = arith.constant 7 : i32
      %min3A_1026 = vector.broadcast %min3A_1025 : i32 to vector<16xi32>
      %min3A_1027 = arith.minsi %get3A_1021, %min3A_1026 : vector<16xi32>
      %add3A_1028 = arith.addi %mul3A_1024, %min3A_1027 : vector<16xi32>
      %shift_right_logical3A_1029 = arith.constant 7 : i32
      %shift_right_logical3A_1030 = vector.broadcast %shift_right_logical3A_1029 : i32 to vector<16xi32>
      %shift_right_logical3A_1031 = arith.shrui %add3A_1028, %shift_right_logical3A_1030 : vector<16xi32>
      %and3A_1032 = arith.constant 127 : i32
      %and3A_1033 = vector.broadcast %and3A_1032 : i32 to vector<16xi32>
      %and3A_1034 = arith.andi %add3A_1028, %and3A_1033 : vector<16xi32>
      %broadcast_in_dim3A_1035 = arith.constant 0.000000e+00 : f32
      %broadcast_in_dim3A_1036 = vector.broadcast %broadcast_in_dim3A_1035 : f32 to vector<16xf32>
      %add3A_1037 = arith.constant 1.000000e+00 : f32
      %add3A_1038 = vector.broadcast %add3A_1037 : f32 to vector<16xf32>
      %add3A_1039 = arith.addf %broadcast_in_dim3A_1036, %add3A_1038 : vector<16xf32>
      %lt3A_1040 = arith.constant 8 : i32
      %lt3A_1041 = vector.broadcast %lt3A_1040 : i32 to vector<16xi32>
      %lt3A_1042 = arith.cmpi slt, %get3A_1021, %lt3A_1041 : vector<16xi32>
      tpu.vector_store_idx %arg7[%shift_right_logical3A_1031, %and3A_1034], %add3A_1039 masked %lt3A_1042 {add = true} : memref<640x128xf32, #tpu.memory_space<vmem>>[vector<16xi32>, vector<16xi32>], vector<16xf32>, vector<16xi1>
      %get3A_1043 = arith.constant 0 : i32
      %get3A_1044 = arith.index_cast %get3A_1043 : i32 to index
      %get3A_1045 = arith.constant 16 : index
      %get3A_1046 = tpu.vector_load %arg9[%get3A_1044, %get3A_1045] {strides = array<i32>} : memref<3x512xi32, #tpu.memory_space<vmem>>, vector<16xi32>,
      %get3A_1047 = arith.constant 1 : i32
      %get3A_1048 = arith.index_cast %get3A_1047 : i32 to index
      %get3A_1049 = arith.constant 16 : index
      %get3A_1050 = tpu.vector_load %arg9[%get3A_1048, %get3A_1049] {strides = array<i32>} : memref<3x512xi32, #tpu.memory_space<vmem>>, vector<16xi32>,
      %mul3A_1051 = arith.constant 8 : i32
      %mul3A_1052 = vector.broadcast %mul3A_1051 : i32 to vector<16xi32>
      %mul3A_1053 = arith.muli %get3A_1046, %mul3A_1052 : vector<16xi32>
      %min3A_1054 = arith.constant 7 : i32
      %min3A_1055 = vector.broadcast %min3A_1054 : i32 to vector<16xi32>
      %min3A_1056 = arith.minsi %get3A_1050, %min3A_1055 : vector<16xi32>
      %add3A_1057 = arith.addi %mul3A_1053, %min3A_1056 : vector<16xi32>
      %shift_right_logical3A_1058 = arith.constant 7 : i32
      %shift_right_logical3A_1059 = vector.broadcast %shift_right_logical3A_1058 : i32 to vector<16xi32>
      %shift_right_logical3A_1060 = arith.shrui %add3A_1057, %shift_right_logical3A_1059 : vector<16xi32>
      %and3A_1061 = arith.constant 127 : i32
      %and3A_1062 = vector.broadcast %and3A_1061 : i32 to vector<16xi32>
      %and3A_1063 = arith.andi %add3A_1057, %and3A_1062 : vector<16xi32>
      %broadcast_in_dim3A_1064 = arith.constant 0.000000e+00 : f32
      %broadcast_in_dim3A_1065 = vector.broadcast %broadcast_in_dim3A_1064 : f32 to vector<16xf32>
      %add3A_1066 = arith.constant 1.000000e+00 : f32
      %add3A_1067 = vector.broadcast %add3A_1066 : f32 to vector<16xf32>
      %add3A_1068 = arith.addf %broadcast_in_dim3A_1065, %add3A_1067 : vector<16xf32>
      %lt3A_1069 = arith.constant 8 : i32
      %lt3A_1070 = vector.broadcast %lt3A_1069 : i32 to vector<16xi32>
      %lt3A_1071 = arith.cmpi slt, %get3A_1050, %lt3A_1070 : vector<16xi32>
      tpu.vector_store_idx %arg7[%shift_right_logical3A_1060, %and3A_1063], %add3A_1068 masked %lt3A_1071 {add = true} : memref<640x128xf32, #tpu.memory_space<vmem>>[vector<16xi32>, vector<16xi32>], vector<16xf32>, vector<16xi1>
      %get3A_1072 = arith.constant 0 : i32
      %get3A_1073 = arith.index_cast %get3A_1072 : i32 to index
      %get3A_1074 = arith.constant 32 : index
      %get3A_1075 = tpu.vector_load %arg9[%get3A_1073, %get3A_1074] {strides = array<i32>} : memref<3x512xi32, #tpu.memory_space<vmem>>, vector<16xi32>,
      %get3A_1076 = arith.constant 1 : i32
      %get3A_1077 = arith.index_cast %get3A_1076 : i32 to index
      %get3A_1078 = arith.constant 32 : index
      %get3A_1079 = tpu.vector_load %arg9[%get3A_1077, %get3A_1078] {strides = array<i32>} : memref<3x512xi32, #tpu.memory_space<vmem>>, vector<16xi32>,
      %mul3A_1080 = arith.constant 8 : i32
      %mul3A_1081 = vector.broadcast %mul3A_1080 : i32 to vector<16xi32>
      %mul3A_1082 = arith.muli %get3A_1075, %mul3A_1081 : vector<16xi32>
      %min3A_1083 = arith.constant 7 : i32
      %min3A_1084 = vector.broadcast %min3A_1083 : i32 to vector<16xi32>
      %min3A_1085 = arith.minsi %get3A_1079, %min3A_1084 : vector<16xi32>
      %add3A_1086 = arith.addi %mul3A_1082, %min3A_1085 : vector<16xi32>
      %shift_right_logical3A_1087 = arith.constant 7 : i32
      %shift_right_logical3A_1088 = vector.broadcast %shift_right_logical3A_1087 : i32 to vector<16xi32>
      %shift_right_logical3A_1089 = arith.shrui %add3A_1086, %shift_right_logical3A_1088 : vector<16xi32>
      %and3A_1090 = arith.constant 127 : i32
      %and3A_1091 = vector.broadcast %and3A_1090 : i32 to vector<16xi32>
      %and3A_1092 = arith.andi %add3A_1086, %and3A_1091 : vector<16xi32>
      %broadcast_in_dim3A_1093 = arith.constant 0.000000e+00 : f32
      %broadcast_in_dim3A_1094 = vector.broadcast %broadcast_in_dim3A_1093 : f32 to vector<16xf32>
      %add3A_1095 = arith.constant 1.000000e+00 : f32
      %add3A_1096 = vector.broadcast %add3A_1095 : f32 to vector<16xf32>
      %add3A_1097 = arith.addf %broadcast_in_dim3A_1094, %add3A_1096 : vector<16xf32>
      %lt3A_1098 = arith.constant 8 : i32
      %lt3A_1099 = vector.broadcast %lt3A_1098 : i32 to vector<16xi32>
      %lt3A_1100 = arith.cmpi slt, %get3A_1079, %lt3A_1099 : vector<16xi32>
      tpu.vector_store_idx %arg7[%shift_right_logical3A_1089, %and3A_1092], %add3A_1097 masked %lt3A_1100 {add = true} : memref<640x128xf32, #tpu.memory_space<vmem>>[vector<16xi32>, vector<16xi32>], vector<16xf32>, vector<16xi1>
      %get3A_1101 = arith.constant 0 : i32
      %get3A_1102 = arith.index_cast %get3A_1101 : i32 to index
      %get3A_1103 = arith.constant 48 : index
      %get3A_1104 = tpu.vector_load %arg9[%get3A_1102, %get3A_1103] {strides = array<i32>} : memref<3x512xi32, #tpu.memory_space<vmem>>, vector<16xi32>,
      %get3A_1105 = arith.constant 1 : i32
      %get3A_1106 = arith.index_cast %get3A_1105 : i32 to index
      %get3A_1107 = arith.constant 48 : index
      %get3A_1108 = tpu.vector_load %arg9[%get3A_1106, %get3A_1107] {strides = array<i32>} : memref<3x512xi32, #tpu.memory_space<vmem>>, vector<16xi32>,
      %mul3A_1109 = arith.constant 8 : i32
      %mul3A_1110 = vector.broadcast %mul3A_1109 : i32 to vector<16xi32>
      %mul3A_1111 = arith.muli %get3A_1104, %mul3A_1110 : vector<16xi32>
      %min3A_1112 = arith.constant 7 : i32
      %min3A_1113 = vector.broadcast %min3A_1112 : i32 to vector<16xi32>
      %min3A_1114 = arith.minsi %get3A_1108, %min3A_1113 : vector<16xi32>
      %add3A_1115 = arith.addi %mul3A_1111, %min3A_1114 : vector<16xi32>
      %shift_right_logical3A_1116 = arith.constant 7 : i32
      %shift_right_logical3A_1117 = vector.broadcast %shift_right_logical3A_1116 : i32 to vector<16xi32>
      %shift_right_logical3A_1118 = arith.shrui %add3A_1115, %shift_right_logical3A_1117 : vector<16xi32>
      %and3A_1119 = arith.constant 127 : i32
      %and3A_1120 = vector.broadcast %and3A_1119 : i32 to vector<16xi32>
      %and3A_1121 = arith.andi %add3A_1115, %and3A_1120 : vector<16xi32>
      %broadcast_in_dim3A_1122 = arith.constant 0.000000e+00 : f32
      %broadcast_in_dim3A_1123 = vector.broadcast %broadcast_in_dim3A_1122 : f32 to vector<16xf32>
      %add3A_1124 = arith.constant 1.000000e+00 : f32
      %add3A_1125 = vector.broadcast %add3A_1124 : f32 to vector<16xf32>
      %add3A_1126 = arith.addf %broadcast_in_dim3A_1123, %add3A_1125 : vector<16xf32>
      %lt3A_1127 = arith.constant 8 : i32
      %lt3A_1128 = vector.broadcast %lt3A_1127 : i32 to vector<16xi32>
      %lt3A_1129 = arith.cmpi slt, %get3A_1108, %lt3A_1128 : vector<16xi32>
      tpu.vector_store_idx %arg7[%shift_right_logical3A_1118, %and3A_1121], %add3A_1126 masked %lt3A_1129 {add = true} : memref<640x128xf32, #tpu.memory_space<vmem>>[vector<16xi32>, vector<16xi32>], vector<16xf32>, vector<16xi1>
      %get3A_1130 = arith.constant 0 : i32
      %get3A_1131 = arith.index_cast %get3A_1130 : i32 to index
      %get3A_1132 = arith.constant 64 : index
      %get3A_1133 = tpu.vector_load %arg9[%get3A_1131, %get3A_1132] {strides = array<i32>} : memref<3x512xi32, #tpu.memory_space<vmem>>, vector<16xi32>,
      %get3A_1134 = arith.constant 1 : i32
      %get3A_1135 = arith.index_cast %get3A_1134 : i32 to index
      %get3A_1136 = arith.constant 64 : index
      %get3A_1137 = tpu.vector_load %arg9[%get3A_1135, %get3A_1136] {strides = array<i32>} : memref<3x512xi32, #tpu.memory_space<vmem>>, vector<16xi32>,
      %mul3A_1138 = arith.constant 8 : i32
      %mul3A_1139 = vector.broadcast %mul3A_1138 : i32 to vector<16xi32>
      %mul3A_1140 = arith.muli %get3A_1133, %mul3A_1139 : vector<16xi32>
      %min3A_1141 = arith.constant 7 : i32
      %min3A_1142 = vector.broadcast %min3A_1141 : i32 to vector<16xi32>
      %min3A_1143 = arith.minsi %get3A_1137, %min3A_1142 : vector<16xi32>
      %add3A_1144 = arith.addi %mul3A_1140, %min3A_1143 : vector<16xi32>
      %shift_right_logical3A_1145 = arith.constant 7 : i32
      %shift_right_logical3A_1146 = vector.broadcast %shift_right_logical3A_1145 : i32 to vector<16xi32>
      %shift_right_logical3A_1147 = arith.shrui %add3A_1144, %shift_right_logical3A_1146 : vector<16xi32>
      %and3A_1148 = arith.constant 127 : i32
      %and3A_1149 = vector.broadcast %and3A_1148 : i32 to vector<16xi32>
      %and3A_1150 = arith.andi %add3A_1144, %and3A_1149 : vector<16xi32>
      %broadcast_in_dim3A_1151 = arith.constant 0.000000e+00 : f32
      %broadcast_in_dim3A_1152 = vector.broadcast %broadcast_in_dim3A_1151 : f32 to vector<16xf32>
      %add3A_1153 = arith.constant 1.000000e+00 : f32
      %add3A_1154 = vector.broadcast %add3A_1153 : f32 to vector<16xf32>
      %add3A_1155 = arith.addf %broadcast_in_dim3A_1152, %add3A_1154 : vector<16xf32>
      %lt3A_1156 = arith.constant 8 : i32
      %lt3A_1157 = vector.broadcast %lt3A_1156 : i32 to vector<16xi32>
      %lt3A_1158 = arith.cmpi slt, %get3A_1137, %lt3A_1157 : vector<16xi32>
      tpu.vector_store_idx %arg7[%shift_right_logical3A_1147, %and3A_1150], %add3A_1155 masked %lt3A_1158 {add = true} : memref<640x128xf32, #tpu.memory_space<vmem>>[vector<16xi32>, vector<16xi32>], vector<16xf32>, vector<16xi1>
      %get3A_1159 = arith.constant 0 : i32
      %get3A_1160 = arith.index_cast %get3A_1159 : i32 to index
      %get3A_1161 = arith.constant 80 : index
      %get3A_1162 = tpu.vector_load %arg9[%get3A_1160, %get3A_1161] {strides = array<i32>} : memref<3x512xi32, #tpu.memory_space<vmem>>, vector<16xi32>,
      %get3A_1163 = arith.constant 1 : i32
      %get3A_1164 = arith.index_cast %get3A_1163 : i32 to index
      %get3A_1165 = arith.constant 80 : index
      %get3A_1166 = tpu.vector_load %arg9[%get3A_1164, %get3A_1165] {strides = array<i32>} : memref<3x512xi32, #tpu.memory_space<vmem>>, vector<16xi32>,
      %mul3A_1167 = arith.constant 8 : i32
      %mul3A_1168 = vector.broadcast %mul3A_1167 : i32 to vector<16xi32>
      %mul3A_1169 = arith.muli %get3A_1162, %mul3A_1168 : vector<16xi32>
      %min3A_1170 = arith.constant 7 : i32
      %min3A_1171 = vector.broadcast %min3A_1170 : i32 to vector<16xi32>
      %min3A_1172 = arith.minsi %get3A_1166, %min3A_1171 : vector<16xi32>
      %add3A_1173 = arith.addi %mul3A_1169, %min3A_1172 : vector<16xi32>
      %shift_right_logical3A_1174 = arith.constant 7 : i32
      %shift_right_logical3A_1175 = vector.broadcast %shift_right_logical3A_1174 : i32 to vector<16xi32>
      %shift_right_logical3A_1176 = arith.shrui %add3A_1173, %shift_right_logical3A_1175 : vector<16xi32>
      %and3A_1177 = arith.constant 127 : i32
      %and3A_1178 = vector.broadcast %and3A_1177 : i32 to vector<16xi32>
      %and3A_1179 = arith.andi %add3A_1173, %and3A_1178 : vector<16xi32>
      %broadcast_in_dim3A_1180 = arith.constant 0.000000e+00 : f32
      %broadcast_in_dim3A_1181 = vector.broadcast %broadcast_in_dim3A_1180 : f32 to vector<16xf32>
      %add3A_1182 = arith.constant 1.000000e+00 : f32
      %add3A_1183 = vector.broadcast %add3A_1182 : f32 to vector<16xf32>
      %add3A_1184 = arith.addf %broadcast_in_dim3A_1181, %add3A_1183 : vector<16xf32>
      %lt3A_1185 = arith.constant 8 : i32
      %lt3A_1186 = vector.broadcast %lt3A_1185 : i32 to vector<16xi32>
      %lt3A_1187 = arith.cmpi slt, %get3A_1166, %lt3A_1186 : vector<16xi32>
      tpu.vector_store_idx %arg7[%shift_right_logical3A_1176, %and3A_1179], %add3A_1184 masked %lt3A_1187 {add = true} : memref<640x128xf32, #tpu.memory_space<vmem>>[vector<16xi32>, vector<16xi32>], vector<16xf32>, vector<16xi1>
      %get3A_1188 = arith.constant 0 : i32
      %get3A_1189 = arith.index_cast %get3A_1188 : i32 to index
      %get3A_1190 = arith.constant 96 : index
      %get3A_1191 = tpu.vector_load %arg9[%get3A_1189, %get3A_1190] {strides = array<i32>} : memref<3x512xi32, #tpu.memory_space<vmem>>, vector<16xi32>,
      %get3A_1192 = arith.constant 1 : i32
      %get3A_1193 = arith.index_cast %get3A_1192 : i32 to index
      %get3A_1194 = arith.constant 96 : index
      %get3A_1195 = tpu.vector_load %arg9[%get3A_1193, %get3A_1194] {strides = array<i32>} : memref<3x512xi32, #tpu.memory_space<vmem>>, vector<16xi32>,
      %mul3A_1196 = arith.constant 8 : i32
      %mul3A_1197 = vector.broadcast %mul3A_1196 : i32 to vector<16xi32>
      %mul3A_1198 = arith.muli %get3A_1191, %mul3A_1197 : vector<16xi32>
      %min3A_1199 = arith.constant 7 : i32
      %min3A_1200 = vector.broadcast %min3A_1199 : i32 to vector<16xi32>
      %min3A_1201 = arith.minsi %get3A_1195, %min3A_1200 : vector<16xi32>
      %add3A_1202 = arith.addi %mul3A_1198, %min3A_1201 : vector<16xi32>
      %shift_right_logical3A_1203 = arith.constant 7 : i32
      %shift_right_logical3A_1204 = vector.broadcast %shift_right_logical3A_1203 : i32 to vector<16xi32>
      %shift_right_logical3A_1205 = arith.shrui %add3A_1202, %shift_right_logical3A_1204 : vector<16xi32>
      %and3A_1206 = arith.constant 127 : i32
      %and3A_1207 = vector.broadcast %and3A_1206 : i32 to vector<16xi32>
      %and3A_1208 = arith.andi %add3A_1202, %and3A_1207 : vector<16xi32>
      %broadcast_in_dim3A_1209 = arith.constant 0.000000e+00 : f32
      %broadcast_in_dim3A_1210 = vector.broadcast %broadcast_in_dim3A_1209 : f32 to vector<16xf32>
      %add3A_1211 = arith.constant 1.000000e+00 : f32
      %add3A_1212 = vector.broadcast %add3A_1211 : f32 to vector<16xf32>
      %add3A_1213 = arith.addf %broadcast_in_dim3A_1210, %add3A_1212 : vector<16xf32>
      %lt3A_1214 = arith.constant 8 : i32
      %lt3A_1215 = vector.broadcast %lt3A_1214 : i32 to vector<16xi32>
      %lt3A_1216 = arith.cmpi slt, %get3A_1195, %lt3A_1215 : vector<16xi32>
      tpu.vector_store_idx %arg7[%shift_right_logical3A_1205, %and3A_1208], %add3A_1213 masked %lt3A_1216 {add = true} : memref<640x128xf32, #tpu.memory_space<vmem>>[vector<16xi32>, vector<16xi32>], vector<16xf32>, vector<16xi1>
      %get3A_1217 = arith.constant 0 : i32
      %get3A_1218 = arith.index_cast %get3A_1217 : i32 to index
      %get3A_1219 = arith.constant 112 : index
      %get3A_1220 = tpu.vector_load %arg9[%get3A_1218, %get3A_1219] {strides = array<i32>} : memref<3x512xi32, #tpu.memory_space<vmem>>, vector<16xi32>,
      %get3A_1221 = arith.constant 1 : i32
      %get3A_1222 = arith.index_cast %get3A_1221 : i32 to index
      %get3A_1223 = arith.constant 112 : index
      %get3A_1224 = tpu.vector_load %arg9[%get3A_1222, %get3A_1223] {strides = array<i32>} : memref<3x512xi32, #tpu.memory_space<vmem>>, vector<16xi32>,
      %mul3A_1225 = arith.constant 8 : i32
      %mul3A_1226 = vector.broadcast %mul3A_1225 : i32 to vector<16xi32>
      %mul3A_1227 = arith.muli %get3A_1220, %mul3A_1226 : vector<16xi32>
      %min3A_1228 = arith.constant 7 : i32
      %min3A_1229 = vector.broadcast %min3A_1228 : i32 to vector<16xi32>
      %min3A_1230 = arith.minsi %get3A_1224, %min3A_1229 : vector<16xi32>
      %add3A_1231 = arith.addi %mul3A_1227, %min3A_1230 : vector<16xi32>
      %shift_right_logical3A_1232 = arith.constant 7 : i32
      %shift_right_logical3A_1233 = vector.broadcast %shift_right_logical3A_1232 : i32 to vector<16xi32>
      %shift_right_logical3A_1234 = arith.shrui %add3A_1231, %shift_right_logical3A_1233 : vector<16xi32>
      %and3A_1235 = arith.constant 127 : i32
      %and3A_1236 = vector.broadcast %and3A_1235 : i32 to vector<16xi32>
      %and3A_1237 = arith.andi %add3A_1231, %and3A_1236 : vector<16xi32>
      %broadcast_in_dim3A_1238 = arith.constant 0.000000e+00 : f32
      %broadcast_in_dim3A_1239 = vector.broadcast %broadcast_in_dim3A_1238 : f32 to vector<16xf32>
      %add3A_1240 = arith.constant 1.000000e+00 : f32
      %add3A_1241 = vector.broadcast %add3A_1240 : f32 to vector<16xf32>
      %add3A_1242 = arith.addf %broadcast_in_dim3A_1239, %add3A_1241 : vector<16xf32>
      %lt3A_1243 = arith.constant 8 : i32
      %lt3A_1244 = vector.broadcast %lt3A_1243 : i32 to vector<16xi32>
      %lt3A_1245 = arith.cmpi slt, %get3A_1224, %lt3A_1244 : vector<16xi32>
      tpu.vector_store_idx %arg7[%shift_right_logical3A_1234, %and3A_1237], %add3A_1242 masked %lt3A_1245 {add = true} : memref<640x128xf32, #tpu.memory_space<vmem>>[vector<16xi32>, vector<16xi32>], vector<16xf32>, vector<16xi1>
      %get3A_1246 = arith.constant 0 : i32
      %get3A_1247 = arith.index_cast %get3A_1246 : i32 to index
      %get3A_1248 = arith.constant 128 : index
      %get3A_1249 = tpu.vector_load %arg9[%get3A_1247, %get3A_1248] {strides = array<i32>} : memref<3x512xi32, #tpu.memory_space<vmem>>, vector<16xi32>,
      %get3A_1250 = arith.constant 1 : i32
      %get3A_1251 = arith.index_cast %get3A_1250 : i32 to index
      %get3A_1252 = arith.constant 128 : index
      %get3A_1253 = tpu.vector_load %arg9[%get3A_1251, %get3A_1252] {strides = array<i32>} : memref<3x512xi32, #tpu.memory_space<vmem>>, vector<16xi32>,
      %mul3A_1254 = arith.constant 8 : i32
      %mul3A_1255 = vector.broadcast %mul3A_1254 : i32 to vector<16xi32>
      %mul3A_1256 = arith.muli %get3A_1249, %mul3A_1255 : vector<16xi32>
      %min3A_1257 = arith.constant 7 : i32
      %min3A_1258 = vector.broadcast %min3A_1257 : i32 to vector<16xi32>
      %min3A_1259 = arith.minsi %get3A_1253, %min3A_1258 : vector<16xi32>
      %add3A_1260 = arith.addi %mul3A_1256, %min3A_1259 : vector<16xi32>
      %shift_right_logical3A_1261 = arith.constant 7 : i32
      %shift_right_logical3A_1262 = vector.broadcast %shift_right_logical3A_1261 : i32 to vector<16xi32>
      %shift_right_logical3A_1263 = arith.shrui %add3A_1260, %shift_right_logical3A_1262 : vector<16xi32>
      %and3A_1264 = arith.constant 127 : i32
      %and3A_1265 = vector.broadcast %and3A_1264 : i32 to vector<16xi32>
      %and3A_1266 = arith.andi %add3A_1260, %and3A_1265 : vector<16xi32>
      %broadcast_in_dim3A_1267 = arith.constant 0.000000e+00 : f32
      %broadcast_in_dim3A_1268 = vector.broadcast %broadcast_in_dim3A_1267 : f32 to vector<16xf32>
      %add3A_1269 = arith.constant 1.000000e+00 : f32
      %add3A_1270 = vector.broadcast %add3A_1269 : f32 to vector<16xf32>
      %add3A_1271 = arith.addf %broadcast_in_dim3A_1268, %add3A_1270 : vector<16xf32>
      %lt3A_1272 = arith.constant 8 : i32
      %lt3A_1273 = vector.broadcast %lt3A_1272 : i32 to vector<16xi32>
      %lt3A_1274 = arith.cmpi slt, %get3A_1253, %lt3A_1273 : vector<16xi32>
      tpu.vector_store_idx %arg7[%shift_right_logical3A_1263, %and3A_1266], %add3A_1271 masked %lt3A_1274 {add = true} : memref<640x128xf32, #tpu.memory_space<vmem>>[vector<16xi32>, vector<16xi32>], vector<16xf32>, vector<16xi1>
      %get3A_1275 = arith.constant 0 : i32
      %get3A_1276 = arith.index_cast %get3A_1275 : i32 to index
      %get3A_1277 = arith.constant 144 : index
      %get3A_1278 = tpu.vector_load %arg9[%get3A_1276, %get3A_1277] {strides = array<i32>} : memref<3x512xi32, #tpu.memory_space<vmem>>, vector<16xi32>,
      %get3A_1279 = arith.constant 1 : i32
      %get3A_1280 = arith.index_cast %get3A_1279 : i32 to index
      %get3A_1281 = arith.constant 144 : index
      %get3A_1282 = tpu.vector_load %arg9[%get3A_1280, %get3A_1281] {strides = array<i32>} : memref<3x512xi32, #tpu.memory_space<vmem>>, vector<16xi32>,
      %mul3A_1283 = arith.constant 8 : i32
      %mul3A_1284 = vector.broadcast %mul3A_1283 : i32 to vector<16xi32>
      %mul3A_1285 = arith.muli %get3A_1278, %mul3A_1284 : vector<16xi32>
      %min3A_1286 = arith.constant 7 : i32
      %min3A_1287 = vector.broadcast %min3A_1286 : i32 to vector<16xi32>
      %min3A_1288 = arith.minsi %get3A_1282, %min3A_1287 : vector<16xi32>
      %add3A_1289 = arith.addi %mul3A_1285, %min3A_1288 : vector<16xi32>
      %shift_right_logical3A_1290 = arith.constant 7 : i32
      %shift_right_logical3A_1291 = vector.broadcast %shift_right_logical3A_1290 : i32 to vector<16xi32>
      %shift_right_logical3A_1292 = arith.shrui %add3A_1289, %shift_right_logical3A_1291 : vector<16xi32>
      %and3A_1293 = arith.constant 127 : i32
      %and3A_1294 = vector.broadcast %and3A_1293 : i32 to vector<16xi32>
      %and3A_1295 = arith.andi %add3A_1289, %and3A_1294 : vector<16xi32>
      %broadcast_in_dim3A_1296 = arith.constant 0.000000e+00 : f32
      %broadcast_in_dim3A_1297 = vector.broadcast %broadcast_in_dim3A_1296 : f32 to vector<16xf32>
      %add3A_1298 = arith.constant 1.000000e+00 : f32
      %add3A_1299 = vector.broadcast %add3A_1298 : f32 to vector<16xf32>
      %add3A_1300 = arith.addf %broadcast_in_dim3A_1297, %add3A_1299 : vector<16xf32>
      %lt3A_1301 = arith.constant 8 : i32
      %lt3A_1302 = vector.broadcast %lt3A_1301 : i32 to vector<16xi32>
      %lt3A_1303 = arith.cmpi slt, %get3A_1282, %lt3A_1302 : vector<16xi32>
      tpu.vector_store_idx %arg7[%shift_right_logical3A_1292, %and3A_1295], %add3A_1300 masked %lt3A_1303 {add = true} : memref<640x128xf32, #tpu.memory_space<vmem>>[vector<16xi32>, vector<16xi32>], vector<16xf32>, vector<16xi1>
      %get3A_1304 = arith.constant 0 : i32
      %get3A_1305 = arith.index_cast %get3A_1304 : i32 to index
      %get3A_1306 = arith.constant 160 : index
      %get3A_1307 = tpu.vector_load %arg9[%get3A_1305, %get3A_1306] {strides = array<i32>} : memref<3x512xi32, #tpu.memory_space<vmem>>, vector<16xi32>,
      %get3A_1308 = arith.constant 1 : i32
      %get3A_1309 = arith.index_cast %get3A_1308 : i32 to index
      %get3A_1310 = arith.constant 160 : index
      %get3A_1311 = tpu.vector_load %arg9[%get3A_1309, %get3A_1310] {strides = array<i32>} : memref<3x512xi32, #tpu.memory_space<vmem>>, vector<16xi32>,
      %mul3A_1312 = arith.constant 8 : i32
      %mul3A_1313 = vector.broadcast %mul3A_1312 : i32 to vector<16xi32>
      %mul3A_1314 = arith.muli %get3A_1307, %mul3A_1313 : vector<16xi32>
      %min3A_1315 = arith.constant 7 : i32
      %min3A_1316 = vector.broadcast %min3A_1315 : i32 to vector<16xi32>
      %min3A_1317 = arith.minsi %get3A_1311, %min3A_1316 : vector<16xi32>
      %add3A_1318 = arith.addi %mul3A_1314, %min3A_1317 : vector<16xi32>
      %shift_right_logical3A_1319 = arith.constant 7 : i32
      %shift_right_logical3A_1320 = vector.broadcast %shift_right_logical3A_1319 : i32 to vector<16xi32>
      %shift_right_logical3A_1321 = arith.shrui %add3A_1318, %shift_right_logical3A_1320 : vector<16xi32>
      %and3A_1322 = arith.constant 127 : i32
      %and3A_1323 = vector.broadcast %and3A_1322 : i32 to vector<16xi32>
      %and3A_1324 = arith.andi %add3A_1318, %and3A_1323 : vector<16xi32>
      %broadcast_in_dim3A_1325 = arith.constant 0.000000e+00 : f32
      %broadcast_in_dim3A_1326 = vector.broadcast %broadcast_in_dim3A_1325 : f32 to vector<16xf32>
      %add3A_1327 = arith.constant 1.000000e+00 : f32
      %add3A_1328 = vector.broadcast %add3A_1327 : f32 to vector<16xf32>
      %add3A_1329 = arith.addf %broadcast_in_dim3A_1326, %add3A_1328 : vector<16xf32>
      %lt3A_1330 = arith.constant 8 : i32
      %lt3A_1331 = vector.broadcast %lt3A_1330 : i32 to vector<16xi32>
      %lt3A_1332 = arith.cmpi slt, %get3A_1311, %lt3A_1331 : vector<16xi32>
      tpu.vector_store_idx %arg7[%shift_right_logical3A_1321, %and3A_1324], %add3A_1329 masked %lt3A_1332 {add = true} : memref<640x128xf32, #tpu.memory_space<vmem>>[vector<16xi32>, vector<16xi32>], vector<16xf32>, vector<16xi1>
      %get3A_1333 = arith.constant 0 : i32
      %get3A_1334 = arith.index_cast %get3A_1333 : i32 to index
      %get3A_1335 = arith.constant 176 : index
      %get3A_1336 = tpu.vector_load %arg9[%get3A_1334, %get3A_1335] {strides = array<i32>} : memref<3x512xi32, #tpu.memory_space<vmem>>, vector<16xi32>,
      %get3A_1337 = arith.constant 1 : i32
      %get3A_1338 = arith.index_cast %get3A_1337 : i32 to index
      %get3A_1339 = arith.constant 176 : index
      %get3A_1340 = tpu.vector_load %arg9[%get3A_1338, %get3A_1339] {strides = array<i32>} : memref<3x512xi32, #tpu.memory_space<vmem>>, vector<16xi32>,
      %mul3A_1341 = arith.constant 8 : i32
      %mul3A_1342 = vector.broadcast %mul3A_1341 : i32 to vector<16xi32>
      %mul3A_1343 = arith.muli %get3A_1336, %mul3A_1342 : vector<16xi32>
      %min3A_1344 = arith.constant 7 : i32
      %min3A_1345 = vector.broadcast %min3A_1344 : i32 to vector<16xi32>
      %min3A_1346 = arith.minsi %get3A_1340, %min3A_1345 : vector<16xi32>
      %add3A_1347 = arith.addi %mul3A_1343, %min3A_1346 : vector<16xi32>
      %shift_right_logical3A_1348 = arith.constant 7 : i32
      %shift_right_logical3A_1349 = vector.broadcast %shift_right_logical3A_1348 : i32 to vector<16xi32>
      %shift_right_logical3A_1350 = arith.shrui %add3A_1347, %shift_right_logical3A_1349 : vector<16xi32>
      %and3A_1351 = arith.constant 127 : i32
      %and3A_1352 = vector.broadcast %and3A_1351 : i32 to vector<16xi32>
      %and3A_1353 = arith.andi %add3A_1347, %and3A_1352 : vector<16xi32>
      %broadcast_in_dim3A_1354 = arith.constant 0.000000e+00 : f32
      %broadcast_in_dim3A_1355 = vector.broadcast %broadcast_in_dim3A_1354 : f32 to vector<16xf32>
      %add3A_1356 = arith.constant 1.000000e+00 : f32
      %add3A_1357 = vector.broadcast %add3A_1356 : f32 to vector<16xf32>
      %add3A_1358 = arith.addf %broadcast_in_dim3A_1355, %add3A_1357 : vector<16xf32>
      %lt3A_1359 = arith.constant 8 : i32
      %lt3A_1360 = vector.broadcast %lt3A_1359 : i32 to vector<16xi32>
      %lt3A_1361 = arith.cmpi slt, %get3A_1340, %lt3A_1360 : vector<16xi32>
      tpu.vector_store_idx %arg7[%shift_right_logical3A_1350, %and3A_1353], %add3A_1358 masked %lt3A_1361 {add = true} : memref<640x128xf32, #tpu.memory_space<vmem>>[vector<16xi32>, vector<16xi32>], vector<16xf32>, vector<16xi1>
      %get3A_1362 = arith.constant 0 : i32
      %get3A_1363 = arith.index_cast %get3A_1362 : i32 to index
      %get3A_1364 = arith.constant 192 : index
      %get3A_1365 = tpu.vector_load %arg9[%get3A_1363, %get3A_1364] {strides = array<i32>} : memref<3x512xi32, #tpu.memory_space<vmem>>, vector<16xi32>,
      %get3A_1366 = arith.constant 1 : i32
      %get3A_1367 = arith.index_cast %get3A_1366 : i32 to index
      %get3A_1368 = arith.constant 192 : index
      %get3A_1369 = tpu.vector_load %arg9[%get3A_1367, %get3A_1368] {strides = array<i32>} : memref<3x512xi32, #tpu.memory_space<vmem>>, vector<16xi32>,
      %mul3A_1370 = arith.constant 8 : i32
      %mul3A_1371 = vector.broadcast %mul3A_1370 : i32 to vector<16xi32>
      %mul3A_1372 = arith.muli %get3A_1365, %mul3A_1371 : vector<16xi32>
      %min3A_1373 = arith.constant 7 : i32
      %min3A_1374 = vector.broadcast %min3A_1373 : i32 to vector<16xi32>
      %min3A_1375 = arith.minsi %get3A_1369, %min3A_1374 : vector<16xi32>
      %add3A_1376 = arith.addi %mul3A_1372, %min3A_1375 : vector<16xi32>
      %shift_right_logical3A_1377 = arith.constant 7 : i32
      %shift_right_logical3A_1378 = vector.broadcast %shift_right_logical3A_1377 : i32 to vector<16xi32>
      %shift_right_logical3A_1379 = arith.shrui %add3A_1376, %shift_right_logical3A_1378 : vector<16xi32>
      %and3A_1380 = arith.constant 127 : i32
      %and3A_1381 = vector.broadcast %and3A_1380 : i32 to vector<16xi32>
      %and3A_1382 = arith.andi %add3A_1376, %and3A_1381 : vector<16xi32>
      %broadcast_in_dim3A_1383 = arith.constant 0.000000e+00 : f32
      %broadcast_in_dim3A_1384 = vector.broadcast %broadcast_in_dim3A_1383 : f32 to vector<16xf32>
      %add3A_1385 = arith.constant 1.000000e+00 : f32
      %add3A_1386 = vector.broadcast %add3A_1385 : f32 to vector<16xf32>
      %add3A_1387 = arith.addf %broadcast_in_dim3A_1384, %add3A_1386 : vector<16xf32>
      %lt3A_1388 = arith.constant 8 : i32
      %lt3A_1389 = vector.broadcast %lt3A_1388 : i32 to vector<16xi32>
      %lt3A_1390 = arith.cmpi slt, %get3A_1369, %lt3A_1389 : vector<16xi32>
      tpu.vector_store_idx %arg7[%shift_right_logical3A_1379, %and3A_1382], %add3A_1387 masked %lt3A_1390 {add = true} : memref<640x128xf32, #tpu.memory_space<vmem>>[vector<16xi32>, vector<16xi32>], vector<16xf32>, vector<16xi1>
      %get3A_1391 = arith.constant 0 : i32
      %get3A_1392 = arith.index_cast %get3A_1391 : i32 to index
      %get3A_1393 = arith.constant 208 : index
      %get3A_1394 = tpu.vector_load %arg9[%get3A_1392, %get3A_1393] {strides = array<i32>} : memref<3x512xi32, #tpu.memory_space<vmem>>, vector<16xi32>,
      %get3A_1395 = arith.constant 1 : i32
      %get3A_1396 = arith.index_cast %get3A_1395 : i32 to index
      %get3A_1397 = arith.constant 208 : index
      %get3A_1398 = tpu.vector_load %arg9[%get3A_1396, %get3A_1397] {strides = array<i32>} : memref<3x512xi32, #tpu.memory_space<vmem>>, vector<16xi32>,
      %mul3A_1399 = arith.constant 8 : i32
      %mul3A_1400 = vector.broadcast %mul3A_1399 : i32 to vector<16xi32>
      %mul3A_1401 = arith.muli %get3A_1394, %mul3A_1400 : vector<16xi32>
      %min3A_1402 = arith.constant 7 : i32
      %min3A_1403 = vector.broadcast %min3A_1402 : i32 to vector<16xi32>
      %min3A_1404 = arith.minsi %get3A_1398, %min3A_1403 : vector<16xi32>
      %add3A_1405 = arith.addi %mul3A_1401, %min3A_1404 : vector<16xi32>
      %shift_right_logical3A_1406 = arith.constant 7 : i32
      %shift_right_logical3A_1407 = vector.broadcast %shift_right_logical3A_1406 : i32 to vector<16xi32>
      %shift_right_logical3A_1408 = arith.shrui %add3A_1405, %shift_right_logical3A_1407 : vector<16xi32>
      %and3A_1409 = arith.constant 127 : i32
      %and3A_1410 = vector.broadcast %and3A_1409 : i32 to vector<16xi32>
      %and3A_1411 = arith.andi %add3A_1405, %and3A_1410 : vector<16xi32>
      %broadcast_in_dim3A_1412 = arith.constant 0.000000e+00 : f32
      %broadcast_in_dim3A_1413 = vector.broadcast %broadcast_in_dim3A_1412 : f32 to vector<16xf32>
      %add3A_1414 = arith.constant 1.000000e+00 : f32
      %add3A_1415 = vector.broadcast %add3A_1414 : f32 to vector<16xf32>
      %add3A_1416 = arith.addf %broadcast_in_dim3A_1413, %add3A_1415 : vector<16xf32>
      %lt3A_1417 = arith.constant 8 : i32
      %lt3A_1418 = vector.broadcast %lt3A_1417 : i32 to vector<16xi32>
      %lt3A_1419 = arith.cmpi slt, %get3A_1398, %lt3A_1418 : vector<16xi32>
      tpu.vector_store_idx %arg7[%shift_right_logical3A_1408, %and3A_1411], %add3A_1416 masked %lt3A_1419 {add = true} : memref<640x128xf32, #tpu.memory_space<vmem>>[vector<16xi32>, vector<16xi32>], vector<16xf32>, vector<16xi1>
      %get3A_1420 = arith.constant 0 : i32
      %get3A_1421 = arith.index_cast %get3A_1420 : i32 to index
      %get3A_1422 = arith.constant 224 : index
      %get3A_1423 = tpu.vector_load %arg9[%get3A_1421, %get3A_1422] {strides = array<i32>} : memref<3x512xi32, #tpu.memory_space<vmem>>, vector<16xi32>,
      %get3A_1424 = arith.constant 1 : i32
      %get3A_1425 = arith.index_cast %get3A_1424 : i32 to index
      %get3A_1426 = arith.constant 224 : index
      %get3A_1427 = tpu.vector_load %arg9[%get3A_1425, %get3A_1426] {strides = array<i32>} : memref<3x512xi32, #tpu.memory_space<vmem>>, vector<16xi32>,
      %mul3A_1428 = arith.constant 8 : i32
      %mul3A_1429 = vector.broadcast %mul3A_1428 : i32 to vector<16xi32>
      %mul3A_1430 = arith.muli %get3A_1423, %mul3A_1429 : vector<16xi32>
      %min3A_1431 = arith.constant 7 : i32
      %min3A_1432 = vector.broadcast %min3A_1431 : i32 to vector<16xi32>
      %min3A_1433 = arith.minsi %get3A_1427, %min3A_1432 : vector<16xi32>
      %add3A_1434 = arith.addi %mul3A_1430, %min3A_1433 : vector<16xi32>
      %shift_right_logical3A_1435 = arith.constant 7 : i32
      %shift_right_logical3A_1436 = vector.broadcast %shift_right_logical3A_1435 : i32 to vector<16xi32>
      %shift_right_logical3A_1437 = arith.shrui %add3A_1434, %shift_right_logical3A_1436 : vector<16xi32>
      %and3A_1438 = arith.constant 127 : i32
      %and3A_1439 = vector.broadcast %and3A_1438 : i32 to vector<16xi32>
      %and3A_1440 = arith.andi %add3A_1434, %and3A_1439 : vector<16xi32>
      %broadcast_in_dim3A_1441 = arith.constant 0.000000e+00 : f32
      %broadcast_in_dim3A_1442 = vector.broadcast %broadcast_in_dim3A_1441 : f32 to vector<16xf32>
      %add3A_1443 = arith.constant 1.000000e+00 : f32
      %add3A_1444 = vector.broadcast %add3A_1443 : f32 to vector<16xf32>
      %add3A_1445 = arith.addf %broadcast_in_dim3A_1442, %add3A_1444 : vector<16xf32>
      %lt3A_1446 = arith.constant 8 : i32
      %lt3A_1447 = vector.broadcast %lt3A_1446 : i32 to vector<16xi32>
      %lt3A_1448 = arith.cmpi slt, %get3A_1427, %lt3A_1447 : vector<16xi32>
      tpu.vector_store_idx %arg7[%shift_right_logical3A_1437, %and3A_1440], %add3A_1445 masked %lt3A_1448 {add = true} : memref<640x128xf32, #tpu.memory_space<vmem>>[vector<16xi32>, vector<16xi32>], vector<16xf32>, vector<16xi1>
      %get3A_1449 = arith.constant 0 : i32
      %get3A_1450 = arith.index_cast %get3A_1449 : i32 to index
      %get3A_1451 = arith.constant 240 : index
      %get3A_1452 = tpu.vector_load %arg9[%get3A_1450, %get3A_1451] {strides = array<i32>} : memref<3x512xi32, #tpu.memory_space<vmem>>, vector<16xi32>,
      %get3A_1453 = arith.constant 1 : i32
      %get3A_1454 = arith.index_cast %get3A_1453 : i32 to index
      %get3A_1455 = arith.constant 240 : index
      %get3A_1456 = tpu.vector_load %arg9[%get3A_1454, %get3A_1455] {strides = array<i32>} : memref<3x512xi32, #tpu.memory_space<vmem>>, vector<16xi32>,
      %mul3A_1457 = arith.constant 8 : i32
      %mul3A_1458 = vector.broadcast %mul3A_1457 : i32 to vector<16xi32>
      %mul3A_1459 = arith.muli %get3A_1452, %mul3A_1458 : vector<16xi32>
      %min3A_1460 = arith.constant 7 : i32
      %min3A_1461 = vector.broadcast %min3A_1460 : i32 to vector<16xi32>
      %min3A_1462 = arith.minsi %get3A_1456, %min3A_1461 : vector<16xi32>
      %add3A_1463 = arith.addi %mul3A_1459, %min3A_1462 : vector<16xi32>
      %shift_right_logical3A_1464 = arith.constant 7 : i32
      %shift_right_logical3A_1465 = vector.broadcast %shift_right_logical3A_1464 : i32 to vector<16xi32>
      %shift_right_logical3A_1466 = arith.shrui %add3A_1463, %shift_right_logical3A_1465 : vector<16xi32>
      %and3A_1467 = arith.constant 127 : i32
      %and3A_1468 = vector.broadcast %and3A_1467 : i32 to vector<16xi32>
      %and3A_1469 = arith.andi %add3A_1463, %and3A_1468 : vector<16xi32>
      %broadcast_in_dim3A_1470 = arith.constant 0.000000e+00 : f32
      %broadcast_in_dim3A_1471 = vector.broadcast %broadcast_in_dim3A_1470 : f32 to vector<16xf32>
      %add3A_1472 = arith.constant 1.000000e+00 : f32
      %add3A_1473 = vector.broadcast %add3A_1472 : f32 to vector<16xf32>
      %add3A_1474 = arith.addf %broadcast_in_dim3A_1471, %add3A_1473 : vector<16xf32>
      %lt3A_1475 = arith.constant 8 : i32
      %lt3A_1476 = vector.broadcast %lt3A_1475 : i32 to vector<16xi32>
      %lt3A_1477 = arith.cmpi slt, %get3A_1456, %lt3A_1476 : vector<16xi32>
      tpu.vector_store_idx %arg7[%shift_right_logical3A_1466, %and3A_1469], %add3A_1474 masked %lt3A_1477 {add = true} : memref<640x128xf32, #tpu.memory_space<vmem>>[vector<16xi32>, vector<16xi32>], vector<16xf32>, vector<16xi1>
      %get3A_1478 = arith.constant 0 : i32
      %get3A_1479 = arith.index_cast %get3A_1478 : i32 to index
      %get3A_1480 = arith.constant 256 : index
      %get3A_1481 = tpu.vector_load %arg9[%get3A_1479, %get3A_1480] {strides = array<i32>} : memref<3x512xi32, #tpu.memory_space<vmem>>, vector<16xi32>,
      %get3A_1482 = arith.constant 1 : i32
      %get3A_1483 = arith.index_cast %get3A_1482 : i32 to index
      %get3A_1484 = arith.constant 256 : index
      %get3A_1485 = tpu.vector_load %arg9[%get3A_1483, %get3A_1484] {strides = array<i32>} : memref<3x512xi32, #tpu.memory_space<vmem>>, vector<16xi32>,
      %mul3A_1486 = arith.constant 8 : i32
      %mul3A_1487 = vector.broadcast %mul3A_1486 : i32 to vector<16xi32>
      %mul3A_1488 = arith.muli %get3A_1481, %mul3A_1487 : vector<16xi32>
      %min3A_1489 = arith.constant 7 : i32
      %min3A_1490 = vector.broadcast %min3A_1489 : i32 to vector<16xi32>
      %min3A_1491 = arith.minsi %get3A_1485, %min3A_1490 : vector<16xi32>
      %add3A_1492 = arith.addi %mul3A_1488, %min3A_1491 : vector<16xi32>
      %shift_right_logical3A_1493 = arith.constant 7 : i32
      %shift_right_logical3A_1494 = vector.broadcast %shift_right_logical3A_1493 : i32 to vector<16xi32>
      %shift_right_logical3A_1495 = arith.shrui %add3A_1492, %shift_right_logical3A_1494 : vector<16xi32>
      %and3A_1496 = arith.constant 127 : i32
      %and3A_1497 = vector.broadcast %and3A_1496 : i32 to vector<16xi32>
      %and3A_1498 = arith.andi %add3A_1492, %and3A_1497 : vector<16xi32>
      %broadcast_in_dim3A_1499 = arith.constant 0.000000e+00 : f32
      %broadcast_in_dim3A_1500 = vector.broadcast %broadcast_in_dim3A_1499 : f32 to vector<16xf32>
      %add3A_1501 = arith.constant 1.000000e+00 : f32
      %add3A_1502 = vector.broadcast %add3A_1501 : f32 to vector<16xf32>
      %add3A_1503 = arith.addf %broadcast_in_dim3A_1500, %add3A_1502 : vector<16xf32>
      %lt3A_1504 = arith.constant 8 : i32
      %lt3A_1505 = vector.broadcast %lt3A_1504 : i32 to vector<16xi32>
      %lt3A_1506 = arith.cmpi slt, %get3A_1485, %lt3A_1505 : vector<16xi32>
      tpu.vector_store_idx %arg7[%shift_right_logical3A_1495, %and3A_1498], %add3A_1503 masked %lt3A_1506 {add = true} : memref<640x128xf32, #tpu.memory_space<vmem>>[vector<16xi32>, vector<16xi32>], vector<16xf32>, vector<16xi1>
      %get3A_1507 = arith.constant 0 : i32
      %get3A_1508 = arith.index_cast %get3A_1507 : i32 to index
      %get3A_1509 = arith.constant 272 : index
      %get3A_1510 = tpu.vector_load %arg9[%get3A_1508, %get3A_1509] {strides = array<i32>} : memref<3x512xi32, #tpu.memory_space<vmem>>, vector<16xi32>,
      %get3A_1511 = arith.constant 1 : i32
      %get3A_1512 = arith.index_cast %get3A_1511 : i32 to index
      %get3A_1513 = arith.constant 272 : index
      %get3A_1514 = tpu.vector_load %arg9[%get3A_1512, %get3A_1513] {strides = array<i32>} : memref<3x512xi32, #tpu.memory_space<vmem>>, vector<16xi32>,
      %mul3A_1515 = arith.constant 8 : i32
      %mul3A_1516 = vector.broadcast %mul3A_1515 : i32 to vector<16xi32>
      %mul3A_1517 = arith.muli %get3A_1510, %mul3A_1516 : vector<16xi32>
      %min3A_1518 = arith.constant 7 : i32
      %min3A_1519 = vector.broadcast %min3A_1518 : i32 to vector<16xi32>
      %min3A_1520 = arith.minsi %get3A_1514, %min3A_1519 : vector<16xi32>
      %add3A_1521 = arith.addi %mul3A_1517, %min3A_1520 : vector<16xi32>
      %shift_right_logical3A_1522 = arith.constant 7 : i32
      %shift_right_logical3A_1523 = vector.broadcast %shift_right_logical3A_1522 : i32 to vector<16xi32>
      %shift_right_logical3A_1524 = arith.shrui %add3A_1521, %shift_right_logical3A_1523 : vector<16xi32>
      %and3A_1525 = arith.constant 127 : i32
      %and3A_1526 = vector.broadcast %and3A_1525 : i32 to vector<16xi32>
      %and3A_1527 = arith.andi %add3A_1521, %and3A_1526 : vector<16xi32>
      %broadcast_in_dim3A_1528 = arith.constant 0.000000e+00 : f32
      %broadcast_in_dim3A_1529 = vector.broadcast %broadcast_in_dim3A_1528 : f32 to vector<16xf32>
      %add3A_1530 = arith.constant 1.000000e+00 : f32
      %add3A_1531 = vector.broadcast %add3A_1530 : f32 to vector<16xf32>
      %add3A_1532 = arith.addf %broadcast_in_dim3A_1529, %add3A_1531 : vector<16xf32>
      %lt3A_1533 = arith.constant 8 : i32
      %lt3A_1534 = vector.broadcast %lt3A_1533 : i32 to vector<16xi32>
      %lt3A_1535 = arith.cmpi slt, %get3A_1514, %lt3A_1534 : vector<16xi32>
      tpu.vector_store_idx %arg7[%shift_right_logical3A_1524, %and3A_1527], %add3A_1532 masked %lt3A_1535 {add = true} : memref<640x128xf32, #tpu.memory_space<vmem>>[vector<16xi32>, vector<16xi32>], vector<16xf32>, vector<16xi1>
      %get3A_1536 = arith.constant 0 : i32
      %get3A_1537 = arith.index_cast %get3A_1536 : i32 to index
      %get3A_1538 = arith.constant 288 : index
      %get3A_1539 = tpu.vector_load %arg9[%get3A_1537, %get3A_1538] {strides = array<i32>} : memref<3x512xi32, #tpu.memory_space<vmem>>, vector<16xi32>,
      %get3A_1540 = arith.constant 1 : i32
      %get3A_1541 = arith.index_cast %get3A_1540 : i32 to index
      %get3A_1542 = arith.constant 288 : index
      %get3A_1543 = tpu.vector_load %arg9[%get3A_1541, %get3A_1542] {strides = array<i32>} : memref<3x512xi32, #tpu.memory_space<vmem>>, vector<16xi32>,
      %mul3A_1544 = arith.constant 8 : i32
      %mul3A_1545 = vector.broadcast %mul3A_1544 : i32 to vector<16xi32>
      %mul3A_1546 = arith.muli %get3A_1539, %mul3A_1545 : vector<16xi32>
      %min3A_1547 = arith.constant 7 : i32
      %min3A_1548 = vector.broadcast %min3A_1547 : i32 to vector<16xi32>
      %min3A_1549 = arith.minsi %get3A_1543, %min3A_1548 : vector<16xi32>
      %add3A_1550 = arith.addi %mul3A_1546, %min3A_1549 : vector<16xi32>
      %shift_right_logical3A_1551 = arith.constant 7 : i32
      %shift_right_logical3A_1552 = vector.broadcast %shift_right_logical3A_1551 : i32 to vector<16xi32>
      %shift_right_logical3A_1553 = arith.shrui %add3A_1550, %shift_right_logical3A_1552 : vector<16xi32>
      %and3A_1554 = arith.constant 127 : i32
      %and3A_1555 = vector.broadcast %and3A_1554 : i32 to vector<16xi32>
      %and3A_1556 = arith.andi %add3A_1550, %and3A_1555 : vector<16xi32>
      %broadcast_in_dim3A_1557 = arith.constant 0.000000e+00 : f32
      %broadcast_in_dim3A_1558 = vector.broadcast %broadcast_in_dim3A_1557 : f32 to vector<16xf32>
      %add3A_1559 = arith.constant 1.000000e+00 : f32
      %add3A_1560 = vector.broadcast %add3A_1559 : f32 to vector<16xf32>
      %add3A_1561 = arith.addf %broadcast_in_dim3A_1558, %add3A_1560 : vector<16xf32>
      %lt3A_1562 = arith.constant 8 : i32
      %lt3A_1563 = vector.broadcast %lt3A_1562 : i32 to vector<16xi32>
      %lt3A_1564 = arith.cmpi slt, %get3A_1543, %lt3A_1563 : vector<16xi32>
      tpu.vector_store_idx %arg7[%shift_right_logical3A_1553, %and3A_1556], %add3A_1561 masked %lt3A_1564 {add = true} : memref<640x128xf32, #tpu.memory_space<vmem>>[vector<16xi32>, vector<16xi32>], vector<16xf32>, vector<16xi1>
      %get3A_1565 = arith.constant 0 : i32
      %get3A_1566 = arith.index_cast %get3A_1565 : i32 to index
      %get3A_1567 = arith.constant 304 : index
      %get3A_1568 = tpu.vector_load %arg9[%get3A_1566, %get3A_1567] {strides = array<i32>} : memref<3x512xi32, #tpu.memory_space<vmem>>, vector<16xi32>,
      %get3A_1569 = arith.constant 1 : i32
      %get3A_1570 = arith.index_cast %get3A_1569 : i32 to index
      %get3A_1571 = arith.constant 304 : index
      %get3A_1572 = tpu.vector_load %arg9[%get3A_1570, %get3A_1571] {strides = array<i32>} : memref<3x512xi32, #tpu.memory_space<vmem>>, vector<16xi32>,
      %mul3A_1573 = arith.constant 8 : i32
      %mul3A_1574 = vector.broadcast %mul3A_1573 : i32 to vector<16xi32>
      %mul3A_1575 = arith.muli %get3A_1568, %mul3A_1574 : vector<16xi32>
      %min3A_1576 = arith.constant 7 : i32
      %min3A_1577 = vector.broadcast %min3A_1576 : i32 to vector<16xi32>
      %min3A_1578 = arith.minsi %get3A_1572, %min3A_1577 : vector<16xi32>
      %add3A_1579 = arith.addi %mul3A_1575, %min3A_1578 : vector<16xi32>
      %shift_right_logical3A_1580 = arith.constant 7 : i32
      %shift_right_logical3A_1581 = vector.broadcast %shift_right_logical3A_1580 : i32 to vector<16xi32>
      %shift_right_logical3A_1582 = arith.shrui %add3A_1579, %shift_right_logical3A_1581 : vector<16xi32>
      %and3A_1583 = arith.constant 127 : i32
      %and3A_1584 = vector.broadcast %and3A_1583 : i32 to vector<16xi32>
      %and3A_1585 = arith.andi %add3A_1579, %and3A_1584 : vector<16xi32>
      %broadcast_in_dim3A_1586 = arith.constant 0.000000e+00 : f32
      %broadcast_in_dim3A_1587 = vector.broadcast %broadcast_in_dim3A_1586 : f32 to vector<16xf32>
      %add3A_1588 = arith.constant 1.000000e+00 : f32
      %add3A_1589 = vector.broadcast %add3A_1588 : f32 to vector<16xf32>
      %add3A_1590 = arith.addf %broadcast_in_dim3A_1587, %add3A_1589 : vector<16xf32>
      %lt3A_1591 = arith.constant 8 : i32
      %lt3A_1592 = vector.broadcast %lt3A_1591 : i32 to vector<16xi32>
      %lt3A_1593 = arith.cmpi slt, %get3A_1572, %lt3A_1592 : vector<16xi32>
      tpu.vector_store_idx %arg7[%shift_right_logical3A_1582, %and3A_1585], %add3A_1590 masked %lt3A_1593 {add = true} : memref<640x128xf32, #tpu.memory_space<vmem>>[vector<16xi32>, vector<16xi32>], vector<16xf32>, vector<16xi1>
      %get3A_1594 = arith.constant 0 : i32
      %get3A_1595 = arith.index_cast %get3A_1594 : i32 to index
      %get3A_1596 = arith.constant 320 : index
      %get3A_1597 = tpu.vector_load %arg9[%get3A_1595, %get3A_1596] {strides = array<i32>} : memref<3x512xi32, #tpu.memory_space<vmem>>, vector<16xi32>,
      %get3A_1598 = arith.constant 1 : i32
      %get3A_1599 = arith.index_cast %get3A_1598 : i32 to index
      %get3A_1600 = arith.constant 320 : index
      %get3A_1601 = tpu.vector_load %arg9[%get3A_1599, %get3A_1600] {strides = array<i32>} : memref<3x512xi32, #tpu.memory_space<vmem>>, vector<16xi32>,
      %mul3A_1602 = arith.constant 8 : i32
      %mul3A_1603 = vector.broadcast %mul3A_1602 : i32 to vector<16xi32>
      %mul3A_1604 = arith.muli %get3A_1597, %mul3A_1603 : vector<16xi32>
      %min3A_1605 = arith.constant 7 : i32
      %min3A_1606 = vector.broadcast %min3A_1605 : i32 to vector<16xi32>
      %min3A_1607 = arith.minsi %get3A_1601, %min3A_1606 : vector<16xi32>
      %add3A_1608 = arith.addi %mul3A_1604, %min3A_1607 : vector<16xi32>
      %shift_right_logical3A_1609 = arith.constant 7 : i32
      %shift_right_logical3A_1610 = vector.broadcast %shift_right_logical3A_1609 : i32 to vector<16xi32>
      %shift_right_logical3A_1611 = arith.shrui %add3A_1608, %shift_right_logical3A_1610 : vector<16xi32>
      %and3A_1612 = arith.constant 127 : i32
      %and3A_1613 = vector.broadcast %and3A_1612 : i32 to vector<16xi32>
      %and3A_1614 = arith.andi %add3A_1608, %and3A_1613 : vector<16xi32>
      %broadcast_in_dim3A_1615 = arith.constant 0.000000e+00 : f32
      %broadcast_in_dim3A_1616 = vector.broadcast %broadcast_in_dim3A_1615 : f32 to vector<16xf32>
      %add3A_1617 = arith.constant 1.000000e+00 : f32
      %add3A_1618 = vector.broadcast %add3A_1617 : f32 to vector<16xf32>
      %add3A_1619 = arith.addf %broadcast_in_dim3A_1616, %add3A_1618 : vector<16xf32>
      %lt3A_1620 = arith.constant 8 : i32
      %lt3A_1621 = vector.broadcast %lt3A_1620 : i32 to vector<16xi32>
      %lt3A_1622 = arith.cmpi slt, %get3A_1601, %lt3A_1621 : vector<16xi32>
      tpu.vector_store_idx %arg7[%shift_right_logical3A_1611, %and3A_1614], %add3A_1619 masked %lt3A_1622 {add = true} : memref<640x128xf32, #tpu.memory_space<vmem>>[vector<16xi32>, vector<16xi32>], vector<16xf32>, vector<16xi1>
      %get3A_1623 = arith.constant 0 : i32
      %get3A_1624 = arith.index_cast %get3A_1623 : i32 to index
      %get3A_1625 = arith.constant 336 : index
      %get3A_1626 = tpu.vector_load %arg9[%get3A_1624, %get3A_1625] {strides = array<i32>} : memref<3x512xi32, #tpu.memory_space<vmem>>, vector<16xi32>,
      %get3A_1627 = arith.constant 1 : i32
      %get3A_1628 = arith.index_cast %get3A_1627 : i32 to index
      %get3A_1629 = arith.constant 336 : index
      %get3A_1630 = tpu.vector_load %arg9[%get3A_1628, %get3A_1629] {strides = array<i32>} : memref<3x512xi32, #tpu.memory_space<vmem>>, vector<16xi32>,
      %mul3A_1631 = arith.constant 8 : i32
      %mul3A_1632 = vector.broadcast %mul3A_1631 : i32 to vector<16xi32>
      %mul3A_1633 = arith.muli %get3A_1626, %mul3A_1632 : vector<16xi32>
      %min3A_1634 = arith.constant 7 : i32
      %min3A_1635 = vector.broadcast %min3A_1634 : i32 to vector<16xi32>
      %min3A_1636 = arith.minsi %get3A_1630, %min3A_1635 : vector<16xi32>
      %add3A_1637 = arith.addi %mul3A_1633, %min3A_1636 : vector<16xi32>
      %shift_right_logical3A_1638 = arith.constant 7 : i32
      %shift_right_logical3A_1639 = vector.broadcast %shift_right_logical3A_1638 : i32 to vector<16xi32>
      %shift_right_logical3A_1640 = arith.shrui %add3A_1637, %shift_right_logical3A_1639 : vector<16xi32>
      %and3A_1641 = arith.constant 127 : i32
      %and3A_1642 = vector.broadcast %and3A_1641 : i32 to vector<16xi32>
      %and3A_1643 = arith.andi %add3A_1637, %and3A_1642 : vector<16xi32>
      %broadcast_in_dim3A_1644 = arith.constant 0.000000e+00 : f32
      %broadcast_in_dim3A_1645 = vector.broadcast %broadcast_in_dim3A_1644 : f32 to vector<16xf32>
      %add3A_1646 = arith.constant 1.000000e+00 : f32
      %add3A_1647 = vector.broadcast %add3A_1646 : f32 to vector<16xf32>
      %add3A_1648 = arith.addf %broadcast_in_dim3A_1645, %add3A_1647 : vector<16xf32>
      %lt3A_1649 = arith.constant 8 : i32
      %lt3A_1650 = vector.broadcast %lt3A_1649 : i32 to vector<16xi32>
      %lt3A_1651 = arith.cmpi slt, %get3A_1630, %lt3A_1650 : vector<16xi32>
      tpu.vector_store_idx %arg7[%shift_right_logical3A_1640, %and3A_1643], %add3A_1648 masked %lt3A_1651 {add = true} : memref<640x128xf32, #tpu.memory_space<vmem>>[vector<16xi32>, vector<16xi32>], vector<16xf32>, vector<16xi1>
      %get3A_1652 = arith.constant 0 : i32
      %get3A_1653 = arith.index_cast %get3A_1652 : i32 to index
      %get3A_1654 = arith.constant 352 : index
      %get3A_1655 = tpu.vector_load %arg9[%get3A_1653, %get3A_1654] {strides = array<i32>} : memref<3x512xi32, #tpu.memory_space<vmem>>, vector<16xi32>,
      %get3A_1656 = arith.constant 1 : i32
      %get3A_1657 = arith.index_cast %get3A_1656 : i32 to index
      %get3A_1658 = arith.constant 352 : index
      %get3A_1659 = tpu.vector_load %arg9[%get3A_1657, %get3A_1658] {strides = array<i32>} : memref<3x512xi32, #tpu.memory_space<vmem>>, vector<16xi32>,
      %mul3A_1660 = arith.constant 8 : i32
      %mul3A_1661 = vector.broadcast %mul3A_1660 : i32 to vector<16xi32>
      %mul3A_1662 = arith.muli %get3A_1655, %mul3A_1661 : vector<16xi32>
      %min3A_1663 = arith.constant 7 : i32
      %min3A_1664 = vector.broadcast %min3A_1663 : i32 to vector<16xi32>
      %min3A_1665 = arith.minsi %get3A_1659, %min3A_1664 : vector<16xi32>
      %add3A_1666 = arith.addi %mul3A_1662, %min3A_1665 : vector<16xi32>
      %shift_right_logical3A_1667 = arith.constant 7 : i32
      %shift_right_logical3A_1668 = vector.broadcast %shift_right_logical3A_1667 : i32 to vector<16xi32>
      %shift_right_logical3A_1669 = arith.shrui %add3A_1666, %shift_right_logical3A_1668 : vector<16xi32>
      %and3A_1670 = arith.constant 127 : i32
      %and3A_1671 = vector.broadcast %and3A_1670 : i32 to vector<16xi32>
      %and3A_1672 = arith.andi %add3A_1666, %and3A_1671 : vector<16xi32>
      %broadcast_in_dim3A_1673 = arith.constant 0.000000e+00 : f32
      %broadcast_in_dim3A_1674 = vector.broadcast %broadcast_in_dim3A_1673 : f32 to vector<16xf32>
      %add3A_1675 = arith.constant 1.000000e+00 : f32
      %add3A_1676 = vector.broadcast %add3A_1675 : f32 to vector<16xf32>
      %add3A_1677 = arith.addf %broadcast_in_dim3A_1674, %add3A_1676 : vector<16xf32>
      %lt3A_1678 = arith.constant 8 : i32
      %lt3A_1679 = vector.broadcast %lt3A_1678 : i32 to vector<16xi32>
      %lt3A_1680 = arith.cmpi slt, %get3A_1659, %lt3A_1679 : vector<16xi32>
      tpu.vector_store_idx %arg7[%shift_right_logical3A_1669, %and3A_1672], %add3A_1677 masked %lt3A_1680 {add = true} : memref<640x128xf32, #tpu.memory_space<vmem>>[vector<16xi32>, vector<16xi32>], vector<16xf32>, vector<16xi1>
      %get3A_1681 = arith.constant 0 : i32
      %get3A_1682 = arith.index_cast %get3A_1681 : i32 to index
      %get3A_1683 = arith.constant 368 : index
      %get3A_1684 = tpu.vector_load %arg9[%get3A_1682, %get3A_1683] {strides = array<i32>} : memref<3x512xi32, #tpu.memory_space<vmem>>, vector<16xi32>,
      %get3A_1685 = arith.constant 1 : i32
      %get3A_1686 = arith.index_cast %get3A_1685 : i32 to index
      %get3A_1687 = arith.constant 368 : index
      %get3A_1688 = tpu.vector_load %arg9[%get3A_1686, %get3A_1687] {strides = array<i32>} : memref<3x512xi32, #tpu.memory_space<vmem>>, vector<16xi32>,
      %mul3A_1689 = arith.constant 8 : i32
      %mul3A_1690 = vector.broadcast %mul3A_1689 : i32 to vector<16xi32>
      %mul3A_1691 = arith.muli %get3A_1684, %mul3A_1690 : vector<16xi32>
      %min3A_1692 = arith.constant 7 : i32
      %min3A_1693 = vector.broadcast %min3A_1692 : i32 to vector<16xi32>
      %min3A_1694 = arith.minsi %get3A_1688, %min3A_1693 : vector<16xi32>
      %add3A_1695 = arith.addi %mul3A_1691, %min3A_1694 : vector<16xi32>
      %shift_right_logical3A_1696 = arith.constant 7 : i32
      %shift_right_logical3A_1697 = vector.broadcast %shift_right_logical3A_1696 : i32 to vector<16xi32>
      %shift_right_logical3A_1698 = arith.shrui %add3A_1695, %shift_right_logical3A_1697 : vector<16xi32>
      %and3A_1699 = arith.constant 127 : i32
      %and3A_1700 = vector.broadcast %and3A_1699 : i32 to vector<16xi32>
      %and3A_1701 = arith.andi %add3A_1695, %and3A_1700 : vector<16xi32>
      %broadcast_in_dim3A_1702 = arith.constant 0.000000e+00 : f32
      %broadcast_in_dim3A_1703 = vector.broadcast %broadcast_in_dim3A_1702 : f32 to vector<16xf32>
      %add3A_1704 = arith.constant 1.000000e+00 : f32
      %add3A_1705 = vector.broadcast %add3A_1704 : f32 to vector<16xf32>
      %add3A_1706 = arith.addf %broadcast_in_dim3A_1703, %add3A_1705 : vector<16xf32>
      %lt3A_1707 = arith.constant 8 : i32
      %lt3A_1708 = vector.broadcast %lt3A_1707 : i32 to vector<16xi32>
      %lt3A_1709 = arith.cmpi slt, %get3A_1688, %lt3A_1708 : vector<16xi32>
      tpu.vector_store_idx %arg7[%shift_right_logical3A_1698, %and3A_1701], %add3A_1706 masked %lt3A_1709 {add = true} : memref<640x128xf32, #tpu.memory_space<vmem>>[vector<16xi32>, vector<16xi32>], vector<16xf32>, vector<16xi1>
      %get3A_1710 = arith.constant 0 : i32
      %get3A_1711 = arith.index_cast %get3A_1710 : i32 to index
      %get3A_1712 = arith.constant 384 : index
      %get3A_1713 = tpu.vector_load %arg9[%get3A_1711, %get3A_1712] {strides = array<i32>} : memref<3x512xi32, #tpu.memory_space<vmem>>, vector<16xi32>,
      %get3A_1714 = arith.constant 1 : i32
      %get3A_1715 = arith.index_cast %get3A_1714 : i32 to index
      %get3A_1716 = arith.constant 384 : index
      %get3A_1717 = tpu.vector_load %arg9[%get3A_1715, %get3A_1716] {strides = array<i32>} : memref<3x512xi32, #tpu.memory_space<vmem>>, vector<16xi32>,
      %mul3A_1718 = arith.constant 8 : i32
      %mul3A_1719 = vector.broadcast %mul3A_1718 : i32 to vector<16xi32>
      %mul3A_1720 = arith.muli %get3A_1713, %mul3A_1719 : vector<16xi32>
      %min3A_1721 = arith.constant 7 : i32
      %min3A_1722 = vector.broadcast %min3A_1721 : i32 to vector<16xi32>
      %min3A_1723 = arith.minsi %get3A_1717, %min3A_1722 : vector<16xi32>
      %add3A_1724 = arith.addi %mul3A_1720, %min3A_1723 : vector<16xi32>
      %shift_right_logical3A_1725 = arith.constant 7 : i32
      %shift_right_logical3A_1726 = vector.broadcast %shift_right_logical3A_1725 : i32 to vector<16xi32>
      %shift_right_logical3A_1727 = arith.shrui %add3A_1724, %shift_right_logical3A_1726 : vector<16xi32>
      %and3A_1728 = arith.constant 127 : i32
      %and3A_1729 = vector.broadcast %and3A_1728 : i32 to vector<16xi32>
      %and3A_1730 = arith.andi %add3A_1724, %and3A_1729 : vector<16xi32>
      %broadcast_in_dim3A_1731 = arith.constant 0.000000e+00 : f32
      %broadcast_in_dim3A_1732 = vector.broadcast %broadcast_in_dim3A_1731 : f32 to vector<16xf32>
      %add3A_1733 = arith.constant 1.000000e+00 : f32
      %add3A_1734 = vector.broadcast %add3A_1733 : f32 to vector<16xf32>
      %add3A_1735 = arith.addf %broadcast_in_dim3A_1732, %add3A_1734 : vector<16xf32>
      %lt3A_1736 = arith.constant 8 : i32
      %lt3A_1737 = vector.broadcast %lt3A_1736 : i32 to vector<16xi32>
      %lt3A_1738 = arith.cmpi slt, %get3A_1717, %lt3A_1737 : vector<16xi32>
      tpu.vector_store_idx %arg7[%shift_right_logical3A_1727, %and3A_1730], %add3A_1735 masked %lt3A_1738 {add = true} : memref<640x128xf32, #tpu.memory_space<vmem>>[vector<16xi32>, vector<16xi32>], vector<16xf32>, vector<16xi1>
      %get3A_1739 = arith.constant 0 : i32
      %get3A_1740 = arith.index_cast %get3A_1739 : i32 to index
      %get3A_1741 = arith.constant 400 : index
      %get3A_1742 = tpu.vector_load %arg9[%get3A_1740, %get3A_1741] {strides = array<i32>} : memref<3x512xi32, #tpu.memory_space<vmem>>, vector<16xi32>,
      %get3A_1743 = arith.constant 1 : i32
      %get3A_1744 = arith.index_cast %get3A_1743 : i32 to index
      %get3A_1745 = arith.constant 400 : index
      %get3A_1746 = tpu.vector_load %arg9[%get3A_1744, %get3A_1745] {strides = array<i32>} : memref<3x512xi32, #tpu.memory_space<vmem>>, vector<16xi32>,
      %mul3A_1747 = arith.constant 8 : i32
      %mul3A_1748 = vector.broadcast %mul3A_1747 : i32 to vector<16xi32>
      %mul3A_1749 = arith.muli %get3A_1742, %mul3A_1748 : vector<16xi32>
      %min3A_1750 = arith.constant 7 : i32
      %min3A_1751 = vector.broadcast %min3A_1750 : i32 to vector<16xi32>
      %min3A_1752 = arith.minsi %get3A_1746, %min3A_1751 : vector<16xi32>
      %add3A_1753 = arith.addi %mul3A_1749, %min3A_1752 : vector<16xi32>
      %shift_right_logical3A_1754 = arith.constant 7 : i32
      %shift_right_logical3A_1755 = vector.broadcast %shift_right_logical3A_1754 : i32 to vector<16xi32>
      %shift_right_logical3A_1756 = arith.shrui %add3A_1753, %shift_right_logical3A_1755 : vector<16xi32>
      %and3A_1757 = arith.constant 127 : i32
      %and3A_1758 = vector.broadcast %and3A_1757 : i32 to vector<16xi32>
      %and3A_1759 = arith.andi %add3A_1753, %and3A_1758 : vector<16xi32>
      %broadcast_in_dim3A_1760 = arith.constant 0.000000e+00 : f32
      %broadcast_in_dim3A_1761 = vector.broadcast %broadcast_in_dim3A_1760 : f32 to vector<16xf32>
      %add3A_1762 = arith.constant 1.000000e+00 : f32
      %add3A_1763 = vector.broadcast %add3A_1762 : f32 to vector<16xf32>
      %add3A_1764 = arith.addf %broadcast_in_dim3A_1761, %add3A_1763 : vector<16xf32>
      %lt3A_1765 = arith.constant 8 : i32
      %lt3A_1766 = vector.broadcast %lt3A_1765 : i32 to vector<16xi32>
      %lt3A_1767 = arith.cmpi slt, %get3A_1746, %lt3A_1766 : vector<16xi32>
      tpu.vector_store_idx %arg7[%shift_right_logical3A_1756, %and3A_1759], %add3A_1764 masked %lt3A_1767 {add = true} : memref<640x128xf32, #tpu.memory_space<vmem>>[vector<16xi32>, vector<16xi32>], vector<16xf32>, vector<16xi1>
      %get3A_1768 = arith.constant 0 : i32
      %get3A_1769 = arith.index_cast %get3A_1768 : i32 to index
      %get3A_1770 = arith.constant 416 : index
      %get3A_1771 = tpu.vector_load %arg9[%get3A_1769, %get3A_1770] {strides = array<i32>} : memref<3x512xi32, #tpu.memory_space<vmem>>, vector<16xi32>,
      %get3A_1772 = arith.constant 1 : i32
      %get3A_1773 = arith.index_cast %get3A_1772 : i32 to index
      %get3A_1774 = arith.constant 416 : index
      %get3A_1775 = tpu.vector_load %arg9[%get3A_1773, %get3A_1774] {strides = array<i32>} : memref<3x512xi32, #tpu.memory_space<vmem>>, vector<16xi32>,
      %mul3A_1776 = arith.constant 8 : i32
      %mul3A_1777 = vector.broadcast %mul3A_1776 : i32 to vector<16xi32>
      %mul3A_1778 = arith.muli %get3A_1771, %mul3A_1777 : vector<16xi32>
      %min3A_1779 = arith.constant 7 : i32
      %min3A_1780 = vector.broadcast %min3A_1779 : i32 to vector<16xi32>
      %min3A_1781 = arith.minsi %get3A_1775, %min3A_1780 : vector<16xi32>
      %add3A_1782 = arith.addi %mul3A_1778, %min3A_1781 : vector<16xi32>
      %shift_right_logical3A_1783 = arith.constant 7 : i32
      %shift_right_logical3A_1784 = vector.broadcast %shift_right_logical3A_1783 : i32 to vector<16xi32>
      %shift_right_logical3A_1785 = arith.shrui %add3A_1782, %shift_right_logical3A_1784 : vector<16xi32>
      %and3A_1786 = arith.constant 127 : i32
      %and3A_1787 = vector.broadcast %and3A_1786 : i32 to vector<16xi32>
      %and3A_1788 = arith.andi %add3A_1782, %and3A_1787 : vector<16xi32>
      %broadcast_in_dim3A_1789 = arith.constant 0.000000e+00 : f32
      %broadcast_in_dim3A_1790 = vector.broadcast %broadcast_in_dim3A_1789 : f32 to vector<16xf32>
      %add3A_1791 = arith.constant 1.000000e+00 : f32
      %add3A_1792 = vector.broadcast %add3A_1791 : f32 to vector<16xf32>
      %add3A_1793 = arith.addf %broadcast_in_dim3A_1790, %add3A_1792 : vector<16xf32>
      %lt3A_1794 = arith.constant 8 : i32
      %lt3A_1795 = vector.broadcast %lt3A_1794 : i32 to vector<16xi32>
      %lt3A_1796 = arith.cmpi slt, %get3A_1775, %lt3A_1795 : vector<16xi32>
      tpu.vector_store_idx %arg7[%shift_right_logical3A_1785, %and3A_1788], %add3A_1793 masked %lt3A_1796 {add = true} : memref<640x128xf32, #tpu.memory_space<vmem>>[vector<16xi32>, vector<16xi32>], vector<16xf32>, vector<16xi1>
      %get3A_1797 = arith.constant 0 : i32
      %get3A_1798 = arith.index_cast %get3A_1797 : i32 to index
      %get3A_1799 = arith.constant 432 : index
      %get3A_1800 = tpu.vector_load %arg9[%get3A_1798, %get3A_1799] {strides = array<i32>} : memref<3x512xi32, #tpu.memory_space<vmem>>, vector<16xi32>,
      %get3A_1801 = arith.constant 1 : i32
      %get3A_1802 = arith.index_cast %get3A_1801 : i32 to index
      %get3A_1803 = arith.constant 432 : index
      %get3A_1804 = tpu.vector_load %arg9[%get3A_1802, %get3A_1803] {strides = array<i32>} : memref<3x512xi32, #tpu.memory_space<vmem>>, vector<16xi32>,
      %mul3A_1805 = arith.constant 8 : i32
      %mul3A_1806 = vector.broadcast %mul3A_1805 : i32 to vector<16xi32>
      %mul3A_1807 = arith.muli %get3A_1800, %mul3A_1806 : vector<16xi32>
      %min3A_1808 = arith.constant 7 : i32
      %min3A_1809 = vector.broadcast %min3A_1808 : i32 to vector<16xi32>
      %min3A_1810 = arith.minsi %get3A_1804, %min3A_1809 : vector<16xi32>
      %add3A_1811 = arith.addi %mul3A_1807, %min3A_1810 : vector<16xi32>
      %shift_right_logical3A_1812 = arith.constant 7 : i32
      %shift_right_logical3A_1813 = vector.broadcast %shift_right_logical3A_1812 : i32 to vector<16xi32>
      %shift_right_logical3A_1814 = arith.shrui %add3A_1811, %shift_right_logical3A_1813 : vector<16xi32>
      %and3A_1815 = arith.constant 127 : i32
      %and3A_1816 = vector.broadcast %and3A_1815 : i32 to vector<16xi32>
      %and3A_1817 = arith.andi %add3A_1811, %and3A_1816 : vector<16xi32>
      %broadcast_in_dim3A_1818 = arith.constant 0.000000e+00 : f32
      %broadcast_in_dim3A_1819 = vector.broadcast %broadcast_in_dim3A_1818 : f32 to vector<16xf32>
      %add3A_1820 = arith.constant 1.000000e+00 : f32
      %add3A_1821 = vector.broadcast %add3A_1820 : f32 to vector<16xf32>
      %add3A_1822 = arith.addf %broadcast_in_dim3A_1819, %add3A_1821 : vector<16xf32>
      %lt3A_1823 = arith.constant 8 : i32
      %lt3A_1824 = vector.broadcast %lt3A_1823 : i32 to vector<16xi32>
      %lt3A_1825 = arith.cmpi slt, %get3A_1804, %lt3A_1824 : vector<16xi32>
      tpu.vector_store_idx %arg7[%shift_right_logical3A_1814, %and3A_1817], %add3A_1822 masked %lt3A_1825 {add = true} : memref<640x128xf32, #tpu.memory_space<vmem>>[vector<16xi32>, vector<16xi32>], vector<16xf32>, vector<16xi1>
      %get3A_1826 = arith.constant 0 : i32
      %get3A_1827 = arith.index_cast %get3A_1826 : i32 to index
      %get3A_1828 = arith.constant 448 : index
      %get3A_1829 = tpu.vector_load %arg9[%get3A_1827, %get3A_1828] {strides = array<i32>} : memref<3x512xi32, #tpu.memory_space<vmem>>, vector<16xi32>,
      %get3A_1830 = arith.constant 1 : i32
      %get3A_1831 = arith.index_cast %get3A_1830 : i32 to index
      %get3A_1832 = arith.constant 448 : index
      %get3A_1833 = tpu.vector_load %arg9[%get3A_1831, %get3A_1832] {strides = array<i32>} : memref<3x512xi32, #tpu.memory_space<vmem>>, vector<16xi32>,
      %mul3A_1834 = arith.constant 8 : i32
      %mul3A_1835 = vector.broadcast %mul3A_1834 : i32 to vector<16xi32>
      %mul3A_1836 = arith.muli %get3A_1829, %mul3A_1835 : vector<16xi32>
      %min3A_1837 = arith.constant 7 : i32
      %min3A_1838 = vector.broadcast %min3A_1837 : i32 to vector<16xi32>
      %min3A_1839 = arith.minsi %get3A_1833, %min3A_1838 : vector<16xi32>
      %add3A_1840 = arith.addi %mul3A_1836, %min3A_1839 : vector<16xi32>
      %shift_right_logical3A_1841 = arith.constant 7 : i32
      %shift_right_logical3A_1842 = vector.broadcast %shift_right_logical3A_1841 : i32 to vector<16xi32>
      %shift_right_logical3A_1843 = arith.shrui %add3A_1840, %shift_right_logical3A_1842 : vector<16xi32>
      %and3A_1844 = arith.constant 127 : i32
      %and3A_1845 = vector.broadcast %and3A_1844 : i32 to vector<16xi32>
      %and3A_1846 = arith.andi %add3A_1840, %and3A_1845 : vector<16xi32>
      %broadcast_in_dim3A_1847 = arith.constant 0.000000e+00 : f32
      %broadcast_in_dim3A_1848 = vector.broadcast %broadcast_in_dim3A_1847 : f32 to vector<16xf32>
      %add3A_1849 = arith.constant 1.000000e+00 : f32
      %add3A_1850 = vector.broadcast %add3A_1849 : f32 to vector<16xf32>
      %add3A_1851 = arith.addf %broadcast_in_dim3A_1848, %add3A_1850 : vector<16xf32>
      %lt3A_1852 = arith.constant 8 : i32
      %lt3A_1853 = vector.broadcast %lt3A_1852 : i32 to vector<16xi32>
      %lt3A_1854 = arith.cmpi slt, %get3A_1833, %lt3A_1853 : vector<16xi32>
      tpu.vector_store_idx %arg7[%shift_right_logical3A_1843, %and3A_1846], %add3A_1851 masked %lt3A_1854 {add = true} : memref<640x128xf32, #tpu.memory_space<vmem>>[vector<16xi32>, vector<16xi32>], vector<16xf32>, vector<16xi1>
      %get3A_1855 = arith.constant 0 : i32
      %get3A_1856 = arith.index_cast %get3A_1855 : i32 to index
      %get3A_1857 = arith.constant 464 : index
      %get3A_1858 = tpu.vector_load %arg9[%get3A_1856, %get3A_1857] {strides = array<i32>} : memref<3x512xi32, #tpu.memory_space<vmem>>, vector<16xi32>,
      %get3A_1859 = arith.constant 1 : i32
      %get3A_1860 = arith.index_cast %get3A_1859 : i32 to index
      %get3A_1861 = arith.constant 464 : index
      %get3A_1862 = tpu.vector_load %arg9[%get3A_1860, %get3A_1861] {strides = array<i32>} : memref<3x512xi32, #tpu.memory_space<vmem>>, vector<16xi32>,
      %mul3A_1863 = arith.constant 8 : i32
      %mul3A_1864 = vector.broadcast %mul3A_1863 : i32 to vector<16xi32>
      %mul3A_1865 = arith.muli %get3A_1858, %mul3A_1864 : vector<16xi32>
      %min3A_1866 = arith.constant 7 : i32
      %min3A_1867 = vector.broadcast %min3A_1866 : i32 to vector<16xi32>
      %min3A_1868 = arith.minsi %get3A_1862, %min3A_1867 : vector<16xi32>
      %add3A_1869 = arith.addi %mul3A_1865, %min3A_1868 : vector<16xi32>
      %shift_right_logical3A_1870 = arith.constant 7 : i32
      %shift_right_logical3A_1871 = vector.broadcast %shift_right_logical3A_1870 : i32 to vector<16xi32>
      %shift_right_logical3A_1872 = arith.shrui %add3A_1869, %shift_right_logical3A_1871 : vector<16xi32>
      %and3A_1873 = arith.constant 127 : i32
      %and3A_1874 = vector.broadcast %and3A_1873 : i32 to vector<16xi32>
      %and3A_1875 = arith.andi %add3A_1869, %and3A_1874 : vector<16xi32>
      %broadcast_in_dim3A_1876 = arith.constant 0.000000e+00 : f32
      %broadcast_in_dim3A_1877 = vector.broadcast %broadcast_in_dim3A_1876 : f32 to vector<16xf32>
      %add3A_1878 = arith.constant 1.000000e+00 : f32
      %add3A_1879 = vector.broadcast %add3A_1878 : f32 to vector<16xf32>
      %add3A_1880 = arith.addf %broadcast_in_dim3A_1877, %add3A_1879 : vector<16xf32>
      %lt3A_1881 = arith.constant 8 : i32
      %lt3A_1882 = vector.broadcast %lt3A_1881 : i32 to vector<16xi32>
      %lt3A_1883 = arith.cmpi slt, %get3A_1862, %lt3A_1882 : vector<16xi32>
      tpu.vector_store_idx %arg7[%shift_right_logical3A_1872, %and3A_1875], %add3A_1880 masked %lt3A_1883 {add = true} : memref<640x128xf32, #tpu.memory_space<vmem>>[vector<16xi32>, vector<16xi32>], vector<16xf32>, vector<16xi1>
      %get3A_1884 = arith.constant 0 : i32
      %get3A_1885 = arith.index_cast %get3A_1884 : i32 to index
      %get3A_1886 = arith.constant 480 : index
      %get3A_1887 = tpu.vector_load %arg9[%get3A_1885, %get3A_1886] {strides = array<i32>} : memref<3x512xi32, #tpu.memory_space<vmem>>, vector<16xi32>,
      %get3A_1888 = arith.constant 1 : i32
      %get3A_1889 = arith.index_cast %get3A_1888 : i32 to index
      %get3A_1890 = arith.constant 480 : index
      %get3A_1891 = tpu.vector_load %arg9[%get3A_1889, %get3A_1890] {strides = array<i32>} : memref<3x512xi32, #tpu.memory_space<vmem>>, vector<16xi32>,
      %mul3A_1892 = arith.constant 8 : i32
      %mul3A_1893 = vector.broadcast %mul3A_1892 : i32 to vector<16xi32>
      %mul3A_1894 = arith.muli %get3A_1887, %mul3A_1893 : vector<16xi32>
      %min3A_1895 = arith.constant 7 : i32
      %min3A_1896 = vector.broadcast %min3A_1895 : i32 to vector<16xi32>
      %min3A_1897 = arith.minsi %get3A_1891, %min3A_1896 : vector<16xi32>
      %add3A_1898 = arith.addi %mul3A_1894, %min3A_1897 : vector<16xi32>
      %shift_right_logical3A_1899 = arith.constant 7 : i32
      %shift_right_logical3A_1900 = vector.broadcast %shift_right_logical3A_1899 : i32 to vector<16xi32>
      %shift_right_logical3A_1901 = arith.shrui %add3A_1898, %shift_right_logical3A_1900 : vector<16xi32>
      %and3A_1902 = arith.constant 127 : i32
      %and3A_1903 = vector.broadcast %and3A_1902 : i32 to vector<16xi32>
      %and3A_1904 = arith.andi %add3A_1898, %and3A_1903 : vector<16xi32>
      %broadcast_in_dim3A_1905 = arith.constant 0.000000e+00 : f32
      %broadcast_in_dim3A_1906 = vector.broadcast %broadcast_in_dim3A_1905 : f32 to vector<16xf32>
      %add3A_1907 = arith.constant 1.000000e+00 : f32
      %add3A_1908 = vector.broadcast %add3A_1907 : f32 to vector<16xf32>
      %add3A_1909 = arith.addf %broadcast_in_dim3A_1906, %add3A_1908 : vector<16xf32>
      %lt3A_1910 = arith.constant 8 : i32
      %lt3A_1911 = vector.broadcast %lt3A_1910 : i32 to vector<16xi32>
      %lt3A_1912 = arith.cmpi slt, %get3A_1891, %lt3A_1911 : vector<16xi32>
      tpu.vector_store_idx %arg7[%shift_right_logical3A_1901, %and3A_1904], %add3A_1909 masked %lt3A_1912 {add = true} : memref<640x128xf32, #tpu.memory_space<vmem>>[vector<16xi32>, vector<16xi32>], vector<16xf32>, vector<16xi1>
      %get3A_1913 = arith.constant 0 : i32
      %get3A_1914 = arith.index_cast %get3A_1913 : i32 to index
      %get3A_1915 = arith.constant 496 : index
      %get3A_1916 = tpu.vector_load %arg9[%get3A_1914, %get3A_1915] {strides = array<i32>} : memref<3x512xi32, #tpu.memory_space<vmem>>, vector<16xi32>,
      %get3A_1917 = arith.constant 1 : i32
      %get3A_1918 = arith.index_cast %get3A_1917 : i32 to index
      %get3A_1919 = arith.constant 496 : index
      %get3A_1920 = tpu.vector_load %arg9[%get3A_1918, %get3A_1919] {strides = array<i32>} : memref<3x512xi32, #tpu.memory_space<vmem>>, vector<16xi32>,
      %mul3A_1921 = arith.constant 8 : i32
      %mul3A_1922 = vector.broadcast %mul3A_1921 : i32 to vector<16xi32>
      %mul3A_1923 = arith.muli %get3A_1916, %mul3A_1922 : vector<16xi32>
      %min3A_1924 = arith.constant 7 : i32
      %min3A_1925 = vector.broadcast %min3A_1924 : i32 to vector<16xi32>
      %min3A_1926 = arith.minsi %get3A_1920, %min3A_1925 : vector<16xi32>
      %add3A_1927 = arith.addi %mul3A_1923, %min3A_1926 : vector<16xi32>
      %shift_right_logical3A_1928 = arith.constant 7 : i32
      %shift_right_logical3A_1929 = vector.broadcast %shift_right_logical3A_1928 : i32 to vector<16xi32>
      %shift_right_logical3A_1930 = arith.shrui %add3A_1927, %shift_right_logical3A_1929 : vector<16xi32>
      %and3A_1931 = arith.constant 127 : i32
      %and3A_1932 = vector.broadcast %and3A_1931 : i32 to vector<16xi32>
      %and3A_1933 = arith.andi %add3A_1927, %and3A_1932 : vector<16xi32>
      %broadcast_in_dim3A_1934 = arith.constant 0.000000e+00 : f32
      %broadcast_in_dim3A_1935 = vector.broadcast %broadcast_in_dim3A_1934 : f32 to vector<16xf32>
      %add3A_1936 = arith.constant 1.000000e+00 : f32
      %add3A_1937 = vector.broadcast %add3A_1936 : f32 to vector<16xf32>
      %add3A_1938 = arith.addf %broadcast_in_dim3A_1935, %add3A_1937 : vector<16xf32>
      %lt3A_1939 = arith.constant 8 : i32
      %lt3A_1940 = vector.broadcast %lt3A_1939 : i32 to vector<16xi32>
      %lt3A_1941 = arith.cmpi slt, %get3A_1920, %lt3A_1940 : vector<16xi32>
      tpu.vector_store_idx %arg7[%shift_right_logical3A_1930, %and3A_1933], %add3A_1938 masked %lt3A_1941 {add = true} : memref<640x128xf32, #tpu.memory_space<vmem>>[vector<16xi32>, vector<16xi32>], vector<16xf32>, vector<16xi1>
      %scan3A_1942 = arith.constant 0 : i32
      scf.yield %scan3A_1942 : i32
    }
    %scan3A_14 = arith.constant 20 : i32
    %dma_wait3A = arith.constant 0 : i32
    %dma_wait3A_15 = arith.constant 0 : i32
    %dma_wait3A_16 = tpu.memref_slice %arg2[%dma_wait3A, %dma_wait3A_15] : memref<3x327680xi32, #tpu.memory_space<hbm>> -> memref<3x512xi32, #tpu.memory_space<hbm>>
    %dma_wait3A_17 = arith.constant 0 : i32
    %dma_wait3A_18 = arith.constant 0 : i32
    %dma_wait3A_19 = tpu.memref_slice %arg2[%dma_wait3A_17, %dma_wait3A_18] : memref<3x327680xi32, #tpu.memory_space<hbm>> -> memref<3x512xi32, #tpu.memory_space<hbm>>
    tpu.wait_dma2 semaphore(%arg15 : memref<!tpu.dma_semaphore, #tpu.memory_space<semaphore_mem>>) src(%dma_wait3A_19 : memref<3x512xi32, #tpu.memory_space<hbm>>) dst(%arg8 : memref<3x512xi32, #tpu.memory_space<vmem>>)
    %barrier3A = arith.constant 0 : index
    tpu.barrier barrier_id(%barrier3A)
    %scan3A_20 = arith.constant 0 : i32
    %scan3A_21 = arith.constant 0 : i32
    %scan3A_22 = arith.constant 5 : i32
    %scan3A_23 = arith.addi %scan3A_21, %scan3A_22 : i32
    %scan3A_24 = arith.constant 1 : i32
    %scan3A_25 = scf.for %scan3A_56 = %scan3A_21 to %scan3A_23 step %scan3A_24 iter_args(%scan3A_57 = %scan3A_20) -> (i32)  : i32 {
      %scan3A_58 = arith.constant 0 : i32
      %scan3A_59 = arith.constant 0 : i32
      %scan3A_60 = arith.constant 8 : i32
      %scan3A_61 = arith.addi %scan3A_59, %scan3A_60 : i32
      %scan3A_62 = arith.constant 1 : i32
      %scan3A_63 = scf.for %scan3A_68 = %scan3A_59 to %scan3A_61 step %scan3A_62 iter_args(%scan3A_69 = %scan3A_58) -> (i32)  : i32 {
        %iota3A = tpu.iota {dimensions = array<i32: 0>} : vector<16xi32>
        %mul3A_70 = arith.constant 128 : i32
        %mul3A_71 = arith.muli %scan3A_56, %mul3A_70 : i32
        %mul3A_72 = arith.constant 16 : i32
        %mul3A_73 = arith.muli %scan3A_68, %mul3A_72 : i32
        %add3A_74 = arith.addi %mul3A_71, %mul3A_73 : i32
        %add3A_75 = vector.broadcast %add3A_74 : i32 to vector<16xi32>
        %add3A_76 = arith.addi %iota3A, %add3A_75 : vector<16xi32>
        %mul3A_77 = arith.constant 16 : i32
        %mul3A_78 = arith.muli %scan3A_68, %mul3A_77 : i32
        %swap3A = arith.constant 0 : i32
        %swap3A_79 = arith.index_cast %swap3A : i32 to index
        %swap3A_80 = arith.index_cast %mul3A_78 : i32 to index
        %swap3A_81 = tpu.vector_load %arg14[%swap3A_79, %swap3A_80] {strides = array<i32>} : memref<1x128xi32, #tpu.memory_space<vmem>>, vector<16xi32>,
        tpu.vector_store %arg14[%swap3A_79, %swap3A_80], %add3A_76 {strides = array<i32>} : memref<1x128xi32, #tpu.memory_space<vmem>>, vector<16xi32>,
        %scan3A_82 = arith.constant 0 : i32
        scf.yield %scan3A_82 : i32
      }
      %scan3A_64 = arith.constant 8 : i32
      %mul3A_65 = arith.constant 128 : i32
      %mul3A_66 = arith.muli %scan3A_56, %mul3A_65 : i32
      %run_scoped3A = arith.constant 0 : i32
      "tpu.region"() ({
        %run_scoped3A_68 = tpu.sem_alloc : memref<!tpu.dma_semaphore, #tpu.memory_space<semaphore_mem>>
        %dma_start3A_69 = arith.constant 0 : i32
        %dma_start3A_70 = tpu.memref_slice %arg7[%mul3A_66, %dma_start3A_69] : memref<640x128xf32, #tpu.memory_space<vmem>> -> memref<128x128xf32, #tpu.memory_space<vmem>>
        %dma_start3A_71 = arith.constant 0 : i32
        %dma_start3A_72 = tpu.memref_slice %arg14[%run_scoped3A, %dma_start3A_71] : memref<1x128xi32, #tpu.memory_space<vmem>> -> memref<1x128xi32, #tpu.memory_space<vmem>>
        %dma_start3A_73 = tpu.memref_squeeze %dma_start3A_72 : memref<1x128xi32, #tpu.memory_space<vmem>> -> memref<128xi32, #tpu.memory_space<vmem>>
        %dma_start3A_74 = arith.constant 0 : i32
        %dma_start3A_75 = arith.constant 0 : i32
        %dma_start3A_76 = tpu.memref_slice %arg6[%dma_start3A_74, %dma_start3A_75] : memref<640x128xf32, #tpu.memory_space<vmem_shared>> -> memref<640x128xf32, #tpu.memory_space<vmem_shared>>
        tpu.enqueue_indirect_dma source(%dma_start3A_70 : memref<128x128xf32, #tpu.memory_space<vmem>>) target(%dma_start3A_76 : memref<640x128xf32, #tpu.memory_space<vmem_shared>>) offsets(%dma_start3A_73 : memref<128xi32, #tpu.memory_space<vmem>>) semaphore(%run_scoped3A_68 : memref<!tpu.dma_semaphore, #tpu.memory_space<semaphore_mem>>) {add = true}
        %dma_wait3A_77 = arith.constant 0 : i32
        %dma_wait3A_78 = tpu.memref_slice %arg7[%mul3A_66, %dma_wait3A_77] : memref<640x128xf32, #tpu.memory_space<vmem>> -> memref<128x128xf32, #tpu.memory_space<vmem>>
        %dma_wait3A_79 = arith.constant 0 : i32
        %dma_wait3A_80 = tpu.memref_slice %arg14[%run_scoped3A, %dma_wait3A_79] : memref<1x128xi32, #tpu.memory_space<vmem>> -> memref<1x128xi32, #tpu.memory_space<vmem>>
        %dma_wait3A_81 = tpu.memref_squeeze %dma_wait3A_80 : memref<1x128xi32, #tpu.memory_space<vmem>> -> memref<128xi32, #tpu.memory_space<vmem>>
        %dma_wait3A_82 = arith.constant 0 : i32
        %dma_wait3A_83 = arith.constant 0 : i32
        %dma_wait3A_84 = tpu.memref_slice %arg6[%dma_wait3A_82, %dma_wait3A_83] : memref<640x128xf32, #tpu.memory_space<vmem_shared>> -> memref<640x128xf32, #tpu.memory_space<vmem_shared>>
        tpu.wait_indirect_dma semaphore(%run_scoped3A_68 : memref<!tpu.dma_semaphore, #tpu.memory_space<semaphore_mem>>) src(%dma_wait3A_78 : memref<128x128xf32, #tpu.memory_space<vmem>>) dst(%dma_wait3A_84 : memref<640x128xf32, #tpu.memory_space<vmem_shared>>)
        tpu.yield
      }) : () -> ()
      %scan3A_67 = arith.constant 0 : i32
      scf.yield %scan3A_67 : i32
    }
    %scan3A_26 = arith.constant 5 : i32
    %barrier3A_27 = arith.constant 0 : index
    tpu.barrier barrier_id(%barrier3A_27)
    "tpu.region"() ({
      %run_scoped3A = tpu.sem_alloc : memref<!tpu.dma_semaphore, #tpu.memory_space<semaphore_mem>>
      tpu.enqueue_dma source(%arg6 : memref<640x128xf32, #tpu.memory_space<vmem_shared>>) target(%arg7 : memref<640x128xf32, #tpu.memory_space<vmem>>) target_semaphore(%run_scoped3A : memref<!tpu.dma_semaphore, #tpu.memory_space<semaphore_mem>>)
      tpu.wait_dma2 semaphore(%run_scoped3A : memref<!tpu.dma_semaphore, #tpu.memory_space<semaphore_mem>>) src(%arg6 : memref<640x128xf32, #tpu.memory_space<vmem_shared>>) dst(%arg7 : memref<640x128xf32, #tpu.memory_space<vmem>>)
      tpu.yield
    }) : () -> ()
    %mul3A_28 = arith.constant 16 : i32
    %mul3A_29 = arith.muli %arg0, %mul3A_28 : i32
    %add3A_30 = arith.addi %mul3A_29, %arg1 : i32
    %mul3A_31 = arith.constant 10240 : i32
    %mul3A_32 = arith.muli %add3A_30, %mul3A_31 : i32
    %add3A_33 = arith.constant 0 : i32
    %add3A_34 = arith.addi %mul3A_32, %add3A_33 : i32
    %dma_start3A_35 = arith.constant 0 : i32
    %dma_start3A_36 = tpu.memref_slice %arg2[%dma_start3A_35, %add3A_34] : memref<3x327680xi32, #tpu.memory_space<hbm>> -> memref<3x128xi32, #tpu.memory_space<hbm>>
    %dma_start3A_37 = arith.constant 0 : i32
    %dma_start3A_38 = tpu.memref_slice %arg2[%dma_start3A_37, %add3A_34] : memref<3x327680xi32, #tpu.memory_space<hbm>> -> memref<3x128xi32, #tpu.memory_space<hbm>>
    tpu.enqueue_dma source(%dma_start3A_38 : memref<3x128xi32, #tpu.memory_space<hbm>>) target(%arg10 : memref<3x128xi32, #tpu.memory_space<vmem>>) target_semaphore(%arg15 : memref<!tpu.dma_semaphore, #tpu.memory_space<semaphore_mem>>)
    %scan3A_39 = arith.constant 0 : i32
    %scan3A_40 = arith.constant 0 : i32
    %scan3A_41 = arith.constant 40 : i32
    %scan3A_42 = arith.addi %scan3A_40, %scan3A_41 : i32
    %scan3A_43 = arith.constant 1 : i32
    %scan3A_44 = scf.for %scan3A_56 = %scan3A_40 to %scan3A_42 step %scan3A_43 iter_args(%scan3A_57 = %scan3A_39) -> (i32)  : i32 {
      %mul3A_58 = arith.constant 2 : i32
      %mul3A_59 = arith.muli %scan3A_56, %mul3A_58 : i32
      %add3A_60 = arith.constant 1 : i32
      %add3A_61 = arith.addi %mul3A_59, %add3A_60 : i32
      %mul3A_62 = arith.constant 128 : i32
      %mul3A_63 = arith.muli %add3A_61, %mul3A_62 : i32
      %add3A_64 = arith.addi %mul3A_32, %mul3A_63 : i32
      %dma_start3A_65 = arith.constant 0 : i32
      %dma_start3A_66 = tpu.memref_slice %arg2[%dma_start3A_65, %add3A_64] : memref<3x327680xi32, #tpu.memory_space<hbm>> -> memref<3x128xi32, #tpu.memory_space<hbm>>
      %dma_start3A_67 = arith.constant 0 : i32
      %dma_start3A_68 = tpu.memref_slice %arg2[%dma_start3A_67, %add3A_64] : memref<3x327680xi32, #tpu.memory_space<hbm>> -> memref<3x128xi32, #tpu.memory_space<hbm>>
      tpu.enqueue_dma source(%dma_start3A_68 : memref<3x128xi32, #tpu.memory_space<hbm>>) target(%arg11 : memref<3x128xi32, #tpu.memory_space<vmem>>) target_semaphore(%arg16 : memref<!tpu.dma_semaphore, #tpu.memory_space<semaphore_mem>>)
      %dma_wait3A_69 = arith.constant 0 : i32
      %dma_wait3A_70 = arith.constant 0 : i32
      %dma_wait3A_71 = tpu.memref_slice %arg2[%dma_wait3A_69, %dma_wait3A_70] : memref<3x327680xi32, #tpu.memory_space<hbm>> -> memref<3x128xi32, #tpu.memory_space<hbm>>
      %dma_wait3A_72 = arith.constant 0 : i32
      %dma_wait3A_73 = arith.constant 0 : i32
      %dma_wait3A_74 = tpu.memref_slice %arg2[%dma_wait3A_72, %dma_wait3A_73] : memref<3x327680xi32, #tpu.memory_space<hbm>> -> memref<3x128xi32, #tpu.memory_space<hbm>>
      tpu.wait_dma2 semaphore(%arg15 : memref<!tpu.dma_semaphore, #tpu.memory_space<semaphore_mem>>) src(%dma_wait3A_74 : memref<3x128xi32, #tpu.memory_space<hbm>>) dst(%arg10 : memref<3x128xi32, #tpu.memory_space<vmem>>)
      %scan3A_75 = arith.constant 0 : i32
      %scan3A_76 = arith.constant 0 : i32
      %scan3A_77 = arith.constant 8 : i32
      %scan3A_78 = arith.addi %scan3A_76, %scan3A_77 : i32
      %scan3A_79 = arith.constant 1 : i32
      %scan3A_80 = scf.for %scan3A_108 = %scan3A_76 to %scan3A_78 step %scan3A_79 iter_args(%scan3A_109 = %scan3A_75) -> (i32)  : i32 {
        %mul3A_110 = arith.constant 16 : i32
        %mul3A_111 = arith.muli %scan3A_108, %mul3A_110 : i32
        %get3A = arith.constant 0 : i32
        %get3A_112 = arith.index_cast %get3A : i32 to index
        %get3A_113 = arith.index_cast %mul3A_111 : i32 to index
        %get3A_114 = tpu.vector_load %arg10[%get3A_112, %get3A_113] {strides = array<i32>} : memref<3x128xi32, #tpu.memory_space<vmem>>, vector<16xi32>,
        %mul3A_115 = arith.constant 16 : i32
        %mul3A_116 = arith.muli %scan3A_108, %mul3A_115 : i32
        %get3A_117 = arith.constant 1 : i32
        %get3A_118 = arith.index_cast %get3A_117 : i32 to index
        %get3A_119 = arith.index_cast %mul3A_116 : i32 to index
        %get3A_120 = tpu.vector_load %arg10[%get3A_118, %get3A_119] {strides = array<i32>} : memref<3x128xi32, #tpu.memory_space<vmem>>, vector<16xi32>,
        %mul3A_121 = arith.constant 16 : i32
        %mul3A_122 = arith.muli %scan3A_108, %mul3A_121 : i32
        %get3A_123 = arith.constant 2 : i32
        %get3A_124 = arith.index_cast %get3A_123 : i32 to index
        %get3A_125 = arith.index_cast %mul3A_122 : i32 to index
        %get3A_126 = tpu.vector_load %arg10[%get3A_124, %get3A_125] {strides = array<i32>} : memref<3x128xi32, #tpu.memory_space<vmem>>, vector<16xi32>,
        %mul3A_127 = arith.constant 8 : i32
        %mul3A_128 = vector.broadcast %mul3A_127 : i32 to vector<16xi32>
        %mul3A_129 = arith.muli %get3A_114, %mul3A_128 : vector<16xi32>
        %min3A_130 = arith.constant 7 : i32
        %min3A_131 = vector.broadcast %min3A_130 : i32 to vector<16xi32>
        %min3A_132 = arith.minsi %get3A_120, %min3A_131 : vector<16xi32>
        %add3A_133 = arith.addi %mul3A_129, %min3A_132 : vector<16xi32>
        %shift_right_logical3A = arith.constant 7 : i32
        %shift_right_logical3A_134 = vector.broadcast %shift_right_logical3A : i32 to vector<16xi32>
        %shift_right_logical3A_135 = arith.shrui %add3A_133, %shift_right_logical3A_134 : vector<16xi32>
        %and3A = arith.constant 127 : i32
        %and3A_136 = vector.broadcast %and3A : i32 to vector<16xi32>
        %and3A_137 = arith.andi %add3A_133, %and3A_136 : vector<16xi32>
        %gather3A = tpu.vector_load_idx %arg7[%shift_right_logical3A_135, %and3A_137] : memref<640x128xf32, #tpu.memory_space<vmem>>[vector<16xi32>, vector<16xi32>], vector<16xf32>,
        %lt3A = arith.constant 8 : i32
        %lt3A_138 = vector.broadcast %lt3A : i32 to vector<16xi32>
        %lt3A_139 = arith.cmpi slt, %get3A_120, %lt3A_138 : vector<16xi32>
        %max3A = arith.constant 1.000000e+00 : f32
        %max3A_140 = vector.broadcast %max3A : f32 to vector<16xf32>
        %max3A_141 = arith.maximumf %gather3A, %max3A_140 : vector<16xf32>
        %div3A = arith.constant 1.000000e+00 : f32
        %div3A_142 = vector.broadcast %div3A : f32 to vector<16xf32>
        %div3A_143 = arith.divf %div3A_142, %max3A_141 : vector<16xf32>
        %jit3A = arith.constant 0.000000e+00 : f32
        %broadcast_in_dim3A = vector.broadcast %jit3A : f32 to vector<16xf32>
        %select_n3A = arith.select %lt3A_139, %div3A_143, %broadcast_in_dim3A : vector<16xi1>, vector<16xf32>
        %mul3A_144 = arith.constant 16 : i32
        %mul3A_145 = arith.muli %scan3A_108, %mul3A_144 : i32
        %swap3A = arith.index_cast %mul3A_59 : i32 to index
        %swap3A_146 = arith.index_cast %mul3A_145 : i32 to index
        %swap3A_147 = tpu.vector_load %arg12[%swap3A, %swap3A_146] {strides = array<i32>} : memref<80x128xf32, #tpu.memory_space<vmem>>, vector<16xf32>,
        tpu.vector_store %arg12[%swap3A, %swap3A_146], %select_n3A {strides = array<i32>} : memref<80x128xf32, #tpu.memory_space<vmem>>, vector<16xf32>,
        %lt3A_148 = arith.constant 8 : i32
        %lt3A_149 = vector.broadcast %lt3A_148 : i32 to vector<16xi32>
        %lt3A_150 = arith.cmpi slt, %get3A_120, %lt3A_149 : vector<16xi32>
        %jit3A_151 = arith.constant 0 : i32
        %broadcast_in_dim3A_152 = vector.broadcast %jit3A_151 : i32 to vector<16xi32>
        %select_n3A_153 = arith.select %lt3A_150, %get3A_120, %broadcast_in_dim3A_152 : vector<16xi1>, vector<16xi32>
        %mul3A_154 = arith.constant 10000 : i32
        %mul3A_155 = vector.broadcast %mul3A_154 : i32 to vector<16xi32>
        %mul3A_156 = arith.muli %select_n3A_153, %mul3A_155 : vector<16xi32>
        %add3A_157 = arith.addi %mul3A_156, %get3A_126 : vector<16xi32>
        %mul3A_158 = arith.constant 16 : i32
        %mul3A_159 = arith.muli %scan3A_108, %mul3A_158 : i32
        %swap3A_160 = arith.index_cast %mul3A_59 : i32 to index
        %swap3A_161 = arith.index_cast %mul3A_159 : i32 to index
        %swap3A_162 = tpu.vector_load %arg13[%swap3A_160, %swap3A_161] {strides = array<i32>} : memref<80x128xi32, #tpu.memory_space<vmem>>, vector<16xi32>,
        tpu.vector_store %arg13[%swap3A_160, %swap3A_161], %add3A_157 {strides = array<i32>} : memref<80x128xi32, #tpu.memory_space<vmem>>, vector<16xi32>,
        %scan3A_163 = arith.constant 0 : i32
        scf.yield %scan3A_163 : i32
      }
      %scan3A_81 = arith.constant 8 : i32
      %add3A_82 = arith.constant 2 : i32
      %add3A_83 = arith.addi %mul3A_59, %add3A_82 : i32
      %min3A = arith.constant 79 : i32
      %min3A_84 = arith.minsi %add3A_83, %min3A : i32
      %mul3A_85 = arith.constant 128 : i32
      %mul3A_86 = arith.muli %min3A_84, %mul3A_85 : i32
      %add3A_87 = arith.addi %mul3A_32, %mul3A_86 : i32
      %dma_start3A_88 = arith.constant 0 : i32
      %dma_start3A_89 = tpu.memref_slice %arg2[%dma_start3A_88, %add3A_87] : memref<3x327680xi32, #tpu.memory_space<hbm>> -> memref<3x128xi32, #tpu.memory_space<hbm>>
      %dma_start3A_90 = arith.constant 0 : i32
      %dma_start3A_91 = tpu.memref_slice %arg2[%dma_start3A_90, %add3A_87] : memref<3x327680xi32, #tpu.memory_space<hbm>> -> memref<3x128xi32, #tpu.memory_space<hbm>>
      tpu.enqueue_dma source(%dma_start3A_91 : memref<3x128xi32, #tpu.memory_space<hbm>>) target(%arg10 : memref<3x128xi32, #tpu.memory_space<vmem>>) target_semaphore(%arg15 : memref<!tpu.dma_semaphore, #tpu.memory_space<semaphore_mem>>)
      %dma_wait3A_92 = arith.constant 0 : i32
      %dma_wait3A_93 = arith.constant 0 : i32
      %dma_wait3A_94 = tpu.memref_slice %arg2[%dma_wait3A_92, %dma_wait3A_93] : memref<3x327680xi32, #tpu.memory_space<hbm>> -> memref<3x128xi32, #tpu.memory_space<hbm>>
      %dma_wait3A_95 = arith.constant 0 : i32
      %dma_wait3A_96 = arith.constant 0 : i32
      %dma_wait3A_97 = tpu.memref_slice %arg2[%dma_wait3A_95, %dma_wait3A_96] : memref<3x327680xi32, #tpu.memory_space<hbm>> -> memref<3x128xi32, #tpu.memory_space<hbm>>
      tpu.wait_dma2 semaphore(%arg16 : memref<!tpu.dma_semaphore, #tpu.memory_space<semaphore_mem>>) src(%dma_wait3A_97 : memref<3x128xi32, #tpu.memory_space<hbm>>) dst(%arg11 : memref<3x128xi32, #tpu.memory_space<vmem>>)
      %add3A_98 = arith.constant 1 : i32
      %add3A_99 = arith.addi %mul3A_59, %add3A_98 : i32
      %scan3A_100 = arith.constant 0 : i32
      %scan3A_101 = arith.constant 0 : i32
      %scan3A_102 = arith.constant 8 : i32
      %scan3A_103 = arith.addi %scan3A_101, %scan3A_102 : i32
      %scan3A_104 = arith.constant 1 : i32
      %scan3A_105 = scf.for %scan3A_108 = %scan3A_101 to %scan3A_103 step %scan3A_104 iter_args(%scan3A_109 = %scan3A_100) -> (i32)  : i32 {
        %mul3A_110 = arith.constant 16 : i32
        %mul3A_111 = arith.muli %scan3A_108, %mul3A_110 : i32
        %get3A = arith.constant 0 : i32
        %get3A_112 = arith.index_cast %get3A : i32 to index
        %get3A_113 = arith.index_cast %mul3A_111 : i32 to index
        %get3A_114 = tpu.vector_load %arg11[%get3A_112, %get3A_113] {strides = array<i32>} : memref<3x128xi32, #tpu.memory_space<vmem>>, vector<16xi32>,
        %mul3A_115 = arith.constant 16 : i32
        %mul3A_116 = arith.muli %scan3A_108, %mul3A_115 : i32
        %get3A_117 = arith.constant 1 : i32
        %get3A_118 = arith.index_cast %get3A_117 : i32 to index
        %get3A_119 = arith.index_cast %mul3A_116 : i32 to index
        %get3A_120 = tpu.vector_load %arg11[%get3A_118, %get3A_119] {strides = array<i32>} : memref<3x128xi32, #tpu.memory_space<vmem>>, vector<16xi32>,
        %mul3A_121 = arith.constant 16 : i32
        %mul3A_122 = arith.muli %scan3A_108, %mul3A_121 : i32
        %get3A_123 = arith.constant 2 : i32
        %get3A_124 = arith.index_cast %get3A_123 : i32 to index
        %get3A_125 = arith.index_cast %mul3A_122 : i32 to index
        %get3A_126 = tpu.vector_load %arg11[%get3A_124, %get3A_125] {strides = array<i32>} : memref<3x128xi32, #tpu.memory_space<vmem>>, vector<16xi32>,
        %mul3A_127 = arith.constant 8 : i32
        %mul3A_128 = vector.broadcast %mul3A_127 : i32 to vector<16xi32>
        %mul3A_129 = arith.muli %get3A_114, %mul3A_128 : vector<16xi32>
        %min3A_130 = arith.constant 7 : i32
        %min3A_131 = vector.broadcast %min3A_130 : i32 to vector<16xi32>
        %min3A_132 = arith.minsi %get3A_120, %min3A_131 : vector<16xi32>
        %add3A_133 = arith.addi %mul3A_129, %min3A_132 : vector<16xi32>
        %shift_right_logical3A = arith.constant 7 : i32
        %shift_right_logical3A_134 = vector.broadcast %shift_right_logical3A : i32 to vector<16xi32>
        %shift_right_logical3A_135 = arith.shrui %add3A_133, %shift_right_logical3A_134 : vector<16xi32>
        %and3A = arith.constant 127 : i32
        %and3A_136 = vector.broadcast %and3A : i32 to vector<16xi32>
        %and3A_137 = arith.andi %add3A_133, %and3A_136 : vector<16xi32>
        %gather3A = tpu.vector_load_idx %arg7[%shift_right_logical3A_135, %and3A_137] : memref<640x128xf32, #tpu.memory_space<vmem>>[vector<16xi32>, vector<16xi32>], vector<16xf32>,
        %lt3A = arith.constant 8 : i32
        %lt3A_138 = vector.broadcast %lt3A : i32 to vector<16xi32>
        %lt3A_139 = arith.cmpi slt, %get3A_120, %lt3A_138 : vector<16xi32>
        %max3A = arith.constant 1.000000e+00 : f32
        %max3A_140 = vector.broadcast %max3A : f32 to vector<16xf32>
        %max3A_141 = arith.maximumf %gather3A, %max3A_140 : vector<16xf32>
        %div3A = arith.constant 1.000000e+00 : f32
        %div3A_142 = vector.broadcast %div3A : f32 to vector<16xf32>
        %div3A_143 = arith.divf %div3A_142, %max3A_141 : vector<16xf32>
        %jit3A = arith.constant 0.000000e+00 : f32
        %broadcast_in_dim3A = vector.broadcast %jit3A : f32 to vector<16xf32>
        %select_n3A = arith.select %lt3A_139, %div3A_143, %broadcast_in_dim3A : vector<16xi1>, vector<16xf32>
        %mul3A_144 = arith.constant 16 : i32
        %mul3A_145 = arith.muli %scan3A_108, %mul3A_144 : i32
        %swap3A = arith.index_cast %add3A_99 : i32 to index
        %swap3A_146 = arith.index_cast %mul3A_145 : i32 to index
        %swap3A_147 = tpu.vector_load %arg12[%swap3A, %swap3A_146] {strides = array<i32>} : memref<80x128xf32, #tpu.memory_space<vmem>>, vector<16xf32>,
        tpu.vector_store %arg12[%swap3A, %swap3A_146], %select_n3A {strides = array<i32>} : memref<80x128xf32, #tpu.memory_space<vmem>>, vector<16xf32>,
        %lt3A_148 = arith.constant 8 : i32
        %lt3A_149 = vector.broadcast %lt3A_148 : i32 to vector<16xi32>
        %lt3A_150 = arith.cmpi slt, %get3A_120, %lt3A_149 : vector<16xi32>
        %jit3A_151 = arith.constant 0 : i32
        %broadcast_in_dim3A_152 = vector.broadcast %jit3A_151 : i32 to vector<16xi32>
        %select_n3A_153 = arith.select %lt3A_150, %get3A_120, %broadcast_in_dim3A_152 : vector<16xi1>, vector<16xi32>
        %mul3A_154 = arith.constant 10000 : i32
        %mul3A_155 = vector.broadcast %mul3A_154 : i32 to vector<16xi32>
        %mul3A_156 = arith.muli %select_n3A_153, %mul3A_155 : vector<16xi32>
        %add3A_157 = arith.addi %mul3A_156, %get3A_126 : vector<16xi32>
        %mul3A_158 = arith.constant 16 : i32
        %mul3A_159 = arith.muli %scan3A_108, %mul3A_158 : i32
        %swap3A_160 = arith.index_cast %add3A_99 : i32 to index
        %swap3A_161 = arith.index_cast %mul3A_159 : i32 to index
        %swap3A_162 = tpu.vector_load %arg13[%swap3A_160, %swap3A_161] {strides = array<i32>} : memref<80x128xi32, #tpu.memory_space<vmem>>, vector<16xi32>,
        tpu.vector_store %arg13[%swap3A_160, %swap3A_161], %add3A_157 {strides = array<i32>} : memref<80x128xi32, #tpu.memory_space<vmem>>, vector<16xi32>,
        %scan3A_163 = arith.constant 0 : i32
        scf.yield %scan3A_163 : i32
      }
      %scan3A_106 = arith.constant 8 : i32
      %scan3A_107 = arith.constant 0 : i32
      scf.yield %scan3A_107 : i32
    }
    %scan3A_45 = arith.constant 40 : i32
    %dma_wait3A_46 = arith.constant 0 : i32
    %dma_wait3A_47 = arith.constant 0 : i32
    %dma_wait3A_48 = tpu.memref_slice %arg2[%dma_wait3A_46, %dma_wait3A_47] : memref<3x327680xi32, #tpu.memory_space<hbm>> -> memref<3x128xi32, #tpu.memory_space<hbm>>
    %dma_wait3A_49 = arith.constant 0 : i32
    %dma_wait3A_50 = arith.constant 0 : i32
    %dma_wait3A_51 = tpu.memref_slice %arg2[%dma_wait3A_49, %dma_wait3A_50] : memref<3x327680xi32, #tpu.memory_space<hbm>> -> memref<3x128xi32, #tpu.memory_space<hbm>>
    tpu.wait_dma2 semaphore(%arg15 : memref<!tpu.dma_semaphore, #tpu.memory_space<semaphore_mem>>) src(%dma_wait3A_51 : memref<3x128xi32, #tpu.memory_space<hbm>>) dst(%arg10 : memref<3x128xi32, #tpu.memory_space<vmem>>)
    %mul3A_52 = arith.constant 80 : i32
    %mul3A_53 = arith.muli %add3A_30, %mul3A_52 : i32
    "tpu.region"() ({
      %run_scoped3A = tpu.sem_alloc : memref<!tpu.dma_semaphore, #tpu.memory_space<semaphore_mem>>
      %dma_start3A_56 = arith.constant 0 : i32
      %dma_start3A_57 = tpu.memref_slice %arg4[%mul3A_53, %dma_start3A_56] : memref<2560x128xf32, #tpu.memory_space<hbm>> -> memref<80x128xf32, #tpu.memory_space<hbm>>
      %dma_start3A_58 = arith.constant 0 : i32
      %dma_start3A_59 = tpu.memref_slice %arg4[%mul3A_53, %dma_start3A_58] : memref<2560x128xf32, #tpu.memory_space<hbm>> -> memref<80x128xf32, #tpu.memory_space<hbm>>
      tpu.enqueue_dma source(%arg12 : memref<80x128xf32, #tpu.memory_space<vmem>>) target(%dma_start3A_59 : memref<80x128xf32, #tpu.memory_space<hbm>>) target_semaphore(%run_scoped3A : memref<!tpu.dma_semaphore, #tpu.memory_space<semaphore_mem>>)
      %dma_wait3A_60 = arith.constant 0 : i32
      %dma_wait3A_61 = tpu.memref_slice %arg4[%mul3A_53, %dma_wait3A_60] : memref<2560x128xf32, #tpu.memory_space<hbm>> -> memref<80x128xf32, #tpu.memory_space<hbm>>
      %dma_wait3A_62 = arith.constant 0 : i32
      %dma_wait3A_63 = tpu.memref_slice %arg4[%mul3A_53, %dma_wait3A_62] : memref<2560x128xf32, #tpu.memory_space<hbm>> -> memref<80x128xf32, #tpu.memory_space<hbm>>
      tpu.wait_dma2 semaphore(%run_scoped3A : memref<!tpu.dma_semaphore, #tpu.memory_space<semaphore_mem>>) src(%arg12 : memref<80x128xf32, #tpu.memory_space<vmem>>) dst(%dma_wait3A_63 : memref<80x128xf32, #tpu.memory_space<hbm>>)
      tpu.yield
    }) : () -> ()
    %mul3A_54 = arith.constant 80 : i32
    %mul3A_55 = arith.muli %add3A_30, %mul3A_54 : i32
    "tpu.region"() ({
      %run_scoped3A = tpu.sem_alloc : memref<!tpu.dma_semaphore, #tpu.memory_space<semaphore_mem>>
      %dma_start3A_56 = arith.constant 0 : i32
      %dma_start3A_57 = tpu.memref_slice %arg5[%mul3A_55, %dma_start3A_56] : memref<2560x128xi32, #tpu.memory_space<hbm>> -> memref<80x128xi32, #tpu.memory_space<hbm>>
      %dma_start3A_58 = arith.constant 0 : i32
      %dma_start3A_59 = tpu.memref_slice %arg5[%mul3A_55, %dma_start3A_58] : memref<2560x128xi32, #tpu.memory_space<hbm>> -> memref<80x128xi32, #tpu.memory_space<hbm>>
      tpu.enqueue_dma source(%arg13 : memref<80x128xi32, #tpu.memory_space<vmem>>) target(%dma_start3A_59 : memref<80x128xi32, #tpu.memory_space<hbm>>) target_semaphore(%run_scoped3A : memref<!tpu.dma_semaphore, #tpu.memory_space<semaphore_mem>>)
      %dma_wait3A_60 = arith.constant 0 : i32
      %dma_wait3A_61 = tpu.memref_slice %arg5[%mul3A_55, %dma_wait3A_60] : memref<2560x128xi32, #tpu.memory_space<hbm>> -> memref<80x128xi32, #tpu.memory_space<hbm>>
      %dma_wait3A_62 = arith.constant 0 : i32
      %dma_wait3A_63 = tpu.memref_slice %arg5[%mul3A_55, %dma_wait3A_62] : memref<2560x128xi32, #tpu.memory_space<hbm>> -> memref<80x128xi32, #tpu.memory_space<hbm>>
      tpu.wait_dma2 semaphore(%run_scoped3A : memref<!tpu.dma_semaphore, #tpu.memory_space<semaphore_mem>>) src(%arg13 : memref<80x128xi32, #tpu.memory_space<vmem>>) dst(%dma_wait3A_63 : memref<80x128xi32, #tpu.memory_space<hbm>>)
      tpu.yield
    }) : () -> ()
    return
  }
}

#map = affine_map<(d0, d1) -> (0, 0)>
#map1 = affine_map<(d0, d1) -> (0, 0, 0)>
module attributes {stable_mosaic.version = 14 : i64} {
  func.func @_agg_body(%arg0: i32, %arg1: i32, %arg2: memref<80000x128xf32, #tpu.memory_space<hbm>>, %arg3: memref<2560x128xi32, #tpu.memory_space<hbm>>, %arg4: memref<2560x128xf32, #tpu.memory_space<hbm>>, %arg5: memref<2560x128xi32, #tpu.memory_space<hbm>>, %arg6: memref<10240x128xf32, #tpu.memory_space<hbm>>, %arg7: memref<2x10240x128xf32, #tpu.memory_space<hbm>>, %arg8: memref<10240x128xf32, #tpu.memory_space<vmem_shared>>, %arg9: memref<40x128xi32, #tpu.memory_space<vmem>>, %arg10: memref<40x128xf32, #tpu.memory_space<vmem>>, %arg11: memref<40x128xi32, #tpu.memory_space<vmem>>, %arg12: memref<128x128xf32, #tpu.memory_space<vmem>>, %arg13: memref<128x128xf32, #tpu.memory_space<vmem>>, %arg14: memref<!tpu.dma_semaphore, #tpu.memory_space<semaphore_mem>>, %arg15: memref<!tpu.dma_semaphore, #tpu.memory_space<semaphore_mem>>) attributes {dimension_semantics = [#tpu.dimension_semantics<core_parallel>, #tpu.dimension_semantics<subcore_parallel>], iteration_bounds = array<i64: 2, 16>, scalar_prefetch = 0 : i64, scratch_operands = 8 : i64, tpu.core_type = #tpu.core_type<sc_vector_subcore>, window_params = [{transform_indices = #map}, {transform_indices = #map}, {transform_indices = #map}, {transform_indices = #map}, {transform_indices = #map}, {transform_indices = #map1}]} {
    %mul3A = arith.constant 640 : i32
    %mul3A_0 = arith.muli %arg1, %mul3A : i32
    %mul3A_1 = arith.constant 640 : i32
    %mul3A_2 = arith.muli %arg1, %mul3A_1 : i32
    "tpu.region"() ({
      %run_scoped3A = tpu.sem_alloc : memref<!tpu.dma_semaphore, #tpu.memory_space<semaphore_mem>>
      %dma_start3A = arith.constant 0 : i32
      %dma_start3A_29 = tpu.memref_slice %arg8[%mul3A_2, %dma_start3A] : memref<10240x128xf32, #tpu.memory_space<vmem_shared>> -> memref<640x128xf32, #tpu.memory_space<vmem_shared>>
      %dma_start3A_30 = arith.constant 0 : i32
      %dma_start3A_31 = tpu.memref_slice %arg6[%mul3A_0, %dma_start3A_30] : memref<10240x128xf32, #tpu.memory_space<hbm>> -> memref<640x128xf32, #tpu.memory_space<hbm>>
      tpu.enqueue_dma source(%dma_start3A_31 : memref<640x128xf32, #tpu.memory_space<hbm>>) target(%dma_start3A_29 : memref<640x128xf32, #tpu.memory_space<vmem_shared>>) target_semaphore(%run_scoped3A : memref<!tpu.dma_semaphore, #tpu.memory_space<semaphore_mem>>)
      %dma_wait3A = arith.constant 0 : i32
      %dma_wait3A_32 = tpu.memref_slice %arg8[%mul3A_2, %dma_wait3A] : memref<10240x128xf32, #tpu.memory_space<vmem_shared>> -> memref<640x128xf32, #tpu.memory_space<vmem_shared>>
      %dma_wait3A_33 = arith.constant 0 : i32
      %dma_wait3A_34 = tpu.memref_slice %arg6[%mul3A_0, %dma_wait3A_33] : memref<10240x128xf32, #tpu.memory_space<hbm>> -> memref<640x128xf32, #tpu.memory_space<hbm>>
      tpu.wait_dma2 semaphore(%run_scoped3A : memref<!tpu.dma_semaphore, #tpu.memory_space<semaphore_mem>>) src(%dma_wait3A_34 : memref<640x128xf32, #tpu.memory_space<hbm>>) dst(%dma_wait3A_32 : memref<640x128xf32, #tpu.memory_space<vmem_shared>>)
      tpu.yield
    }) : () -> ()
    %barrier3A = arith.constant 0 : index
    tpu.barrier barrier_id(%barrier3A)
    %eq3A = arith.constant 0 : i32
    %eq3A_3 = arith.cmpi eq, %arg0, %eq3A : i32
    %jit3A = arith.constant 3 : i32
    %jit3A_4 = arith.constant 1 : i32
    %select_n3A = arith.select %eq3A_3, %jit3A, %jit3A_4 : i32
    %eq3A_5 = arith.constant 0 : i32
    %eq3A_6 = arith.cmpi eq, %arg0, %eq3A_5 : i32
    %mul3A_7 = arith.constant 120 : i32
    %mul3A_8 = arith.muli %arg1, %mul3A_7 : i32
    %mul3A_9 = arith.constant 40 : i32
    %mul3A_10 = arith.muli %arg1, %mul3A_9 : i32
    %add3A = arith.constant 1920 : i32
    %add3A_11 = arith.addi %add3A, %mul3A_10 : i32
    %select_n3A_12 = arith.select %eq3A_6, %mul3A_8, %add3A_11 : i32
    %while3A = arith.constant 0 : i32
    %while3A_13 = arith.constant 0 : i32
    %while3A_14 = arith.subi %select_n3A, %while3A : i32
    %while3A_15 = arith.addi %while3A, %while3A_14 : i32
    %while3A_16 = arith.constant 1 : i32
    %while3A_17 = arith.divsi %while3A_14, %while3A_16 : i32
    %while3A_18 = arith.muli %while3A_17, %while3A_16 : i32
    %while3A_19 = arith.addi %while3A, %while3A_18 : i32
    %while3A_20 = arith.constant 1 : i32
    %while3A_21 = scf.for %while3A_29 = %while3A to %while3A_19 step %while3A_20 iter_args(%while3A_30 = %while3A_13) -> (i32)  : i32 {
      %mul3A_31 = arith.constant 40 : i32
      %mul3A_32 = arith.muli %while3A_29, %mul3A_31 : i32
      %add3A_33 = arith.addi %select_n3A_12, %mul3A_32 : i32
      "tpu.region"() ({
        %run_scoped3A = tpu.sem_alloc : memref<!tpu.dma_semaphore, #tpu.memory_space<semaphore_mem>>
        %dma_start3A_53 = arith.constant 0 : i32
        %dma_start3A_54 = tpu.memref_slice %arg3[%add3A_33, %dma_start3A_53] : memref<2560x128xi32, #tpu.memory_space<hbm>> -> memref<40x128xi32, #tpu.memory_space<hbm>>
        %dma_start3A_55 = arith.constant 0 : i32
        %dma_start3A_56 = tpu.memref_slice %arg3[%add3A_33, %dma_start3A_55] : memref<2560x128xi32, #tpu.memory_space<hbm>> -> memref<40x128xi32, #tpu.memory_space<hbm>>
        tpu.enqueue_dma source(%dma_start3A_56 : memref<40x128xi32, #tpu.memory_space<hbm>>) target(%arg9 : memref<40x128xi32, #tpu.memory_space<vmem>>) target_semaphore(%run_scoped3A : memref<!tpu.dma_semaphore, #tpu.memory_space<semaphore_mem>>)
        %dma_wait3A_57 = arith.constant 0 : i32
        %dma_wait3A_58 = tpu.memref_slice %arg3[%add3A_33, %dma_wait3A_57] : memref<2560x128xi32, #tpu.memory_space<hbm>> -> memref<40x128xi32, #tpu.memory_space<hbm>>
        %dma_wait3A_59 = arith.constant 0 : i32
        %dma_wait3A_60 = tpu.memref_slice %arg3[%add3A_33, %dma_wait3A_59] : memref<2560x128xi32, #tpu.memory_space<hbm>> -> memref<40x128xi32, #tpu.memory_space<hbm>>
        tpu.wait_dma2 semaphore(%run_scoped3A : memref<!tpu.dma_semaphore, #tpu.memory_space<semaphore_mem>>) src(%dma_wait3A_60 : memref<40x128xi32, #tpu.memory_space<hbm>>) dst(%arg9 : memref<40x128xi32, #tpu.memory_space<vmem>>)
        tpu.yield
      }) : () -> ()
      "tpu.region"() ({
        %run_scoped3A = tpu.sem_alloc : memref<!tpu.dma_semaphore, #tpu.memory_space<semaphore_mem>>
        %dma_start3A_53 = arith.constant 0 : i32
        %dma_start3A_54 = tpu.memref_slice %arg4[%add3A_33, %dma_start3A_53] : memref<2560x128xf32, #tpu.memory_space<hbm>> -> memref<40x128xf32, #tpu.memory_space<hbm>>
        %dma_start3A_55 = arith.constant 0 : i32
        %dma_start3A_56 = tpu.memref_slice %arg4[%add3A_33, %dma_start3A_55] : memref<2560x128xf32, #tpu.memory_space<hbm>> -> memref<40x128xf32, #tpu.memory_space<hbm>>
        tpu.enqueue_dma source(%dma_start3A_56 : memref<40x128xf32, #tpu.memory_space<hbm>>) target(%arg10 : memref<40x128xf32, #tpu.memory_space<vmem>>) target_semaphore(%run_scoped3A : memref<!tpu.dma_semaphore, #tpu.memory_space<semaphore_mem>>)
        %dma_wait3A_57 = arith.constant 0 : i32
        %dma_wait3A_58 = tpu.memref_slice %arg4[%add3A_33, %dma_wait3A_57] : memref<2560x128xf32, #tpu.memory_space<hbm>> -> memref<40x128xf32, #tpu.memory_space<hbm>>
        %dma_wait3A_59 = arith.constant 0 : i32
        %dma_wait3A_60 = tpu.memref_slice %arg4[%add3A_33, %dma_wait3A_59] : memref<2560x128xf32, #tpu.memory_space<hbm>> -> memref<40x128xf32, #tpu.memory_space<hbm>>
        tpu.wait_dma2 semaphore(%run_scoped3A : memref<!tpu.dma_semaphore, #tpu.memory_space<semaphore_mem>>) src(%dma_wait3A_60 : memref<40x128xf32, #tpu.memory_space<hbm>>) dst(%arg10 : memref<40x128xf32, #tpu.memory_space<vmem>>)
        tpu.yield
      }) : () -> ()
      "tpu.region"() ({
        %run_scoped3A = tpu.sem_alloc : memref<!tpu.dma_semaphore, #tpu.memory_space<semaphore_mem>>
        %dma_start3A_53 = arith.constant 0 : i32
        %dma_start3A_54 = tpu.memref_slice %arg5[%add3A_33, %dma_start3A_53] : memref<2560x128xi32, #tpu.memory_space<hbm>> -> memref<40x128xi32, #tpu.memory_space<hbm>>
        %dma_start3A_55 = arith.constant 0 : i32
        %dma_start3A_56 = tpu.memref_slice %arg5[%add3A_33, %dma_start3A_55] : memref<2560x128xi32, #tpu.memory_space<hbm>> -> memref<40x128xi32, #tpu.memory_space<hbm>>
        tpu.enqueue_dma source(%dma_start3A_56 : memref<40x128xi32, #tpu.memory_space<hbm>>) target(%arg11 : memref<40x128xi32, #tpu.memory_space<vmem>>) target_semaphore(%run_scoped3A : memref<!tpu.dma_semaphore, #tpu.memory_space<semaphore_mem>>)
        %dma_wait3A_57 = arith.constant 0 : i32
        %dma_wait3A_58 = tpu.memref_slice %arg5[%add3A_33, %dma_wait3A_57] : memref<2560x128xi32, #tpu.memory_space<hbm>> -> memref<40x128xi32, #tpu.memory_space<hbm>>
        %dma_wait3A_59 = arith.constant 0 : i32
        %dma_wait3A_60 = tpu.memref_slice %arg5[%add3A_33, %dma_wait3A_59] : memref<2560x128xi32, #tpu.memory_space<hbm>> -> memref<40x128xi32, #tpu.memory_space<hbm>>
        tpu.wait_dma2 semaphore(%run_scoped3A : memref<!tpu.dma_semaphore, #tpu.memory_space<semaphore_mem>>) src(%dma_wait3A_60 : memref<40x128xi32, #tpu.memory_space<hbm>>) dst(%arg11 : memref<40x128xi32, #tpu.memory_space<vmem>>)
        tpu.yield
      }) : () -> ()
      %dma_start3A = arith.constant 0 : i32
      %dma_start3A_34 = arith.constant 0 : i32
      %dma_start3A_35 = tpu.memref_slice %arg9[%dma_start3A, %dma_start3A_34] : memref<40x128xi32, #tpu.memory_space<vmem>> -> memref<1x128xi32, #tpu.memory_space<vmem>>
      %dma_start3A_36 = tpu.memref_squeeze %dma_start3A_35 : memref<1x128xi32, #tpu.memory_space<vmem>> -> memref<128xi32, #tpu.memory_space<vmem>>
      %dma_start3A_37 = arith.constant 0 : i32
      %dma_start3A_38 = arith.constant 0 : i32
      %dma_start3A_39 = tpu.memref_slice %arg2[%dma_start3A_37, %dma_start3A_38] : memref<80000x128xf32, #tpu.memory_space<hbm>> -> memref<80000x128xf32, #tpu.memory_space<hbm>>
      tpu.enqueue_indirect_dma source(%dma_start3A_39 : memref<80000x128xf32, #tpu.memory_space<hbm>>) target(%arg12 : memref<128x128xf32, #tpu.memory_space<vmem>>) offsets(%dma_start3A_36 : memref<128xi32, #tpu.memory_space<vmem>>) semaphore(%arg14 : memref<!tpu.dma_semaphore, #tpu.memory_space<semaphore_mem>>)
      %scan3A = arith.constant 0 : i32
      %scan3A_40 = arith.constant 0 : i32
      %scan3A_41 = arith.constant 20 : i32
      %scan3A_42 = arith.addi %scan3A_40, %scan3A_41 : i32
      %scan3A_43 = arith.constant 1 : i32
      %scan3A_44 = scf.for %scan3A_53 = %scan3A_40 to %scan3A_42 step %scan3A_43 iter_args(%scan3A_54 = %scan3A) -> (i32)  : i32 {
        %mul3A_55 = arith.constant 2 : i32
        %mul3A_56 = arith.muli %scan3A_53, %mul3A_55 : i32
        %add3A_57 = arith.constant 1 : i32
        %add3A_58 = arith.addi %mul3A_56, %add3A_57 : i32
        %dma_start3A_59 = arith.constant 0 : i32
        %dma_start3A_60 = tpu.memref_slice %arg9[%add3A_58, %dma_start3A_59] : memref<40x128xi32, #tpu.memory_space<vmem>> -> memref<1x128xi32, #tpu.memory_space<vmem>>
        %dma_start3A_61 = tpu.memref_squeeze %dma_start3A_60 : memref<1x128xi32, #tpu.memory_space<vmem>> -> memref<128xi32, #tpu.memory_space<vmem>>
        %dma_start3A_62 = arith.constant 0 : i32
        %dma_start3A_63 = arith.constant 0 : i32
        %dma_start3A_64 = tpu.memref_slice %arg2[%dma_start3A_62, %dma_start3A_63] : memref<80000x128xf32, #tpu.memory_space<hbm>> -> memref<80000x128xf32, #tpu.memory_space<hbm>>
        tpu.enqueue_indirect_dma source(%dma_start3A_64 : memref<80000x128xf32, #tpu.memory_space<hbm>>) target(%arg13 : memref<128x128xf32, #tpu.memory_space<vmem>>) offsets(%dma_start3A_61 : memref<128xi32, #tpu.memory_space<vmem>>) semaphore(%arg15 : memref<!tpu.dma_semaphore, #tpu.memory_space<semaphore_mem>>)
        %dma_wait3A_65 = arith.constant 0 : i32
        %dma_wait3A_66 = arith.constant 0 : i32
        %dma_wait3A_67 = tpu.memref_slice %arg9[%dma_wait3A_65, %dma_wait3A_66] : memref<40x128xi32, #tpu.memory_space<vmem>> -> memref<1x128xi32, #tpu.memory_space<vmem>>
        %dma_wait3A_68 = tpu.memref_squeeze %dma_wait3A_67 : memref<1x128xi32, #tpu.memory_space<vmem>> -> memref<128xi32, #tpu.memory_space<vmem>>
        %dma_wait3A_69 = arith.constant 0 : i32
        %dma_wait3A_70 = arith.constant 0 : i32
        %dma_wait3A_71 = tpu.memref_slice %arg2[%dma_wait3A_69, %dma_wait3A_70] : memref<80000x128xf32, #tpu.memory_space<hbm>> -> memref<80000x128xf32, #tpu.memory_space<hbm>>
        tpu.wait_indirect_dma semaphore(%arg14 : memref<!tpu.dma_semaphore, #tpu.memory_space<semaphore_mem>>) src(%dma_wait3A_71 : memref<80000x128xf32, #tpu.memory_space<hbm>>) dst(%arg12 : memref<128x128xf32, #tpu.memory_space<vmem>>)
        %scan3A_72 = arith.constant 0 : i32
        %scan3A_73 = arith.constant 0 : i32
        %scan3A_74 = arith.constant 128 : i32
        %scan3A_75 = arith.addi %scan3A_73, %scan3A_74 : i32
        %scan3A_76 = arith.constant 1 : i32
        %scan3A_77 = scf.for %scan3A_105 = %scan3A_73 to %scan3A_75 step %scan3A_76 iter_args(%scan3A_106 = %scan3A_72) -> (i32)  : i32 {
          %broadcast_in_dim3A = arith.constant 0 : i32
          %broadcast_in_dim3A_107 = vector.broadcast %broadcast_in_dim3A : i32 to vector<16xi32>
          %add3A_108 = vector.broadcast %mul3A_56 : i32 to vector<16xi32>
          %add3A_109 = arith.addi %broadcast_in_dim3A_107, %add3A_108 : vector<16xi32>
          %broadcast_in_dim3A_110 = arith.constant 0 : i32
          %broadcast_in_dim3A_111 = vector.broadcast %broadcast_in_dim3A_110 : i32 to vector<16xi32>
          %add3A_112 = vector.broadcast %scan3A_105 : i32 to vector<16xi32>
          %add3A_113 = arith.addi %broadcast_in_dim3A_111, %add3A_112 : vector<16xi32>
          %gather3A = tpu.vector_load_idx %arg10[%add3A_109, %add3A_113] : memref<40x128xf32, #tpu.memory_space<vmem>>[vector<16xi32>, vector<16xi32>], vector<16xf32>,
          %get3A = arith.index_cast %scan3A_105 : i32 to index
          %get3A_114 = arith.constant 0 : index
          %get3A_115 = tpu.vector_load %arg12[%get3A, %get3A_114] {strides = array<i32>} : memref<128x128xf32, #tpu.memory_space<vmem>>, vector<16xf32>,
          %mul3A_116 = arith.mulf %get3A_115, %gather3A : vector<16xf32>
          %swap3A = arith.index_cast %scan3A_105 : i32 to index
          %swap3A_117 = arith.constant 0 : index
          %swap3A_118 = tpu.vector_load %arg12[%swap3A, %swap3A_117] {strides = array<i32>} : memref<128x128xf32, #tpu.memory_space<vmem>>, vector<16xf32>,
          tpu.vector_store %arg12[%swap3A, %swap3A_117], %mul3A_116 {strides = array<i32>} : memref<128x128xf32, #tpu.memory_space<vmem>>, vector<16xf32>,
          %get3A_119 = arith.index_cast %scan3A_105 : i32 to index
          %get3A_120 = arith.constant 16 : index
          %get3A_121 = tpu.vector_load %arg12[%get3A_119, %get3A_120] {strides = array<i32>} : memref<128x128xf32, #tpu.memory_space<vmem>>, vector<16xf32>,
          %mul3A_122 = arith.mulf %get3A_121, %gather3A : vector<16xf32>
          %swap3A_123 = arith.index_cast %scan3A_105 : i32 to index
          %swap3A_124 = arith.constant 16 : index
          %swap3A_125 = tpu.vector_load %arg12[%swap3A_123, %swap3A_124] {strides = array<i32>} : memref<128x128xf32, #tpu.memory_space<vmem>>, vector<16xf32>,
          tpu.vector_store %arg12[%swap3A_123, %swap3A_124], %mul3A_122 {strides = array<i32>} : memref<128x128xf32, #tpu.memory_space<vmem>>, vector<16xf32>,
          %get3A_126 = arith.index_cast %scan3A_105 : i32 to index
          %get3A_127 = arith.constant 32 : index
          %get3A_128 = tpu.vector_load %arg12[%get3A_126, %get3A_127] {strides = array<i32>} : memref<128x128xf32, #tpu.memory_space<vmem>>, vector<16xf32>,
          %mul3A_129 = arith.mulf %get3A_128, %gather3A : vector<16xf32>
          %swap3A_130 = arith.index_cast %scan3A_105 : i32 to index
          %swap3A_131 = arith.constant 32 : index
          %swap3A_132 = tpu.vector_load %arg12[%swap3A_130, %swap3A_131] {strides = array<i32>} : memref<128x128xf32, #tpu.memory_space<vmem>>, vector<16xf32>,
          tpu.vector_store %arg12[%swap3A_130, %swap3A_131], %mul3A_129 {strides = array<i32>} : memref<128x128xf32, #tpu.memory_space<vmem>>, vector<16xf32>,
          %get3A_133 = arith.index_cast %scan3A_105 : i32 to index
          %get3A_134 = arith.constant 48 : index
          %get3A_135 = tpu.vector_load %arg12[%get3A_133, %get3A_134] {strides = array<i32>} : memref<128x128xf32, #tpu.memory_space<vmem>>, vector<16xf32>,
          %mul3A_136 = arith.mulf %get3A_135, %gather3A : vector<16xf32>
          %swap3A_137 = arith.index_cast %scan3A_105 : i32 to index
          %swap3A_138 = arith.constant 48 : index
          %swap3A_139 = tpu.vector_load %arg12[%swap3A_137, %swap3A_138] {strides = array<i32>} : memref<128x128xf32, #tpu.memory_space<vmem>>, vector<16xf32>,
          tpu.vector_store %arg12[%swap3A_137, %swap3A_138], %mul3A_136 {strides = array<i32>} : memref<128x128xf32, #tpu.memory_space<vmem>>, vector<16xf32>,
          %get3A_140 = arith.index_cast %scan3A_105 : i32 to index
          %get3A_141 = arith.constant 64 : index
          %get3A_142 = tpu.vector_load %arg12[%get3A_140, %get3A_141] {strides = array<i32>} : memref<128x128xf32, #tpu.memory_space<vmem>>, vector<16xf32>,
          %mul3A_143 = arith.mulf %get3A_142, %gather3A : vector<16xf32>
          %swap3A_144 = arith.index_cast %scan3A_105 : i32 to index
          %swap3A_145 = arith.constant 64 : index
          %swap3A_146 = tpu.vector_load %arg12[%swap3A_144, %swap3A_145] {strides = array<i32>} : memref<128x128xf32, #tpu.memory_space<vmem>>, vector<16xf32>,
          tpu.vector_store %arg12[%swap3A_144, %swap3A_145], %mul3A_143 {strides = array<i32>} : memref<128x128xf32, #tpu.memory_space<vmem>>, vector<16xf32>,
          %get3A_147 = arith.index_cast %scan3A_105 : i32 to index
          %get3A_148 = arith.constant 80 : index
          %get3A_149 = tpu.vector_load %arg12[%get3A_147, %get3A_148] {strides = array<i32>} : memref<128x128xf32, #tpu.memory_space<vmem>>, vector<16xf32>,
          %mul3A_150 = arith.mulf %get3A_149, %gather3A : vector<16xf32>
          %swap3A_151 = arith.index_cast %scan3A_105 : i32 to index
          %swap3A_152 = arith.constant 80 : index
          %swap3A_153 = tpu.vector_load %arg12[%swap3A_151, %swap3A_152] {strides = array<i32>} : memref<128x128xf32, #tpu.memory_space<vmem>>, vector<16xf32>,
          tpu.vector_store %arg12[%swap3A_151, %swap3A_152], %mul3A_150 {strides = array<i32>} : memref<128x128xf32, #tpu.memory_space<vmem>>, vector<16xf32>,
          %get3A_154 = arith.index_cast %scan3A_105 : i32 to index
          %get3A_155 = arith.constant 96 : index
          %get3A_156 = tpu.vector_load %arg12[%get3A_154, %get3A_155] {strides = array<i32>} : memref<128x128xf32, #tpu.memory_space<vmem>>, vector<16xf32>,
          %mul3A_157 = arith.mulf %get3A_156, %gather3A : vector<16xf32>
          %swap3A_158 = arith.index_cast %scan3A_105 : i32 to index
          %swap3A_159 = arith.constant 96 : index
          %swap3A_160 = tpu.vector_load %arg12[%swap3A_158, %swap3A_159] {strides = array<i32>} : memref<128x128xf32, #tpu.memory_space<vmem>>, vector<16xf32>,
          tpu.vector_store %arg12[%swap3A_158, %swap3A_159], %mul3A_157 {strides = array<i32>} : memref<128x128xf32, #tpu.memory_space<vmem>>, vector<16xf32>,
          %get3A_161 = arith.index_cast %scan3A_105 : i32 to index
          %get3A_162 = arith.constant 112 : index
          %get3A_163 = tpu.vector_load %arg12[%get3A_161, %get3A_162] {strides = array<i32>} : memref<128x128xf32, #tpu.memory_space<vmem>>, vector<16xf32>,
          %mul3A_164 = arith.mulf %get3A_163, %gather3A : vector<16xf32>
          %swap3A_165 = arith.index_cast %scan3A_105 : i32 to index
          %swap3A_166 = arith.constant 112 : index
          %swap3A_167 = tpu.vector_load %arg12[%swap3A_165, %swap3A_166] {strides = array<i32>} : memref<128x128xf32, #tpu.memory_space<vmem>>, vector<16xf32>,
          tpu.vector_store %arg12[%swap3A_165, %swap3A_166], %mul3A_164 {strides = array<i32>} : memref<128x128xf32, #tpu.memory_space<vmem>>, vector<16xf32>,
          %scan3A_168 = arith.constant 0 : i32
          scf.yield %scan3A_168 : i32
        }
        %scan3A_78 = arith.constant 128 : i32
        "tpu.region"() ({
          %run_scoped3A = tpu.sem_alloc : memref<!tpu.dma_semaphore, #tpu.memory_space<semaphore_mem>>
          %dma_start3A_105 = arith.constant 0 : i32
          %dma_start3A_106 = tpu.memref_slice %arg11[%mul3A_56, %dma_start3A_105] : memref<40x128xi32, #tpu.memory_space<vmem>> -> memref<1x128xi32, #tpu.memory_space<vmem>>
          %dma_start3A_107 = tpu.memref_squeeze %dma_start3A_106 : memref<1x128xi32, #tpu.memory_space<vmem>> -> memref<128xi32, #tpu.memory_space<vmem>>
          %dma_start3A_108 = arith.constant 0 : i32
          %dma_start3A_109 = arith.constant 0 : i32
          %dma_start3A_110 = tpu.memref_slice %arg8[%dma_start3A_108, %dma_start3A_109] : memref<10240x128xf32, #tpu.memory_space<vmem_shared>> -> memref<10240x128xf32, #tpu.memory_space<vmem_shared>>
          tpu.enqueue_indirect_dma source(%arg12 : memref<128x128xf32, #tpu.memory_space<vmem>>) target(%dma_start3A_110 : memref<10240x128xf32, #tpu.memory_space<vmem_shared>>) offsets(%dma_start3A_107 : memref<128xi32, #tpu.memory_space<vmem>>) semaphore(%run_scoped3A : memref<!tpu.dma_semaphore, #tpu.memory_space<semaphore_mem>>) {add = true}
          %dma_wait3A_111 = arith.constant 0 : i32
          %dma_wait3A_112 = tpu.memref_slice %arg11[%mul3A_56, %dma_wait3A_111] : memref<40x128xi32, #tpu.memory_space<vmem>> -> memref<1x128xi32, #tpu.memory_space<vmem>>
          %dma_wait3A_113 = tpu.memref_squeeze %dma_wait3A_112 : memref<1x128xi32, #tpu.memory_space<vmem>> -> memref<128xi32, #tpu.memory_space<vmem>>
          %dma_wait3A_114 = arith.constant 0 : i32
          %dma_wait3A_115 = arith.constant 0 : i32
          %dma_wait3A_116 = tpu.memref_slice %arg8[%dma_wait3A_114, %dma_wait3A_115] : memref<10240x128xf32, #tpu.memory_space<vmem_shared>> -> memref<10240x128xf32, #tpu.memory_space<vmem_shared>>
          tpu.wait_indirect_dma semaphore(%run_scoped3A : memref<!tpu.dma_semaphore, #tpu.memory_space<semaphore_mem>>) src(%arg12 : memref<128x128xf32, #tpu.memory_space<vmem>>) dst(%dma_wait3A_116 : memref<10240x128xf32, #tpu.memory_space<vmem_shared>>)
          tpu.yield
        }) : () -> ()
        %add3A_79 = arith.constant 2 : i32
        %add3A_80 = arith.addi %mul3A_56, %add3A_79 : i32
        %min3A = arith.constant 39 : i32
        %min3A_81 = arith.minsi %add3A_80, %min3A : i32
        %dma_start3A_82 = arith.constant 0 : i32
        %dma_start3A_83 = tpu.memref_slice %arg9[%min3A_81, %dma_start3A_82] : memref<40x128xi32, #tpu.memory_space<vmem>> -> memref<1x128xi32, #tpu.memory_space<vmem>>
        %dma_start3A_84 = tpu.memref_squeeze %dma_start3A_83 : memref<1x128xi32, #tpu.memory_space<vmem>> -> memref<128xi32, #tpu.memory_space<vmem>>
        %dma_start3A_85 = arith.constant 0 : i32
        %dma_start3A_86 = arith.constant 0 : i32
        %dma_start3A_87 = tpu.memref_slice %arg2[%dma_start3A_85, %dma_start3A_86] : memref<80000x128xf32, #tpu.memory_space<hbm>> -> memref<80000x128xf32, #tpu.memory_space<hbm>>
        tpu.enqueue_indirect_dma source(%dma_start3A_87 : memref<80000x128xf32, #tpu.memory_space<hbm>>) target(%arg12 : memref<128x128xf32, #tpu.memory_space<vmem>>) offsets(%dma_start3A_84 : memref<128xi32, #tpu.memory_space<vmem>>) semaphore(%arg14 : memref<!tpu.dma_semaphore, #tpu.memory_space<semaphore_mem>>)
        %dma_wait3A_88 = arith.constant 0 : i32
        %dma_wait3A_89 = arith.constant 0 : i32
        %dma_wait3A_90 = tpu.memref_slice %arg9[%dma_wait3A_88, %dma_wait3A_89] : memref<40x128xi32, #tpu.memory_space<vmem>> -> memref<1x128xi32, #tpu.memory_space<vmem>>
        %dma_wait3A_91 = tpu.memref_squeeze %dma_wait3A_90 : memref<1x128xi32, #tpu.memory_space<vmem>> -> memref<128xi32, #tpu.memory_space<vmem>>
        %dma_wait3A_92 = arith.constant 0 : i32
        %dma_wait3A_93 = arith.constant 0 : i32
        %dma_wait3A_94 = tpu.memref_slice %arg2[%dma_wait3A_92, %dma_wait3A_93] : memref<80000x128xf32, #tpu.memory_space<hbm>> -> memref<80000x128xf32, #tpu.memory_space<hbm>>
        tpu.wait_indirect_dma semaphore(%arg15 : memref<!tpu.dma_semaphore, #tpu.memory_space<semaphore_mem>>) src(%dma_wait3A_94 : memref<80000x128xf32, #tpu.memory_space<hbm>>) dst(%arg13 : memref<128x128xf32, #tpu.memory_space<vmem>>)
        %add3A_95 = arith.constant 1 : i32
        %add3A_96 = arith.addi %mul3A_56, %add3A_95 : i32
        %scan3A_97 = arith.constant 0 : i32
        %scan3A_98 = arith.constant 0 : i32
        %scan3A_99 = arith.constant 128 : i32
        %scan3A_100 = arith.addi %scan3A_98, %scan3A_99 : i32
        %scan3A_101 = arith.constant 1 : i32
        %scan3A_102 = scf.for %scan3A_105 = %scan3A_98 to %scan3A_100 step %scan3A_101 iter_args(%scan3A_106 = %scan3A_97) -> (i32)  : i32 {
          %broadcast_in_dim3A = arith.constant 0 : i32
          %broadcast_in_dim3A_107 = vector.broadcast %broadcast_in_dim3A : i32 to vector<16xi32>
          %add3A_108 = vector.broadcast %add3A_96 : i32 to vector<16xi32>
          %add3A_109 = arith.addi %broadcast_in_dim3A_107, %add3A_108 : vector<16xi32>
          %broadcast_in_dim3A_110 = arith.constant 0 : i32
          %broadcast_in_dim3A_111 = vector.broadcast %broadcast_in_dim3A_110 : i32 to vector<16xi32>
          %add3A_112 = vector.broadcast %scan3A_105 : i32 to vector<16xi32>
          %add3A_113 = arith.addi %broadcast_in_dim3A_111, %add3A_112 : vector<16xi32>
          %gather3A = tpu.vector_load_idx %arg10[%add3A_109, %add3A_113] : memref<40x128xf32, #tpu.memory_space<vmem>>[vector<16xi32>, vector<16xi32>], vector<16xf32>,
          %get3A = arith.index_cast %scan3A_105 : i32 to index
          %get3A_114 = arith.constant 0 : index
          %get3A_115 = tpu.vector_load %arg13[%get3A, %get3A_114] {strides = array<i32>} : memref<128x128xf32, #tpu.memory_space<vmem>>, vector<16xf32>,
          %mul3A_116 = arith.mulf %get3A_115, %gather3A : vector<16xf32>
          %swap3A = arith.index_cast %scan3A_105 : i32 to index
          %swap3A_117 = arith.constant 0 : index
          %swap3A_118 = tpu.vector_load %arg13[%swap3A, %swap3A_117] {strides = array<i32>} : memref<128x128xf32, #tpu.memory_space<vmem>>, vector<16xf32>,
          tpu.vector_store %arg13[%swap3A, %swap3A_117], %mul3A_116 {strides = array<i32>} : memref<128x128xf32, #tpu.memory_space<vmem>>, vector<16xf32>,
          %get3A_119 = arith.index_cast %scan3A_105 : i32 to index
          %get3A_120 = arith.constant 16 : index
          %get3A_121 = tpu.vector_load %arg13[%get3A_119, %get3A_120] {strides = array<i32>} : memref<128x128xf32, #tpu.memory_space<vmem>>, vector<16xf32>,
          %mul3A_122 = arith.mulf %get3A_121, %gather3A : vector<16xf32>
          %swap3A_123 = arith.index_cast %scan3A_105 : i32 to index
          %swap3A_124 = arith.constant 16 : index
          %swap3A_125 = tpu.vector_load %arg13[%swap3A_123, %swap3A_124] {strides = array<i32>} : memref<128x128xf32, #tpu.memory_space<vmem>>, vector<16xf32>,
          tpu.vector_store %arg13[%swap3A_123, %swap3A_124], %mul3A_122 {strides = array<i32>} : memref<128x128xf32, #tpu.memory_space<vmem>>, vector<16xf32>,
          %get3A_126 = arith.index_cast %scan3A_105 : i32 to index
          %get3A_127 = arith.constant 32 : index
          %get3A_128 = tpu.vector_load %arg13[%get3A_126, %get3A_127] {strides = array<i32>} : memref<128x128xf32, #tpu.memory_space<vmem>>, vector<16xf32>,
          %mul3A_129 = arith.mulf %get3A_128, %gather3A : vector<16xf32>
          %swap3A_130 = arith.index_cast %scan3A_105 : i32 to index
          %swap3A_131 = arith.constant 32 : index
          %swap3A_132 = tpu.vector_load %arg13[%swap3A_130, %swap3A_131] {strides = array<i32>} : memref<128x128xf32, #tpu.memory_space<vmem>>, vector<16xf32>,
          tpu.vector_store %arg13[%swap3A_130, %swap3A_131], %mul3A_129 {strides = array<i32>} : memref<128x128xf32, #tpu.memory_space<vmem>>, vector<16xf32>,
          %get3A_133 = arith.index_cast %scan3A_105 : i32 to index
          %get3A_134 = arith.constant 48 : index
          %get3A_135 = tpu.vector_load %arg13[%get3A_133, %get3A_134] {strides = array<i32>} : memref<128x128xf32, #tpu.memory_space<vmem>>, vector<16xf32>,
          %mul3A_136 = arith.mulf %get3A_135, %gather3A : vector<16xf32>
          %swap3A_137 = arith.index_cast %scan3A_105 : i32 to index
          %swap3A_138 = arith.constant 48 : index
          %swap3A_139 = tpu.vector_load %arg13[%swap3A_137, %swap3A_138] {strides = array<i32>} : memref<128x128xf32, #tpu.memory_space<vmem>>, vector<16xf32>,
          tpu.vector_store %arg13[%swap3A_137, %swap3A_138], %mul3A_136 {strides = array<i32>} : memref<128x128xf32, #tpu.memory_space<vmem>>, vector<16xf32>,
          %get3A_140 = arith.index_cast %scan3A_105 : i32 to index
          %get3A_141 = arith.constant 64 : index
          %get3A_142 = tpu.vector_load %arg13[%get3A_140, %get3A_141] {strides = array<i32>} : memref<128x128xf32, #tpu.memory_space<vmem>>, vector<16xf32>,
          %mul3A_143 = arith.mulf %get3A_142, %gather3A : vector<16xf32>
          %swap3A_144 = arith.index_cast %scan3A_105 : i32 to index
          %swap3A_145 = arith.constant 64 : index
          %swap3A_146 = tpu.vector_load %arg13[%swap3A_144, %swap3A_145] {strides = array<i32>} : memref<128x128xf32, #tpu.memory_space<vmem>>, vector<16xf32>,
          tpu.vector_store %arg13[%swap3A_144, %swap3A_145], %mul3A_143 {strides = array<i32>} : memref<128x128xf32, #tpu.memory_space<vmem>>, vector<16xf32>,
          %get3A_147 = arith.index_cast %scan3A_105 : i32 to index
          %get3A_148 = arith.constant 80 : index
          %get3A_149 = tpu.vector_load %arg13[%get3A_147, %get3A_148] {strides = array<i32>} : memref<128x128xf32, #tpu.memory_space<vmem>>, vector<16xf32>,
          %mul3A_150 = arith.mulf %get3A_149, %gather3A : vector<16xf32>
          %swap3A_151 = arith.index_cast %scan3A_105 : i32 to index
          %swap3A_152 = arith.constant 80 : index
          %swap3A_153 = tpu.vector_load %arg13[%swap3A_151, %swap3A_152] {strides = array<i32>} : memref<128x128xf32, #tpu.memory_space<vmem>>, vector<16xf32>,
          tpu.vector_store %arg13[%swap3A_151, %swap3A_152], %mul3A_150 {strides = array<i32>} : memref<128x128xf32, #tpu.memory_space<vmem>>, vector<16xf32>,
          %get3A_154 = arith.index_cast %scan3A_105 : i32 to index
          %get3A_155 = arith.constant 96 : index
          %get3A_156 = tpu.vector_load %arg13[%get3A_154, %get3A_155] {strides = array<i32>} : memref<128x128xf32, #tpu.memory_space<vmem>>, vector<16xf32>,
          %mul3A_157 = arith.mulf %get3A_156, %gather3A : vector<16xf32>
          %swap3A_158 = arith.index_cast %scan3A_105 : i32 to index
          %swap3A_159 = arith.constant 96 : index
          %swap3A_160 = tpu.vector_load %arg13[%swap3A_158, %swap3A_159] {strides = array<i32>} : memref<128x128xf32, #tpu.memory_space<vmem>>, vector<16xf32>,
          tpu.vector_store %arg13[%swap3A_158, %swap3A_159], %mul3A_157 {strides = array<i32>} : memref<128x128xf32, #tpu.memory_space<vmem>>, vector<16xf32>,
          %get3A_161 = arith.index_cast %scan3A_105 : i32 to index
          %get3A_162 = arith.constant 112 : index
          %get3A_163 = tpu.vector_load %arg13[%get3A_161, %get3A_162] {strides = array<i32>} : memref<128x128xf32, #tpu.memory_space<vmem>>, vector<16xf32>,
          %mul3A_164 = arith.mulf %get3A_163, %gather3A : vector<16xf32>
          %swap3A_165 = arith.index_cast %scan3A_105 : i32 to index
          %swap3A_166 = arith.constant 112 : index
          %swap3A_167 = tpu.vector_load %arg13[%swap3A_165, %swap3A_166] {strides = array<i32>} : memref<128x128xf32, #tpu.memory_space<vmem>>, vector<16xf32>,
          tpu.vector_store %arg13[%swap3A_165, %swap3A_166], %mul3A_164 {strides = array<i32>} : memref<128x128xf32, #tpu.memory_space<vmem>>, vector<16xf32>,
          %scan3A_168 = arith.constant 0 : i32
          scf.yield %scan3A_168 : i32
        }
        %scan3A_103 = arith.constant 128 : i32
        "tpu.region"() ({
          %run_scoped3A = tpu.sem_alloc : memref<!tpu.dma_semaphore, #tpu.memory_space<semaphore_mem>>
          %dma_start3A_105 = arith.constant 0 : i32
          %dma_start3A_106 = tpu.memref_slice %arg11[%add3A_96, %dma_start3A_105] : memref<40x128xi32, #tpu.memory_space<vmem>> -> memref<1x128xi32, #tpu.memory_space<vmem>>
          %dma_start3A_107 = tpu.memref_squeeze %dma_start3A_106 : memref<1x128xi32, #tpu.memory_space<vmem>> -> memref<128xi32, #tpu.memory_space<vmem>>
          %dma_start3A_108 = arith.constant 0 : i32
          %dma_start3A_109 = arith.constant 0 : i32
          %dma_start3A_110 = tpu.memref_slice %arg8[%dma_start3A_108, %dma_start3A_109] : memref<10240x128xf32, #tpu.memory_space<vmem_shared>> -> memref<10240x128xf32, #tpu.memory_space<vmem_shared>>
          tpu.enqueue_indirect_dma source(%arg13 : memref<128x128xf32, #tpu.memory_space<vmem>>) target(%dma_start3A_110 : memref<10240x128xf32, #tpu.memory_space<vmem_shared>>) offsets(%dma_start3A_107 : memref<128xi32, #tpu.memory_space<vmem>>) semaphore(%run_scoped3A : memref<!tpu.dma_semaphore, #tpu.memory_space<semaphore_mem>>) {add = true}
          %dma_wait3A_111 = arith.constant 0 : i32
          %dma_wait3A_112 = tpu.memref_slice %arg11[%add3A_96, %dma_wait3A_111] : memref<40x128xi32, #tpu.memory_space<vmem>> -> memref<1x128xi32, #tpu.memory_space<vmem>>
          %dma_wait3A_113 = tpu.memref_squeeze %dma_wait3A_112 : memref<1x128xi32, #tpu.memory_space<vmem>> -> memref<128xi32, #tpu.memory_space<vmem>>
          %dma_wait3A_114 = arith.constant 0 : i32
          %dma_wait3A_115 = arith.constant 0 : i32
          %dma_wait3A_116 = tpu.memref_slice %arg8[%dma_wait3A_114, %dma_wait3A_115] : memref<10240x128xf32, #tpu.memory_space<vmem_shared>> -> memref<10240x128xf32, #tpu.memory_space<vmem_shared>>
          tpu.wait_indirect_dma semaphore(%run_scoped3A : memref<!tpu.dma_semaphore, #tpu.memory_space<semaphore_mem>>) src(%arg13 : memref<128x128xf32, #tpu.memory_space<vmem>>) dst(%dma_wait3A_116 : memref<10240x128xf32, #tpu.memory_space<vmem_shared>>)
          tpu.yield
        }) : () -> ()
        %scan3A_104 = arith.constant 0 : i32
        scf.yield %scan3A_104 : i32
      }
      %scan3A_45 = arith.constant 20 : i32
      %dma_wait3A = arith.constant 0 : i32
      %dma_wait3A_46 = arith.constant 0 : i32
      %dma_wait3A_47 = tpu.memref_slice %arg9[%dma_wait3A, %dma_wait3A_46] : memref<40x128xi32, #tpu.memory_space<vmem>> -> memref<1x128xi32, #tpu.memory_space<vmem>>
      %dma_wait3A_48 = tpu.memref_squeeze %dma_wait3A_47 : memref<1x128xi32, #tpu.memory_space<vmem>> -> memref<128xi32, #tpu.memory_space<vmem>>
      %dma_wait3A_49 = arith.constant 0 : i32
      %dma_wait3A_50 = arith.constant 0 : i32
      %dma_wait3A_51 = tpu.memref_slice %arg2[%dma_wait3A_49, %dma_wait3A_50] : memref<80000x128xf32, #tpu.memory_space<hbm>> -> memref<80000x128xf32, #tpu.memory_space<hbm>>
      tpu.wait_indirect_dma semaphore(%arg14 : memref<!tpu.dma_semaphore, #tpu.memory_space<semaphore_mem>>) src(%dma_wait3A_51 : memref<80000x128xf32, #tpu.memory_space<hbm>>) dst(%arg12 : memref<128x128xf32, #tpu.memory_space<vmem>>)
      %while3A_52 = arith.constant 0 : i32
      scf.yield %while3A_52 : i32
    }
    %while3A_22 = arith.constant 1 : i32
    %while3A_23 = scf.for %while3A_29 = %while3A_19 to %while3A_15 step %while3A_22 iter_args(%while3A_30 = %while3A_21) -> (i32)  : i32 {
      %mul3A_31 = arith.constant 40 : i32
      %mul3A_32 = arith.muli %while3A_29, %mul3A_31 : i32
      %add3A_33 = arith.addi %select_n3A_12, %mul3A_32 : i32
      "tpu.region"() ({
        %run_scoped3A = tpu.sem_alloc : memref<!tpu.dma_semaphore, #tpu.memory_space<semaphore_mem>>
        %dma_start3A_53 = arith.constant 0 : i32
        %dma_start3A_54 = tpu.memref_slice %arg3[%add3A_33, %dma_start3A_53] : memref<2560x128xi32, #tpu.memory_space<hbm>> -> memref<40x128xi32, #tpu.memory_space<hbm>>
        %dma_start3A_55 = arith.constant 0 : i32
        %dma_start3A_56 = tpu.memref_slice %arg3[%add3A_33, %dma_start3A_55] : memref<2560x128xi32, #tpu.memory_space<hbm>> -> memref<40x128xi32, #tpu.memory_space<hbm>>
        tpu.enqueue_dma source(%dma_start3A_56 : memref<40x128xi32, #tpu.memory_space<hbm>>) target(%arg9 : memref<40x128xi32, #tpu.memory_space<vmem>>) target_semaphore(%run_scoped3A : memref<!tpu.dma_semaphore, #tpu.memory_space<semaphore_mem>>)
        %dma_wait3A_57 = arith.constant 0 : i32
        %dma_wait3A_58 = tpu.memref_slice %arg3[%add3A_33, %dma_wait3A_57] : memref<2560x128xi32, #tpu.memory_space<hbm>> -> memref<40x128xi32, #tpu.memory_space<hbm>>
        %dma_wait3A_59 = arith.constant 0 : i32
        %dma_wait3A_60 = tpu.memref_slice %arg3[%add3A_33, %dma_wait3A_59] : memref<2560x128xi32, #tpu.memory_space<hbm>> -> memref<40x128xi32, #tpu.memory_space<hbm>>
        tpu.wait_dma2 semaphore(%run_scoped3A : memref<!tpu.dma_semaphore, #tpu.memory_space<semaphore_mem>>) src(%dma_wait3A_60 : memref<40x128xi32, #tpu.memory_space<hbm>>) dst(%arg9 : memref<40x128xi32, #tpu.memory_space<vmem>>)
        tpu.yield
      }) : () -> ()
      "tpu.region"() ({
        %run_scoped3A = tpu.sem_alloc : memref<!tpu.dma_semaphore, #tpu.memory_space<semaphore_mem>>
        %dma_start3A_53 = arith.constant 0 : i32
        %dma_start3A_54 = tpu.memref_slice %arg4[%add3A_33, %dma_start3A_53] : memref<2560x128xf32, #tpu.memory_space<hbm>> -> memref<40x128xf32, #tpu.memory_space<hbm>>
        %dma_start3A_55 = arith.constant 0 : i32
        %dma_start3A_56 = tpu.memref_slice %arg4[%add3A_33, %dma_start3A_55] : memref<2560x128xf32, #tpu.memory_space<hbm>> -> memref<40x128xf32, #tpu.memory_space<hbm>>
        tpu.enqueue_dma source(%dma_start3A_56 : memref<40x128xf32, #tpu.memory_space<hbm>>) target(%arg10 : memref<40x128xf32, #tpu.memory_space<vmem>>) target_semaphore(%run_scoped3A : memref<!tpu.dma_semaphore, #tpu.memory_space<semaphore_mem>>)
        %dma_wait3A_57 = arith.constant 0 : i32
        %dma_wait3A_58 = tpu.memref_slice %arg4[%add3A_33, %dma_wait3A_57] : memref<2560x128xf32, #tpu.memory_space<hbm>> -> memref<40x128xf32, #tpu.memory_space<hbm>>
        %dma_wait3A_59 = arith.constant 0 : i32
        %dma_wait3A_60 = tpu.memref_slice %arg4[%add3A_33, %dma_wait3A_59] : memref<2560x128xf32, #tpu.memory_space<hbm>> -> memref<40x128xf32, #tpu.memory_space<hbm>>
        tpu.wait_dma2 semaphore(%run_scoped3A : memref<!tpu.dma_semaphore, #tpu.memory_space<semaphore_mem>>) src(%dma_wait3A_60 : memref<40x128xf32, #tpu.memory_space<hbm>>) dst(%arg10 : memref<40x128xf32, #tpu.memory_space<vmem>>)
        tpu.yield
      }) : () -> ()
      "tpu.region"() ({
        %run_scoped3A = tpu.sem_alloc : memref<!tpu.dma_semaphore, #tpu.memory_space<semaphore_mem>>
        %dma_start3A_53 = arith.constant 0 : i32
        %dma_start3A_54 = tpu.memref_slice %arg5[%add3A_33, %dma_start3A_53] : memref<2560x128xi32, #tpu.memory_space<hbm>> -> memref<40x128xi32, #tpu.memory_space<hbm>>
        %dma_start3A_55 = arith.constant 0 : i32
        %dma_start3A_56 = tpu.memref_slice %arg5[%add3A_33, %dma_start3A_55] : memref<2560x128xi32, #tpu.memory_space<hbm>> -> memref<40x128xi32, #tpu.memory_space<hbm>>
        tpu.enqueue_dma source(%dma_start3A_56 : memref<40x128xi32, #tpu.memory_space<hbm>>) target(%arg11 : memref<40x128xi32, #tpu.memory_space<vmem>>) target_semaphore(%run_scoped3A : memref<!tpu.dma_semaphore, #tpu.memory_space<semaphore_mem>>)
        %dma_wait3A_57 = arith.constant 0 : i32
        %dma_wait3A_58 = tpu.memref_slice %arg5[%add3A_33, %dma_wait3A_57] : memref<2560x128xi32, #tpu.memory_space<hbm>> -> memref<40x128xi32, #tpu.memory_space<hbm>>
        %dma_wait3A_59 = arith.constant 0 : i32
        %dma_wait3A_60 = tpu.memref_slice %arg5[%add3A_33, %dma_wait3A_59] : memref<2560x128xi32, #tpu.memory_space<hbm>> -> memref<40x128xi32, #tpu.memory_space<hbm>>
        tpu.wait_dma2 semaphore(%run_scoped3A : memref<!tpu.dma_semaphore, #tpu.memory_space<semaphore_mem>>) src(%dma_wait3A_60 : memref<40x128xi32, #tpu.memory_space<hbm>>) dst(%arg11 : memref<40x128xi32, #tpu.memory_space<vmem>>)
        tpu.yield
      }) : () -> ()
      %dma_start3A = arith.constant 0 : i32
      %dma_start3A_34 = arith.constant 0 : i32
      %dma_start3A_35 = tpu.memref_slice %arg9[%dma_start3A, %dma_start3A_34] : memref<40x128xi32, #tpu.memory_space<vmem>> -> memref<1x128xi32, #tpu.memory_space<vmem>>
      %dma_start3A_36 = tpu.memref_squeeze %dma_start3A_35 : memref<1x128xi32, #tpu.memory_space<vmem>> -> memref<128xi32, #tpu.memory_space<vmem>>
      %dma_start3A_37 = arith.constant 0 : i32
      %dma_start3A_38 = arith.constant 0 : i32
      %dma_start3A_39 = tpu.memref_slice %arg2[%dma_start3A_37, %dma_start3A_38] : memref<80000x128xf32, #tpu.memory_space<hbm>> -> memref<80000x128xf32, #tpu.memory_space<hbm>>
      tpu.enqueue_indirect_dma source(%dma_start3A_39 : memref<80000x128xf32, #tpu.memory_space<hbm>>) target(%arg12 : memref<128x128xf32, #tpu.memory_space<vmem>>) offsets(%dma_start3A_36 : memref<128xi32, #tpu.memory_space<vmem>>) semaphore(%arg14 : memref<!tpu.dma_semaphore, #tpu.memory_space<semaphore_mem>>)
      %scan3A = arith.constant 0 : i32
      %scan3A_40 = arith.constant 0 : i32
      %scan3A_41 = arith.constant 20 : i32
      %scan3A_42 = arith.addi %scan3A_40, %scan3A_41 : i32
      %scan3A_43 = arith.constant 1 : i32
      %scan3A_44 = scf.for %scan3A_53 = %scan3A_40 to %scan3A_42 step %scan3A_43 iter_args(%scan3A_54 = %scan3A) -> (i32)  : i32 {
        %mul3A_55 = arith.constant 2 : i32
        %mul3A_56 = arith.muli %scan3A_53, %mul3A_55 : i32
        %add3A_57 = arith.constant 1 : i32
        %add3A_58 = arith.addi %mul3A_56, %add3A_57 : i32
        %dma_start3A_59 = arith.constant 0 : i32
        %dma_start3A_60 = tpu.memref_slice %arg9[%add3A_58, %dma_start3A_59] : memref<40x128xi32, #tpu.memory_space<vmem>> -> memref<1x128xi32, #tpu.memory_space<vmem>>
        %dma_start3A_61 = tpu.memref_squeeze %dma_start3A_60 : memref<1x128xi32, #tpu.memory_space<vmem>> -> memref<128xi32, #tpu.memory_space<vmem>>
        %dma_start3A_62 = arith.constant 0 : i32
        %dma_start3A_63 = arith.constant 0 : i32
        %dma_start3A_64 = tpu.memref_slice %arg2[%dma_start3A_62, %dma_start3A_63] : memref<80000x128xf32, #tpu.memory_space<hbm>> -> memref<80000x128xf32, #tpu.memory_space<hbm>>
        tpu.enqueue_indirect_dma source(%dma_start3A_64 : memref<80000x128xf32, #tpu.memory_space<hbm>>) target(%arg13 : memref<128x128xf32, #tpu.memory_space<vmem>>) offsets(%dma_start3A_61 : memref<128xi32, #tpu.memory_space<vmem>>) semaphore(%arg15 : memref<!tpu.dma_semaphore, #tpu.memory_space<semaphore_mem>>)
        %dma_wait3A_65 = arith.constant 0 : i32
        %dma_wait3A_66 = arith.constant 0 : i32
        %dma_wait3A_67 = tpu.memref_slice %arg9[%dma_wait3A_65, %dma_wait3A_66] : memref<40x128xi32, #tpu.memory_space<vmem>> -> memref<1x128xi32, #tpu.memory_space<vmem>>
        %dma_wait3A_68 = tpu.memref_squeeze %dma_wait3A_67 : memref<1x128xi32, #tpu.memory_space<vmem>> -> memref<128xi32, #tpu.memory_space<vmem>>
        %dma_wait3A_69 = arith.constant 0 : i32
        %dma_wait3A_70 = arith.constant 0 : i32
        %dma_wait3A_71 = tpu.memref_slice %arg2[%dma_wait3A_69, %dma_wait3A_70] : memref<80000x128xf32, #tpu.memory_space<hbm>> -> memref<80000x128xf32, #tpu.memory_space<hbm>>
        tpu.wait_indirect_dma semaphore(%arg14 : memref<!tpu.dma_semaphore, #tpu.memory_space<semaphore_mem>>) src(%dma_wait3A_71 : memref<80000x128xf32, #tpu.memory_space<hbm>>) dst(%arg12 : memref<128x128xf32, #tpu.memory_space<vmem>>)
        %scan3A_72 = arith.constant 0 : i32
        %scan3A_73 = arith.constant 0 : i32
        %scan3A_74 = arith.constant 128 : i32
        %scan3A_75 = arith.addi %scan3A_73, %scan3A_74 : i32
        %scan3A_76 = arith.constant 1 : i32
        %scan3A_77 = scf.for %scan3A_105 = %scan3A_73 to %scan3A_75 step %scan3A_76 iter_args(%scan3A_106 = %scan3A_72) -> (i32)  : i32 {
          %broadcast_in_dim3A = arith.constant 0 : i32
          %broadcast_in_dim3A_107 = vector.broadcast %broadcast_in_dim3A : i32 to vector<16xi32>
          %add3A_108 = vector.broadcast %mul3A_56 : i32 to vector<16xi32>
          %add3A_109 = arith.addi %broadcast_in_dim3A_107, %add3A_108 : vector<16xi32>
          %broadcast_in_dim3A_110 = arith.constant 0 : i32
          %broadcast_in_dim3A_111 = vector.broadcast %broadcast_in_dim3A_110 : i32 to vector<16xi32>
          %add3A_112 = vector.broadcast %scan3A_105 : i32 to vector<16xi32>
          %add3A_113 = arith.addi %broadcast_in_dim3A_111, %add3A_112 : vector<16xi32>
          %gather3A = tpu.vector_load_idx %arg10[%add3A_109, %add3A_113] : memref<40x128xf32, #tpu.memory_space<vmem>>[vector<16xi32>, vector<16xi32>], vector<16xf32>,
          %get3A = arith.index_cast %scan3A_105 : i32 to index
          %get3A_114 = arith.constant 0 : index
          %get3A_115 = tpu.vector_load %arg12[%get3A, %get3A_114] {strides = array<i32>} : memref<128x128xf32, #tpu.memory_space<vmem>>, vector<16xf32>,
          %mul3A_116 = arith.mulf %get3A_115, %gather3A : vector<16xf32>
          %swap3A = arith.index_cast %scan3A_105 : i32 to index
          %swap3A_117 = arith.constant 0 : index
          %swap3A_118 = tpu.vector_load %arg12[%swap3A, %swap3A_117] {strides = array<i32>} : memref<128x128xf32, #tpu.memory_space<vmem>>, vector<16xf32>,
          tpu.vector_store %arg12[%swap3A, %swap3A_117], %mul3A_116 {strides = array<i32>} : memref<128x128xf32, #tpu.memory_space<vmem>>, vector<16xf32>,
          %get3A_119 = arith.index_cast %scan3A_105 : i32 to index
          %get3A_120 = arith.constant 16 : index
          %get3A_121 = tpu.vector_load %arg12[%get3A_119, %get3A_120] {strides = array<i32>} : memref<128x128xf32, #tpu.memory_space<vmem>>, vector<16xf32>,
          %mul3A_122 = arith.mulf %get3A_121, %gather3A : vector<16xf32>
          %swap3A_123 = arith.index_cast %scan3A_105 : i32 to index
          %swap3A_124 = arith.constant 16 : index
          %swap3A_125 = tpu.vector_load %arg12[%swap3A_123, %swap3A_124] {strides = array<i32>} : memref<128x128xf32, #tpu.memory_space<vmem>>, vector<16xf32>,
          tpu.vector_store %arg12[%swap3A_123, %swap3A_124], %mul3A_122 {strides = array<i32>} : memref<128x128xf32, #tpu.memory_space<vmem>>, vector<16xf32>,
          %get3A_126 = arith.index_cast %scan3A_105 : i32 to index
          %get3A_127 = arith.constant 32 : index
          %get3A_128 = tpu.vector_load %arg12[%get3A_126, %get3A_127] {strides = array<i32>} : memref<128x128xf32, #tpu.memory_space<vmem>>, vector<16xf32>,
          %mul3A_129 = arith.mulf %get3A_128, %gather3A : vector<16xf32>
          %swap3A_130 = arith.index_cast %scan3A_105 : i32 to index
          %swap3A_131 = arith.constant 32 : index
          %swap3A_132 = tpu.vector_load %arg12[%swap3A_130, %swap3A_131] {strides = array<i32>} : memref<128x128xf32, #tpu.memory_space<vmem>>, vector<16xf32>,
          tpu.vector_store %arg12[%swap3A_130, %swap3A_131], %mul3A_129 {strides = array<i32>} : memref<128x128xf32, #tpu.memory_space<vmem>>, vector<16xf32>,
          %get3A_133 = arith.index_cast %scan3A_105 : i32 to index
          %get3A_134 = arith.constant 48 : index
          %get3A_135 = tpu.vector_load %arg12[%get3A_133, %get3A_134] {strides = array<i32>} : memref<128x128xf32, #tpu.memory_space<vmem>>, vector<16xf32>,
          %mul3A_136 = arith.mulf %get3A_135, %gather3A : vector<16xf32>
          %swap3A_137 = arith.index_cast %scan3A_105 : i32 to index
          %swap3A_138 = arith.constant 48 : index
          %swap3A_139 = tpu.vector_load %arg12[%swap3A_137, %swap3A_138] {strides = array<i32>} : memref<128x128xf32, #tpu.memory_space<vmem>>, vector<16xf32>,
          tpu.vector_store %arg12[%swap3A_137, %swap3A_138], %mul3A_136 {strides = array<i32>} : memref<128x128xf32, #tpu.memory_space<vmem>>, vector<16xf32>,
          %get3A_140 = arith.index_cast %scan3A_105 : i32 to index
          %get3A_141 = arith.constant 64 : index
          %get3A_142 = tpu.vector_load %arg12[%get3A_140, %get3A_141] {strides = array<i32>} : memref<128x128xf32, #tpu.memory_space<vmem>>, vector<16xf32>,
          %mul3A_143 = arith.mulf %get3A_142, %gather3A : vector<16xf32>
          %swap3A_144 = arith.index_cast %scan3A_105 : i32 to index
          %swap3A_145 = arith.constant 64 : index
          %swap3A_146 = tpu.vector_load %arg12[%swap3A_144, %swap3A_145] {strides = array<i32>} : memref<128x128xf32, #tpu.memory_space<vmem>>, vector<16xf32>,
          tpu.vector_store %arg12[%swap3A_144, %swap3A_145], %mul3A_143 {strides = array<i32>} : memref<128x128xf32, #tpu.memory_space<vmem>>, vector<16xf32>,
          %get3A_147 = arith.index_cast %scan3A_105 : i32 to index
          %get3A_148 = arith.constant 80 : index
          %get3A_149 = tpu.vector_load %arg12[%get3A_147, %get3A_148] {strides = array<i32>} : memref<128x128xf32, #tpu.memory_space<vmem>>, vector<16xf32>,
          %mul3A_150 = arith.mulf %get3A_149, %gather3A : vector<16xf32>
          %swap3A_151 = arith.index_cast %scan3A_105 : i32 to index
          %swap3A_152 = arith.constant 80 : index
          %swap3A_153 = tpu.vector_load %arg12[%swap3A_151, %swap3A_152] {strides = array<i32>} : memref<128x128xf32, #tpu.memory_space<vmem>>, vector<16xf32>,
          tpu.vector_store %arg12[%swap3A_151, %swap3A_152], %mul3A_150 {strides = array<i32>} : memref<128x128xf32, #tpu.memory_space<vmem>>, vector<16xf32>,
          %get3A_154 = arith.index_cast %scan3A_105 : i32 to index
          %get3A_155 = arith.constant 96 : index
          %get3A_156 = tpu.vector_load %arg12[%get3A_154, %get3A_155] {strides = array<i32>} : memref<128x128xf32, #tpu.memory_space<vmem>>, vector<16xf32>,
          %mul3A_157 = arith.mulf %get3A_156, %gather3A : vector<16xf32>
          %swap3A_158 = arith.index_cast %scan3A_105 : i32 to index
          %swap3A_159 = arith.constant 96 : index
          %swap3A_160 = tpu.vector_load %arg12[%swap3A_158, %swap3A_159] {strides = array<i32>} : memref<128x128xf32, #tpu.memory_space<vmem>>, vector<16xf32>,
          tpu.vector_store %arg12[%swap3A_158, %swap3A_159], %mul3A_157 {strides = array<i32>} : memref<128x128xf32, #tpu.memory_space<vmem>>, vector<16xf32>,
          %get3A_161 = arith.index_cast %scan3A_105 : i32 to index
          %get3A_162 = arith.constant 112 : index
          %get3A_163 = tpu.vector_load %arg12[%get3A_161, %get3A_162] {strides = array<i32>} : memref<128x128xf32, #tpu.memory_space<vmem>>, vector<16xf32>,
          %mul3A_164 = arith.mulf %get3A_163, %gather3A : vector<16xf32>
          %swap3A_165 = arith.index_cast %scan3A_105 : i32 to index
          %swap3A_166 = arith.constant 112 : index
          %swap3A_167 = tpu.vector_load %arg12[%swap3A_165, %swap3A_166] {strides = array<i32>} : memref<128x128xf32, #tpu.memory_space<vmem>>, vector<16xf32>,
          tpu.vector_store %arg12[%swap3A_165, %swap3A_166], %mul3A_164 {strides = array<i32>} : memref<128x128xf32, #tpu.memory_space<vmem>>, vector<16xf32>,
          %scan3A_168 = arith.constant 0 : i32
          scf.yield %scan3A_168 : i32
        }
        %scan3A_78 = arith.constant 128 : i32
        "tpu.region"() ({
          %run_scoped3A = tpu.sem_alloc : memref<!tpu.dma_semaphore, #tpu.memory_space<semaphore_mem>>
          %dma_start3A_105 = arith.constant 0 : i32
          %dma_start3A_106 = tpu.memref_slice %arg11[%mul3A_56, %dma_start3A_105] : memref<40x128xi32, #tpu.memory_space<vmem>> -> memref<1x128xi32, #tpu.memory_space<vmem>>
          %dma_start3A_107 = tpu.memref_squeeze %dma_start3A_106 : memref<1x128xi32, #tpu.memory_space<vmem>> -> memref<128xi32, #tpu.memory_space<vmem>>
          %dma_start3A_108 = arith.constant 0 : i32
          %dma_start3A_109 = arith.constant 0 : i32
          %dma_start3A_110 = tpu.memref_slice %arg8[%dma_start3A_108, %dma_start3A_109] : memref<10240x128xf32, #tpu.memory_space<vmem_shared>> -> memref<10240x128xf32, #tpu.memory_space<vmem_shared>>
          tpu.enqueue_indirect_dma source(%arg12 : memref<128x128xf32, #tpu.memory_space<vmem>>) target(%dma_start3A_110 : memref<10240x128xf32, #tpu.memory_space<vmem_shared>>) offsets(%dma_start3A_107 : memref<128xi32, #tpu.memory_space<vmem>>) semaphore(%run_scoped3A : memref<!tpu.dma_semaphore, #tpu.memory_space<semaphore_mem>>) {add = true}
          %dma_wait3A_111 = arith.constant 0 : i32
          %dma_wait3A_112 = tpu.memref_slice %arg11[%mul3A_56, %dma_wait3A_111] : memref<40x128xi32, #tpu.memory_space<vmem>> -> memref<1x128xi32, #tpu.memory_space<vmem>>
          %dma_wait3A_113 = tpu.memref_squeeze %dma_wait3A_112 : memref<1x128xi32, #tpu.memory_space<vmem>> -> memref<128xi32, #tpu.memory_space<vmem>>
          %dma_wait3A_114 = arith.constant 0 : i32
          %dma_wait3A_115 = arith.constant 0 : i32
          %dma_wait3A_116 = tpu.memref_slice %arg8[%dma_wait3A_114, %dma_wait3A_115] : memref<10240x128xf32, #tpu.memory_space<vmem_shared>> -> memref<10240x128xf32, #tpu.memory_space<vmem_shared>>
          tpu.wait_indirect_dma semaphore(%run_scoped3A : memref<!tpu.dma_semaphore, #tpu.memory_space<semaphore_mem>>) src(%arg12 : memref<128x128xf32, #tpu.memory_space<vmem>>) dst(%dma_wait3A_116 : memref<10240x128xf32, #tpu.memory_space<vmem_shared>>)
          tpu.yield
        }) : () -> ()
        %add3A_79 = arith.constant 2 : i32
        %add3A_80 = arith.addi %mul3A_56, %add3A_79 : i32
        %min3A = arith.constant 39 : i32
        %min3A_81 = arith.minsi %add3A_80, %min3A : i32
        %dma_start3A_82 = arith.constant 0 : i32
        %dma_start3A_83 = tpu.memref_slice %arg9[%min3A_81, %dma_start3A_82] : memref<40x128xi32, #tpu.memory_space<vmem>> -> memref<1x128xi32, #tpu.memory_space<vmem>>
        %dma_start3A_84 = tpu.memref_squeeze %dma_start3A_83 : memref<1x128xi32, #tpu.memory_space<vmem>> -> memref<128xi32, #tpu.memory_space<vmem>>
        %dma_start3A_85 = arith.constant 0 : i32
        %dma_start3A_86 = arith.constant 0 : i32
        %dma_start3A_87 = tpu.memref_slice %arg2[%dma_start3A_85, %dma_start3A_86] : memref<80000x128xf32, #tpu.memory_space<hbm>> -> memref<80000x128xf32, #tpu.memory_space<hbm>>
        tpu.enqueue_indirect_dma source(%dma_start3A_87 : memref<80000x128xf32, #tpu.memory_space<hbm>>) target(%arg12 : memref<128x128xf32, #tpu.memory_space<vmem>>) offsets(%dma_start3A_84 : memref<128xi32, #tpu.memory_space<vmem>>) semaphore(%arg14 : memref<!tpu.dma_semaphore, #tpu.memory_space<semaphore_mem>>)
        %dma_wait3A_88 = arith.constant 0 : i32
        %dma_wait3A_89 = arith.constant 0 : i32
        %dma_wait3A_90 = tpu.memref_slice %arg9[%dma_wait3A_88, %dma_wait3A_89] : memref<40x128xi32, #tpu.memory_space<vmem>> -> memref<1x128xi32, #tpu.memory_space<vmem>>
        %dma_wait3A_91 = tpu.memref_squeeze %dma_wait3A_90 : memref<1x128xi32, #tpu.memory_space<vmem>> -> memref<128xi32, #tpu.memory_space<vmem>>
        %dma_wait3A_92 = arith.constant 0 : i32
        %dma_wait3A_93 = arith.constant 0 : i32
        %dma_wait3A_94 = tpu.memref_slice %arg2[%dma_wait3A_92, %dma_wait3A_93] : memref<80000x128xf32, #tpu.memory_space<hbm>> -> memref<80000x128xf32, #tpu.memory_space<hbm>>
        tpu.wait_indirect_dma semaphore(%arg15 : memref<!tpu.dma_semaphore, #tpu.memory_space<semaphore_mem>>) src(%dma_wait3A_94 : memref<80000x128xf32, #tpu.memory_space<hbm>>) dst(%arg13 : memref<128x128xf32, #tpu.memory_space<vmem>>)
        %add3A_95 = arith.constant 1 : i32
        %add3A_96 = arith.addi %mul3A_56, %add3A_95 : i32
        %scan3A_97 = arith.constant 0 : i32
        %scan3A_98 = arith.constant 0 : i32
        %scan3A_99 = arith.constant 128 : i32
        %scan3A_100 = arith.addi %scan3A_98, %scan3A_99 : i32
        %scan3A_101 = arith.constant 1 : i32
        %scan3A_102 = scf.for %scan3A_105 = %scan3A_98 to %scan3A_100 step %scan3A_101 iter_args(%scan3A_106 = %scan3A_97) -> (i32)  : i32 {
          %broadcast_in_dim3A = arith.constant 0 : i32
          %broadcast_in_dim3A_107 = vector.broadcast %broadcast_in_dim3A : i32 to vector<16xi32>
          %add3A_108 = vector.broadcast %add3A_96 : i32 to vector<16xi32>
          %add3A_109 = arith.addi %broadcast_in_dim3A_107, %add3A_108 : vector<16xi32>
          %broadcast_in_dim3A_110 = arith.constant 0 : i32
          %broadcast_in_dim3A_111 = vector.broadcast %broadcast_in_dim3A_110 : i32 to vector<16xi32>
          %add3A_112 = vector.broadcast %scan3A_105 : i32 to vector<16xi32>
          %add3A_113 = arith.addi %broadcast_in_dim3A_111, %add3A_112 : vector<16xi32>
          %gather3A = tpu.vector_load_idx %arg10[%add3A_109, %add3A_113] : memref<40x128xf32, #tpu.memory_space<vmem>>[vector<16xi32>, vector<16xi32>], vector<16xf32>,
          %get3A = arith.index_cast %scan3A_105 : i32 to index
          %get3A_114 = arith.constant 0 : index
          %get3A_115 = tpu.vector_load %arg13[%get3A, %get3A_114] {strides = array<i32>} : memref<128x128xf32, #tpu.memory_space<vmem>>, vector<16xf32>,
          %mul3A_116 = arith.mulf %get3A_115, %gather3A : vector<16xf32>
          %swap3A = arith.index_cast %scan3A_105 : i32 to index
          %swap3A_117 = arith.constant 0 : index
          %swap3A_118 = tpu.vector_load %arg13[%swap3A, %swap3A_117] {strides = array<i32>} : memref<128x128xf32, #tpu.memory_space<vmem>>, vector<16xf32>,
          tpu.vector_store %arg13[%swap3A, %swap3A_117], %mul3A_116 {strides = array<i32>} : memref<128x128xf32, #tpu.memory_space<vmem>>, vector<16xf32>,
          %get3A_119 = arith.index_cast %scan3A_105 : i32 to index
          %get3A_120 = arith.constant 16 : index
          %get3A_121 = tpu.vector_load %arg13[%get3A_119, %get3A_120] {strides = array<i32>} : memref<128x128xf32, #tpu.memory_space<vmem>>, vector<16xf32>,
          %mul3A_122 = arith.mulf %get3A_121, %gather3A : vector<16xf32>
          %swap3A_123 = arith.index_cast %scan3A_105 : i32 to index
          %swap3A_124 = arith.constant 16 : index
          %swap3A_125 = tpu.vector_load %arg13[%swap3A_123, %swap3A_124] {strides = array<i32>} : memref<128x128xf32, #tpu.memory_space<vmem>>, vector<16xf32>,
          tpu.vector_store %arg13[%swap3A_123, %swap3A_124], %mul3A_122 {strides = array<i32>} : memref<128x128xf32, #tpu.memory_space<vmem>>, vector<16xf32>,
          %get3A_126 = arith.index_cast %scan3A_105 : i32 to index
          %get3A_127 = arith.constant 32 : index
          %get3A_128 = tpu.vector_load %arg13[%get3A_126, %get3A_127] {strides = array<i32>} : memref<128x128xf32, #tpu.memory_space<vmem>>, vector<16xf32>,
          %mul3A_129 = arith.mulf %get3A_128, %gather3A : vector<16xf32>
          %swap3A_130 = arith.index_cast %scan3A_105 : i32 to index
          %swap3A_131 = arith.constant 32 : index
          %swap3A_132 = tpu.vector_load %arg13[%swap3A_130, %swap3A_131] {strides = array<i32>} : memref<128x128xf32, #tpu.memory_space<vmem>>, vector<16xf32>,
          tpu.vector_store %arg13[%swap3A_130, %swap3A_131], %mul3A_129 {strides = array<i32>} : memref<128x128xf32, #tpu.memory_space<vmem>>, vector<16xf32>,
          %get3A_133 = arith.index_cast %scan3A_105 : i32 to index
          %get3A_134 = arith.constant 48 : index
          %get3A_135 = tpu.vector_load %arg13[%get3A_133, %get3A_134] {strides = array<i32>} : memref<128x128xf32, #tpu.memory_space<vmem>>, vector<16xf32>,
          %mul3A_136 = arith.mulf %get3A_135, %gather3A : vector<16xf32>
          %swap3A_137 = arith.index_cast %scan3A_105 : i32 to index
          %swap3A_138 = arith.constant 48 : index
          %swap3A_139 = tpu.vector_load %arg13[%swap3A_137, %swap3A_138] {strides = array<i32>} : memref<128x128xf32, #tpu.memory_space<vmem>>, vector<16xf32>,
          tpu.vector_store %arg13[%swap3A_137, %swap3A_138], %mul3A_136 {strides = array<i32>} : memref<128x128xf32, #tpu.memory_space<vmem>>, vector<16xf32>,
          %get3A_140 = arith.index_cast %scan3A_105 : i32 to index
          %get3A_141 = arith.constant 64 : index
          %get3A_142 = tpu.vector_load %arg13[%get3A_140, %get3A_141] {strides = array<i32>} : memref<128x128xf32, #tpu.memory_space<vmem>>, vector<16xf32>,
          %mul3A_143 = arith.mulf %get3A_142, %gather3A : vector<16xf32>
          %swap3A_144 = arith.index_cast %scan3A_105 : i32 to index
          %swap3A_145 = arith.constant 64 : index
          %swap3A_146 = tpu.vector_load %arg13[%swap3A_144, %swap3A_145] {strides = array<i32>} : memref<128x128xf32, #tpu.memory_space<vmem>>, vector<16xf32>,
          tpu.vector_store %arg13[%swap3A_144, %swap3A_145], %mul3A_143 {strides = array<i32>} : memref<128x128xf32, #tpu.memory_space<vmem>>, vector<16xf32>,
          %get3A_147 = arith.index_cast %scan3A_105 : i32 to index
          %get3A_148 = arith.constant 80 : index
          %get3A_149 = tpu.vector_load %arg13[%get3A_147, %get3A_148] {strides = array<i32>} : memref<128x128xf32, #tpu.memory_space<vmem>>, vector<16xf32>,
          %mul3A_150 = arith.mulf %get3A_149, %gather3A : vector<16xf32>
          %swap3A_151 = arith.index_cast %scan3A_105 : i32 to index
          %swap3A_152 = arith.constant 80 : index
          %swap3A_153 = tpu.vector_load %arg13[%swap3A_151, %swap3A_152] {strides = array<i32>} : memref<128x128xf32, #tpu.memory_space<vmem>>, vector<16xf32>,
          tpu.vector_store %arg13[%swap3A_151, %swap3A_152], %mul3A_150 {strides = array<i32>} : memref<128x128xf32, #tpu.memory_space<vmem>>, vector<16xf32>,
          %get3A_154 = arith.index_cast %scan3A_105 : i32 to index
          %get3A_155 = arith.constant 96 : index
          %get3A_156 = tpu.vector_load %arg13[%get3A_154, %get3A_155] {strides = array<i32>} : memref<128x128xf32, #tpu.memory_space<vmem>>, vector<16xf32>,
          %mul3A_157 = arith.mulf %get3A_156, %gather3A : vector<16xf32>
          %swap3A_158 = arith.index_cast %scan3A_105 : i32 to index
          %swap3A_159 = arith.constant 96 : index
          %swap3A_160 = tpu.vector_load %arg13[%swap3A_158, %swap3A_159] {strides = array<i32>} : memref<128x128xf32, #tpu.memory_space<vmem>>, vector<16xf32>,
          tpu.vector_store %arg13[%swap3A_158, %swap3A_159], %mul3A_157 {strides = array<i32>} : memref<128x128xf32, #tpu.memory_space<vmem>>, vector<16xf32>,
          %get3A_161 = arith.index_cast %scan3A_105 : i32 to index
          %get3A_162 = arith.constant 112 : index
          %get3A_163 = tpu.vector_load %arg13[%get3A_161, %get3A_162] {strides = array<i32>} : memref<128x128xf32, #tpu.memory_space<vmem>>, vector<16xf32>,
          %mul3A_164 = arith.mulf %get3A_163, %gather3A : vector<16xf32>
          %swap3A_165 = arith.index_cast %scan3A_105 : i32 to index
          %swap3A_166 = arith.constant 112 : index
          %swap3A_167 = tpu.vector_load %arg13[%swap3A_165, %swap3A_166] {strides = array<i32>} : memref<128x128xf32, #tpu.memory_space<vmem>>, vector<16xf32>,
          tpu.vector_store %arg13[%swap3A_165, %swap3A_166], %mul3A_164 {strides = array<i32>} : memref<128x128xf32, #tpu.memory_space<vmem>>, vector<16xf32>,
          %scan3A_168 = arith.constant 0 : i32
          scf.yield %scan3A_168 : i32
        }
        %scan3A_103 = arith.constant 128 : i32
        "tpu.region"() ({
          %run_scoped3A = tpu.sem_alloc : memref<!tpu.dma_semaphore, #tpu.memory_space<semaphore_mem>>
          %dma_start3A_105 = arith.constant 0 : i32
          %dma_start3A_106 = tpu.memref_slice %arg11[%add3A_96, %dma_start3A_105] : memref<40x128xi32, #tpu.memory_space<vmem>> -> memref<1x128xi32, #tpu.memory_space<vmem>>
          %dma_start3A_107 = tpu.memref_squeeze %dma_start3A_106 : memref<1x128xi32, #tpu.memory_space<vmem>> -> memref<128xi32, #tpu.memory_space<vmem>>
          %dma_start3A_108 = arith.constant 0 : i32
          %dma_start3A_109 = arith.constant 0 : i32
          %dma_start3A_110 = tpu.memref_slice %arg8[%dma_start3A_108, %dma_start3A_109] : memref<10240x128xf32, #tpu.memory_space<vmem_shared>> -> memref<10240x128xf32, #tpu.memory_space<vmem_shared>>
          tpu.enqueue_indirect_dma source(%arg13 : memref<128x128xf32, #tpu.memory_space<vmem>>) target(%dma_start3A_110 : memref<10240x128xf32, #tpu.memory_space<vmem_shared>>) offsets(%dma_start3A_107 : memref<128xi32, #tpu.memory_space<vmem>>) semaphore(%run_scoped3A : memref<!tpu.dma_semaphore, #tpu.memory_space<semaphore_mem>>) {add = true}
          %dma_wait3A_111 = arith.constant 0 : i32
          %dma_wait3A_112 = tpu.memref_slice %arg11[%add3A_96, %dma_wait3A_111] : memref<40x128xi32, #tpu.memory_space<vmem>> -> memref<1x128xi32, #tpu.memory_space<vmem>>
          %dma_wait3A_113 = tpu.memref_squeeze %dma_wait3A_112 : memref<1x128xi32, #tpu.memory_space<vmem>> -> memref<128xi32, #tpu.memory_space<vmem>>
          %dma_wait3A_114 = arith.constant 0 : i32
          %dma_wait3A_115 = arith.constant 0 : i32
          %dma_wait3A_116 = tpu.memref_slice %arg8[%dma_wait3A_114, %dma_wait3A_115] : memref<10240x128xf32, #tpu.memory_space<vmem_shared>> -> memref<10240x128xf32, #tpu.memory_space<vmem_shared>>
          tpu.wait_indirect_dma semaphore(%run_scoped3A : memref<!tpu.dma_semaphore, #tpu.memory_space<semaphore_mem>>) src(%arg13 : memref<128x128xf32, #tpu.memory_space<vmem>>) dst(%dma_wait3A_116 : memref<10240x128xf32, #tpu.memory_space<vmem_shared>>)
          tpu.yield
        }) : () -> ()
        %scan3A_104 = arith.constant 0 : i32
        scf.yield %scan3A_104 : i32
      }
      %scan3A_45 = arith.constant 20 : i32
      %dma_wait3A = arith.constant 0 : i32
      %dma_wait3A_46 = arith.constant 0 : i32
      %dma_wait3A_47 = tpu.memref_slice %arg9[%dma_wait3A, %dma_wait3A_46] : memref<40x128xi32, #tpu.memory_space<vmem>> -> memref<1x128xi32, #tpu.memory_space<vmem>>
      %dma_wait3A_48 = tpu.memref_squeeze %dma_wait3A_47 : memref<1x128xi32, #tpu.memory_space<vmem>> -> memref<128xi32, #tpu.memory_space<vmem>>
      %dma_wait3A_49 = arith.constant 0 : i32
      %dma_wait3A_50 = arith.constant 0 : i32
      %dma_wait3A_51 = tpu.memref_slice %arg2[%dma_wait3A_49, %dma_wait3A_50] : memref<80000x128xf32, #tpu.memory_space<hbm>> -> memref<80000x128xf32, #tpu.memory_space<hbm>>
      tpu.wait_indirect_dma semaphore(%arg14 : memref<!tpu.dma_semaphore, #tpu.memory_space<semaphore_mem>>) src(%dma_wait3A_51 : memref<80000x128xf32, #tpu.memory_space<hbm>>) dst(%arg12 : memref<128x128xf32, #tpu.memory_space<vmem>>)
      %while3A_52 = arith.constant 0 : i32
      scf.yield %while3A_52 : i32
    }
    %barrier3A_24 = arith.constant 0 : index
    tpu.barrier barrier_id(%barrier3A_24)
    %mul3A_25 = arith.constant 640 : i32
    %mul3A_26 = arith.muli %arg1, %mul3A_25 : i32
    %mul3A_27 = arith.constant 640 : i32
    %mul3A_28 = arith.muli %arg1, %mul3A_27 : i32
    "tpu.region"() ({
      %run_scoped3A = tpu.sem_alloc : memref<!tpu.dma_semaphore, #tpu.memory_space<semaphore_mem>>
      %dma_start3A = arith.constant 0 : i32
      %dma_start3A_29 = arith.constant 0 : i32
      %dma_start3A_30 = tpu.memref_slice %arg7[%arg0, %dma_start3A, %dma_start3A_29] : memref<2x10240x128xf32, #tpu.memory_space<hbm>> -> memref<1x10240x128xf32, #tpu.memory_space<hbm>>
      %dma_start3A_31 = tpu.memref_squeeze %dma_start3A_30 : memref<1x10240x128xf32, #tpu.memory_space<hbm>> -> memref<10240x128xf32, #tpu.memory_space<hbm>>
      %dma_start3A_32 = arith.constant 0 : i32
      %dma_start3A_33 = tpu.memref_slice %dma_start3A_31[%mul3A_28, %dma_start3A_32] : memref<10240x128xf32, #tpu.memory_space<hbm>> -> memref<640x128xf32, #tpu.memory_space<hbm>>
      %dma_start3A_34 = arith.constant 0 : i32
      %dma_start3A_35 = tpu.memref_slice %arg8[%mul3A_26, %dma_start3A_34] : memref<10240x128xf32, #tpu.memory_space<vmem_shared>> -> memref<640x128xf32, #tpu.memory_space<vmem_shared>>
      tpu.enqueue_dma source(%dma_start3A_35 : memref<640x128xf32, #tpu.memory_space<vmem_shared>>) target(%dma_start3A_33 : memref<640x128xf32, #tpu.memory_space<hbm>>) target_semaphore(%run_scoped3A : memref<!tpu.dma_semaphore, #tpu.memory_space<semaphore_mem>>)
      %dma_wait3A = arith.constant 0 : i32
      %dma_wait3A_36 = arith.constant 0 : i32
      %dma_wait3A_37 = tpu.memref_slice %arg7[%arg0, %dma_wait3A, %dma_wait3A_36] : memref<2x10240x128xf32, #tpu.memory_space<hbm>> -> memref<1x10240x128xf32, #tpu.memory_space<hbm>>
      %dma_wait3A_38 = tpu.memref_squeeze %dma_wait3A_37 : memref<1x10240x128xf32, #tpu.memory_space<hbm>> -> memref<10240x128xf32, #tpu.memory_space<hbm>>
      %dma_wait3A_39 = arith.constant 0 : i32
      %dma_wait3A_40 = tpu.memref_slice %dma_wait3A_38[%mul3A_28, %dma_wait3A_39] : memref<10240x128xf32, #tpu.memory_space<hbm>> -> memref<640x128xf32, #tpu.memory_space<hbm>>
      %dma_wait3A_41 = arith.constant 0 : i32
      %dma_wait3A_42 = tpu.memref_slice %arg8[%mul3A_26, %dma_wait3A_41] : memref<10240x128xf32, #tpu.memory_space<vmem_shared>> -> memref<640x128xf32, #tpu.memory_space<vmem_shared>>
      tpu.wait_dma2 semaphore(%run_scoped3A : memref<!tpu.dma_semaphore, #tpu.memory_space<semaphore_mem>>) src(%dma_wait3A_42 : memref<640x128xf32, #tpu.memory_space<vmem_shared>>) dst(%dma_wait3A_40 : memref<640x128xf32, #tpu.memory_space<hbm>>)
      tpu.yield
    }) : () -> ()
    return
  }
}

module attributes {stable_mosaic.version = 14 : i64} {
  func.func @_wr_body(%arg0: memref<8x30xf32, #tpu.memory_space<vmem>>, %arg1: memref<30x16384xf32, #tpu.memory_space<vmem>>, %arg2: memref<8x30xf32, #tpu.memory_space<vmem>>, %arg3: memref<30x16384xf32, #tpu.memory_space<vmem>>, %arg4: memref<8x16384xf32, #tpu.memory_space<vmem>>, %arg5: memref<8x16384xf32, #tpu.memory_space<vmem>>) attributes {dimension_semantics = [], scalar_prefetch = 0 : i64, scratch_operands = 0 : i64, tpu.core_type = #tpu.core_type<tc>} {
    %get3A = arith.constant 0 : index
    %get3A_0 = arith.constant 0 : index
    %get3A_1 = vector.load %arg0[%get3A, %get3A_0] : memref<8x30xf32, #tpu.memory_space<vmem>>, vector<8x30xf32>
    %get3A_2 = arith.constant 0 : index
    %get3A_3 = arith.constant 0 : index
    %get3A_4 = vector.load %arg1[%get3A_2, %get3A_3] : memref<30x16384xf32, #tpu.memory_space<vmem>>, vector<30x16384xf32>
    %dot_general3A = arith.constant dense<0.000000e+00> : vector<8x16384xf32>
    %dot_general3A_5 = tpu.matmul %get3A_1, %get3A_4, %dot_general3A {dimension_numbers = #tpu.dot_dimension_numbers<[1], [0], [0], [1], [0, 0, 1, 1], [], []>, transpose_lhs_hint = false} : vector<8x30xf32>, vector<30x16384xf32>, vector<8x16384xf32> -> vector<8x16384xf32>
    %swap3A = arith.constant 0 : index
    %swap3A_6 = arith.constant 0 : index
    %swap3A_7 = vector.load %arg4[%swap3A, %swap3A_6] : memref<8x16384xf32, #tpu.memory_space<vmem>>, vector<8x16384xf32>
    tpu.vector_store %arg4[%swap3A, %swap3A_6], %dot_general3A_5 {strides = array<i32>} : memref<8x16384xf32, #tpu.memory_space<vmem>>, vector<8x16384xf32>,
    %get3A_8 = arith.constant 0 : index
    %get3A_9 = arith.constant 0 : index
    %get3A_10 = vector.load %arg2[%get3A_8, %get3A_9] : memref<8x30xf32, #tpu.memory_space<vmem>>, vector<8x30xf32>
    %get3A_11 = arith.constant 0 : index
    %get3A_12 = arith.constant 0 : index
    %get3A_13 = vector.load %arg3[%get3A_11, %get3A_12] : memref<30x16384xf32, #tpu.memory_space<vmem>>, vector<30x16384xf32>
    %dot_general3A_14 = arith.constant dense<0.000000e+00> : vector<8x16384xf32>
    %dot_general3A_15 = tpu.matmul %get3A_10, %get3A_13, %dot_general3A_14 {dimension_numbers = #tpu.dot_dimension_numbers<[1], [0], [0], [1], [0, 0, 1, 1], [], []>, transpose_lhs_hint = false} : vector<8x30xf32>, vector<30x16384xf32>, vector<8x16384xf32> -> vector<8x16384xf32>
    %swap3A_16 = arith.constant 0 : index
    %swap3A_17 = arith.constant 0 : index
    %swap3A_18 = vector.load %arg5[%swap3A_16, %swap3A_17] : memref<8x16384xf32, #tpu.memory_space<vmem>>, vector<8x16384xf32>
    tpu.vector_store %arg5[%swap3A_16, %swap3A_17], %dot_general3A_15 {strides = array<i32>} : memref<8x16384xf32, #tpu.memory_space<vmem>>, vector<8x16384xf32>,
    return
  }
}

module attributes {stable_mosaic.version = 14 : i64} {
  func.func @_xw_body(%arg0: i32, %arg1: memref<400x128xf32, #tpu.memory_space<vmem>>, %arg2: memref<8x128x128xf32, #tpu.memory_space<vmem>>, %arg3: memref<128x128xf32, #tpu.memory_space<vmem>>, %arg4: memref<1x128xf32, #tpu.memory_space<vmem>>, %arg5: memref<8x400x128xf32, #tpu.memory_space<vmem>>, %arg6: memref<400x128xf32, #tpu.memory_space<vmem>>) attributes {dimension_semantics = [#tpu.dimension_semantics<arbitrary>], iteration_bounds = array<i64: 25>, scalar_prefetch = 0 : i64, scratch_operands = 0 : i64, tpu.core_type = #tpu.core_type<tc>, window_params = [{transform_indices = @transform_0, window_bounds = array<i64: 400, 128>}, {pipeline_mode = #tpu.pipeline_mode<synchronous>, transform_indices = @transform_1, window_bounds = array<i64: 8, 128, 128>}, {pipeline_mode = #tpu.pipeline_mode<synchronous>, transform_indices = @transform_2, window_bounds = array<i64: 128, 128>}, {pipeline_mode = #tpu.pipeline_mode<synchronous>, transform_indices = @transform_3, window_bounds = array<i64: 1, 128>}, {transform_indices = @transform_4, window_bounds = array<i64: 8, 400, 128>}, {transform_indices = @transform_5, window_bounds = array<i64: 400, 128>}]} {
    %get3A = arith.constant 0 : index
    %get3A_0 = arith.constant 0 : index
    %get3A_1 = vector.load %arg1[%get3A, %get3A_0] : memref<400x128xf32, #tpu.memory_space<vmem>>, vector<400x128xf32>
    %get3A_2 = arith.constant 0 : index
    %get3A_3 = arith.constant 0 : index
    %get3A_4 = arith.constant 0 : index
    %get3A_5 = vector.load %arg2[%get3A_2, %get3A_3, %get3A_4] : memref<8x128x128xf32, #tpu.memory_space<vmem>>, vector<1x128x128xf32>
    %get3A_6 = vector.shape_cast %get3A_5 : vector<1x128x128xf32> to vector<128x128xf32>
    %dot_general3A = arith.constant dense<0.000000e+00> : vector<400x128xf32>
    %dot_general3A_7 = tpu.matmul %get3A_1, %get3A_6, %dot_general3A {dimension_numbers = #tpu.dot_dimension_numbers<[1], [0], [0], [1], [0, 0, 1, 1], [], []>, transpose_lhs_hint = false} : vector<400x128xf32>, vector<128x128xf32>, vector<400x128xf32> -> vector<400x128xf32>
    %swap3A = arith.constant 0 : index
    %swap3A_8 = arith.constant 0 : index
    %swap3A_9 = arith.constant 0 : index
    %swap3A_10 = vector.load %arg5[%swap3A, %swap3A_8, %swap3A_9] : memref<8x400x128xf32, #tpu.memory_space<vmem>>, vector<1x400x128xf32>
    %swap3A_11 = vector.shape_cast %swap3A_10 : vector<1x400x128xf32> to vector<400x128xf32>
    %swap3A_12 = vector.shape_cast %dot_general3A_7 : vector<400x128xf32> to vector<1x400x128xf32>
    tpu.vector_store %arg5[%swap3A, %swap3A_8, %swap3A_9], %swap3A_12 {strides = array<i32>} : memref<8x400x128xf32, #tpu.memory_space<vmem>>, vector<1x400x128xf32>,
    %get3A_13 = arith.constant 1 : index
    %get3A_14 = arith.constant 0 : index
    %get3A_15 = arith.constant 0 : index
    %get3A_16 = vector.load %arg2[%get3A_13, %get3A_14, %get3A_15] : memref<8x128x128xf32, #tpu.memory_space<vmem>>, vector<1x128x128xf32>
    %get3A_17 = vector.shape_cast %get3A_16 : vector<1x128x128xf32> to vector<128x128xf32>
    %dot_general3A_18 = arith.constant dense<0.000000e+00> : vector<400x128xf32>
    %dot_general3A_19 = tpu.matmul %get3A_1, %get3A_17, %dot_general3A_18 {dimension_numbers = #tpu.dot_dimension_numbers<[1], [0], [0], [1], [0, 0, 1, 1], [], []>, transpose_lhs_hint = false} : vector<400x128xf32>, vector<128x128xf32>, vector<400x128xf32> -> vector<400x128xf32>
    %swap3A_20 = arith.constant 1 : index
    %swap3A_21 = arith.constant 0 : index
    %swap3A_22 = arith.constant 0 : index
    %swap3A_23 = vector.load %arg5[%swap3A_20, %swap3A_21, %swap3A_22] : memref<8x400x128xf32, #tpu.memory_space<vmem>>, vector<1x400x128xf32>
    %swap3A_24 = vector.shape_cast %swap3A_23 : vector<1x400x128xf32> to vector<400x128xf32>
    %swap3A_25 = vector.shape_cast %dot_general3A_19 : vector<400x128xf32> to vector<1x400x128xf32>
    tpu.vector_store %arg5[%swap3A_20, %swap3A_21, %swap3A_22], %swap3A_25 {strides = array<i32>} : memref<8x400x128xf32, #tpu.memory_space<vmem>>, vector<1x400x128xf32>,
    %get3A_26 = arith.constant 2 : index
    %get3A_27 = arith.constant 0 : index
    %get3A_28 = arith.constant 0 : index
    %get3A_29 = vector.load %arg2[%get3A_26, %get3A_27, %get3A_28] : memref<8x128x128xf32, #tpu.memory_space<vmem>>, vector<1x128x128xf32>
    %get3A_30 = vector.shape_cast %get3A_29 : vector<1x128x128xf32> to vector<128x128xf32>
    %dot_general3A_31 = arith.constant dense<0.000000e+00> : vector<400x128xf32>
    %dot_general3A_32 = tpu.matmul %get3A_1, %get3A_30, %dot_general3A_31 {dimension_numbers = #tpu.dot_dimension_numbers<[1], [0], [0], [1], [0, 0, 1, 1], [], []>, transpose_lhs_hint = false} : vector<400x128xf32>, vector<128x128xf32>, vector<400x128xf32> -> vector<400x128xf32>
    %swap3A_33 = arith.constant 2 : index
    %swap3A_34 = arith.constant 0 : index
    %swap3A_35 = arith.constant 0 : index
    %swap3A_36 = vector.load %arg5[%swap3A_33, %swap3A_34, %swap3A_35] : memref<8x400x128xf32, #tpu.memory_space<vmem>>, vector<1x400x128xf32>
    %swap3A_37 = vector.shape_cast %swap3A_36 : vector<1x400x128xf32> to vector<400x128xf32>
    %swap3A_38 = vector.shape_cast %dot_general3A_32 : vector<400x128xf32> to vector<1x400x128xf32>
    tpu.vector_store %arg5[%swap3A_33, %swap3A_34, %swap3A_35], %swap3A_38 {strides = array<i32>} : memref<8x400x128xf32, #tpu.memory_space<vmem>>, vector<1x400x128xf32>,
    %get3A_39 = arith.constant 3 : index
    %get3A_40 = arith.constant 0 : index
    %get3A_41 = arith.constant 0 : index
    %get3A_42 = vector.load %arg2[%get3A_39, %get3A_40, %get3A_41] : memref<8x128x128xf32, #tpu.memory_space<vmem>>, vector<1x128x128xf32>
    %get3A_43 = vector.shape_cast %get3A_42 : vector<1x128x128xf32> to vector<128x128xf32>
    %dot_general3A_44 = arith.constant dense<0.000000e+00> : vector<400x128xf32>
    %dot_general3A_45 = tpu.matmul %get3A_1, %get3A_43, %dot_general3A_44 {dimension_numbers = #tpu.dot_dimension_numbers<[1], [0], [0], [1], [0, 0, 1, 1], [], []>, transpose_lhs_hint = false} : vector<400x128xf32>, vector<128x128xf32>, vector<400x128xf32> -> vector<400x128xf32>
    %swap3A_46 = arith.constant 3 : index
    %swap3A_47 = arith.constant 0 : index
    %swap3A_48 = arith.constant 0 : index
    %swap3A_49 = vector.load %arg5[%swap3A_46, %swap3A_47, %swap3A_48] : memref<8x400x128xf32, #tpu.memory_space<vmem>>, vector<1x400x128xf32>
    %swap3A_50 = vector.shape_cast %swap3A_49 : vector<1x400x128xf32> to vector<400x128xf32>
    %swap3A_51 = vector.shape_cast %dot_general3A_45 : vector<400x128xf32> to vector<1x400x128xf32>
    tpu.vector_store %arg5[%swap3A_46, %swap3A_47, %swap3A_48], %swap3A_51 {strides = array<i32>} : memref<8x400x128xf32, #tpu.memory_space<vmem>>, vector<1x400x128xf32>,
    %get3A_52 = arith.constant 4 : index
    %get3A_53 = arith.constant 0 : index
    %get3A_54 = arith.constant 0 : index
    %get3A_55 = vector.load %arg2[%get3A_52, %get3A_53, %get3A_54] : memref<8x128x128xf32, #tpu.memory_space<vmem>>, vector<1x128x128xf32>
    %get3A_56 = vector.shape_cast %get3A_55 : vector<1x128x128xf32> to vector<128x128xf32>
    %dot_general3A_57 = arith.constant dense<0.000000e+00> : vector<400x128xf32>
    %dot_general3A_58 = tpu.matmul %get3A_1, %get3A_56, %dot_general3A_57 {dimension_numbers = #tpu.dot_dimension_numbers<[1], [0], [0], [1], [0, 0, 1, 1], [], []>, transpose_lhs_hint = false} : vector<400x128xf32>, vector<128x128xf32>, vector<400x128xf32> -> vector<400x128xf32>
    %swap3A_59 = arith.constant 4 : index
    %swap3A_60 = arith.constant 0 : index
    %swap3A_61 = arith.constant 0 : index
    %swap3A_62 = vector.load %arg5[%swap3A_59, %swap3A_60, %swap3A_61] : memref<8x400x128xf32, #tpu.memory_space<vmem>>, vector<1x400x128xf32>
    %swap3A_63 = vector.shape_cast %swap3A_62 : vector<1x400x128xf32> to vector<400x128xf32>
    %swap3A_64 = vector.shape_cast %dot_general3A_58 : vector<400x128xf32> to vector<1x400x128xf32>
    tpu.vector_store %arg5[%swap3A_59, %swap3A_60, %swap3A_61], %swap3A_64 {strides = array<i32>} : memref<8x400x128xf32, #tpu.memory_space<vmem>>, vector<1x400x128xf32>,
    %get3A_65 = arith.constant 5 : index
    %get3A_66 = arith.constant 0 : index
    %get3A_67 = arith.constant 0 : index
    %get3A_68 = vector.load %arg2[%get3A_65, %get3A_66, %get3A_67] : memref<8x128x128xf32, #tpu.memory_space<vmem>>, vector<1x128x128xf32>
    %get3A_69 = vector.shape_cast %get3A_68 : vector<1x128x128xf32> to vector<128x128xf32>
    %dot_general3A_70 = arith.constant dense<0.000000e+00> : vector<400x128xf32>
    %dot_general3A_71 = tpu.matmul %get3A_1, %get3A_69, %dot_general3A_70 {dimension_numbers = #tpu.dot_dimension_numbers<[1], [0], [0], [1], [0, 0, 1, 1], [], []>, transpose_lhs_hint = false} : vector<400x128xf32>, vector<128x128xf32>, vector<400x128xf32> -> vector<400x128xf32>
    %swap3A_72 = arith.constant 5 : index
    %swap3A_73 = arith.constant 0 : index
    %swap3A_74 = arith.constant 0 : index
    %swap3A_75 = vector.load %arg5[%swap3A_72, %swap3A_73, %swap3A_74] : memref<8x400x128xf32, #tpu.memory_space<vmem>>, vector<1x400x128xf32>
    %swap3A_76 = vector.shape_cast %swap3A_75 : vector<1x400x128xf32> to vector<400x128xf32>
    %swap3A_77 = vector.shape_cast %dot_general3A_71 : vector<400x128xf32> to vector<1x400x128xf32>
    tpu.vector_store %arg5[%swap3A_72, %swap3A_73, %swap3A_74], %swap3A_77 {strides = array<i32>} : memref<8x400x128xf32, #tpu.memory_space<vmem>>, vector<1x400x128xf32>,
    %get3A_78 = arith.constant 6 : index
    %get3A_79 = arith.constant 0 : index
    %get3A_80 = arith.constant 0 : index
    %get3A_81 = vector.load %arg2[%get3A_78, %get3A_79, %get3A_80] : memref<8x128x128xf32, #tpu.memory_space<vmem>>, vector<1x128x128xf32>
    %get3A_82 = vector.shape_cast %get3A_81 : vector<1x128x128xf32> to vector<128x128xf32>
    %dot_general3A_83 = arith.constant dense<0.000000e+00> : vector<400x128xf32>
    %dot_general3A_84 = tpu.matmul %get3A_1, %get3A_82, %dot_general3A_83 {dimension_numbers = #tpu.dot_dimension_numbers<[1], [0], [0], [1], [0, 0, 1, 1], [], []>, transpose_lhs_hint = false} : vector<400x128xf32>, vector<128x128xf32>, vector<400x128xf32> -> vector<400x128xf32>
    %swap3A_85 = arith.constant 6 : index
    %swap3A_86 = arith.constant 0 : index
    %swap3A_87 = arith.constant 0 : index
    %swap3A_88 = vector.load %arg5[%swap3A_85, %swap3A_86, %swap3A_87] : memref<8x400x128xf32, #tpu.memory_space<vmem>>, vector<1x400x128xf32>
    %swap3A_89 = vector.shape_cast %swap3A_88 : vector<1x400x128xf32> to vector<400x128xf32>
    %swap3A_90 = vector.shape_cast %dot_general3A_84 : vector<400x128xf32> to vector<1x400x128xf32>
    tpu.vector_store %arg5[%swap3A_85, %swap3A_86, %swap3A_87], %swap3A_90 {strides = array<i32>} : memref<8x400x128xf32, #tpu.memory_space<vmem>>, vector<1x400x128xf32>,
    %get3A_91 = arith.constant 7 : index
    %get3A_92 = arith.constant 0 : index
    %get3A_93 = arith.constant 0 : index
    %get3A_94 = vector.load %arg2[%get3A_91, %get3A_92, %get3A_93] : memref<8x128x128xf32, #tpu.memory_space<vmem>>, vector<1x128x128xf32>
    %get3A_95 = vector.shape_cast %get3A_94 : vector<1x128x128xf32> to vector<128x128xf32>
    %dot_general3A_96 = arith.constant dense<0.000000e+00> : vector<400x128xf32>
    %dot_general3A_97 = tpu.matmul %get3A_1, %get3A_95, %dot_general3A_96 {dimension_numbers = #tpu.dot_dimension_numbers<[1], [0], [0], [1], [0, 0, 1, 1], [], []>, transpose_lhs_hint = false} : vector<400x128xf32>, vector<128x128xf32>, vector<400x128xf32> -> vector<400x128xf32>
    %swap3A_98 = arith.constant 7 : index
    %swap3A_99 = arith.constant 0 : index
    %swap3A_100 = arith.constant 0 : index
    %swap3A_101 = vector.load %arg5[%swap3A_98, %swap3A_99, %swap3A_100] : memref<8x400x128xf32, #tpu.memory_space<vmem>>, vector<1x400x128xf32>
    %swap3A_102 = vector.shape_cast %swap3A_101 : vector<1x400x128xf32> to vector<400x128xf32>
    %swap3A_103 = vector.shape_cast %dot_general3A_97 : vector<400x128xf32> to vector<1x400x128xf32>
    tpu.vector_store %arg5[%swap3A_98, %swap3A_99, %swap3A_100], %swap3A_103 {strides = array<i32>} : memref<8x400x128xf32, #tpu.memory_space<vmem>>, vector<1x400x128xf32>,
    %get3A_104 = arith.constant 0 : index
    %get3A_105 = arith.constant 0 : index
    %get3A_106 = vector.load %arg3[%get3A_104, %get3A_105] : memref<128x128xf32, #tpu.memory_space<vmem>>, vector<128x128xf32>
    %dot_general3A_107 = arith.constant dense<0.000000e+00> : vector<400x128xf32>
    %dot_general3A_108 = tpu.matmul %get3A_1, %get3A_106, %dot_general3A_107 {dimension_numbers = #tpu.dot_dimension_numbers<[1], [0], [0], [1], [0, 0, 1, 1], [], []>, transpose_lhs_hint = false} : vector<400x128xf32>, vector<128x128xf32>, vector<400x128xf32> -> vector<400x128xf32>
    %get3A_109 = arith.constant 0 : index
    %get3A_110 = arith.constant 0 : index
    %get3A_111 = vector.load %arg4[%get3A_109, %get3A_110] : memref<1x128xf32, #tpu.memory_space<vmem>>, vector<1x128xf32>
    %add3A = vector.broadcast %get3A_111 : vector<1x128xf32> to vector<400x128xf32>
    %add3A_112 = arith.addf %dot_general3A_108, %add3A : vector<400x128xf32>
    %swap3A_113 = arith.constant 0 : index
    %swap3A_114 = arith.constant 0 : index
    %swap3A_115 = vector.load %arg6[%swap3A_113, %swap3A_114] : memref<400x128xf32, #tpu.memory_space<vmem>>, vector<400x128xf32>
    tpu.vector_store %arg6[%swap3A_113, %swap3A_114], %add3A_112 {strides = array<i32>} : memref<400x128xf32, #tpu.memory_space<vmem>>, vector<400x128xf32>,
    return
  }
  func.func @transform_0(%arg0: i32) -> (i32, i32) {
    %c0_i32 = arith.constant 0 : i32
    %c0_i32_0 = arith.constant 0 : i32
    return %arg0, %c0_i32 : i32, i32
  }
  func.func @transform_1(%arg0: i32) -> (i32, i32, i32) {
    %c0_i32 = arith.constant 0 : i32
    %c0_i32_0 = arith.constant 0 : i32
    %c0_i32_1 = arith.constant 0 : i32
    %c0_i32_2 = arith.constant 0 : i32
    return %c0_i32, %c0_i32_0, %c0_i32_1 : i32, i32, i32
  }
  func.func @transform_2(%arg0: i32) -> (i32, i32) {
    %c0_i32 = arith.constant 0 : i32
    %c0_i32_0 = arith.constant 0 : i32
    %c0_i32_1 = arith.constant 0 : i32
    return %c0_i32, %c0_i32_0 : i32, i32
  }
  func.func @transform_3(%arg0: i32) -> (i32, i32) {
    %c0_i32 = arith.constant 0 : i32
    %c0_i32_0 = arith.constant 0 : i32
    %c0_i32_1 = arith.constant 0 : i32
    return %c0_i32, %c0_i32_0 : i32, i32
  }
  func.func @transform_4(%arg0: i32) -> (i32, i32, i32) {
    %c0_i32 = arith.constant 0 : i32
    %c0_i32_0 = arith.constant 0 : i32
    %c0_i32_1 = arith.constant 0 : i32
    return %c0_i32, %arg0, %c0_i32_0 : i32, i32, i32
  }
  func.func @transform_5(%arg0: i32) -> (i32, i32) {
    %c0_i32 = arith.constant 0 : i32
    %c0_i32_0 = arith.constant 0 : i32
    return %arg0, %c0_i32 : i32, i32
  }
}

module attributes {stable_mosaic.version = 14 : i64} {
  func.func @_stats_body(%arg0: i32, %arg1: memref<2x400x128xf32, #tpu.memory_space<vmem>>, %arg2: memref<400x128xf32, #tpu.memory_space<vmem>>, %arg3: memref<400x128xf32, #tpu.memory_space<vmem>>, %arg4: memref<8x128xf32, #tpu.memory_space<vmem>>) attributes {dimension_semantics = [#tpu.dimension_semantics<arbitrary>], iteration_bounds = array<i64: 25>, scalar_prefetch = 0 : i64, scratch_operands = 0 : i64, tpu.core_type = #tpu.core_type<tc>, window_params = [{transform_indices = @transform_0, window_bounds = array<i64: 2, 400, 128>}, {transform_indices = @transform_1, window_bounds = array<i64: 400, 128>}, {transform_indices = @transform_2, window_bounds = array<i64: 400, 128>}, {pipeline_mode = #tpu.pipeline_mode<synchronous>, transform_indices = @transform_3, window_bounds = array<i64: 8, 128>}]} {
    %get3A = arith.constant 0 : index
    %get3A_0 = arith.constant 0 : index
    %get3A_1 = arith.constant 0 : index
    %get3A_2 = vector.load %arg1[%get3A, %get3A_0, %get3A_1] : memref<2x400x128xf32, #tpu.memory_space<vmem>>, vector<1x400x128xf32>
    %get3A_3 = vector.shape_cast %get3A_2 : vector<1x400x128xf32> to vector<400x128xf32>
    %get3A_4 = arith.constant 1 : index
    %get3A_5 = arith.constant 0 : index
    %get3A_6 = arith.constant 0 : index
    %get3A_7 = vector.load %arg1[%get3A_4, %get3A_5, %get3A_6] : memref<2x400x128xf32, #tpu.memory_space<vmem>>, vector<1x400x128xf32>
    %get3A_8 = vector.shape_cast %get3A_7 : vector<1x400x128xf32> to vector<400x128xf32>
    %add3A = arith.addf %get3A_3, %get3A_8 : vector<400x128xf32>
    %get3A_9 = arith.constant 0 : index
    %get3A_10 = arith.constant 0 : index
    %get3A_11 = vector.load %arg2[%get3A_9, %get3A_10] : memref<400x128xf32, #tpu.memory_space<vmem>>, vector<400x128xf32>
    %add3A_12 = arith.addf %add3A, %get3A_11 : vector<400x128xf32>
    %swap3A = arith.constant 0 : index
    %swap3A_13 = arith.constant 0 : index
    %swap3A_14 = vector.load %arg3[%swap3A, %swap3A_13] : memref<400x128xf32, #tpu.memory_space<vmem>>, vector<400x128xf32>
    tpu.vector_store %arg3[%swap3A, %swap3A_13], %add3A_12 {strides = array<i32>} : memref<400x128xf32, #tpu.memory_space<vmem>>, vector<400x128xf32>,
    %reduce_sum3A = arith.constant dense<0.000000e+00> : vector<128xf32>
    %reduce_sum3A_15 = vector.multi_reduction <add>, %add3A_12, %reduce_sum3A [0] : vector<400x128xf32> to vector<128xf32>
    %broadcast_in_dim3A = vector.shape_cast %reduce_sum3A_15 : vector<128xf32> to vector<1x128xf32>
    %mul3A = arith.mulf %add3A_12, %add3A_12 : vector<400x128xf32>
    %reduce_sum3A_16 = arith.constant dense<0.000000e+00> : vector<128xf32>
    %reduce_sum3A_17 = vector.multi_reduction <add>, %mul3A, %reduce_sum3A_16 [0] : vector<400x128xf32> to vector<128xf32>
    %broadcast_in_dim3A_18 = vector.shape_cast %reduce_sum3A_17 : vector<128xf32> to vector<1x128xf32>
    %broadcast_in_dim3A_19 = arith.constant 0.000000e+00 : f32
    %broadcast_in_dim3A_20 = vector.broadcast %broadcast_in_dim3A_19 : f32 to vector<6x128xf32>
    %concatenate3A = tpu.concatenate %broadcast_in_dim3A, %broadcast_in_dim3A_18, %broadcast_in_dim3A_20 in 0 : vector<1x128xf32>, vector<1x128xf32>, vector<6x128xf32> -> vector<8x128xf32>
    %eq3A = arith.constant 0 : i32
    %eq3A_21 = arith.cmpi eq, %arg0, %eq3A : i32
    %convert_element_type3A = arith.extui %eq3A_21 : i1 to i32
    %cond3A = arith.constant 0 : i32
    %cond3A_22 = arith.cmpi ne, %convert_element_type3A, %cond3A : i32
    scf.if %cond3A_22 {
      %swap3A_27 = arith.constant 0 : index
      %swap3A_28 = arith.constant 0 : index
      %swap3A_29 = vector.load %arg4[%swap3A_27, %swap3A_28] : memref<8x128xf32, #tpu.memory_space<vmem>>, vector<8x128xf32>
      tpu.vector_store %arg4[%swap3A_27, %swap3A_28], %concatenate3A {strides = array<i32>} : memref<8x128xf32, #tpu.memory_space<vmem>>, vector<8x128xf32>,
    } else {
    }
    %gt3A = arith.constant 0 : i32
    %gt3A_23 = arith.cmpi sgt, %arg0, %gt3A : i32
    %convert_element_type3A_24 = arith.extui %gt3A_23 : i1 to i32
    %cond3A_25 = arith.constant 0 : i32
    %cond3A_26 = arith.cmpi ne, %convert_element_type3A_24, %cond3A_25 : i32
    scf.if %cond3A_26 {
      %get3A_27 = arith.constant 0 : index
      %get3A_28 = arith.constant 0 : index
      %get3A_29 = vector.load %arg4[%get3A_27, %get3A_28] : memref<8x128xf32, #tpu.memory_space<vmem>>, vector<8x128xf32>
      %add3A_30 = arith.addf %get3A_29, %concatenate3A : vector<8x128xf32>
      %swap3A_31 = arith.constant 0 : index
      %swap3A_32 = arith.constant 0 : index
      %swap3A_33 = vector.load %arg4[%swap3A_31, %swap3A_32] : memref<8x128xf32, #tpu.memory_space<vmem>>, vector<8x128xf32>
      tpu.vector_store %arg4[%swap3A_31, %swap3A_32], %add3A_30 {strides = array<i32>} : memref<8x128xf32, #tpu.memory_space<vmem>>, vector<8x128xf32>,
    } else {
    }
    return
  }
  func.func @transform_0(%arg0: i32) -> (i32, i32, i32) {
    %c0_i32 = arith.constant 0 : i32
    %c0_i32_0 = arith.constant 0 : i32
    %c0_i32_1 = arith.constant 0 : i32
    return %c0_i32, %arg0, %c0_i32_0 : i32, i32, i32
  }
  func.func @transform_1(%arg0: i32) -> (i32, i32) {
    %c0_i32 = arith.constant 0 : i32
    %c0_i32_0 = arith.constant 0 : i32
    return %arg0, %c0_i32 : i32, i32
  }
  func.func @transform_2(%arg0: i32) -> (i32, i32) {
    %c0_i32 = arith.constant 0 : i32
    %c0_i32_0 = arith.constant 0 : i32
    return %arg0, %c0_i32 : i32, i32
  }
  func.func @transform_3(%arg0: i32) -> (i32, i32) {
    %c0_i32 = arith.constant 0 : i32
    %c0_i32_0 = arith.constant 0 : i32
    %c0_i32_1 = arith.constant 0 : i32
    return %c0_i32, %c0_i32_0 : i32, i32
  }
}

module attributes {stable_mosaic.version = 14 : i64} {
  func.func @_final_body(%arg0: i32, %arg1: memref<400x128xf32, #tpu.memory_space<vmem>>, %arg2: memref<8x128xf32, #tpu.memory_space<vmem>>, %arg3: memref<1x128xf32, #tpu.memory_space<vmem>>, %arg4: memref<1x128xf32, #tpu.memory_space<vmem>>, %arg5: memref<128x128xf32, #tpu.memory_space<vmem>>, %arg6: memref<1x128xf32, #tpu.memory_space<vmem>>, %arg7: memref<400x128xf32, #tpu.memory_space<vmem>>) attributes {dimension_semantics = [#tpu.dimension_semantics<arbitrary>], iteration_bounds = array<i64: 25>, scalar_prefetch = 0 : i64, scratch_operands = 0 : i64, tpu.core_type = #tpu.core_type<tc>, window_params = [{transform_indices = @transform_0, window_bounds = array<i64: 400, 128>}, {pipeline_mode = #tpu.pipeline_mode<synchronous>, transform_indices = @transform_1, window_bounds = array<i64: 8, 128>}, {pipeline_mode = #tpu.pipeline_mode<synchronous>, transform_indices = @transform_2, window_bounds = array<i64: 1, 128>}, {pipeline_mode = #tpu.pipeline_mode<synchronous>, transform_indices = @transform_3, window_bounds = array<i64: 1, 128>}, {pipeline_mode = #tpu.pipeline_mode<synchronous>, transform_indices = @transform_4, window_bounds = array<i64: 128, 128>}, {pipeline_mode = #tpu.pipeline_mode<synchronous>, transform_indices = @transform_5, window_bounds = array<i64: 1, 128>}, {transform_indices = @transform_6, window_bounds = array<i64: 400, 128>}]} {
    %get3A = arith.constant 0 : index
    %get3A_0 = arith.constant 0 : index
    %get3A_1 = vector.load %arg2[%get3A, %get3A_0] : memref<8x128xf32, #tpu.memory_space<vmem>>, vector<1x128xf32>
    %div3A = arith.constant 1.000000e+04 : f32
    %div3A_2 = vector.broadcast %div3A : f32 to vector<1x128xf32>
    %div3A_3 = arith.divf %get3A_1, %div3A_2 : vector<1x128xf32>
    %get3A_4 = arith.constant 1 : index
    %get3A_5 = arith.constant 0 : index
    %get3A_6 = vector.load %arg2[%get3A_4, %get3A_5] : memref<8x128xf32, #tpu.memory_space<vmem>>, vector<1x128xf32>
    %div3A_7 = arith.constant 1.000000e+04 : f32
    %div3A_8 = vector.broadcast %div3A_7 : f32 to vector<1x128xf32>
    %div3A_9 = arith.divf %get3A_6, %div3A_8 : vector<1x128xf32>
    %mul3A = arith.mulf %div3A_3, %div3A_3 : vector<1x128xf32>
    %sub3A = arith.subf %div3A_9, %mul3A : vector<1x128xf32>
    %get3A_10 = arith.constant 0 : index
    %get3A_11 = arith.constant 0 : index
    %get3A_12 = vector.load %arg3[%get3A_10, %get3A_11] : memref<1x128xf32, #tpu.memory_space<vmem>>, vector<1x128xf32>
    %add3A = arith.constant 9.99999974E-6 : f32
    %add3A_13 = vector.broadcast %add3A : f32 to vector<1x128xf32>
    %add3A_14 = arith.addf %sub3A, %add3A_13 : vector<1x128xf32>
    %rsqrt3A = math.rsqrt %add3A_14 : vector<1x128xf32>
    %mul3A_15 = arith.mulf %get3A_12, %rsqrt3A : vector<1x128xf32>
    %get3A_16 = arith.constant 0 : index
    %get3A_17 = arith.constant 0 : index
    %get3A_18 = vector.load %arg4[%get3A_16, %get3A_17] : memref<1x128xf32, #tpu.memory_space<vmem>>, vector<1x128xf32>
    %mul3A_19 = arith.mulf %div3A_3, %mul3A_15 : vector<1x128xf32>
    %sub3A_20 = arith.subf %get3A_18, %mul3A_19 : vector<1x128xf32>
    %get3A_21 = arith.constant 0 : index
    %get3A_22 = arith.constant 0 : index
    %get3A_23 = vector.load %arg1[%get3A_21, %get3A_22] : memref<400x128xf32, #tpu.memory_space<vmem>>, vector<400x128xf32>
    %mul3A_24 = vector.broadcast %mul3A_15 : vector<1x128xf32> to vector<400x128xf32>
    %mul3A_25 = arith.mulf %get3A_23, %mul3A_24 : vector<400x128xf32>
    %add3A_26 = vector.broadcast %sub3A_20 : vector<1x128xf32> to vector<400x128xf32>
    %add3A_27 = arith.addf %mul3A_25, %add3A_26 : vector<400x128xf32>
    %max3A = arith.constant 0.000000e+00 : f32
    %max3A_28 = vector.broadcast %max3A : f32 to vector<400x128xf32>
    %max3A_29 = arith.maximumf %add3A_27, %max3A_28 : vector<400x128xf32>
    %get3A_30 = arith.constant 0 : index
    %get3A_31 = arith.constant 0 : index
    %get3A_32 = vector.load %arg5[%get3A_30, %get3A_31] : memref<128x128xf32, #tpu.memory_space<vmem>>, vector<128x128xf32>
    %dot_general3A = arith.constant dense<0.000000e+00> : vector<400x128xf32>
    %dot_general3A_33 = tpu.matmul %max3A_29, %get3A_32, %dot_general3A {dimension_numbers = #tpu.dot_dimension_numbers<[1], [0], [0], [1], [0, 0, 1, 1], [], []>, transpose_lhs_hint = false} : vector<400x128xf32>, vector<128x128xf32>, vector<400x128xf32> -> vector<400x128xf32>
    %get3A_34 = arith.constant 0 : index
    %get3A_35 = arith.constant 0 : index
    %get3A_36 = vector.load %arg6[%get3A_34, %get3A_35] : memref<1x128xf32, #tpu.memory_space<vmem>>, vector<1x128xf32>
    %add3A_37 = vector.broadcast %get3A_36 : vector<1x128xf32> to vector<400x128xf32>
    %add3A_38 = arith.addf %dot_general3A_33, %add3A_37 : vector<400x128xf32>
    %swap3A = arith.constant 0 : index
    %swap3A_39 = arith.constant 0 : index
    %swap3A_40 = vector.load %arg7[%swap3A, %swap3A_39] : memref<400x128xf32, #tpu.memory_space<vmem>>, vector<400x128xf32>
    tpu.vector_store %arg7[%swap3A, %swap3A_39], %add3A_38 {strides = array<i32>} : memref<400x128xf32, #tpu.memory_space<vmem>>, vector<400x128xf32>,
    return
  }
  func.func @transform_0(%arg0: i32) -> (i32, i32) {
    %c0_i32 = arith.constant 0 : i32
    %c0_i32_0 = arith.constant 0 : i32
    return %arg0, %c0_i32 : i32, i32
  }
  func.func @transform_1(%arg0: i32) -> (i32, i32) {
    %c0_i32 = arith.constant 0 : i32
    %c0_i32_0 = arith.constant 0 : i32
    %c0_i32_1 = arith.constant 0 : i32
    return %c0_i32, %c0_i32_0 : i32, i32
  }
  func.func @transform_2(%arg0: i32) -> (i32, i32) {
    %c0_i32 = arith.constant 0 : i32
    %c0_i32_0 = arith.constant 0 : i32
    %c0_i32_1 = arith.constant 0 : i32
    return %c0_i32, %c0_i32_0 : i32, i32
  }
  func.func @transform_3(%arg0: i32) -> (i32, i32) {
    %c0_i32 = arith.constant 0 : i32
    %c0_i32_0 = arith.constant 0 : i32
    %c0_i32_1 = arith.constant 0 : i32
    return %c0_i32, %c0_i32_0 : i32, i32
  }
  func.func @transform_4(%arg0: i32) -> (i32, i32) {
    %c0_i32 = arith.constant 0 : i32
    %c0_i32_0 = arith.constant 0 : i32
    %c0_i32_1 = arith.constant 0 : i32
    return %c0_i32, %c0_i32_0 : i32, i32
  }
  func.func @transform_5(%arg0: i32) -> (i32, i32) {
    %c0_i32 = arith.constant 0 : i32
    %c0_i32_0 = arith.constant 0 : i32
    %c0_i32_1 = arith.constant 0 : i32
    return %c0_i32, %c0_i32_0 : i32, i32
  }
  func.func @transform_6(%arg0: i32) -> (i32, i32) {
    %c0_i32 = arith.constant 0 : i32
    %c0_i32_0 = arith.constant 0 : i32
    return %arg0, %c0_i32 : i32, i32
  }
}

module attributes {stable_mosaic.version = 14 : i64} {
  func.func @_apply_body(%arg0: i32, %arg1: memref<400x128xf32, #tpu.memory_space<vmem>>, %arg2: memref<8x128xf32, #tpu.memory_space<vmem>>, %arg3: memref<1x128xf32, #tpu.memory_space<vmem>>, %arg4: memref<1x128xf32, #tpu.memory_space<vmem>>, %arg5: memref<8x128x128xf32, #tpu.memory_space<vmem>>, %arg6: memref<128x128xf32, #tpu.memory_space<vmem>>, %arg7: memref<1x128xf32, #tpu.memory_space<vmem>>, %arg8: memref<8x400x128xf32, #tpu.memory_space<vmem>>, %arg9: memref<400x128xf32, #tpu.memory_space<vmem>>) attributes {dimension_semantics = [#tpu.dimension_semantics<arbitrary>], iteration_bounds = array<i64: 25>, scalar_prefetch = 0 : i64, scratch_operands = 0 : i64, tpu.core_type = #tpu.core_type<tc>, window_params = [{transform_indices = @transform_0, window_bounds = array<i64: 400, 128>}, {pipeline_mode = #tpu.pipeline_mode<synchronous>, transform_indices = @transform_1, window_bounds = array<i64: 8, 128>}, {pipeline_mode = #tpu.pipeline_mode<synchronous>, transform_indices = @transform_2, window_bounds = array<i64: 1, 128>}, {pipeline_mode = #tpu.pipeline_mode<synchronous>, transform_indices = @transform_3, window_bounds = array<i64: 1, 128>}, {pipeline_mode = #tpu.pipeline_mode<synchronous>, transform_indices = @transform_4, window_bounds = array<i64: 8, 128, 128>}, {pipeline_mode = #tpu.pipeline_mode<synchronous>, transform_indices = @transform_5, window_bounds = array<i64: 128, 128>}, {pipeline_mode = #tpu.pipeline_mode<synchronous>, transform_indices = @transform_6, window_bounds = array<i64: 1, 128>}, {transform_indices = @transform_7, window_bounds = array<i64: 8, 400, 128>}, {transform_indices = @transform_8, window_bounds = array<i64: 400, 128>}]} {
    %get3A = arith.constant 0 : index
    %get3A_0 = arith.constant 0 : index
    %get3A_1 = vector.load %arg2[%get3A, %get3A_0] : memref<8x128xf32, #tpu.memory_space<vmem>>, vector<1x128xf32>
    %div3A = arith.constant 1.000000e+04 : f32
    %div3A_2 = vector.broadcast %div3A : f32 to vector<1x128xf32>
    %div3A_3 = arith.divf %get3A_1, %div3A_2 : vector<1x128xf32>
    %get3A_4 = arith.constant 1 : index
    %get3A_5 = arith.constant 0 : index
    %get3A_6 = vector.load %arg2[%get3A_4, %get3A_5] : memref<8x128xf32, #tpu.memory_space<vmem>>, vector<1x128xf32>
    %div3A_7 = arith.constant 1.000000e+04 : f32
    %div3A_8 = vector.broadcast %div3A_7 : f32 to vector<1x128xf32>
    %div3A_9 = arith.divf %get3A_6, %div3A_8 : vector<1x128xf32>
    %mul3A = arith.mulf %div3A_3, %div3A_3 : vector<1x128xf32>
    %sub3A = arith.subf %div3A_9, %mul3A : vector<1x128xf32>
    %get3A_10 = arith.constant 0 : index
    %get3A_11 = arith.constant 0 : index
    %get3A_12 = vector.load %arg3[%get3A_10, %get3A_11] : memref<1x128xf32, #tpu.memory_space<vmem>>, vector<1x128xf32>
    %add3A = arith.constant 9.99999974E-6 : f32
    %add3A_13 = vector.broadcast %add3A : f32 to vector<1x128xf32>
    %add3A_14 = arith.addf %sub3A, %add3A_13 : vector<1x128xf32>
    %rsqrt3A = math.rsqrt %add3A_14 : vector<1x128xf32>
    %mul3A_15 = arith.mulf %get3A_12, %rsqrt3A : vector<1x128xf32>
    %get3A_16 = arith.constant 0 : index
    %get3A_17 = arith.constant 0 : index
    %get3A_18 = vector.load %arg4[%get3A_16, %get3A_17] : memref<1x128xf32, #tpu.memory_space<vmem>>, vector<1x128xf32>
    %mul3A_19 = arith.mulf %div3A_3, %mul3A_15 : vector<1x128xf32>
    %sub3A_20 = arith.subf %get3A_18, %mul3A_19 : vector<1x128xf32>
    %get3A_21 = arith.constant 0 : index
    %get3A_22 = arith.constant 0 : index
    %get3A_23 = vector.load %arg1[%get3A_21, %get3A_22] : memref<400x128xf32, #tpu.memory_space<vmem>>, vector<400x128xf32>
    %mul3A_24 = vector.broadcast %mul3A_15 : vector<1x128xf32> to vector<400x128xf32>
    %mul3A_25 = arith.mulf %get3A_23, %mul3A_24 : vector<400x128xf32>
    %add3A_26 = vector.broadcast %sub3A_20 : vector<1x128xf32> to vector<400x128xf32>
    %add3A_27 = arith.addf %mul3A_25, %add3A_26 : vector<400x128xf32>
    %max3A = arith.constant 0.000000e+00 : f32
    %max3A_28 = vector.broadcast %max3A : f32 to vector<400x128xf32>
    %max3A_29 = arith.maximumf %add3A_27, %max3A_28 : vector<400x128xf32>
    %get3A_30 = arith.constant 0 : index
    %get3A_31 = arith.constant 0 : index
    %get3A_32 = arith.constant 0 : index
    %get3A_33 = vector.load %arg5[%get3A_30, %get3A_31, %get3A_32] : memref<8x128x128xf32, #tpu.memory_space<vmem>>, vector<1x128x128xf32>
    %get3A_34 = vector.shape_cast %get3A_33 : vector<1x128x128xf32> to vector<128x128xf32>
    %dot_general3A = arith.constant dense<0.000000e+00> : vector<400x128xf32>
    %dot_general3A_35 = tpu.matmul %max3A_29, %get3A_34, %dot_general3A {dimension_numbers = #tpu.dot_dimension_numbers<[1], [0], [0], [1], [0, 0, 1, 1], [], []>, transpose_lhs_hint = false} : vector<400x128xf32>, vector<128x128xf32>, vector<400x128xf32> -> vector<400x128xf32>
    %swap3A = arith.constant 0 : index
    %swap3A_36 = arith.constant 0 : index
    %swap3A_37 = arith.constant 0 : index
    %swap3A_38 = vector.load %arg8[%swap3A, %swap3A_36, %swap3A_37] : memref<8x400x128xf32, #tpu.memory_space<vmem>>, vector<1x400x128xf32>
    %swap3A_39 = vector.shape_cast %swap3A_38 : vector<1x400x128xf32> to vector<400x128xf32>
    %swap3A_40 = vector.shape_cast %dot_general3A_35 : vector<400x128xf32> to vector<1x400x128xf32>
    tpu.vector_store %arg8[%swap3A, %swap3A_36, %swap3A_37], %swap3A_40 {strides = array<i32>} : memref<8x400x128xf32, #tpu.memory_space<vmem>>, vector<1x400x128xf32>,
    %get3A_41 = arith.constant 1 : index
    %get3A_42 = arith.constant 0 : index
    %get3A_43 = arith.constant 0 : index
    %get3A_44 = vector.load %arg5[%get3A_41, %get3A_42, %get3A_43] : memref<8x128x128xf32, #tpu.memory_space<vmem>>, vector<1x128x128xf32>
    %get3A_45 = vector.shape_cast %get3A_44 : vector<1x128x128xf32> to vector<128x128xf32>
    %dot_general3A_46 = arith.constant dense<0.000000e+00> : vector<400x128xf32>
    %dot_general3A_47 = tpu.matmul %max3A_29, %get3A_45, %dot_general3A_46 {dimension_numbers = #tpu.dot_dimension_numbers<[1], [0], [0], [1], [0, 0, 1, 1], [], []>, transpose_lhs_hint = false} : vector<400x128xf32>, vector<128x128xf32>, vector<400x128xf32> -> vector<400x128xf32>
    %swap3A_48 = arith.constant 1 : index
    %swap3A_49 = arith.constant 0 : index
    %swap3A_50 = arith.constant 0 : index
    %swap3A_51 = vector.load %arg8[%swap3A_48, %swap3A_49, %swap3A_50] : memref<8x400x128xf32, #tpu.memory_space<vmem>>, vector<1x400x128xf32>
    %swap3A_52 = vector.shape_cast %swap3A_51 : vector<1x400x128xf32> to vector<400x128xf32>
    %swap3A_53 = vector.shape_cast %dot_general3A_47 : vector<400x128xf32> to vector<1x400x128xf32>
    tpu.vector_store %arg8[%swap3A_48, %swap3A_49, %swap3A_50], %swap3A_53 {strides = array<i32>} : memref<8x400x128xf32, #tpu.memory_space<vmem>>, vector<1x400x128xf32>,
    %get3A_54 = arith.constant 2 : index
    %get3A_55 = arith.constant 0 : index
    %get3A_56 = arith.constant 0 : index
    %get3A_57 = vector.load %arg5[%get3A_54, %get3A_55, %get3A_56] : memref<8x128x128xf32, #tpu.memory_space<vmem>>, vector<1x128x128xf32>
    %get3A_58 = vector.shape_cast %get3A_57 : vector<1x128x128xf32> to vector<128x128xf32>
    %dot_general3A_59 = arith.constant dense<0.000000e+00> : vector<400x128xf32>
    %dot_general3A_60 = tpu.matmul %max3A_29, %get3A_58, %dot_general3A_59 {dimension_numbers = #tpu.dot_dimension_numbers<[1], [0], [0], [1], [0, 0, 1, 1], [], []>, transpose_lhs_hint = false} : vector<400x128xf32>, vector<128x128xf32>, vector<400x128xf32> -> vector<400x128xf32>
    %swap3A_61 = arith.constant 2 : index
    %swap3A_62 = arith.constant 0 : index
    %swap3A_63 = arith.constant 0 : index
    %swap3A_64 = vector.load %arg8[%swap3A_61, %swap3A_62, %swap3A_63] : memref<8x400x128xf32, #tpu.memory_space<vmem>>, vector<1x400x128xf32>
    %swap3A_65 = vector.shape_cast %swap3A_64 : vector<1x400x128xf32> to vector<400x128xf32>
    %swap3A_66 = vector.shape_cast %dot_general3A_60 : vector<400x128xf32> to vector<1x400x128xf32>
    tpu.vector_store %arg8[%swap3A_61, %swap3A_62, %swap3A_63], %swap3A_66 {strides = array<i32>} : memref<8x400x128xf32, #tpu.memory_space<vmem>>, vector<1x400x128xf32>,
    %get3A_67 = arith.constant 3 : index
    %get3A_68 = arith.constant 0 : index
    %get3A_69 = arith.constant 0 : index
    %get3A_70 = vector.load %arg5[%get3A_67, %get3A_68, %get3A_69] : memref<8x128x128xf32, #tpu.memory_space<vmem>>, vector<1x128x128xf32>
    %get3A_71 = vector.shape_cast %get3A_70 : vector<1x128x128xf32> to vector<128x128xf32>
    %dot_general3A_72 = arith.constant dense<0.000000e+00> : vector<400x128xf32>
    %dot_general3A_73 = tpu.matmul %max3A_29, %get3A_71, %dot_general3A_72 {dimension_numbers = #tpu.dot_dimension_numbers<[1], [0], [0], [1], [0, 0, 1, 1], [], []>, transpose_lhs_hint = false} : vector<400x128xf32>, vector<128x128xf32>, vector<400x128xf32> -> vector<400x128xf32>
    %swap3A_74 = arith.constant 3 : index
    %swap3A_75 = arith.constant 0 : index
    %swap3A_76 = arith.constant 0 : index
    %swap3A_77 = vector.load %arg8[%swap3A_74, %swap3A_75, %swap3A_76] : memref<8x400x128xf32, #tpu.memory_space<vmem>>, vector<1x400x128xf32>
    %swap3A_78 = vector.shape_cast %swap3A_77 : vector<1x400x128xf32> to vector<400x128xf32>
    %swap3A_79 = vector.shape_cast %dot_general3A_73 : vector<400x128xf32> to vector<1x400x128xf32>
    tpu.vector_store %arg8[%swap3A_74, %swap3A_75, %swap3A_76], %swap3A_79 {strides = array<i32>} : memref<8x400x128xf32, #tpu.memory_space<vmem>>, vector<1x400x128xf32>,
    %get3A_80 = arith.constant 4 : index
    %get3A_81 = arith.constant 0 : index
    %get3A_82 = arith.constant 0 : index
    %get3A_83 = vector.load %arg5[%get3A_80, %get3A_81, %get3A_82] : memref<8x128x128xf32, #tpu.memory_space<vmem>>, vector<1x128x128xf32>
    %get3A_84 = vector.shape_cast %get3A_83 : vector<1x128x128xf32> to vector<128x128xf32>
    %dot_general3A_85 = arith.constant dense<0.000000e+00> : vector<400x128xf32>
    %dot_general3A_86 = tpu.matmul %max3A_29, %get3A_84, %dot_general3A_85 {dimension_numbers = #tpu.dot_dimension_numbers<[1], [0], [0], [1], [0, 0, 1, 1], [], []>, transpose_lhs_hint = false} : vector<400x128xf32>, vector<128x128xf32>, vector<400x128xf32> -> vector<400x128xf32>
    %swap3A_87 = arith.constant 4 : index
    %swap3A_88 = arith.constant 0 : index
    %swap3A_89 = arith.constant 0 : index
    %swap3A_90 = vector.load %arg8[%swap3A_87, %swap3A_88, %swap3A_89] : memref<8x400x128xf32, #tpu.memory_space<vmem>>, vector<1x400x128xf32>
    %swap3A_91 = vector.shape_cast %swap3A_90 : vector<1x400x128xf32> to vector<400x128xf32>
    %swap3A_92 = vector.shape_cast %dot_general3A_86 : vector<400x128xf32> to vector<1x400x128xf32>
    tpu.vector_store %arg8[%swap3A_87, %swap3A_88, %swap3A_89], %swap3A_92 {strides = array<i32>} : memref<8x400x128xf32, #tpu.memory_space<vmem>>, vector<1x400x128xf32>,
    %get3A_93 = arith.constant 5 : index
    %get3A_94 = arith.constant 0 : index
    %get3A_95 = arith.constant 0 : index
    %get3A_96 = vector.load %arg5[%get3A_93, %get3A_94, %get3A_95] : memref<8x128x128xf32, #tpu.memory_space<vmem>>, vector<1x128x128xf32>
    %get3A_97 = vector.shape_cast %get3A_96 : vector<1x128x128xf32> to vector<128x128xf32>
    %dot_general3A_98 = arith.constant dense<0.000000e+00> : vector<400x128xf32>
    %dot_general3A_99 = tpu.matmul %max3A_29, %get3A_97, %dot_general3A_98 {dimension_numbers = #tpu.dot_dimension_numbers<[1], [0], [0], [1], [0, 0, 1, 1], [], []>, transpose_lhs_hint = false} : vector<400x128xf32>, vector<128x128xf32>, vector<400x128xf32> -> vector<400x128xf32>
    %swap3A_100 = arith.constant 5 : index
    %swap3A_101 = arith.constant 0 : index
    %swap3A_102 = arith.constant 0 : index
    %swap3A_103 = vector.load %arg8[%swap3A_100, %swap3A_101, %swap3A_102] : memref<8x400x128xf32, #tpu.memory_space<vmem>>, vector<1x400x128xf32>
    %swap3A_104 = vector.shape_cast %swap3A_103 : vector<1x400x128xf32> to vector<400x128xf32>
    %swap3A_105 = vector.shape_cast %dot_general3A_99 : vector<400x128xf32> to vector<1x400x128xf32>
    tpu.vector_store %arg8[%swap3A_100, %swap3A_101, %swap3A_102], %swap3A_105 {strides = array<i32>} : memref<8x400x128xf32, #tpu.memory_space<vmem>>, vector<1x400x128xf32>,
    %get3A_106 = arith.constant 6 : index
    %get3A_107 = arith.constant 0 : index
    %get3A_108 = arith.constant 0 : index
    %get3A_109 = vector.load %arg5[%get3A_106, %get3A_107, %get3A_108] : memref<8x128x128xf32, #tpu.memory_space<vmem>>, vector<1x128x128xf32>
    %get3A_110 = vector.shape_cast %get3A_109 : vector<1x128x128xf32> to vector<128x128xf32>
    %dot_general3A_111 = arith.constant dense<0.000000e+00> : vector<400x128xf32>
    %dot_general3A_112 = tpu.matmul %max3A_29, %get3A_110, %dot_general3A_111 {dimension_numbers = #tpu.dot_dimension_numbers<[1], [0], [0], [1], [0, 0, 1, 1], [], []>, transpose_lhs_hint = false} : vector<400x128xf32>, vector<128x128xf32>, vector<400x128xf32> -> vector<400x128xf32>
    %swap3A_113 = arith.constant 6 : index
    %swap3A_114 = arith.constant 0 : index
    %swap3A_115 = arith.constant 0 : index
    %swap3A_116 = vector.load %arg8[%swap3A_113, %swap3A_114, %swap3A_115] : memref<8x400x128xf32, #tpu.memory_space<vmem>>, vector<1x400x128xf32>
    %swap3A_117 = vector.shape_cast %swap3A_116 : vector<1x400x128xf32> to vector<400x128xf32>
    %swap3A_118 = vector.shape_cast %dot_general3A_112 : vector<400x128xf32> to vector<1x400x128xf32>
    tpu.vector_store %arg8[%swap3A_113, %swap3A_114, %swap3A_115], %swap3A_118 {strides = array<i32>} : memref<8x400x128xf32, #tpu.memory_space<vmem>>, vector<1x400x128xf32>,
    %get3A_119 = arith.constant 7 : index
    %get3A_120 = arith.constant 0 : index
    %get3A_121 = arith.constant 0 : index
    %get3A_122 = vector.load %arg5[%get3A_119, %get3A_120, %get3A_121] : memref<8x128x128xf32, #tpu.memory_space<vmem>>, vector<1x128x128xf32>
    %get3A_123 = vector.shape_cast %get3A_122 : vector<1x128x128xf32> to vector<128x128xf32>
    %dot_general3A_124 = arith.constant dense<0.000000e+00> : vector<400x128xf32>
    %dot_general3A_125 = tpu.matmul %max3A_29, %get3A_123, %dot_general3A_124 {dimension_numbers = #tpu.dot_dimension_numbers<[1], [0], [0], [1], [0, 0, 1, 1], [], []>, transpose_lhs_hint = false} : vector<400x128xf32>, vector<128x128xf32>, vector<400x128xf32> -> vector<400x128xf32>
    %swap3A_126 = arith.constant 7 : index
    %swap3A_127 = arith.constant 0 : index
    %swap3A_128 = arith.constant 0 : index
    %swap3A_129 = vector.load %arg8[%swap3A_126, %swap3A_127, %swap3A_128] : memref<8x400x128xf32, #tpu.memory_space<vmem>>, vector<1x400x128xf32>
    %swap3A_130 = vector.shape_cast %swap3A_129 : vector<1x400x128xf32> to vector<400x128xf32>
    %swap3A_131 = vector.shape_cast %dot_general3A_125 : vector<400x128xf32> to vector<1x400x128xf32>
    tpu.vector_store %arg8[%swap3A_126, %swap3A_127, %swap3A_128], %swap3A_131 {strides = array<i32>} : memref<8x400x128xf32, #tpu.memory_space<vmem>>, vector<1x400x128xf32>,
    %get3A_132 = arith.constant 0 : index
    %get3A_133 = arith.constant 0 : index
    %get3A_134 = vector.load %arg6[%get3A_132, %get3A_133] : memref<128x128xf32, #tpu.memory_space<vmem>>, vector<128x128xf32>
    %dot_general3A_135 = arith.constant dense<0.000000e+00> : vector<400x128xf32>
    %dot_general3A_136 = tpu.matmul %max3A_29, %get3A_134, %dot_general3A_135 {dimension_numbers = #tpu.dot_dimension_numbers<[1], [0], [0], [1], [0, 0, 1, 1], [], []>, transpose_lhs_hint = false} : vector<400x128xf32>, vector<128x128xf32>, vector<400x128xf32> -> vector<400x128xf32>
    %get3A_137 = arith.constant 0 : index
    %get3A_138 = arith.constant 0 : index
    %get3A_139 = vector.load %arg7[%get3A_137, %get3A_138] : memref<1x128xf32, #tpu.memory_space<vmem>>, vector<1x128xf32>
    %add3A_140 = vector.broadcast %get3A_139 : vector<1x128xf32> to vector<400x128xf32>
    %add3A_141 = arith.addf %dot_general3A_136, %add3A_140 : vector<400x128xf32>
    %swap3A_142 = arith.constant 0 : index
    %swap3A_143 = arith.constant 0 : index
    %swap3A_144 = vector.load %arg9[%swap3A_142, %swap3A_143] : memref<400x128xf32, #tpu.memory_space<vmem>>, vector<400x128xf32>
    tpu.vector_store %arg9[%swap3A_142, %swap3A_143], %add3A_141 {strides = array<i32>} : memref<400x128xf32, #tpu.memory_space<vmem>>, vector<400x128xf32>,
    return
  }
  func.func @transform_0(%arg0: i32) -> (i32, i32) {
    %c0_i32 = arith.constant 0 : i32
    %c0_i32_0 = arith.constant 0 : i32
    return %arg0, %c0_i32 : i32, i32
  }
  func.func @transform_1(%arg0: i32) -> (i32, i32) {
    %c0_i32 = arith.constant 0 : i32
    %c0_i32_0 = arith.constant 0 : i32
    %c0_i32_1 = arith.constant 0 : i32
    return %c0_i32, %c0_i32_0 : i32, i32
  }
  func.func @transform_2(%arg0: i32) -> (i32, i32) {
    %c0_i32 = arith.constant 0 : i32
    %c0_i32_0 = arith.constant 0 : i32
    %c0_i32_1 = arith.constant 0 : i32
    return %c0_i32, %c0_i32_0 : i32, i32
  }
  func.func @transform_3(%arg0: i32) -> (i32, i32) {
    %c0_i32 = arith.constant 0 : i32
    %c0_i32_0 = arith.constant 0 : i32
    %c0_i32_1 = arith.constant 0 : i32
    return %c0_i32, %c0_i32_0 : i32, i32
  }
  func.func @transform_4(%arg0: i32) -> (i32, i32, i32) {
    %c0_i32 = arith.constant 0 : i32
    %c0_i32_0 = arith.constant 0 : i32
    %c0_i32_1 = arith.constant 0 : i32
    %c0_i32_2 = arith.constant 0 : i32
    return %c0_i32, %c0_i32_0, %c0_i32_1 : i32, i32, i32
  }
  func.func @transform_5(%arg0: i32) -> (i32, i32) {
    %c0_i32 = arith.constant 0 : i32
    %c0_i32_0 = arith.constant 0 : i32
    %c0_i32_1 = arith.constant 0 : i32
    return %c0_i32, %c0_i32_0 : i32, i32
  }
  func.func @transform_6(%arg0: i32) -> (i32, i32) {
    %c0_i32 = arith.constant 0 : i32
    %c0_i32_0 = arith.constant 0 : i32
    %c0_i32_1 = arith.constant 0 : i32
    return %c0_i32, %c0_i32_0 : i32, i32
  }
  func.func @transform_7(%arg0: i32) -> (i32, i32, i32) {
    %c0_i32 = arith.constant 0 : i32
    %c0_i32_0 = arith.constant 0 : i32
    %c0_i32_1 = arith.constant 0 : i32
    return %c0_i32, %arg0, %c0_i32_0 : i32, i32, i32
  }
  func.func @transform_8(%arg0: i32) -> (i32, i32) {
    %c0_i32 = arith.constant 0 : i32
    %c0_i32_0 = arith.constant 0 : i32
    return %arg0, %c0_i32 : i32, i32
  }
}

</mosaic_0001>

<sc_bundles>
// kernel: kernel.11.cloned.1.call-start
scs
__scs_entry_jumppad:
0x0: {  	(pc) =	sbr.rel $0x88, $3  }
0x1: {  	(tag) =	ssettag $0x0;
	lr =	simm.s32 $0x1  }
0x2: {  	[smem:$0x3F90] =	sst lr;
	_ =	strace $0xD0000000  }
0x3: {  	_ = 	snop  }
0x4: {  	_ = 	snop  }
0x5: {  	_ = 	snop  }
0x6: {  	_ = 	snop  }
0x7: {  	_ = 	snop  }
__scs_overlays_trampoline_lowered:
0x8: {  	[smem:$0x3F9F] =	sst s0  }
0x9: {  	[smem:$0x3FA0] =	sst s1  }
0xa: {  	[smem:$0x3FA1] =	sst s2  }
0xb: {  	[smem:$0x3FA2] =	sst s3  }
0xc: {  	[smem:$0x3FA3] =	sst s4  }
0xd: {  	[smem:$0x3FA4] =	sst s5  }
0xe: {  	[smem:$0x3FA5] =	sst s6  }
0xf: {  	[smem:$0x3FA6] =	sst s7  }
0x10: {  	[smem:$0x3FA7] =	sst s8  }
0x11: {  	[smem:$0x3FA8] =	sst s9;
	s0 =	simm.s32 @!p0 $0x0  }
0x12: {  	s1 =	sld [smem:$0x3F8E];
	s0 =	simm.s32 @p0 $0x1  }
0x13: {  	[smem:$0x3FA9] =	sst s0;
	s0 =	simm.s32 @!p1 $0x0  }
0x14: {  	s2 =	sld [smem:$0x3F8D];
	s0 =	simm.s32 @p1 $0x1  }
0x15: {  	[smem:$0x3FAA] =	sst s0;
	s0 =	simm.s32 @!p2 $0x0  }
0x16: {  	s3 =	sld [smem:$0x3FDB];
	s0 =	simm.s32 @p2 $0x1  }
0x17: {  	s4 =	simm.s32 $0x1BF5;
	[smem:$0x3FAC] =	sst s0  }
0x18: {  	s0 =	sld [smem:$0x3F8F];
	_ =	swait.ge [sflag:s4], $0x0  }
0x19: {  	s7 =	sld [smem:$0x3F90]  }
0x1a: {  	s8 =	sadd.s32 $0xFFFFE003, lr  }
0x1b: {  	s9 =	sadd.s32 $0xFFFFFEF7, lr;
	s5 =	simm.s32 $0xFFFFFFFF;
	p2 =	slt.u32 s8, $0xFFFFF086  }
0x1c: {  	p1 =	slt.u32 s9, $0xF7A;
	s5 =	simm.s32 @!p2 $0x0  }
0x1d: {  	s5 =	simm.s32 @p1 $0x1;
	p0 =	seq.s32 s7, s2  }
0x1e: {  	s7 =	smul.u32 @!p0 $0xF7A, s2;
	p2 =	seq.s32 @!p0 s5, $0x0  }
0x1f: {  	s9 =	smul.u32 $0xF7A, s1;
	s8 =	simm.s32 @!p0 $0x1BF5;
	p2 =	por !p2, p0  }
0x20: {  	[sflag:s8] =	ssyncset.s32 @!p0 $0xFFFFF086;
	s6 =	sadd.s32 @!p0 s3, s7;
	s7 =	simm.s32 @!p0 $0x108  }
0x21: {  	s3 =	sadd.s32 s3, s9;
	s6 =	sadd.s32 @!p0 $0x88, s6;
	s7 =	simm.s32 @p2 $0x1082  }
0x22: {  	[simem:s7], [sflag:s8] =	dma.local @!p0 [hbm:s6], $0xF7A  }
0x23: {  	s9 =	sor.u32 $0xD0000000, s2;
	s6 =	simm.s32 $0x108;
	_ =	swait.ge @!p0 [sflag:s8], $0x0  }
0x24: {  	s3 =	sadd.s32 $0x88, s3;
	s6 =	simm.s32 @!p1 $0x1082;
	[sflag:s4] =	ssyncset.s32 $0xFFFFF086  }
0x25: {  	[simem:s6], [sflag:s4] =	dma.local [hbm:s3], $0xF7A  }
0x26: {  	[smem:$0x3F90] =	sst s1;
	(tag) =	ssettag s2;
	_ =	strace s9  }
0x27: {  	s1 =	sld [smem:$0x3FA0]  }
0x28: {  	s2 =	sld [smem:$0x3FA1]  }
0x29: {  	s4 =	sld [smem:$0x3FA3]  }
0x2a: {  	p0 =	seq.s32 s5, $0x0;
	s5 =	sld [smem:$0x3FA4]  }
0x2b: {  	s6 =	sld [smem:$0x3FA5]  }
0x2c: {  	s7 =	sld [smem:$0x3FA6]  }
0x2d: {  	s3 =	simm.s32 $0x108;
	s8 =	sld [smem:$0x3FA7]  }
0x2e: {  	s3 =	simm.s32 @!p0 $0x1082;
	s9 =	sld [smem:$0x3FA8]  }
0x2f: {  	lr =	sadd.s32 s0, s3;
	s0 =	sld [smem:$0x3F9F]  }
0x30: {  	s3 =	sld [smem:$0x3FA2]  }
0x31: {  	[smem:$0x3FAB] =	sst s10  }
0x32: {  	s10 =	sld [smem:$0x3FA9];
	_ =	sdelay $0x3  }
0x33: {  	p0 =	seq.s32 s10, $0x1;
	s10 =	sld [smem:$0x3FAB];
	_ =	sdelay $0x3  }
0x34: {  	[smem:$0x3FAB] =	sst s10  }
0x35: {  	s10 =	sld [smem:$0x3FAA];
	_ =	sdelay $0x3  }
0x36: {  	p1 =	seq.s32 s10, $0x1;
	s10 =	sld [smem:$0x3FAB];
	_ =	sdelay $0x3  }
0x37: {  	[smem:$0x3FAB] =	sst s10  }
0x38: {  	s10 =	sld [smem:$0x3FAC]  }
0x39: {  	_ = 	snop;
	(pc) =	sbr.ind lr, $3  }
0x3a: {  	_ = 	snop  }
0x3b: {  	_ = 	snop  }
0x3c: {  	p2 =	seq.s32 s10, $0x1;
	s10 =	sld [smem:$0x3FAB]  }
0x3d: {  	_ =	shalt  }
0x3e: {  	_ =	shalt  }
0x3f: {  	_ =	shalt  }
0x40: {  	_ =	shalt  }
0x41: {  	_ =	shalt  }
0x42: {  	_ =	shalt  }
0x43: {  	_ =	shalt  }
0x44: {  	_ =	shalt  }
0x45: {  	_ =	shalt  }
0x46: {  	_ =	shalt  }
0x47: {  	_ =	shalt  }
0x48: {  	_ =	shalt  }
0x49: {  	_ =	shalt  }
0x4a: {  	_ =	shalt  }
0x4b: {  	_ =	shalt  }
0x4c: {  	_ =	shalt  }
0x4d: {  	_ =	shalt  }
0x4e: {  	_ =	shalt  }
0x4f: {  	_ =	shalt  }
0x50: {  	_ =	shalt  }
0x51: {  	_ =	shalt  }
0x52: {  	_ =	shalt  }
0x53: {  	_ =	shalt  }
0x54: {  	_ =	shalt  }
0x55: {  	_ =	shalt  }
0x56: {  	_ =	shalt  }
0x57: {  	_ =	shalt  }
0x58: {  	_ =	shalt  }
0x59: {  	_ =	shalt  }
0x5a: {  	_ =	shalt  }
0x5b: {  	_ =	shalt  }
0x5c: {  	_ =	shalt  }
0x5d: {  	_ =	shalt  }
0x5e: {  	_ =	shalt  }
0x5f: {  	_ =	shalt  }
0x60: {  	_ =	shalt  }
0x61: {  	_ =	shalt  }
0x62: {  	_ =	shalt  }
0x63: {  	_ =	shalt  }
0x64: {  	_ =	shalt  }
0x65: {  	_ =	shalt  }
0x66: {  	_ =	shalt  }
0x67: {  	_ =	shalt  }
0x68: {  	_ =	shalt  }
0x69: {  	_ =	shalt  }
0x6a: {  	_ =	shalt  }
0x6b: {  	_ =	shalt  }
0x6c: {  	_ =	shalt  }
0x6d: {  	_ =	shalt  }
0x6e: {  	_ =	shalt  }
0x6f: {  	_ =	shalt  }
0x70: {  	_ =	shalt  }
0x71: {  	_ =	shalt  }
0x72: {  	_ =	shalt  }
0x73: {  	_ =	shalt  }
0x74: {  	_ =	shalt  }
0x75: {  	_ =	shalt  }
0x76: {  	_ =	shalt  }
0x77: {  	_ =	shalt  }
0x78: {  	_ =	shalt  }
0x79: {  	_ =	shalt  }
0x7a: {  	_ =	shalt  }
0x7b: {  	_ =	shalt  }
0x7c: {  	_ =	shalt  }
0x7d: {  	_ =	shalt  }
0x7e: {  	_ =	shalt  }
0x7f: {  	_ =	shalt  }
0x80: {  	_ =	shalt  }
0x81: {  	_ =	shalt  }
0x82: {  	_ =	shalt  }
0x83: {  	_ =	shalt  }
0x84: {  	_ =	shalt  }
0x85: {  	_ =	shalt  }
0x86: {  	_ =	shalt  }
0x87: {  	_ =	shalt  }
.Lfunc_end0:
.L_simem_size_0:
called_computation_lowered:
.L_overlay_start_0:
0x88: {  	s2 =	sld [smem:$0x3FD9]  }
0x89: {  	s3 =	sld [smem:$0x3FFE];
	_ =	sdelay $0x1  }
0x8a: {  	s1 =	srdreg.scid  }
0x8b: {  	s0 =	sand.u32 $0x1, s1  }
0x8c: {  	s16 =	sshll.u32 s0, $0xA;
	s2 =	sadd.s32 s3, s2  }
0x8d: {  	s2 =	sadd.s32 s2, s16  }
0x8e: {  	[smem:$0x3FB7] =	sst s2  }
0x8f: {  	_ = 	snop  }
0x90: {  	(tm) =	ssettm $0x1  }
0x91: {  	s17 =	sld [smem:$0x3FFB];
	_ =	sdelay $0x3  }
0x92: {  	_ =	strace s17  }
0x93: {  	s2 =	sld [smem:$0x3FFC];
	_ =	sdelay $0x3  }
0x94: {  	_ =	strace s2  }
0x95: {  	s2 =	sld [smem:$0x3FFD];
	_ =	sdelay $0x3  }
0x96: {  	_ =	strace s2  }
0x97: {  	_ =	strace $0x8FFFFFFF  }
0x98: {  	s18 =	sld [smem:$0x3FDB];
	_ =	sdelay $0x1  }
0x99: {  	s19 =	simm.s32 $_scs_section_size  }
0x9a: {  	s4 =	simm.s32 $_size__tile_overlayer_lowered;
	s5 =	simm.s32 $_tile_overlayer_lowered  }
0x9b: {  	s22 =	simm.s32 $0x1BFF;
	s21 =	sshll.u32 s5, $0x1;
	s2 =	sadd.s32 s19, s18  }
0x9c: {  	s6 =	simm.s32 $0x0;
	s20 =	sshll.u32 s4, $0x1;
	s4 =	sadd.s32 s21, s2  }
0x9d: {  	[timem:s6], [sflag:s22] =	dma.local [hbm:s4], s20  }
0x9e: {  	_ =	swait.ge [sflag:s22], s20  }
0x9f: {  	s3 =	ssub.s32 $0x0, s20;
	[sflag:s22] =	ssyncset.done $0x0  }
0xa0: {  	[sflag:s22] =	ssyncadd.s32 s3;
	_ =	sdelay $0x1  }
0xa1: {  	s23 =	simm.s32 $0x1B8B  }
0xa2: {  	_ =	swait.ge [sflag:s23], $0x1  }
0xa3: {  	[sflag:s23] =	ssyncset.done $0x0  }
0xa4: {  	s25 =	simm.s32 $0x1B8E;
	s24 =	sld [smem:$0x3FFE];
	[sflag:s23] =	ssyncadd.s32 $0xFFFFFFFF  }
0xa5: {  	s26 =	simm.s32 $execute0_lowered;
	[smem:$0x3FD2] =	sst s25  }
0xa6: {  	s4 =	sshll.u32 s26, $0x1;
	_ =	strace $0x80000046;
	[dreg:$0x1] =	wrdreg $0xFFFFFFFF  }
0xa7: {  	s28 =	simm.s32 $_size_execute0_lowered;
	s2 =	sadd.s32 s2, s4;
	[dreg:$0x0] =	wrdreg $0x0  }
0xa8: {  	s4 =	sshll.u32 s28, $0x1;
	[dreg:$0x2] =	wrdreg s2  }
0xa9: {  	[dreg:$0x3] =	wrdreg s4  }
0xaa: {  	[dreg:$0x4] =	wrdreg $0xC0  }
0xab: {  	_ =	task [dreg:s6], $0x5FFFF  }
0xac: {  	[dreg:$0x1] =	wrdreg $0xFFFFFFFF  }
0xad: {  	[dreg:$0x0] =	wrdreg $0x60  }
0xae: {  	[dreg:$0x2] =	wrdreg s24  }
0xaf: {  	[dreg:$0x3] =	wrdreg $0x0  }
0xb0: {  	[dreg:$0x4] =	wrdreg $0x9  }
0xb1: {  	_ =	task.clear_ibuf [dreg:s6], $0x5FFFF;
	_ =	strace $0x90000046  }
0xb2: {  	s29 =	simm.s32 $0x9;
	_ =	strace $0x80000048  }
0xb3: {  	_ =	swait.ge [sflag:s29], $0x1  }
0xb4: {  	[sflag:s29] =	ssyncadd.s32 $0xFFFFFFFF  }
0xb5: {  	_ =	strace $0x90000048  }
0xb6: {  	_ =	sfence  }
0xb7: {  	s30 =	sld [smem:$0x0];
	_ =	sdelay $0x2  }
0xb8: {  	s31 =	sshll.u32 s1, $0xD;
	s1 =	sshrl.u32 s1, $0x2  }
0xb9: {  	s3 =	sand.u32 $0x4000, s31;
	s1 =	sadd.s32 s1, s30  }
0xba: {  	s0 =	sor.u32 s3, s0;
	s1 =	sshll.u32 s1, $0x11  }
0xbb: {  	s0 =	sor.u32 s1, s0  }
0xbc: {  	s0 =	sadd.s32 $0x8F2B, s0  }
0xbd: {  	[sflag:s0] =	ssyncadd.remote.s32 $0x1  }
0xbe: {  	_ =	sfence.sel $0xFFFF  }
0xbf: {  	[dreg:$0x0] =	wrdreg $0xFFFFFFFF;
	(pc) =	sbr.abs _section_cstart, $3  }
0xc0: {  	[dreg:$0x1] =	wrdreg $0xFFFFFFFF  }
0xc1: {  	_ =	task.clear_ibuf [dreg:s6], $0x2FFFF;
	_ =	strace $0x9FFFFFFF  }
0xc2: {  	(tm) =	ssettm $0x7FFFFFFF  }
0xc3: {  	_ =	shalt  }
tec
execute0_lowered:
.L_overlay_start_1:
0x0: {  	(tag) =	ssettag $0x1  }
0x1: {  	s0 =	srdreg.scid  }
0x2: {  	s1 =	rddreg [dreg:$0x0];
	s14 =	stileid.u32  }
0x3: {  	s2 =	rddreg [dreg:$0x1];
	s18 =	simm.s32 $0x3;
	s19 =	simm.s32 $0x1400  }
0x4: {  	s20 =	simm.s32 $0x15400;
	s21 =	simm.s32 $0x15C00;
	s8 =	smul.u32 $0x5000, s14  }
0x5: {  	s28 =	simm.s32 $0x140000;
	s29 =	simm.s32 $0x16400;
	s9 =	smul.u32 $0x280, s14  }
0x6: {  	s30 =	simm.s32 $0x16600;
	s0 =	sand.u32 $0x1, s0;
	s11 =	smul.u32 $0x2800, s14  }
0x7: {  	s4 =	sadd.s32 $0x3E00, s1;
	s5 =	sadd.s32 $0x2BE00, s1;
	s10 =	smul.u32 $0x14000, s14  }
0x8: {  	s24 =	sshll.u32 s14, $0x6;
	s3 =	sshll.u32 s0, $0x4;
	s22 =	ssub.s32 $0x2, s0  }
0x9: {  	s0 =	smul.u32 $0x28000, s0;
	s6 =	sor.u32 s14, s3;
	s3 =	simm.s32 $0x0  }
0xa: {  	s12 =	sshrl.u32 s22, $0x1;
	s8 =	sshrl.u32 s8, $0x2;
	s7 =	smul.u32 $0x500, s6  }
0xb: {  	s23 =	sadd.s32 s5, s9;
	s9 =	sor.u32 $0x1000, s10;
	s13 =	smul.u32 $0x2800, s6  }
0xc: {  	[smem:$0x7FF] =	sst s3;
	s15 =	sadd.s32 s8, s2;
	s6 =	smul.u32 $0x1400, s6  }
0xd: {  	s8 =	sor.u32 $0x1C03, s24;
	_ =	strace $0x80000047;
	[dreg:$0x3] =	wrdreg s23  }
0xe: {  	s0 =	sadd.s32 s11, s0;
	s24 =	simm.s32 $0x80;
	[dreg:$0x4] =	wrdreg s8  }
0xf: {  	s8 =	sadd.s32 s4, s11;
	s0 =	sor.u32 $0x80, s0;
	s17 =	sshrl.u32 s15, $0x3  }
0x10: {  	s23 =	simm.s32 $0x2;
	s1 =	sadd.s32 s7, s1;
	s7 =	ssub.s32 s22, s12  }
0x11: {  	s10 =	sadd.s32 s4, s6;
	s25 =	sshrl.u32 s13, $0x7;
	s0 =	sshrl.u32 s0, $0x1  }
0x12: {  	s31 =	sadd.s32 $0x100, s8;
	s22 =	simm.s32 $0x1;
	s11 =	sor.u32 $0x2, s25  }
0x13: {  	s26 =	sadd.s32 $0x53E00, s1;
	s1 =	sadd.s32 $0x5DE00, s1;
	s14 =	smax.u32 s7, $0x1  }
0x14: {  	s7 =	sadd.s32 s0, s4;
	s25 =	simm.s32 $0x1B800;
	[dreg:$0x5] =	wrdreg s26  }
0x15: {  	v0 =	vimm.f32 $1.000000000e+00;
	v1 =	vlaneseq.u32;
	s0 =	simm.s32 $0x0;
	[dreg:$0x6] =	wrdreg s1;
	s26 =	simm.s32 $0x200  }
.LBB2_1:
0x16: {  	s1 =	rddreg [dreg:$0x3]  }
0x17: {  	s6 =	rddreg [dreg:$0x4]  }
0x18: {  	[spmem:s17], [sflag:s6] =	dma.local [hbm:s1], $0x280  }
0x19: {  	_ =	swait.ge [sflag:s18], $0x280  }
0x1a: {  	[sflag:s18] =	ssyncset.done $0x0  }
0x1b: {  	[sflag:s18] =	ssyncadd.s32 $0xFFFFFD80  }
0x1c: {  	[tilespmem:s19], [sflag:$0x3] =	stream.linear.gather [hbm4b:s5+s3], $0x14000, $0x38;
	[tilespmem:$0x1B880] =	vst v63  }
0x1d: {  	_ =	swait.ge [sflag:s18], $0x14000  }
0x1e: {  	[sflag:s18] =	ssyncset.done $0x0  }
0x1f: {  	s15 =	smov.u32 s31;
	s1 =	simm.s32 $0x0;
	[sflag:s18] =	ssyncadd.s32 $0xFFFEC000  }
0x20: {  	[tilespmem:s20], [sflag:$0x1] =	stream.linear.gather [hbm4b:s8+s3], $0x800, $0x38;
	[tilespmem:$0x1B880] =	vst v63  }
.LBB2_2:
0x21: {  	[tilespmem:s21], [sflag:$0x2] =	stream.linear.gather [hbm4b:s15+s3], $0x800, $0x38;
	[tilespmem:$0x1B880] =	vst v63  }
0x22: {  	_ =	swait.ge [sflag:s22], $0x800  }
0x23: {  	[sflag:s22] =	ssyncset.done $0x0  }
0x24: {  	[sflag:s22] =	ssyncadd.s32 $0xFFFFF800  }
0x25: {  	v2 =	vld [tilespmem:$0x15480]  }
0x26: {  	v3 =	vld [tilespmem:$0x15400];
	_ =	sdelay $0x3  }
0x27: {  	vm0 =	vlt.s32 v2, $0x7  }
0x28: {  	v3 =	vshll.u32 v3, $0x3;
	vm9 =	vlt.s32 v2, $0x8;
	v4 =	vnsel vm0, $0x7, v2  }
0x29: {  	v2 =	vadd.s32 v3, v4;
	_ =	sdelay $0x4  }
0x2a: {  	[tilespmem:v2+s19+$0x0] =	vst.idx.add.f32.msk vm9, v0  }
0x2b: {  	v2 =	vld [tilespmem:$0x15490]  }
0x2c: {  	v3 =	vld [tilespmem:$0x15410];
	_ =	sdelay $0x3  }
0x2d: {  	vm10 =	vlt.s32 v2, $0x7  }
0x2e: {  	v3 =	vshll.u32 v3, $0x3;
	vm11 =	vlt.s32 v2, $0x8;
	v57 =	vnsel vm10, $0x7, v2  }
0x2f: {  	v2 =	vadd.s32 v3, v57;
	_ =	sdelay $0x4  }
0x30: {  	[tilespmem:v2+s19+$0x0] =	vst.idx.add.f32.msk vm11, v0  }
0x31: {  	v2 =	vld [tilespmem:$0x154A0]  }
0x32: {  	v3 =	vld [tilespmem:$0x15420];
	_ =	sdelay $0x3  }
0x33: {  	vm12 =	vlt.s32 v2, $0x7  }
0x34: {  	v3 =	vshll.u32 v3, $0x3;
	vm13 =	vlt.s32 v2, $0x8;
	v58 =	vnsel vm12, $0x7, v2  }
0x35: {  	v2 =	vadd.s32 v3, v58;
	_ =	sdelay $0x4  }
0x36: {  	[tilespmem:v2+s19+$0x0] =	vst.idx.add.f32.msk vm13, v0  }
0x37: {  	v2 =	vld [tilespmem:$0x154B0]  }
0x38: {  	v3 =	vld [tilespmem:$0x15430];
	_ =	sdelay $0x3  }
0x39: {  	vm14 =	vlt.s32 v2, $0x7  }
0x3a: {  	v3 =	vshll.u32 v3, $0x3;
	vm15 =	vlt.s32 v2, $0x8;
	v59 =	vnsel vm14, $0x7, v2  }
0x3b: {  	v2 =	vadd.s32 v3, v59;
	_ =	sdelay $0x4  }
0x3c: {  	[tilespmem:v2+s19+$0x0] =	vst.idx.add.f32.msk vm15, v0  }
0x3d: {  	v2 =	vld [tilespmem:$0x154C0]  }
0x3e: {  	v3 =	vld [tilespmem:$0x15440];
	_ =	sdelay $0x3  }
0x3f: {  	vm4 =	vlt.s32 v2, $0x7  }
0x40: {  	v3 =	vshll.u32 v3, $0x3;
	vm5 =	vlt.s32 v2, $0x8;
	v60 =	vnsel vm4, $0x7, v2  }
0x41: {  	v2 =	vadd.s32 v3, v60;
	_ =	sdelay $0x4  }
0x42: {  	[tilespmem:v2+s19+$0x0] =	vst.idx.add.f32.msk vm5, v0  }
0x43: {  	v2 =	vld [tilespmem:$0x154D0]  }
0x44: {  	v3 =	vld [tilespmem:$0x15450];
	_ =	sdelay $0x3  }
0x45: {  	vm6 =	vlt.s32 v2, $0x7  }
0x46: {  	v3 =	vshll.u32 v3, $0x3;
	vm7 =	vlt.s32 v2, $0x8;
	v61 =	vnsel vm6, $0x7, v2  }
0x47: {  	v2 =	vadd.s32 v3, v61;
	_ =	sdelay $0x4  }
0x48: {  	[tilespmem:v2+s19+$0x0] =	vst.idx.add.f32.msk vm7, v0  }
0x49: {  	v2 =	vld [tilespmem:$0x154E0]  }
0x4a: {  	v3 =	vld [tilespmem:$0x15460];
	_ =	sdelay $0x3  }
0x4b: {  	vm8 =	vlt.s32 v2, $0x7  }
0x4c: {  	v3 =	vshll.u32 v3, $0x3;
	vm9 =	vlt.s32 v2, $0x8;
	v62 =	vnsel vm8, $0x7, v2  }
0x4d: {  	v2 =	vadd.s32 v3, v62;
	_ =	sdelay $0x4  }
0x4e: {  	[tilespmem:v2+s19+$0x0] =	vst.idx.add.f32.msk vm9, v0  }
0x4f: {  	v2 =	vld [tilespmem:$0x154F0]  }
0x50: {  	v3 =	vld [tilespmem:$0x15470];
	_ =	sdelay $0x3  }
0x51: {  	vm10 =	vlt.s32 v2, $0x7  }
0x52: {  	v3 =	vshll.u32 v3, $0x3;
	vm11 =	vlt.s32 v2, $0x8;
	v63 =	vnsel vm10, $0x7, v2  }
0x53: {  	v2 =	vadd.s32 v3, v63;
	_ =	sdelay $0x4  }
0x54: {  	[tilespmem:v2+s19+$0x0] =	vst.idx.add.f32.msk vm11, v0  }
0x55: {  	v2 =	vld [tilespmem:$0x15680]  }
0x56: {  	v3 =	vld [tilespmem:$0x15600];
	_ =	sdelay $0x3  }
0x57: {  	vm12 =	vlt.s32 v2, $0x7  }
0x58: {  	v3 =	vshll.u32 v3, $0x3;
	vm13 =	vlt.s32 v2, $0x8;
	v8 =	vnsel vm12, $0x7, v2  }
0x59: {  	v2 =	vadd.s32 v3, v8;
	_ =	sdelay $0x4  }
0x5a: {  	[tilespmem:v2+s19+$0x0] =	vst.idx.add.f32.msk vm13, v0  }
0x5b: {  	v2 =	vld [tilespmem:$0x15690]  }
0x5c: {  	v3 =	vld [tilespmem:$0x15610];
	_ =	sdelay $0x3  }
0x5d: {  	vm14 =	vlt.s32 v2, $0x7  }
0x5e: {  	v3 =	vshll.u32 v3, $0x3;
	vm15 =	vlt.s32 v2, $0x8;
	v9 =	vnsel vm14, $0x7, v2  }
0x5f: {  	v2 =	vadd.s32 v3, v9;
	_ =	sdelay $0x4  }
0x60: {  	[tilespmem:v2+s19+$0x0] =	vst.idx.add.f32.msk vm15, v0  }
0x61: {  	v2 =	vld [tilespmem:$0x156A0]  }
0x62: {  	v3 =	vld [tilespmem:$0x15620];
	_ =	sdelay $0x3  }
0x63: {  	vm4 =	vlt.s32 v2, $0x7  }
0x64: {  	v3 =	vshll.u32 v3, $0x3;
	vm5 =	vlt.s32 v2, $0x8;
	v10 =	vnsel vm4, $0x7, v2  }
0x65: {  	v2 =	vadd.s32 v3, v10;
	_ =	sdelay $0x4  }
0x66: {  	[tilespmem:v2+s19+$0x0] =	vst.idx.add.f32.msk vm5, v0  }
0x67: {  	v2 =	vld [tilespmem:$0x156B0]  }
0x68: {  	v3 =	vld [tilespmem:$0x15630];
	_ =	sdelay $0x3  }
0x69: {  	vm6 =	vlt.s32 v2, $0x7  }
0x6a: {  	v3 =	vshll.u32 v3, $0x3;
	vm7 =	vlt.s32 v2, $0x8;
	v11 =	vnsel vm6, $0x7, v2  }
0x6b: {  	v2 =	vadd.s32 v3, v11;
	_ =	sdelay $0x4  }
0x6c: {  	[tilespmem:v2+s19+$0x0] =	vst.idx.add.f32.msk vm7, v0  }
0x6d: {  	v2 =	vld [tilespmem:$0x156C0]  }
0x6e: {  	v3 =	vld [tilespmem:$0x15640];
	_ =	sdelay $0x3  }
0x6f: {  	vm8 =	vlt.s32 v2, $0x7  }
0x70: {  	v3 =	vshll.u32 v3, $0x3;
	vm9 =	vlt.s32 v2, $0x8;
	v12 =	vnsel vm8, $0x7, v2  }
0x71: {  	v2 =	vadd.s32 v3, v12;
	_ =	sdelay $0x4  }
0x72: {  	[tilespmem:v2+s19+$0x0] =	vst.idx.add.f32.msk vm9, v0  }
0x73: {  	v2 =	vld [tilespmem:$0x156D0]  }
0x74: {  	v3 =	vld [tilespmem:$0x15650];
	_ =	sdelay $0x3  }
0x75: {  	vm10 =	vlt.s32 v2, $0x7  }
0x76: {  	v3 =	vshll.u32 v3, $0x3;
	vm11 =	vlt.s32 v2, $0x8;
	v13 =	vnsel vm10, $0x7, v2  }
0x77: {  	v2 =	vadd.s32 v3, v13;
	_ =	sdelay $0x4  }
0x78: {  	[tilespmem:v2+s19+$0x0] =	vst.idx.add.f32.msk vm11, v0  }
0x79: {  	v2 =	vld [tilespmem:$0x156E0]  }
0x7a: {  	v3 =	vld [tilespmem:$0x15660];
	_ =	sdelay $0x3  }
0x7b: {  	vm12 =	vlt.s32 v2, $0x7  }
0x7c: {  	v3 =	vshll.u32 v3, $0x3;
	vm13 =	vlt.s32 v2, $0x8;
	v14 =	vnsel vm12, $0x7, v2  }
0x7d: {  	v2 =	vadd.s32 v3, v14;
	_ =	sdelay $0x4  }
0x7e: {  	[tilespmem:v2+s19+$0x0] =	vst.idx.add.f32.msk vm13, v0  }
0x7f: {  	v2 =	vld [tilespmem:$0x156F0]  }
0x80: {  	v3 =	vld [tilespmem:$0x15670];
	_ =	sdelay $0x3  }
0x81: {  	vm14 =	vlt.s32 v2, $0x7  }
0x82: {  	v3 =	vshll.u32 v3, $0x3;
	vm15 =	vlt.s32 v2, $0x8;
	v15 =	vnsel vm14, $0x7, v2  }
0x83: {  	v2 =	vadd.s32 v3, v15;
	_ =	sdelay $0x4  }
0x84: {  	[tilespmem:v2+s19+$0x0] =	vst.idx.add.f32.msk vm15, v0  }
0x85: {  	v2 =	vld [tilespmem:$0x15880]  }
0x86: {  	v3 =	vld [tilespmem:$0x15800];
	_ =	sdelay $0x3  }
0x87: {  	vm4 =	vlt.s32 v2, $0x7  }
0x88: {  	v3 =	vshll.u32 v3, $0x3;
	vm5 =	vlt.s32 v2, $0x8;
	v16 =	vnsel vm4, $0x7, v2  }
0x89: {  	v2 =	vadd.s32 v3, v16;
	_ =	sdelay $0x4  }
0x8a: {  	[tilespmem:v2+s19+$0x0] =	vst.idx.add.f32.msk vm5, v0  }
0x8b: {  	v2 =	vld [tilespmem:$0x15890]  }
0x8c: {  	v3 =	vld [tilespmem:$0x15810];
	_ =	sdelay $0x3  }
0x8d: {  	vm6 =	vlt.s32 v2, $0x7  }
0x8e: {  	v3 =	vshll.u32 v3, $0x3;
	vm7 =	vlt.s32 v2, $0x8;
	v17 =	vnsel vm6, $0x7, v2  }
0x8f: {  	v2 =	vadd.s32 v3, v17;
	_ =	sdelay $0x4  }
0x90: {  	[tilespmem:v2+s19+$0x0] =	vst.idx.add.f32.msk vm7, v0  }
0x91: {  	v2 =	vld [tilespmem:$0x158A0]  }
0x92: {  	v3 =	vld [tilespmem:$0x15820];
	_ =	sdelay $0x3  }
0x93: {  	vm8 =	vlt.s32 v2, $0x7  }
0x94: {  	v3 =	vshll.u32 v3, $0x3;
	vm9 =	vlt.s32 v2, $0x8;
	v18 =	vnsel vm8, $0x7, v2  }
0x95: {  	v2 =	vadd.s32 v3, v18;
	_ =	sdelay $0x4  }
0x96: {  	[tilespmem:v2+s19+$0x0] =	vst.idx.add.f32.msk vm9, v0  }
0x97: {  	v2 =	vld [tilespmem:$0x158B0]  }
0x98: {  	v3 =	vld [tilespmem:$0x15830];
	_ =	sdelay $0x3  }
0x99: {  	vm10 =	vlt.s32 v2, $0x7  }
0x9a: {  	v3 =	vshll.u32 v3, $0x3;
	vm11 =	vlt.s32 v2, $0x8;
	v19 =	vnsel vm10, $0x7, v2  }
0x9b: {  	v2 =	vadd.s32 v3, v19;
	_ =	sdelay $0x4  }
0x9c: {  	[tilespmem:v2+s19+$0x0] =	vst.idx.add.f32.msk vm11, v0  }
0x9d: {  	v2 =	vld [tilespmem:$0x158C0]  }
0x9e: {  	v3 =	vld [tilespmem:$0x15840];
	_ =	sdelay $0x3  }
0x9f: {  	vm12 =	vlt.s32 v2, $0x7  }
0xa0: {  	v3 =	vshll.u32 v3, $0x3;
	vm13 =	vlt.s32 v2, $0x8;
	v20 =	vnsel vm12, $0x7, v2  }
0xa1: {  	v2 =	vadd.s32 v3, v20;
	_ =	sdelay $0x4  }
0xa2: {  	[tilespmem:v2+s19+$0x0] =	vst.idx.add.f32.msk vm13, v0  }
0xa3: {  	v2 =	vld [tilespmem:$0x158D0]  }
0xa4: {  	v3 =	vld [tilespmem:$0x15850];
	_ =	sdelay $0x3  }
0xa5: {  	vm14 =	vlt.s32 v2, $0x7  }
0xa6: {  	v3 =	vshll.u32 v3, $0x3;
	vm15 =	vlt.s32 v2, $0x8;
	v21 =	vnsel vm14, $0x7, v2  }
0xa7: {  	v2 =	vadd.s32 v3, v21;
	_ =	sdelay $0x4  }
0xa8: {  	[tilespmem:v2+s19+$0x0] =	vst.idx.add.f32.msk vm15, v0  }
0xa9: {  	v2 =	vld [tilespmem:$0x158E0]  }
0xaa: {  	v3 =	vld [tilespmem:$0x15860];
	_ =	sdelay $0x3  }
0xab: {  	vm4 =	vlt.s32 v2, $0x7  }
0xac: {  	v3 =	vshll.u32 v3, $0x3;
	vm5 =	vlt.s32 v2, $0x8;
	v22 =	vnsel vm4, $0x7, v2  }
0xad: {  	v2 =	vadd.s32 v3, v22;
	_ =	sdelay $0x4  }
0xae: {  	[tilespmem:v2+s19+$0x0] =	vst.idx.add.f32.msk vm5, v0  }
0xaf: {  	v2 =	vld [tilespmem:$0x158F0]  }
0xb0: {  	v3 =	vld [tilespmem:$0x15870];
	_ =	sdelay $0x3  }
0xb1: {  	vm6 =	vlt.s32 v2, $0x7  }
0xb2: {  	v3 =	vshll.u32 v3, $0x3;
	vm7 =	vlt.s32 v2, $0x8;
	v23 =	vnsel vm6, $0x7, v2  }
0xb3: {  	v2 =	vadd.s32 v3, v23;
	_ =	sdelay $0x4  }
0xb4: {  	[tilespmem:v2+s19+$0x0] =	vst.idx.add.f32.msk vm7, v0  }
0xb5: {  	v2 =	vld [tilespmem:$0x15A80]  }
0xb6: {  	v3 =	vld [tilespmem:$0x15A00];
	_ =	sdelay $0x3  }
0xb7: {  	vm8 =	vlt.s32 v2, $0x7  }
0xb8: {  	v3 =	vshll.u32 v3, $0x3;
	vm9 =	vlt.s32 v2, $0x8;
	v24 =	vnsel vm8, $0x7, v2  }
0xb9: {  	v2 =	vadd.s32 v3, v24;
	_ =	sdelay $0x4  }
0xba: {  	[tilespmem:v2+s19+$0x0] =	vst.idx.add.f32.msk vm9, v0  }
0xbb: {  	v2 =	vld [tilespmem:$0x15A90]  }
0xbc: {  	v3 =	vld [tilespmem:$0x15A10];
	_ =	sdelay $0x3  }
0xbd: {  	vm10 =	vlt.s32 v2, $0x7  }
0xbe: {  	v3 =	vshll.u32 v3, $0x3;
	vm11 =	vlt.s32 v2, $0x8;
	v25 =	vnsel vm10, $0x7, v2  }
0xbf: {  	v2 =	vadd.s32 v3, v25;
	_ =	sdelay $0x4  }
0xc0: {  	[tilespmem:v2+s19+$0x0] =	vst.idx.add.f32.msk vm11, v0  }
0xc1: {  	v2 =	vld [tilespmem:$0x15AA0]  }
0xc2: {  	v3 =	vld [tilespmem:$0x15A20];
	_ =	sdelay $0x3  }
0xc3: {  	vm12 =	vlt.s32 v2, $0x7  }
0xc4: {  	v3 =	vshll.u32 v3, $0x3;
	vm13 =	vlt.s32 v2, $0x8;
	v26 =	vnsel vm12, $0x7, v2  }
0xc5: {  	v2 =	vadd.s32 v3, v26;
	_ =	sdelay $0x4  }
0xc6: {  	[tilespmem:v2+s19+$0x0] =	vst.idx.add.f32.msk vm13, v0  }
0xc7: {  	v2 =	vld [tilespmem:$0x15AB0]  }
0xc8: {  	v3 =	vld [tilespmem:$0x15A30];
	_ =	sdelay $0x3  }
0xc9: {  	vm14 =	vlt.s32 v2, $0x7  }
0xca: {  	v3 =	vshll.u32 v3, $0x3;
	vm15 =	vlt.s32 v2, $0x8;
	v27 =	vnsel vm14, $0x7, v2  }
0xcb: {  	v2 =	vadd.s32 v3, v27;
	_ =	sdelay $0x4  }
0xcc: {  	[tilespmem:v2+s19+$0x0] =	vst.idx.add.f32.msk vm15, v0  }
0xcd: {  	v2 =	vld [tilespmem:$0x15AC0]  }
0xce: {  	v3 =	vld [tilespmem:$0x15A40];
	_ =	sdelay $0x3  }
0xcf: {  	vm4 =	vlt.s32 v2, $0x7  }
0xd0: {  	v3 =	vshll.u32 v3, $0x3;
	vm5 =	vlt.s32 v2, $0x8;
	v28 =	vnsel vm4, $0x7, v2  }
0xd1: {  	v2 =	vadd.s32 v3, v28;
	_ =	sdelay $0x4  }
0xd2: {  	[tilespmem:v2+s19+$0x0] =	vst.idx.add.f32.msk vm5, v0  }
0xd3: {  	v2 =	vld [tilespmem:$0x15AD0]  }
0xd4: {  	v3 =	vld [tilespmem:$0x15A50];
	_ =	sdelay $0x3  }
0xd5: {  	vm6 =	vlt.s32 v2, $0x7  }
0xd6: {  	v3 =	vshll.u32 v3, $0x3;
	vm7 =	vlt.s32 v2, $0x8;
	v29 =	vnsel vm6, $0x7, v2  }
0xd7: {  	v2 =	vadd.s32 v3, v29;
	_ =	sdelay $0x4  }
0xd8: {  	[tilespmem:v2+s19+$0x0] =	vst.idx.add.f32.msk vm7, v0  }
0xd9: {  	v2 =	vld [tilespmem:$0x15AE0]  }
0xda: {  	v3 =	vld [tilespmem:$0x15A60];
	_ =	sdelay $0x3  }
0xdb: {  	vm8 =	vlt.s32 v2, $0x7  }
0xdc: {  	v3 =	vshll.u32 v3, $0x3;
	vm9 =	vlt.s32 v2, $0x8;
	v30 =	vnsel vm8, $0x7, v2  }
0xdd: {  	v2 =	vadd.s32 v3, v30;
	_ =	sdelay $0x4  }
0xde: {  	[tilespmem:v2+s19+$0x0] =	vst.idx.add.f32.msk vm9, v0  }
0xdf: {  	v2 =	vld [tilespmem:$0x15AF0]  }
0xe0: {  	v3 =	vld [tilespmem:$0x15A70];
	_ =	sdelay $0x3  }
0xe1: {  	vm10 =	vlt.s32 v2, $0x7  }
0xe2: {  	v3 =	vshll.u32 v3, $0x3;
	vm11 =	vlt.s32 v2, $0x8;
	v31 =	vnsel vm10, $0x7, v2  }
0xe3: {  	v2 =	vadd.s32 v3, v31  }
0xe4: {  	s6 =	smin.u32 s1, $0x25  }
0xe5: {  	s6 =	sshll.u32 s6, $0xB  }
0xe6: {  	s6 =	sadd.s32 s6, s9  }
0xe7: {  	s6 =	sshrl.u32 s6, $0x3  }
0xe8: {  	s6 =	sadd.s32 s4, s6;
	[tilespmem:v2+s19+$0x0] =	vst.idx.add.f32.msk vm11, v0  }
0xe9: {  	[tilespmem:s20], [sflag:$0x1] =	stream.linear.gather [hbm4b:s6+s3], $0x800, $0x38;
	[tilespmem:$0x1B880] =	vst v63  }
0xea: {  	_ =	swait.ge [sflag:s23], $0x800  }
0xeb: {  	[sflag:s23] =	ssyncset.done $0x0  }
0xec: {  	[sflag:s23] =	ssyncadd.s32 $0xFFFFF800  }
0xed: {  	v2 =	vld [tilespmem:$0x15C80]  }
0xee: {  	v3 =	vld [tilespmem:$0x15C00];
	_ =	sdelay $0x3  }
0xef: {  	vm12 =	vlt.s32 v2, $0x7  }
0xf0: {  	v3 =	vshll.u32 v3, $0x3;
	vm13 =	vlt.s32 v2, $0x8;
	v32 =	vnsel vm12, $0x7, v2  }
0xf1: {  	v2 =	vadd.s32 v3, v32;
	_ =	sdelay $0x4  }
0xf2: {  	[tilespmem:v2+s19+$0x0] =	vst.idx.add.f32.msk vm13, v0  }
0xf3: {  	v2 =	vld [tilespmem:$0x15C90]  }
0xf4: {  	v3 =	vld [tilespmem:$0x15C10];
	_ =	sdelay $0x3  }
0xf5: {  	vm14 =	vlt.s32 v2, $0x7  }
0xf6: {  	v3 =	vshll.u32 v3, $0x3;
	vm15 =	vlt.s32 v2, $0x8;
	v33 =	vnsel vm14, $0x7, v2  }
0xf7: {  	v2 =	vadd.s32 v3, v33;
	_ =	sdelay $0x4  }
0xf8: {  	[tilespmem:v2+s19+$0x0] =	vst.idx.add.f32.msk vm15, v0  }
0xf9: {  	v2 =	vld [tilespmem:$0x15CA0]  }
0xfa: {  	v3 =	vld [tilespmem:$0x15C20];
	_ =	sdelay $0x3  }
0xfb: {  	vm4 =	vlt.s32 v2, $0x7  }
0xfc: {  	v3 =	vshll.u32 v3, $0x3;
	vm5 =	vlt.s32 v2, $0x8;
	v34 =	vnsel vm4, $0x7, v2  }
0xfd: {  	v2 =	vadd.s32 v3, v34;
	_ =	sdelay $0x4  }
0xfe: {  	[tilespmem:v2+s19+$0x0] =	vst.idx.add.f32.msk vm5, v0  }
0xff: {  	v2 =	vld [tilespmem:$0x15CB0]  }
0x100: {  	v3 =	vld [tilespmem:$0x15C30];
	_ =	sdelay $0x3  }
0x101: {  	vm6 =	vlt.s32 v2, $0x7  }
0x102: {  	v3 =	vshll.u32 v3, $0x3;
	vm7 =	vlt.s32 v2, $0x8;
	v35 =	vnsel vm6, $0x7, v2  }
0x103: {  	v2 =	vadd.s32 v3, v35;
	_ =	sdelay $0x4  }
0x104: {  	[tilespmem:v2+s19+$0x0] =	vst.idx.add.f32.msk vm7, v0  }
0x105: {  	v2 =	vld [tilespmem:$0x15CC0]  }
0x106: {  	v3 =	vld [tilespmem:$0x15C40];
	_ =	sdelay $0x3  }
0x107: {  	vm8 =	vlt.s32 v2, $0x7  }
0x108: {  	v3 =	vshll.u32 v3, $0x3;
	vm9 =	vlt.s32 v2, $0x8;
	v36 =	vnsel vm8, $0x7, v2  }
0x109: {  	v2 =	vadd.s32 v3, v36;
	_ =	sdelay $0x4  }
0x10a: {  	[tilespmem:v2+s19+$0x0] =	vst.idx.add.f32.msk vm9, v0  }
0x10b: {  	v2 =	vld [tilespmem:$0x15CD0]  }
0x10c: {  	v3 =	vld [tilespmem:$0x15C50];
	_ =	sdelay $0x3  }
0x10d: {  	vm10 =	vlt.s32 v2, $0x7  }
0x10e: {  	v3 =	vshll.u32 v3, $0x3;
	vm11 =	vlt.s32 v2, $0x8;
	v37 =	vnsel vm10, $0x7, v2  }
0x10f: {  	v2 =	vadd.s32 v3, v37;
	_ =	sdelay $0x4  }
0x110: {  	[tilespmem:v2+s19+$0x0] =	vst.idx.add.f32.msk vm11, v0  }
0x111: {  	v2 =	vld [tilespmem:$0x15CE0]  }
0x112: {  	v3 =	vld [tilespmem:$0x15C60];
	_ =	sdelay $0x3  }
0x113: {  	vm12 =	vlt.s32 v2, $0x7  }
0x114: {  	v3 =	vshll.u32 v3, $0x3;
	vm13 =	vlt.s32 v2, $0x8;
	v38 =	vnsel vm12, $0x7, v2  }
0x115: {  	v2 =	vadd.s32 v3, v38;
	_ =	sdelay $0x4  }
0x116: {  	[tilespmem:v2+s19+$0x0] =	vst.idx.add.f32.msk vm13, v0  }
0x117: {  	v2 =	vld [tilespmem:$0x15CF0]  }
0x118: {  	v3 =	vld [tilespmem:$0x15C70];
	_ =	sdelay $0x3  }
0x119: {  	vm14 =	vlt.s32 v2, $0x7  }
0x11a: {  	v3 =	vshll.u32 v3, $0x3;
	vm15 =	vlt.s32 v2, $0x8;
	v39 =	vnsel vm14, $0x7, v2  }
0x11b: {  	v2 =	vadd.s32 v3, v39;
	_ =	sdelay $0x4  }
0x11c: {  	[tilespmem:v2+s19+$0x0] =	vst.idx.add.f32.msk vm15, v0  }
0x11d: {  	v2 =	vld [tilespmem:$0x15E80]  }
0x11e: {  	v3 =	vld [tilespmem:$0x15E00];
	_ =	sdelay $0x3  }
0x11f: {  	vm4 =	vlt.s32 v2, $0x7  }
0x120: {  	v3 =	vshll.u32 v3, $0x3;
	vm5 =	vlt.s32 v2, $0x8;
	v40 =	vnsel vm4, $0x7, v2  }
0x121: {  	v2 =	vadd.s32 v3, v40;
	_ =	sdelay $0x4  }
0x122: {  	[tilespmem:v2+s19+$0x0] =	vst.idx.add.f32.msk vm5, v0  }
0x123: {  	v2 =	vld [tilespmem:$0x15E90]  }
0x124: {  	v3 =	vld [tilespmem:$0x15E10];
	_ =	sdelay $0x3  }
0x125: {  	vm6 =	vlt.s32 v2, $0x7  }
0x126: {  	v3 =	vshll.u32 v3, $0x3;
	vm7 =	vlt.s32 v2, $0x8;
	v41 =	vnsel vm6, $0x7, v2  }
0x127: {  	v2 =	vadd.s32 v3, v41;
	_ =	sdelay $0x4  }
0x128: {  	[tilespmem:v2+s19+$0x0] =	vst.idx.add.f32.msk vm7, v0  }
0x129: {  	v2 =	vld [tilespmem:$0x15EA0]  }
0x12a: {  	v3 =	vld [tilespmem:$0x15E20];
	_ =	sdelay $0x3  }
0x12b: {  	vm8 =	vlt.s32 v2, $0x7  }
0x12c: {  	v3 =	vshll.u32 v3, $0x3;
	vm9 =	vlt.s32 v2, $0x8;
	v42 =	vnsel vm8, $0x7, v2  }
0x12d: {  	v2 =	vadd.s32 v3, v42;
	_ =	sdelay $0x4  }
0x12e: {  	[tilespmem:v2+s19+$0x0] =	vst.idx.add.f32.msk vm9, v0  }
0x12f: {  	v2 =	vld [tilespmem:$0x15EB0]  }
0x130: {  	v3 =	vld [tilespmem:$0x15E30];
	_ =	sdelay $0x3  }
0x131: {  	vm10 =	vlt.s32 v2, $0x7  }
0x132: {  	v3 =	vshll.u32 v3, $0x3;
	vm11 =	vlt.s32 v2, $0x8;
	v43 =	vnsel vm10, $0x7, v2  }
0x133: {  	v2 =	vadd.s32 v3, v43;
	_ =	sdelay $0x4  }
0x134: {  	[tilespmem:v2+s19+$0x0] =	vst.idx.add.f32.msk vm11, v0  }
0x135: {  	v2 =	vld [tilespmem:$0x15EC0]  }
0x136: {  	v3 =	vld [tilespmem:$0x15E40];
	_ =	sdelay $0x3  }
0x137: {  	vm12 =	vlt.s32 v2, $0x7  }
0x138: {  	v3 =	vshll.u32 v3, $0x3;
	vm13 =	vlt.s32 v2, $0x8;
	v44 =	vnsel vm12, $0x7, v2  }
0x139: {  	v2 =	vadd.s32 v3, v44;
	_ =	sdelay $0x4  }
0x13a: {  	[tilespmem:v2+s19+$0x0] =	vst.idx.add.f32.msk vm13, v0  }
0x13b: {  	v2 =	vld [tilespmem:$0x15ED0]  }
0x13c: {  	v3 =	vld [tilespmem:$0x15E50];
	_ =	sdelay $0x3  }
0x13d: {  	vm14 =	vlt.s32 v2, $0x7  }
0x13e: {  	v3 =	vshll.u32 v3, $0x3;
	vm15 =	vlt.s32 v2, $0x8;
	v45 =	vnsel vm14, $0x7, v2  }
0x13f: {  	v2 =	vadd.s32 v3, v45;
	_ =	sdelay $0x4  }
0x140: {  	[tilespmem:v2+s19+$0x0] =	vst.idx.add.f32.msk vm15, v0  }
0x141: {  	v2 =	vld [tilespmem:$0x15EE0]  }
0x142: {  	v3 =	vld [tilespmem:$0x15E60];
	_ =	sdelay $0x3  }
0x143: {  	vm4 =	vlt.s32 v2, $0x7  }
0x144: {  	v3 =	vshll.u32 v3, $0x3;
	vm5 =	vlt.s32 v2, $0x8;
	v46 =	vnsel vm4, $0x7, v2  }
0x145: {  	v2 =	vadd.s32 v3, v46;
	_ =	sdelay $0x4  }
0x146: {  	[tilespmem:v2+s19+$0x0] =	vst.idx.add.f32.msk vm5, v0  }
0x147: {  	v2 =	vld [tilespmem:$0x15EF0]  }
0x148: {  	v3 =	vld [tilespmem:$0x15E70];
	_ =	sdelay $0x3  }
0x149: {  	vm6 =	vlt.s32 v2, $0x7  }
0x14a: {  	v3 =	vshll.u32 v3, $0x3;
	vm7 =	vlt.s32 v2, $0x8;
	v47 =	vnsel vm6, $0x7, v2  }
0x14b: {  	v2 =	vadd.s32 v3, v47;
	_ =	sdelay $0x4  }
0x14c: {  	[tilespmem:v2+s19+$0x0] =	vst.idx.add.f32.msk vm7, v0  }
0x14d: {  	v2 =	vld [tilespmem:$0x16080]  }
0x14e: {  	v3 =	vld [tilespmem:$0x16000];
	_ =	sdelay $0x3  }
0x14f: {  	vm8 =	vlt.s32 v2, $0x7  }
0x150: {  	v3 =	vshll.u32 v3, $0x3;
	vm9 =	vlt.s32 v2, $0x8;
	v48 =	vnsel vm8, $0x7, v2  }
0x151: {  	v2 =	vadd.s32 v3, v48;
	_ =	sdelay $0x4  }
0x152: {  	[tilespmem:v2+s19+$0x0] =	vst.idx.add.f32.msk vm9, v0  }
0x153: {  	v2 =	vld [tilespmem:$0x16090]  }
0x154: {  	v3 =	vld [tilespmem:$0x16010];
	_ =	sdelay $0x3  }
0x155: {  	vm10 =	vlt.s32 v2, $0x7  }
0x156: {  	v3 =	vshll.u32 v3, $0x3;
	vm11 =	vlt.s32 v2, $0x8;
	v49 =	vnsel vm10, $0x7, v2  }
0x157: {  	v2 =	vadd.s32 v3, v49;
	_ =	sdelay $0x4  }
0x158: {  	[tilespmem:v2+s19+$0x0] =	vst.idx.add.f32.msk vm11, v0  }
0x159: {  	v2 =	vld [tilespmem:$0x160A0]  }
0x15a: {  	v3 =	vld [tilespmem:$0x16020];
	_ =	sdelay $0x3  }
0x15b: {  	vm12 =	vlt.s32 v2, $0x7  }
0x15c: {  	v3 =	vshll.u32 v3, $0x3;
	vm13 =	vlt.s32 v2, $0x8;
	v50 =	vnsel vm12, $0x7, v2  }
0x15d: {  	v2 =	vadd.s32 v3, v50;
	_ =	sdelay $0x4  }
0x15e: {  	[tilespmem:v2+s19+$0x0] =	vst.idx.add.f32.msk vm13, v0  }
0x15f: {  	v2 =	vld [tilespmem:$0x160B0]  }
0x160: {  	v3 =	vld [tilespmem:$0x16030];
	_ =	sdelay $0x3  }
0x161: {  	vm14 =	vlt.s32 v2, $0x7  }
0x162: {  	v3 =	vshll.u32 v3, $0x3;
	vm15 =	vlt.s32 v2, $0x8;
	v51 =	vnsel vm14, $0x7, v2  }
0x163: {  	v2 =	vadd.s32 v3, v51;
	_ =	sdelay $0x4  }
0x164: {  	[tilespmem:v2+s19+$0x0] =	vst.idx.add.f32.msk vm15, v0  }
0x165: {  	v2 =	vld [tilespmem:$0x160C0]  }
0x166: {  	v3 =	vld [tilespmem:$0x16040];
	_ =	sdelay $0x3  }
0x167: {  	vm4 =	vlt.s32 v2, $0x7  }
0x168: {  	v3 =	vshll.u32 v3, $0x3;
	vm5 =	vlt.s32 v2, $0x8;
	v52 =	vnsel vm4, $0x7, v2  }
0x169: {  	v2 =	vadd.s32 v3, v52;
	_ =	sdelay $0x4  }
0x16a: {  	[tilespmem:v2+s19+$0x0] =	vst.idx.add.f32.msk vm5, v0  }
0x16b: {  	v2 =	vld [tilespmem:$0x160D0]  }
0x16c: {  	v3 =	vld [tilespmem:$0x16050];
	_ =	sdelay $0x3  }
0x16d: {  	vm6 =	vlt.s32 v2, $0x7  }
0x16e: {  	v3 =	vshll.u32 v3, $0x3;
	vm7 =	vlt.s32 v2, $0x8;
	v53 =	vnsel vm6, $0x7, v2  }
0x16f: {  	v2 =	vadd.s32 v3, v53;
	_ =	sdelay $0x4  }
0x170: {  	[tilespmem:v2+s19+$0x0] =	vst.idx.add.f32.msk vm7, v0  }
0x171: {  	v2 =	vld [tilespmem:$0x160E0]  }
0x172: {  	v3 =	vld [tilespmem:$0x16060];
	_ =	sdelay $0x3  }
0x173: {  	vm8 =	vlt.s32 v2, $0x7  }
0x174: {  	v3 =	vshll.u32 v3, $0x3;
	vm9 =	vlt.s32 v2, $0x8;
	v54 =	vnsel vm8, $0x7, v2  }
0x175: {  	v2 =	vadd.s32 v3, v54;
	_ =	sdelay $0x4  }
0x176: {  	[tilespmem:v2+s19+$0x0] =	vst.idx.add.f32.msk vm9, v0  }
0x177: {  	v2 =	vld [tilespmem:$0x160F0]  }
0x178: {  	v3 =	vld [tilespmem:$0x16070];
	_ =	sdelay $0x3  }
0x179: {  	vm10 =	vlt.s32 v2, $0x7  }
0x17a: {  	v3 =	vshll.u32 v3, $0x3;
	vm11 =	vlt.s32 v2, $0x8;
	v55 =	vnsel vm10, $0x7, v2  }
0x17b: {  	v2 =	vadd.s32 v3, v55;
	_ =	sdelay $0x4  }
0x17c: {  	[tilespmem:v2+s19+$0x0] =	vst.idx.add.f32.msk vm11, v0  }
0x17d: {  	v2 =	vld [tilespmem:$0x16280]  }
0x17e: {  	v3 =	vld [tilespmem:$0x16200];
	_ =	sdelay $0x3  }
0x17f: {  	vm12 =	vlt.s32 v2, $0x7  }
0x180: {  	v3 =	vshll.u32 v3, $0x3;
	vm13 =	vlt.s32 v2, $0x8;
	v56 =	vnsel vm12, $0x7, v2  }
0x181: {  	v2 =	vadd.s32 v3, v56;
	_ =	sdelay $0x4  }
0x182: {  	[tilespmem:v2+s19+$0x0] =	vst.idx.add.f32.msk vm13, v0  }
0x183: {  	v2 =	vld [tilespmem:$0x16290]  }
0x184: {  	v3 =	vld [tilespmem:$0x16210];
	_ =	sdelay $0x3  }
0x185: {  	vm14 =	vlt.s32 v2, $0x7  }
0x186: {  	v3 =	vshll.u32 v3, $0x3;
	vm15 =	vlt.s32 v2, $0x8;
	v57 =	vnsel vm14, $0x7, v2  }
0x187: {  	v2 =	vadd.s32 v3, v57;
	_ =	sdelay $0x4  }
0x188: {  	[tilespmem:v2+s19+$0x0] =	vst.idx.add.f32.msk vm15, v0  }
0x189: {  	v2 =	vld [tilespmem:$0x162A0]  }
0x18a: {  	v3 =	vld [tilespmem:$0x16220];
	_ =	sdelay $0x3  }
0x18b: {  	vm4 =	vlt.s32 v2, $0x7  }
0x18c: {  	v3 =	vshll.u32 v3, $0x3;
	vm5 =	vlt.s32 v2, $0x8;
	v58 =	vnsel vm4, $0x7, v2  }
0x18d: {  	v2 =	vadd.s32 v3, v58;
	_ =	sdelay $0x4  }
0x18e: {  	[tilespmem:v2+s19+$0x0] =	vst.idx.add.f32.msk vm5, v0  }
0x18f: {  	v2 =	vld [tilespmem:$0x162B0]  }
0x190: {  	v3 =	vld [tilespmem:$0x16230];
	_ =	sdelay $0x3  }
0x191: {  	vm6 =	vlt.s32 v2, $0x7  }
0x192: {  	v3 =	vshll.u32 v3, $0x3;
	vm7 =	vlt.s32 v2, $0x8;
	v59 =	vnsel vm6, $0x7, v2  }
0x193: {  	v2 =	vadd.s32 v3, v59;
	_ =	sdelay $0x4  }
0x194: {  	[tilespmem:v2+s19+$0x0] =	vst.idx.add.f32.msk vm7, v0  }
0x195: {  	v2 =	vld [tilespmem:$0x162C0]  }
0x196: {  	v3 =	vld [tilespmem:$0x16240];
	_ =	sdelay $0x3  }
0x197: {  	vm8 =	vlt.s32 v2, $0x7  }
0x198: {  	v3 =	vshll.u32 v3, $0x3;
	vm9 =	vlt.s32 v2, $0x8;
	v60 =	vnsel vm8, $0x7, v2  }
0x199: {  	v2 =	vadd.s32 v3, v60;
	_ =	sdelay $0x4  }
0x19a: {  	[tilespmem:v2+s19+$0x0] =	vst.idx.add.f32.msk vm9, v0  }
0x19b: {  	v2 =	vld [tilespmem:$0x162D0]  }
0x19c: {  	v3 =	vld [tilespmem:$0x16250];
	_ =	sdelay $0x3  }
0x19d: {  	vm10 =	vlt.s32 v2, $0x7  }
0x19e: {  	v3 =	vshll.u32 v3, $0x3;
	vm11 =	vlt.s32 v2, $0x8;
	v61 =	vnsel vm10, $0x7, v2  }
0x19f: {  	v2 =	vadd.s32 v3, v61;
	_ =	sdelay $0x4  }
0x1a0: {  	[tilespmem:v2+s19+$0x0] =	vst.idx.add.f32.msk vm11, v0  }
0x1a1: {  	v2 =	vld [tilespmem:$0x162E0]  }
0x1a2: {  	v3 =	vld [tilespmem:$0x16260];
	_ =	sdelay $0x3  }
0x1a3: {  	vm12 =	vlt.s32 v2, $0x7  }
0x1a4: {  	v3 =	vshll.u32 v3, $0x3;
	vm13 =	vlt.s32 v2, $0x8;
	v62 =	vnsel vm12, $0x7, v2  }
0x1a5: {  	v2 =	vadd.s32 v3, v62;
	_ =	sdelay $0x4  }
0x1a6: {  	[tilespmem:v2+s19+$0x0] =	vst.idx.add.f32.msk vm13, v0  }
0x1a7: {  	v2 =	vld [tilespmem:$0x162F0]  }
0x1a8: {  	v3 =	vld [tilespmem:$0x16270];
	_ =	sdelay $0x3  }
0x1a9: {  	vm14 =	vlt.s32 v2, $0x7  }
0x1aa: {  	v3 =	vshll.u32 v3, $0x3;
	vm15 =	vlt.s32 v2, $0x8;
	v63 =	vnsel vm14, $0x7, v2  }
0x1ab: {  	p0 =	sne.s32 s1, $0x26;
	v2 =	vadd.s32 v3, v63  }
.Ltmp0:
0x1ac: {  	_ = 	snop;
	(pc) =	sbr.rel @p0 .LBB2_2-.Ltmp0, $2  }
0x1ad: {  	_ =	sdelay $0x2  }
0x1ae: {  	s15 =	sadd.s32 $0x200, s15;
	s1 =	sadd.s32 $0x2, s1;
	[tilespmem:v2+s19+$0x0] =	vst.idx.add.f32.msk vm15, v0  }
0x1af: {  	_ =	swait.ge [sflag:s22], $0x800  }
0x1b0: {  	[sflag:s22] =	ssyncset.done $0x0  }
0x1b1: {  	s1 =	simm.s32 $0x70;
	[sflag:s22] =	ssyncadd.s32 $0xFFFFF800  }
0x1b2: {  	s6 =	simm.s32 $0x60;
	v2 =	vor.u32 s1, v1;
	[bflag:$0x0] =	sbarrier.arrive $0xFFFF  }
0x1b3: {  	s15 =	simm.s32 $0x50;
	v3 =	vor.u32 s6, v1;
	[tilespmem:$0x1B870] =	vst v2  }
0x1b4: {  	s16 =	simm.s32 $0x0;
	v2 =	vor.u32 s15, v1;
	[tilespmem:$0x1B860] =	vst v3  }
0x1b5: {  	s12 =	simm.s32 $0x40;
	v3 =	vor.u32 s16, v1;
	[tilespmem:$0x1B850] =	vst v2  }
0x1b6: {  	s13 =	simm.s32 $0x20;
	[tilespmem:$0x1B800] =	vst v3;
	v2 =	vor.u32 s12, v1  }
0x1b7: {  	s15 =	simm.s32 $0x30;
	v3 =	vor.u32 s13, v1;
	[tilespmem:$0x1B840] =	vst v2  }
0x1b8: {  	s16 =	simm.s32 $0x10;
	v2 =	vor.u32 s15, v1;
	[tilespmem:$0x1B820] =	vst v3  }
0x1b9: {  	v3 =	vor.u32 s16, v1;
	[tilespmem:$0x1B830] =	vst v2  }
0x1ba: {  	s1 =	simm.s32 $0x1400;
	s6 =	simm.s32 $0xF0;
	[tilespmem:$0x1B810] =	vst v3  }
0x1bb: {  	[spmem:s2] =	stream.indirect.scatter.add.f32 [tilespmem:s1], [sflag:$0x3], $0x80, s25, s24, $0xb8;
	[tilespmem:$0x1B880] =	vst v63  }
.LBB2_4:
0x1bc: {  	p0 =	sne.s32 s6, $0x270;
	_ =	swait.ge [sflag:s18], $0x4000;
	s1 =	sadd.s32 $0x4000, s1  }
0x1bd: {  	s15 =	smov.u32 s6;
	s6 =	sadd.s32 $0x80, s6;
	[sflag:s18] =	ssyncset.done $0x0  }
0x1be: {  	s16 =	sadd.s32 $0xFFFFFFF0, s15;
	v2 =	vor.u32 s15, v1;
	[sflag:s18] =	ssyncadd.s32 $0xFFFFC000  }
0x1bf: {  	s12 =	sadd.s32 $0xFFFFFFE0, s15;
	v3 =	vor.u32 s16, v1;
	[tilespmem:$0x1B870] =	vst v2  }
0x1c0: {  	s16 =	sadd.s32 $0xFFFFFF90, s15;
	v2 =	vor.u32 s12, v1;
	[tilespmem:$0x1B860] =	vst v3  }
0x1c1: {  	s12 =	sadd.s32 $0xFFFFFFD0, s15;
	v3 =	vor.u32 s16, v1;
	[tilespmem:$0x1B850] =	vst v2  }
0x1c2: {  	s13 =	sadd.s32 $0xFFFFFFB0, s15;
	s16 =	sadd.s32 $0xFFFFFFA0, s15;
	s15 =	sadd.s32 $0xFFFFFFC0, s15;
	v2 =	vor.u32 s12, v1;
	[tilespmem:$0x1B800] =	vst v3  }
.Ltmp1:
0x1c3: {  	v4 =	vor.u32 s13, v1;
	v5 =	vor.u32 s15, v1;
	v3 =	vor.u32 s16, v1;
	[tilespmem:$0x1B840] =	vst v2;
	(pc) =	sbr.rel @p0 .LBB2_4-.Ltmp1, $4  }
0x1c4: {  	[tilespmem:$0x1B820] =	vst v4  }
0x1c5: {  	[tilespmem:$0x1B830] =	vst v5  }
0x1c6: {  	[tilespmem:$0x1B810] =	vst v3  }
0x1c7: {  	[spmem:s2] =	stream.indirect.scatter.add.f32 [tilespmem:s1], [sflag:$0x3], $0x80, s25, s24, $0xb8;
	[tilespmem:$0x1B880] =	vst v63  }
0x1c8: {  	_ =	swait.ge [sflag:s18], $0x4000  }
0x1c9: {  	[sflag:s18] =	ssyncset.done $0x0  }
0x1ca: {  	[sflag:s18] =	ssyncadd.s32 $0xFFFFC000  }
0x1cb: {  	[bflag:$0x0] =	sbarrier.arrive $0xFFFF  }
0x1cc: {  	[tilespmem:s19], [sflag:$0x3] =	stream.linear.gather [spmem:s2], $0x14000, $0x38;
	[tilespmem:$0x1B880] =	vst v63  }
0x1cd: {  	_ =	swait.ge [sflag:s18], $0x14000  }
0x1ce: {  	[sflag:s18] =	ssyncset.done $0x0  }
0x1cf: {  	s1 =	simm.s32 $0x0;
	[sflag:s18] =	ssyncadd.s32 $0xFFFEC000  }
0x1d0: {  	[tilespmem:s29], [sflag:$0x1] =	stream.strided.gather [hbm4b:s10+s26], $0x0, s28, s26, $0x38;
	[tilespmem:$0x1B880] =	vst v63  }
0x1d1: {  	s15 =	simm.s32 $0x16880;
	s6 =	simm.s32 $0x19080;
	s16 =	smov.u32 s7  }
0x1d2: {  	[tilespmem:s29], [sflag:$0x1] =	stream.linear.gather [hbm4b:s10+s1], $0x180, $0x38;
	[tilespmem:$0x1B880] =	vst v63  }
.LBB2_6:
0x1d3: {  	[tilespmem:s30], [sflag:$0x2] =	stream.strided.gather [hbm4b:s16+s26], $0x0, s28, s26, $0x38;
	[tilespmem:$0x1B880] =	vst v63  }
0x1d4: {  	_ = 	snop  }
0x1d5: {  	[tilespmem:s30], [sflag:$0x2] =	stream.linear.gather [hbm4b:s16+s3], $0x180, $0x38;
	[tilespmem:$0x1B880] =	vst v63  }
0x1d6: {  	_ =	swait.ge [sflag:s22], $0x180  }
0x1d7: {  	[sflag:s22] =	ssyncset.done $0x0  }
0x1d8: {  	[sflag:s22] =	ssyncadd.s32 $0xFFFFFE80  }
0x1d9: {  	v2 =	vld [tilespmem:$0x16480]  }
0x1da: {  	v3 =	vld [tilespmem:$0x16400];
	_ =	sdelay $0x3  }
0x1db: {  	vm0 =	vlt.s32 v2, $0x7  }
0x1dc: {  	v3 =	vshll.u32 v3, $0x3;
	v4 =	vnsel vm0, $0x7, v2  }
0x1dd: {  	v3 =	vadd.s32 v3, v4;
	_ =	sdelay $0x4  }
0x1de: {  	v3 =	vld.idx.msk [tilespmem:v3+s19+$0x0], $0xffff;
	_ =	sdelay $0x4  }
0x1df: {  	v3 =	vmax.f32 v3, $1.000000000e+00  }
0x1e0: {  	(erf) = vrcp.f32 v3;
	_ =	sdelay $0x5  }
0x1e1: {  	v3 =	vld [tilespmem:$0x16500];
	_ =	sdelay $0x1  }
0x1e2: {  	v33 =	vmul.u32 $0x2710, v2  }
0x1e3: {  	vm9 =	vlt.s32 v2, $0x8;
	v2 =	vpop (erf)  }
0x1e4: {  	v4 =	vnsel vm9, $0x0, v33;
	v2 =	vnsel vm9, $0x0, v2  }
0x1e5: {  	[tilespmem:s15+$0xFFFFFF80] =	vst v2;
	v2 =	vadd.s32 v3, v4  }
0x1e6: {  	[tilespmem:s6+$0xFFFFFF80] =	vst v2  }
0x1e7: {  	v2 =	vld [tilespmem:$0x16490]  }
0x1e8: {  	v3 =	vld [tilespmem:$0x16410];
	_ =	sdelay $0x3  }
0x1e9: {  	vm10 =	vlt.s32 v2, $0x7  }
0x1ea: {  	v3 =	vshll.u32 v3, $0x3;
	v34 =	vnsel vm10, $0x7, v2  }
0x1eb: {  	v3 =	vadd.s32 v3, v34;
	_ =	sdelay $0x4  }
0x1ec: {  	v3 =	vld.idx.msk [tilespmem:v3+s19+$0x0], $0xffff;
	_ =	sdelay $0x4  }
0x1ed: {  	v3 =	vmax.f32 v3, $1.000000000e+00  }
0x1ee: {  	(erf) = vrcp.f32 v3;
	_ =	sdelay $0x5  }
0x1ef: {  	v3 =	vld [tilespmem:$0x16510];
	_ =	sdelay $0x1  }
0x1f0: {  	v35 =	vmul.u32 $0x2710, v2  }
0x1f1: {  	vm11 =	vlt.s32 v2, $0x8;
	v2 =	vpop (erf)  }
0x1f2: {  	v4 =	vnsel vm11, $0x0, v35;
	v2 =	vnsel vm11, $0x0, v2  }
0x1f3: {  	[tilespmem:s15+$0xFFFFFF90] =	vst v2;
	v2 =	vadd.s32 v3, v4  }
0x1f4: {  	[tilespmem:s6+$0xFFFFFF90] =	vst v2  }
0x1f5: {  	v2 =	vld [tilespmem:$0x164A0]  }
0x1f6: {  	v3 =	vld [tilespmem:$0x16420];
	_ =	sdelay $0x3  }
0x1f7: {  	vm12 =	vlt.s32 v2, $0x7  }
0x1f8: {  	v3 =	vshll.u32 v3, $0x3;
	v36 =	vnsel vm12, $0x7, v2  }
0x1f9: {  	v3 =	vadd.s32 v3, v36;
	_ =	sdelay $0x4  }
0x1fa: {  	v3 =	vld.idx.msk [tilespmem:v3+s19+$0x0], $0xffff;
	_ =	sdelay $0x4  }
0x1fb: {  	v3 =	vmax.f32 v3, $1.000000000e+00  }
0x1fc: {  	(erf) = vrcp.f32 v3;
	_ =	sdelay $0x5  }
0x1fd: {  	v3 =	vld [tilespmem:$0x16520];
	_ =	sdelay $0x1  }
0x1fe: {  	v37 =	vmul.u32 $0x2710, v2  }
0x1ff: {  	vm13 =	vlt.s32 v2, $0x8;
	v2 =	vpop (erf)  }
0x200: {  	v4 =	vnsel vm13, $0x0, v37;
	v2 =	vnsel vm13, $0x0, v2  }
0x201: {  	[tilespmem:s15+$0xFFFFFFA0] =	vst v2;
	v2 =	vadd.s32 v3, v4  }
0x202: {  	[tilespmem:s6+$0xFFFFFFA0] =	vst v2  }
0x203: {  	v2 =	vld [tilespmem:$0x164B0]  }
0x204: {  	v3 =	vld [tilespmem:$0x16430];
	_ =	sdelay $0x3  }
0x205: {  	vm14 =	vlt.s32 v2, $0x7  }
0x206: {  	v3 =	vshll.u32 v3, $0x3;
	v38 =	vnsel vm14, $0x7, v2  }
0x207: {  	v3 =	vadd.s32 v3, v38;
	_ =	sdelay $0x4  }
0x208: {  	v3 =	vld.idx.msk [tilespmem:v3+s19+$0x0], $0xffff;
	_ =	sdelay $0x4  }
0x209: {  	v3 =	vmax.f32 v3, $1.000000000e+00  }
0x20a: {  	(erf) = vrcp.f32 v3;
	_ =	sdelay $0x5  }
0x20b: {  	v3 =	vld [tilespmem:$0x16530];
	_ =	sdelay $0x1  }
0x20c: {  	v39 =	vmul.u32 $0x2710, v2  }
0x20d: {  	vm15 =	vlt.s32 v2, $0x8;
	v2 =	vpop (erf)  }
0x20e: {  	v4 =	vnsel vm15, $0x0, v39;
	v2 =	vnsel vm15, $0x0, v2  }
0x20f: {  	[tilespmem:s15+$0xFFFFFFB0] =	vst v2;
	v2 =	vadd.s32 v3, v4  }
0x210: {  	[tilespmem:s6+$0xFFFFFFB0] =	vst v2  }
0x211: {  	v2 =	vld [tilespmem:$0x164C0]  }
0x212: {  	v3 =	vld [tilespmem:$0x16440];
	_ =	sdelay $0x3  }
0x213: {  	vm4 =	vlt.s32 v2, $0x7  }
0x214: {  	v3 =	vshll.u32 v3, $0x3;
	v40 =	vnsel vm4, $0x7, v2  }
0x215: {  	v3 =	vadd.s32 v3, v40;
	_ =	sdelay $0x4  }
0x216: {  	v3 =	vld.idx.msk [tilespmem:v3+s19+$0x0], $0xffff;
	_ =	sdelay $0x4  }
0x217: {  	v3 =	vmax.f32 v3, $1.000000000e+00  }
0x218: {  	(erf) = vrcp.f32 v3;
	_ =	sdelay $0x5  }
0x219: {  	v3 =	vld [tilespmem:$0x16540];
	_ =	sdelay $0x1  }
0x21a: {  	v41 =	vmul.u32 $0x2710, v2  }
0x21b: {  	vm5 =	vlt.s32 v2, $0x8;
	v2 =	vpop (erf)  }
0x21c: {  	v4 =	vnsel vm5, $0x0, v41;
	v2 =	vnsel vm5, $0x0, v2  }
0x21d: {  	[tilespmem:s15+$0xFFFFFFC0] =	vst v2;
	v2 =	vadd.s32 v3, v4  }
0x21e: {  	[tilespmem:s6+$0xFFFFFFC0] =	vst v2  }
0x21f: {  	v2 =	vld [tilespmem:$0x164D0]  }
0x220: {  	v3 =	vld [tilespmem:$0x16450];
	_ =	sdelay $0x3  }
0x221: {  	vm6 =	vlt.s32 v2, $0x7  }
0x222: {  	v3 =	vshll.u32 v3, $0x3;
	v42 =	vnsel vm6, $0x7, v2  }
0x223: {  	v3 =	vadd.s32 v3, v42;
	_ =	sdelay $0x4  }
0x224: {  	v3 =	vld.idx.msk [tilespmem:v3+s19+$0x0], $0xffff;
	_ =	sdelay $0x4  }
0x225: {  	v3 =	vmax.f32 v3, $1.000000000e+00  }
0x226: {  	(erf) = vrcp.f32 v3;
	_ =	sdelay $0x5  }
0x227: {  	v3 =	vld [tilespmem:$0x16550];
	_ =	sdelay $0x1  }
0x228: {  	v43 =	vmul.u32 $0x2710, v2  }
0x229: {  	vm7 =	vlt.s32 v2, $0x8;
	v2 =	vpop (erf)  }
0x22a: {  	v4 =	vnsel vm7, $0x0, v43;
	v2 =	vnsel vm7, $0x0, v2  }
0x22b: {  	[tilespmem:s15+$0xFFFFFFD0] =	vst v2;
	v2 =	vadd.s32 v3, v4  }
0x22c: {  	[tilespmem:s6+$0xFFFFFFD0] =	vst v2  }
0x22d: {  	v2 =	vld [tilespmem:$0x164E0]  }
0x22e: {  	v3 =	vld [tilespmem:$0x16460];
	_ =	sdelay $0x3  }
0x22f: {  	vm8 =	vlt.s32 v2, $0x7  }
0x230: {  	v3 =	vshll.u32 v3, $0x3;
	v44 =	vnsel vm8, $0x7, v2  }
0x231: {  	v3 =	vadd.s32 v3, v44;
	_ =	sdelay $0x4  }
0x232: {  	v3 =	vld.idx.msk [tilespmem:v3+s19+$0x0], $0xffff;
	_ =	sdelay $0x4  }
0x233: {  	v3 =	vmax.f32 v3, $1.000000000e+00  }
0x234: {  	(erf) = vrcp.f32 v3;
	_ =	sdelay $0x5  }
0x235: {  	v3 =	vld [tilespmem:$0x16560];
	_ =	sdelay $0x1  }
0x236: {  	v45 =	vmul.u32 $0x2710, v2  }
0x237: {  	vm9 =	vlt.s32 v2, $0x8;
	v2 =	vpop (erf)  }
0x238: {  	v4 =	vnsel vm9, $0x0, v45;
	v2 =	vnsel vm9, $0x0, v2  }
0x239: {  	[tilespmem:s15+$0xFFFFFFE0] =	vst v2;
	v2 =	vadd.s32 v3, v4  }
0x23a: {  	[tilespmem:s6+$0xFFFFFFE0] =	vst v2  }
0x23b: {  	v2 =	vld [tilespmem:$0x164F0]  }
0x23c: {  	v3 =	vld [tilespmem:$0x16470];
	_ =	sdelay $0x3  }
0x23d: {  	vm10 =	vlt.s32 v2, $0x7  }
0x23e: {  	v3 =	vshll.u32 v3, $0x3;
	v46 =	vnsel vm10, $0x7, v2  }
0x23f: {  	v3 =	vadd.s32 v3, v46;
	_ =	sdelay $0x4  }
0x240: {  	v3 =	vld.idx.msk [tilespmem:v3+s19+$0x0], $0xffff;
	_ =	sdelay $0x4  }
0x241: {  	v3 =	vmax.f32 v3, $1.000000000e+00  }
0x242: {  	(erf) = vrcp.f32 v3;
	_ =	sdelay $0x5  }
0x243: {  	v3 =	vld [tilespmem:$0x16570]  }
0x244: {  	p0 =	slt.s32 s1, $0x4D;
	s12 =	smov.u32 s1  }
0x245: {  	s12 =	simm.s32 @!p0 $0x4D;
	v47 =	vmul.u32 $0x2710, v2  }
0x246: {  	s12 =	sadd.s32 s12, s11;
	vm11 =	vlt.s32 v2, $0x8;
	v2 =	vpop (erf)  }
0x247: {  	s12 =	sshll.u32 s12, $0x6;
	v4 =	vnsel vm11, $0x0, v47;
	v2 =	vnsel vm11, $0x0, v2  }
0x248: {  	s12 =	sand.u32 $0x1FFFFFC0, s12;
	[tilespmem:s15+$0xFFFFFFF0] =	vst v2;
	v2 =	vadd.s32 v3, v4  }
0x249: {  	s12 =	sadd.s32 s4, s12;
	[tilespmem:s6+$0xFFFFFFF0] =	vst v2  }
0x24a: {  	[tilespmem:s29], [sflag:$0x1] =	stream.strided.gather [hbm4b:s12+s26], $0x0, s28, s26, $0x38;
	[tilespmem:$0x1B880] =	vst v63  }
0x24b: {  	_ = 	snop  }
0x24c: {  	[tilespmem:s29], [sflag:$0x1] =	stream.linear.gather [hbm4b:s12+s3], $0x180, $0x38;
	[tilespmem:$0x1B880] =	vst v63  }
0x24d: {  	_ =	swait.ge [sflag:s23], $0x180  }
0x24e: {  	[sflag:s23] =	ssyncset.done $0x0  }
0x24f: {  	[sflag:s23] =	ssyncadd.s32 $0xFFFFFE80  }
0x250: {  	v2 =	vld [tilespmem:$0x16680]  }
0x251: {  	v3 =	vld [tilespmem:$0x16600];
	_ =	sdelay $0x3  }
0x252: {  	vm12 =	vlt.s32 v2, $0x7  }
0x253: {  	v3 =	vshll.u32 v3, $0x3;
	v48 =	vnsel vm12, $0x7, v2  }
0x254: {  	v3 =	vadd.s32 v3, v48;
	_ =	sdelay $0x4  }
0x255: {  	v3 =	vld.idx.msk [tilespmem:v3+s19+$0x0], $0xffff;
	_ =	sdelay $0x4  }
0x256: {  	v3 =	vmax.f32 v3, $1.000000000e+00  }
0x257: {  	(erf) = vrcp.f32 v3;
	_ =	sdelay $0x5  }
0x258: {  	v3 =	vld [tilespmem:$0x16700];
	_ =	sdelay $0x1  }
0x259: {  	v49 =	vmul.u32 $0x2710, v2  }
0x25a: {  	vm13 =	vlt.s32 v2, $0x8;
	v2 =	vpop (erf)  }
0x25b: {  	v4 =	vnsel vm13, $0x0, v49;
	v2 =	vnsel vm13, $0x0, v2  }
0x25c: {  	[tilespmem:s15+$0x0] =	vst v2;
	v2 =	vadd.s32 v3, v4  }
0x25d: {  	[tilespmem:s6+$0x0] =	vst v2  }
0x25e: {  	v2 =	vld [tilespmem:$0x16690]  }
0x25f: {  	v3 =	vld [tilespmem:$0x16610];
	_ =	sdelay $0x3  }
0x260: {  	vm14 =	vlt.s32 v2, $0x7  }
0x261: {  	v3 =	vshll.u32 v3, $0x3;
	v50 =	vnsel vm14, $0x7, v2  }
0x262: {  	v3 =	vadd.s32 v3, v50;
	_ =	sdelay $0x4  }
0x263: {  	v3 =	vld.idx.msk [tilespmem:v3+s19+$0x0], $0xffff;
	_ =	sdelay $0x4  }
0x264: {  	v3 =	vmax.f32 v3, $1.000000000e+00  }
0x265: {  	(erf) = vrcp.f32 v3;
	_ =	sdelay $0x5  }
0x266: {  	v3 =	vld [tilespmem:$0x16710];
	_ =	sdelay $0x1  }
0x267: {  	v51 =	vmul.u32 $0x2710, v2  }
0x268: {  	vm15 =	vlt.s32 v2, $0x8;
	v2 =	vpop (erf)  }
0x269: {  	v4 =	vnsel vm15, $0x0, v51;
	v2 =	vnsel vm15, $0x0, v2  }
0x26a: {  	[tilespmem:s15+$0x10] =	vst v2;
	v2 =	vadd.s32 v3, v4  }
0x26b: {  	[tilespmem:s6+$0x10] =	vst v2  }
0x26c: {  	v2 =	vld [tilespmem:$0x166A0]  }
0x26d: {  	v3 =	vld [tilespmem:$0x16620];
	_ =	sdelay $0x3  }
0x26e: {  	vm4 =	vlt.s32 v2, $0x7  }
0x26f: {  	v3 =	vshll.u32 v3, $0x3;
	v52 =	vnsel vm4, $0x7, v2  }
0x270: {  	v3 =	vadd.s32 v3, v52;
	_ =	sdelay $0x4  }
0x271: {  	v3 =	vld.idx.msk [tilespmem:v3+s19+$0x0], $0xffff;
	_ =	sdelay $0x4  }
0x272: {  	v3 =	vmax.f32 v3, $1.000000000e+00  }
0x273: {  	(erf) = vrcp.f32 v3;
	_ =	sdelay $0x5  }
0x274: {  	v3 =	vld [tilespmem:$0x16720];
	_ =	sdelay $0x1  }
0x275: {  	v53 =	vmul.u32 $0x2710, v2  }
0x276: {  	vm5 =	vlt.s32 v2, $0x8;
	v2 =	vpop (erf)  }
0x277: {  	v4 =	vnsel vm5, $0x0, v53;
	v2 =	vnsel vm5, $0x0, v2  }
0x278: {  	[tilespmem:s15+$0x20] =	vst v2;
	v2 =	vadd.s32 v3, v4  }
0x279: {  	[tilespmem:s6+$0x20] =	vst v2  }
0x27a: {  	v2 =	vld [tilespmem:$0x166B0]  }
0x27b: {  	v3 =	vld [tilespmem:$0x16630];
	_ =	sdelay $0x3  }
0x27c: {  	vm6 =	vlt.s32 v2, $0x7  }
0x27d: {  	v3 =	vshll.u32 v3, $0x3;
	v54 =	vnsel vm6, $0x7, v2  }
0x27e: {  	v3 =	vadd.s32 v3, v54;
	_ =	sdelay $0x4  }
0x27f: {  	v3 =	vld.idx.msk [tilespmem:v3+s19+$0x0], $0xffff;
	_ =	sdelay $0x4  }
0x280: {  	v3 =	vmax.f32 v3, $1.000000000e+00  }
0x281: {  	(erf) = vrcp.f32 v3;
	_ =	sdelay $0x5  }
0x282: {  	v3 =	vld [tilespmem:$0x16730];
	_ =	sdelay $0x1  }
0x283: {  	v55 =	vmul.u32 $0x2710, v2  }
0x284: {  	vm7 =	vlt.s32 v2, $0x8;
	v2 =	vpop (erf)  }
0x285: {  	v4 =	vnsel vm7, $0x0, v55;
	v2 =	vnsel vm7, $0x0, v2  }
0x286: {  	[tilespmem:s15+$0x30] =	vst v2;
	v2 =	vadd.s32 v3, v4  }
0x287: {  	[tilespmem:s6+$0x30] =	vst v2  }
0x288: {  	v2 =	vld [tilespmem:$0x166C0]  }
0x289: {  	v3 =	vld [tilespmem:$0x16640];
	_ =	sdelay $0x3  }
0x28a: {  	vm8 =	vlt.s32 v2, $0x7  }
0x28b: {  	v3 =	vshll.u32 v3, $0x3;
	v56 =	vnsel vm8, $0x7, v2  }
0x28c: {  	v3 =	vadd.s32 v3, v56;
	_ =	sdelay $0x4  }
0x28d: {  	v3 =	vld.idx.msk [tilespmem:v3+s19+$0x0], $0xffff;
	_ =	sdelay $0x4  }
0x28e: {  	v3 =	vmax.f32 v3, $1.000000000e+00  }
0x28f: {  	(erf) = vrcp.f32 v3;
	_ =	sdelay $0x5  }
0x290: {  	v3 =	vld [tilespmem:$0x16740];
	_ =	sdelay $0x1  }
0x291: {  	v57 =	vmul.u32 $0x2710, v2  }
0x292: {  	vm9 =	vlt.s32 v2, $0x8;
	v2 =	vpop (erf)  }
0x293: {  	v4 =	vnsel vm9, $0x0, v57;
	v2 =	vnsel vm9, $0x0, v2  }
0x294: {  	[tilespmem:s15+$0x40] =	vst v2;
	v2 =	vadd.s32 v3, v4  }
0x295: {  	[tilespmem:s6+$0x40] =	vst v2  }
0x296: {  	v2 =	vld [tilespmem:$0x166D0]  }
0x297: {  	v3 =	vld [tilespmem:$0x16650];
	_ =	sdelay $0x3  }
0x298: {  	vm10 =	vlt.s32 v2, $0x7  }
0x299: {  	v3 =	vshll.u32 v3, $0x3;
	v58 =	vnsel vm10, $0x7, v2  }
0x29a: {  	v3 =	vadd.s32 v3, v58;
	_ =	sdelay $0x4  }
0x29b: {  	v3 =	vld.idx.msk [tilespmem:v3+s19+$0x0], $0xffff;
	_ =	sdelay $0x4  }
0x29c: {  	v3 =	vmax.f32 v3, $1.000000000e+00  }
0x29d: {  	(erf) = vrcp.f32 v3;
	_ =	sdelay $0x5  }
0x29e: {  	v3 =	vld [tilespmem:$0x16750];
	_ =	sdelay $0x1  }
0x29f: {  	v59 =	vmul.u32 $0x2710, v2  }
0x2a0: {  	vm11 =	vlt.s32 v2, $0x8;
	v2 =	vpop (erf)  }
0x2a1: {  	v4 =	vnsel vm11, $0x0, v59;
	v2 =	vnsel vm11, $0x0, v2  }
0x2a2: {  	[tilespmem:s15+$0x50] =	vst v2;
	v2 =	vadd.s32 v3, v4  }
0x2a3: {  	[tilespmem:s6+$0x50] =	vst v2  }
0x2a4: {  	v2 =	vld [tilespmem:$0x166E0]  }
0x2a5: {  	v3 =	vld [tilespmem:$0x16660];
	_ =	sdelay $0x3  }
0x2a6: {  	vm12 =	vlt.s32 v2, $0x7  }
0x2a7: {  	v3 =	vshll.u32 v3, $0x3;
	v60 =	vnsel vm12, $0x7, v2  }
0x2a8: {  	v3 =	vadd.s32 v3, v60;
	_ =	sdelay $0x4  }
0x2a9: {  	v3 =	vld.idx.msk [tilespmem:v3+s19+$0x0], $0xffff;
	_ =	sdelay $0x4  }
0x2aa: {  	v3 =	vmax.f32 v3, $1.000000000e+00  }
0x2ab: {  	(erf) = vrcp.f32 v3;
	_ =	sdelay $0x5  }
0x2ac: {  	v3 =	vld [tilespmem:$0x16760];
	_ =	sdelay $0x1  }
0x2ad: {  	v61 =	vmul.u32 $0x2710, v2  }
0x2ae: {  	vm13 =	vlt.s32 v2, $0x8;
	v2 =	vpop (erf)  }
0x2af: {  	v4 =	vnsel vm13, $0x0, v61;
	v2 =	vnsel vm13, $0x0, v2  }
0x2b0: {  	[tilespmem:s15+$0x60] =	vst v2;
	v2 =	vadd.s32 v3, v4  }
0x2b1: {  	[tilespmem:s6+$0x60] =	vst v2  }
0x2b2: {  	v2 =	vld [tilespmem:$0x166F0]  }
0x2b3: {  	v3 =	vld [tilespmem:$0x16670];
	_ =	sdelay $0x3  }
0x2b4: {  	vm14 =	vlt.s32 v2, $0x7  }
0x2b5: {  	v3 =	vshll.u32 v3, $0x3;
	v62 =	vnsel vm14, $0x7, v2  }
0x2b6: {  	v3 =	vadd.s32 v3, v62;
	_ =	sdelay $0x4  }
0x2b7: {  	v3 =	vld.idx.msk [tilespmem:v3+s19+$0x0], $0xffff;
	_ =	sdelay $0x4  }
0x2b8: {  	v3 =	vmax.f32 v3, $1.000000000e+00  }
0x2b9: {  	(erf) = vrcp.f32 v3;
	_ =	sdelay $0x5  }
0x2ba: {  	v3 =	vld [tilespmem:$0x16770]  }
0x2bb: {  	p0 =	sne.s32 s1, $0x4E  }
.Ltmp2:
0x2bc: {  	v63 =	vmul.u32 $0x2710, v2;
	(pc) =	sbr.rel @p0 .LBB2_6-.Ltmp2, $4  }
0x2bd: {  	vm15 =	vlt.s32 v2, $0x8;
	v2 =	vpop (erf)  }
0x2be: {  	v4 =	vnsel vm15, $0x0, v63;
	v2 =	vnsel vm15, $0x0, v2  }
0x2bf: {  	s1 =	sadd.s32 $0x2, s1;
	[tilespmem:s15+$0x70] =	vst v2;
	v2 =	vadd.s32 v3, v4  }
0x2c0: {  	s16 =	sadd.s32 $0x80, s16;
	s15 =	sadd.s32 $0x100, s15;
	[tilespmem:s6+$0x70] =	vst v2;
	s6 =	sadd.s32 $0x100, s6  }
0x2c1: {  	_ =	swait.ge [sflag:s22], $0x180  }
0x2c2: {  	[sflag:s22] =	ssyncset.done $0x0  }
0x2c3: {  	s6 =	simm.s32 $0x16800;
	s1 =	rddreg [dreg:$0x5];
	[sflag:s22] =	ssyncadd.s32 $0xFFFFFE80  }
0x2c4: {  	[hbm4b:s1+s3] =	stream.linear.scatter [tilespmem:s6], [sflag:$0x3], $0x2800, $0x38;
	[tilespmem:$0x1B880] =	vst v63  }
0x2c5: {  	s0 =	sadd.s32 $0x1, s0;
	_ =	swait.ge [sflag:s18], $0x2800  }
0x2c6: {  	s16 =	simm.s32 $0x19000;
	p0 =	sne.s32 s0, s14;
	[sflag:s18] =	ssyncset.done $0x0  }
.Ltmp3:
0x2c7: {  	s15 =	rddreg [dreg:$0x6];
	[sflag:s18] =	ssyncadd.s32 $0xFFFFD800;
	(pc) =	sbr.rel @p0 .LBB2_1-.Ltmp3, $4  }
0x2c8: {  	[hbm4b:s15+s3] =	stream.linear.scatter [tilespmem:s16], [sflag:$0x3], $0x2800, $0x38;
	[tilespmem:$0x1B880] =	vst v63  }
0x2c9: {  	_ =	swait.ge [sflag:s18], $0x2800  }
0x2ca: {  	[sflag:s18] =	ssyncset.done $0x0  }
0x2cb: {  	[sflag:s18] =	ssyncadd.s32 $0xFFFFD800  }
0x2cc: {  	_ =	sfence.sel $0x180000  }
0x2cd: {  	[bflag:$0x0] =	sbarrier.arrive $0xFFFF  }
0x2ce: {  	_ =	strace $0x90000047  }
0x2cf: {  	s0 =	stileid.u32;
	[bflag:$0x2] =	sbarrier.arrive $0xFFFF  }
0x2d0: {  	p0 =	sne.s32 s0, $0x0;
	s0 =	rddreg [dreg:$0x2]  }
0x2d1: {  	s0 =	sadd.s32 @!p0 $0x100000, s0  }
0x2d2: {  	[sflag:s0] =	ssyncadd.tile.s32 @!p0 $0x1;
	_ =	shalt  }
.Lfunc_end2:
_tile_overlayer_lowered:
.L_overlay_start_2:
0x2d3: {  	(tag) =	ssettag $0x2  }
0x2d4: {  	s0 =	rddreg [dreg:$0x0];
	s2 =	stileid.u32  }
0x2d5: {  	s1 =	rddreg [dreg:$0x1];
	p0 =	sne.s32 s2, $0x0  }
0x2d6: {  	s3 =	rddreg [dreg:$0x2];
	[bflag:$0x3] =	sbarrier.arrive $0xFFFF;
	s2 =	simm.s32 @!p0 $0x1C03  }
0x2d7: {  	[timem:s3], [sflag:s2] =	dma.local @!p0 [hbm:s0], s1  }
0x2d8: {  	s0 =	simm.s32 @!p0 $0x3  }
0x2d9: {  	_ =	swait.ge @!p0 [sflag:s0], s1  }
0x2da: {  	s1 =	ssub.s32 @!p0 $0x0, s1;
	[sflag:s0] =	ssyncset.done @!p0 $0x0  }
0x2db: {  	[sflag:s0] =	ssyncadd.s32 @!p0 s1  }
0x2dc: {  	[bflag:$0x3] =	sbarrier.arrive $0xFFFF  }
0x2dd: {  	_ =	shalt  }

// kernel: kernel.14.cloned.1.call-start
scs
__scs_entry_jumppad:
0x0: {  	(pc) =	sbr.rel $0x88, $3  }
0x1: {  	(tag) =	ssettag $0x0;
	lr =	simm.s32 $0x1  }
0x2: {  	[smem:$0x3F90] =	sst lr;
	_ =	strace $0xD0000000  }
0x3: {  	_ = 	snop  }
0x4: {  	_ = 	snop  }
0x5: {  	_ = 	snop  }
0x6: {  	_ = 	snop  }
0x7: {  	_ = 	snop  }
__scs_overlays_trampoline_lowered:
0x8: {  	[smem:$0x3F9F] =	sst s0  }
0x9: {  	[smem:$0x3FA0] =	sst s1  }
0xa: {  	[smem:$0x3FA1] =	sst s2  }
0xb: {  	[smem:$0x3FA2] =	sst s3  }
0xc: {  	[smem:$0x3FA3] =	sst s4  }
0xd: {  	[smem:$0x3FA4] =	sst s5  }
0xe: {  	[smem:$0x3FA5] =	sst s6  }
0xf: {  	[smem:$0x3FA6] =	sst s7  }
0x10: {  	[smem:$0x3FA7] =	sst s8  }
0x11: {  	[smem:$0x3FA8] =	sst s9;
	s0 =	simm.s32 @!p0 $0x0  }
0x12: {  	s1 =	sld [smem:$0x3F8E];
	s0 =	simm.s32 @p0 $0x1  }
0x13: {  	[smem:$0x3FA9] =	sst s0;
	s0 =	simm.s32 @!p1 $0x0  }
0x14: {  	s2 =	sld [smem:$0x3F8D];
	s0 =	simm.s32 @p1 $0x1  }
0x15: {  	[smem:$0x3FAA] =	sst s0;
	s0 =	simm.s32 @!p2 $0x0  }
0x16: {  	s3 =	sld [smem:$0x3FDB];
	s0 =	simm.s32 @p2 $0x1  }
0x17: {  	s4 =	simm.s32 $0x1BF5;
	[smem:$0x3FAC] =	sst s0  }
0x18: {  	s0 =	sld [smem:$0x3F8F];
	_ =	swait.ge [sflag:s4], $0x0  }
0x19: {  	s7 =	sld [smem:$0x3F90]  }
0x1a: {  	s8 =	sadd.s32 $0xFFFFE003, lr  }
0x1b: {  	s9 =	sadd.s32 $0xFFFFFEF7, lr;
	s5 =	simm.s32 $0xFFFFFFFF;
	p2 =	slt.u32 s8, $0xFFFFF086  }
0x1c: {  	p1 =	slt.u32 s9, $0xF7A;
	s5 =	simm.s32 @!p2 $0x0  }
0x1d: {  	s5 =	simm.s32 @p1 $0x1;
	p0 =	seq.s32 s7, s2  }
0x1e: {  	s7 =	smul.u32 @!p0 $0xF7A, s2;
	p2 =	seq.s32 @!p0 s5, $0x0  }
0x1f: {  	s9 =	smul.u32 $0xF7A, s1;
	s8 =	simm.s32 @!p0 $0x1BF5;
	p2 =	por !p2, p0  }
0x20: {  	[sflag:s8] =	ssyncset.s32 @!p0 $0xFFFFF086;
	s6 =	sadd.s32 @!p0 s3, s7;
	s7 =	simm.s32 @!p0 $0x108  }
0x21: {  	s3 =	sadd.s32 s3, s9;
	s6 =	sadd.s32 @!p0 $0x88, s6;
	s7 =	simm.s32 @p2 $0x1082  }
0x22: {  	[simem:s7], [sflag:s8] =	dma.local @!p0 [hbm:s6], $0xF7A  }
0x23: {  	s9 =	sor.u32 $0xD0000000, s2;
	s6 =	simm.s32 $0x108;
	_ =	swait.ge @!p0 [sflag:s8], $0x0  }
0x24: {  	s3 =	sadd.s32 $0x88, s3;
	s6 =	simm.s32 @!p1 $0x1082;
	[sflag:s4] =	ssyncset.s32 $0xFFFFF086  }
0x25: {  	[simem:s6], [sflag:s4] =	dma.local [hbm:s3], $0xF7A  }
0x26: {  	[smem:$0x3F90] =	sst s1;
	(tag) =	ssettag s2;
	_ =	strace s9  }
0x27: {  	s1 =	sld [smem:$0x3FA0]  }
0x28: {  	s2 =	sld [smem:$0x3FA1]  }
0x29: {  	s4 =	sld [smem:$0x3FA3]  }
0x2a: {  	p0 =	seq.s32 s5, $0x0;
	s5 =	sld [smem:$0x3FA4]  }
0x2b: {  	s6 =	sld [smem:$0x3FA5]  }
0x2c: {  	s7 =	sld [smem:$0x3FA6]  }
0x2d: {  	s3 =	simm.s32 $0x108;
	s8 =	sld [smem:$0x3FA7]  }
0x2e: {  	s3 =	simm.s32 @!p0 $0x1082;
	s9 =	sld [smem:$0x3FA8]  }
0x2f: {  	lr =	sadd.s32 s0, s3;
	s0 =	sld [smem:$0x3F9F]  }
0x30: {  	s3 =	sld [smem:$0x3FA2]  }
0x31: {  	[smem:$0x3FAB] =	sst s10  }
0x32: {  	s10 =	sld [smem:$0x3FA9];
	_ =	sdelay $0x3  }
0x33: {  	p0 =	seq.s32 s10, $0x1;
	s10 =	sld [smem:$0x3FAB];
	_ =	sdelay $0x3  }
0x34: {  	[smem:$0x3FAB] =	sst s10  }
0x35: {  	s10 =	sld [smem:$0x3FAA];
	_ =	sdelay $0x3  }
0x36: {  	p1 =	seq.s32 s10, $0x1;
	s10 =	sld [smem:$0x3FAB];
	_ =	sdelay $0x3  }
0x37: {  	[smem:$0x3FAB] =	sst s10  }
0x38: {  	s10 =	sld [smem:$0x3FAC]  }
0x39: {  	_ = 	snop;
	(pc) =	sbr.ind lr, $3  }
0x3a: {  	_ = 	snop  }
0x3b: {  	_ = 	snop  }
0x3c: {  	p2 =	seq.s32 s10, $0x1;
	s10 =	sld [smem:$0x3FAB]  }
0x3d: {  	_ =	shalt  }
0x3e: {  	_ =	shalt  }
0x3f: {  	_ =	shalt  }
0x40: {  	_ =	shalt  }
0x41: {  	_ =	shalt  }
0x42: {  	_ =	shalt  }
0x43: {  	_ =	shalt  }
0x44: {  	_ =	shalt  }
0x45: {  	_ =	shalt  }
0x46: {  	_ =	shalt  }
0x47: {  	_ =	shalt  }
0x48: {  	_ =	shalt  }
0x49: {  	_ =	shalt  }
0x4a: {  	_ =	shalt  }
0x4b: {  	_ =	shalt  }
0x4c: {  	_ =	shalt  }
0x4d: {  	_ =	shalt  }
0x4e: {  	_ =	shalt  }
0x4f: {  	_ =	shalt  }
0x50: {  	_ =	shalt  }
0x51: {  	_ =	shalt  }
0x52: {  	_ =	shalt  }
0x53: {  	_ =	shalt  }
0x54: {  	_ =	shalt  }
0x55: {  	_ =	shalt  }
0x56: {  	_ =	shalt  }
0x57: {  	_ =	shalt  }
0x58: {  	_ =	shalt  }
0x59: {  	_ =	shalt  }
0x5a: {  	_ =	shalt  }
0x5b: {  	_ =	shalt  }
0x5c: {  	_ =	shalt  }
0x5d: {  	_ =	shalt  }
0x5e: {  	_ =	shalt  }
0x5f: {  	_ =	shalt  }
0x60: {  	_ =	shalt  }
0x61: {  	_ =	shalt  }
0x62: {  	_ =	shalt  }
0x63: {  	_ =	shalt  }
0x64: {  	_ =	shalt  }
0x65: {  	_ =	shalt  }
0x66: {  	_ =	shalt  }
0x67: {  	_ =	shalt  }
0x68: {  	_ =	shalt  }
0x69: {  	_ =	shalt  }
0x6a: {  	_ =	shalt  }
0x6b: {  	_ =	shalt  }
0x6c: {  	_ =	shalt  }
0x6d: {  	_ =	shalt  }
0x6e: {  	_ =	shalt  }
0x6f: {  	_ =	shalt  }
0x70: {  	_ =	shalt  }
0x71: {  	_ =	shalt  }
0x72: {  	_ =	shalt  }
0x73: {  	_ =	shalt  }
0x74: {  	_ =	shalt  }
0x75: {  	_ =	shalt  }
0x76: {  	_ =	shalt  }
0x77: {  	_ =	shalt  }
0x78: {  	_ =	shalt  }
0x79: {  	_ =	shalt  }
0x7a: {  	_ =	shalt  }
0x7b: {  	_ =	shalt  }
0x7c: {  	_ =	shalt  }
0x7d: {  	_ =	shalt  }
0x7e: {  	_ =	shalt  }
0x7f: {  	_ =	shalt  }
0x80: {  	_ =	shalt  }
0x81: {  	_ =	shalt  }
0x82: {  	_ =	shalt  }
0x83: {  	_ =	shalt  }
0x84: {  	_ =	shalt  }
0x85: {  	_ =	shalt  }
0x86: {  	_ =	shalt  }
0x87: {  	_ =	shalt  }
.Lfunc_end0:
.L_simem_size_0:
called_computation.1_lowered:
.L_overlay_start_0:
0x88: {  	s2 =	sld [smem:$0x3FD9]  }
0x89: {  	s3 =	sld [smem:$0x3FFE];
	_ =	sdelay $0x1  }
0x8a: {  	s1 =	srdreg.scid  }
0x8b: {  	s0 =	sand.u32 $0x1, s1  }
0x8c: {  	s17 =	sshll.u32 s0, $0xA;
	s2 =	sadd.s32 s3, s2  }
0x8d: {  	s2 =	sadd.s32 s2, s17  }
0x8e: {  	[smem:$0x3FB7] =	sst s2  }
0x8f: {  	_ = 	snop  }
0x90: {  	s2 =	sld [smem:$0x3FD0];
	(tm) =	ssettm $0x1  }
0x91: {  	s18 =	sld [smem:$0x3FFB];
	_ =	sdelay $0x3  }
0x92: {  	_ =	strace s18  }
0x93: {  	s3 =	sld [smem:$0x3FFC];
	_ =	sdelay $0x3  }
0x94: {  	_ =	strace s3  }
0x95: {  	s3 =	sld [smem:$0x3FFD];
	_ =	sdelay $0x3  }
0x96: {  	_ =	strace s3  }
0x97: {  	_ =	strace $0x8FFFFFFF  }
0x98: {  	s19 =	sld [smem:$0x3FDB];
	_ =	sdelay $0x1  }
0x99: {  	s4 =	simm.s32 $_scs_section_size  }
0x9a: {  	s5 =	simm.s32 $_size__tile_overlayer_lowered;
	s6 =	simm.s32 $_tile_overlayer_lowered  }
0x9b: {  	s22 =	simm.s32 $0x1BFF;
	s21 =	sshll.u32 s6, $0x1;
	s3 =	sadd.s32 s4, s19  }
0x9c: {  	s7 =	simm.s32 $0x0;
	s20 =	sshll.u32 s5, $0x1;
	s5 =	sadd.s32 s21, s3  }
0x9d: {  	[timem:s7], [sflag:s22] =	dma.local [hbm:s5], s20  }
0x9e: {  	_ =	swait.ge [sflag:s22], s20  }
0x9f: {  	s4 =	ssub.s32 $0x0, s20;
	[sflag:s22] =	ssyncset.done $0x0  }
0xa0: {  	[sflag:s22] =	ssyncadd.s32 s4;
	_ =	sdelay $0x1  }
0xa1: {  	s23 =	simm.s32 $0x1B8B  }
0xa2: {  	_ =	swait.ge [sflag:s23], $0x1  }
0xa3: {  	[sflag:s23] =	ssyncset.done $0x0  }
0xa4: {  	s25 =	simm.s32 $0x1B8E;
	s24 =	sld [smem:$0x3FFE];
	[sflag:s23] =	ssyncadd.s32 $0xFFFFFFFF  }
0xa5: {  	s26 =	simm.s32 $execute0_lowered;
	[smem:$0x3FD2] =	sst s25  }
0xa6: {  	s5 =	sshll.u32 s26, $0x1;
	_ =	strace $0x80000049;
	[dreg:$0x1] =	wrdreg $0xFFFFFFFF  }
0xa7: {  	s28 =	simm.s32 $_size_execute0_lowered;
	s3 =	sadd.s32 s3, s5;
	[dreg:$0x0] =	wrdreg $0x0  }
0xa8: {  	s5 =	sshll.u32 s28, $0x1;
	[dreg:$0x2] =	wrdreg s3  }
0xa9: {  	[dreg:$0x3] =	wrdreg s5  }
0xaa: {  	[dreg:$0x4] =	wrdreg $0xC0  }
0xab: {  	_ =	task [dreg:s7], $0x5FFFF  }
0xac: {  	[dreg:$0x1] =	wrdreg $0xFFFFFFFF  }
0xad: {  	[dreg:$0x0] =	wrdreg $0x60  }
0xae: {  	[dreg:$0x2] =	wrdreg s24  }
0xaf: {  	[dreg:$0x3] =	wrdreg s2  }
0xb0: {  	[dreg:$0x4] =	wrdreg $0x0  }
0xb1: {  	[dreg:$0x5] =	wrdreg $0x9  }
0xb2: {  	_ =	task.clear_ibuf [dreg:s7], $0x6FFFF;
	_ =	strace $0x90000049  }
0xb3: {  	s29 =	simm.s32 $0x9;
	_ =	strace $0x8000004B  }
0xb4: {  	_ =	swait.ge [sflag:s29], $0x1  }
0xb5: {  	[sflag:s29] =	ssyncadd.s32 $0xFFFFFFFF  }
0xb6: {  	_ =	strace $0x9000004B  }
0xb7: {  	_ =	sfence  }
0xb8: {  	s30 =	sld [smem:$0x0];
	_ =	sdelay $0x2  }
0xb9: {  	s31 =	sshll.u32 s1, $0xD;
	s1 =	sshrl.u32 s1, $0x2  }
0xba: {  	s3 =	sand.u32 $0x4000, s31;
	s1 =	sadd.s32 s1, s30  }
0xbb: {  	s0 =	sor.u32 s3, s0;
	s1 =	sshll.u32 s1, $0x11  }
0xbc: {  	s0 =	sor.u32 s1, s0  }
0xbd: {  	s0 =	sadd.s32 $0x8F2B, s0  }
0xbe: {  	[sflag:s0] =	ssyncadd.remote.s32 $0x1  }
0xbf: {  	_ =	sfence.sel $0xFFFF  }
0xc0: {  	[dreg:$0x0] =	wrdreg $0xFFFFFFFF;
	(pc) =	sbr.abs _section_cstart, $3  }
0xc1: {  	[dreg:$0x1] =	wrdreg $0xFFFFFFFF  }
0xc2: {  	_ =	task.clear_ibuf [dreg:s7], $0x2FFFF;
	_ =	strace $0x9FFFFFFF  }
0xc3: {  	(tm) =	ssettm $0x7FFFFFFF  }
tec
execute0_lowered:
.L_overlay_start_1:
0x0: {  	(tag) =	ssettag $0x1  }
0x1: {  	s0 =	rddreg [dreg:$0x0]  }
0x2: {  	s2 =	rddreg [dreg:$0x1]  }
0x3: {  	s3 =	rddreg [dreg:$0x2]  }
0x4: {  	s4 =	simm.s32 $0x0;
	s1 =	stileid.u32;
	s5 =	srdreg.scid  }
0x5: {  	s15 =	simm.s32 $0x15400;
	s16 =	simm.s32 $0x16800;
	s17 =	simm.s32 $0x80  }
0x6: {  	s18 =	simm.s32 $0x17C00;
	s19 =	simm.s32 $0x1BC00;
	s20 =	simm.s32 $0x1  }
0x7: {  	s21 =	simm.s32 $0x2;
	s24 =	simm.s32 $0x0;
	s22 =	smul.u32 $0x2800, s1  }
0x8: {  	[smem:$0x7FF] =	sst s4;
	s23 =	sand.u32 $0x1, s5;
	s9 =	smul.u32 $0x50000, s1  }
0x9: {  	s5 =	sadd.s32 $0x67E00, s0;
	s6 =	sadd.s32 $0x5DE00, s0;
	s13 =	smul.u32 $0x28, s1  }
0xa: {  	s7 =	sadd.s32 $0x53E00, s0;
	s31 =	sshll.u32 s1, $0x6;
	s14 =	smul.u32 $0x78, s1  }
0xb: {  	_ =	strace $0x8000004A;
	s8 =	smul.u32 $0x28000, s23;
	s11 =	ssub.s32 $0x2, s23  }
0xc: {  	p0 =	seq.s32 s23, $0x0;
	s10 =	sadd.s32 s22, s0;
	s30 =	sshrl.u32 s11, $0x1  }
0xd: {  	s9 =	sshrl.u32 s9, $0x2;
	s0 =	sadd.s32 s8, s0;
	s11 =	ssub.s32 s11, s30  }
0xe: {  	s12 =	sadd.s32 s9, s3;
	s8 =	sadd.s32 $0x2BE00, s10;
	s10 =	sadd.s32 $0x780, s13  }
0xf: {  	s9 =	sor.u32 $0x1C03, s31;
	s13 =	simm.s32 $0x3;
	s10 =	smov.u32 @p0 s14  }
0x10: {  	s0 =	sadd.s32 $0x1A0600, s0;
	s11 =	smax.u32 s11, $0x1;
	s12 =	sshrl.u32 s12, $0x3  }
0x11: {  	s14 =	simm.s32 $0x14000;
	p0 =	sne.s32 s23, $0x0;
	s22 =	sadd.s32 s22, s0  }
.LBB2_1:
0x12: {  	[spmem:s12], [sflag:s9] =	dma.local [hbm:s8], $0x2800  }
0x13: {  	_ =	swait.ge [sflag:s13], $0x2800  }
0x14: {  	[sflag:s13] =	ssyncset.done $0x0  }
0x15: {  	[sflag:s13] =	ssyncadd.s32 $0xFFFFD800  }
0x16: {  	s23 =	simm.s32 $0x0;
	[bflag:$0x0] =	sbarrier.arrive $0xFFFF  }
.LBB2_2:
0x17: {  	s0 =	smul.u32 $0x28, s23;
	_ =	sdelay $0x1  }
0x18: {  	s0 =	sadd.s32 s10, s0  }
0x19: {  	s0 =	sshll.u32 s0, $0x4  }
0x1a: {  	s25 =	sadd.s32 s6, s0  }
0x1b: {  	[tilespmem:s14], [sflag:$0x3] =	stream.linear.gather [hbm4b:s25+s24], $0x1400, $0x38;
	[tilespmem:$0x1FC00] =	vst v63  }
0x1c: {  	_ =	swait.ge [sflag:s13], $0x1400  }
0x1d: {  	[sflag:s13] =	ssyncset.done $0x0  }
0x1e: {  	s31 =	sadd.s32 s7, s0;
	[sflag:s13] =	ssyncadd.s32 $0xFFFFEC00  }
0x1f: {  	[tilespmem:s15], [sflag:$0x3] =	stream.linear.gather [hbm4b:s31+s24], $0x1400, $0x38;
	[tilespmem:$0x1FC00] =	vst v63  }
0x20: {  	_ =	swait.ge [sflag:s13], $0x1400  }
0x21: {  	[sflag:s13] =	ssyncset.done $0x0  }
0x22: {  	s0 =	sadd.s32 s2, s0;
	[sflag:s13] =	ssyncadd.s32 $0xFFFFEC00  }
0x23: {  	[tilespmem:s16], [sflag:$0x3] =	stream.linear.gather [hbm4b:s0+s24], $0x1400, $0x38;
	[tilespmem:$0x1FC00] =	vst v63  }
0x24: {  	_ =	swait.ge [sflag:s13], $0x1400  }
0x25: {  	[sflag:s13] =	ssyncset.done $0x0  }
0x26: {  	s25 =	simm.s32 $0x0;
	[sflag:s13] =	ssyncadd.s32 $0xFFFFEC00  }
0x27: {  	[tilespmem:s18], [sflag:$0x1] =	stream.indirect.gather [hbm4b:s5+s17], $0x80, s14, s17, $0xb8;
	[tilespmem:$0x1FC00] =	vst v63  }
.LBB2_3:
0x28: {  	s0 =	sshllo.u32 s25, $0x1  }
0x29: {  	s28 =	sshll.u32 s25, $0x8;
	v1 =	vmov s24;
	s26 =	sshll.u32 s0, $0x7  }
0x2a: {  	v0 =	vmov s28;
	v1 =	vand.u32 $0x7F, v1;
	s0 =	sadd.s32 $0x14000, s26  }
0x2b: {  	v1 =	vadd.s32 v0, v1;
	[tilespmem:s19], [sflag:$0x2] =	stream.indirect.gather [hbm4b:s5+s17], $0x80, s0, s17, $0xb8;
	[tilespmem:$0x1FC00] =	vst v63  }
0x2c: {  	v1 =	vbroadcast v1, $0x0;
	_ =	swait.ge [sflag:s20], $0x4000  }
0x2d: {  	[sflag:s20] =	ssyncset.done $0x0  }
0x2e: {  	s30 =	simm.s32 $0x17C40;
	[sflag:s20] =	ssyncadd.s32 $0xFFFFC000  }
0x2f: {  	v5 =	vld [tilespmem:s30+$0x30]  }
0x30: {  	v8 =	vld [tilespmem:s30+$0x10]  }
0x31: {  	v6 =	vld [tilespmem:s30+$0xFFFFFFC0]  }
0x32: {  	v2 =	vld.idx.msk [tilespmem:v1+s15+$0x0], $0xffff  }
0x33: {  	v11 =	vld [tilespmem:s30+$0xFFFFFFE0]  }
0x34: {  	v3 =	vld [tilespmem:s30+$0x20]  }
0x35: {  	v4 =	vld [tilespmem:s30+$0xFFFFFFD0]  }
0x36: {  	v1 =	vld [tilespmem:s30+$0xFFFFFFF0]  }
0x37: {  	v9 =	vmul.f32 v5, v2;
	v5 =	vld [tilespmem:s30+$0x0]  }
0x38: {  	s31 =	simm.s32 $0x1;
	v7 =	vmul.f32 v6, v2  }
0x39: {  	s29 =	sshll.u32 s25, $0x1;
	v10 =	vmov s31;
	s31 =	simm.s32 $0x17C40;
	s0 =	simm.s32 $0x2;
	v6 =	vmul.f32 v11, v2;
	v8 =	vmul.f32 v8, v2  }
.LBB2_4:
0x3a: {  	p1 =	sne.s32 s0, $0x7F  }
0x3b: {  	v10 =	vand.u32 $0x7F, v10;
	v4 =	vmul.f32 v4, v2;
	v3 =	vmul.f32 v3, v2;
	[tilespmem:s30+$0x30] =	vst v9;
	s31 =	sadd.s32 $0x80, s31;
	s1 =	smov.u32 s0;
	s0 =	sadd.s32 $0x1, s0  }
0x3c: {  	v9 =	vadd.s32 v0, v10;
	[tilespmem:s30+$0xFFFFFFC0] =	vst v7;
	v7 =	vmul.f32 v1, v2;
	v2 =	vmul.f32 v5, v2  }
0x3d: {  	v5 =	vbroadcast v9, $0x0;
	[tilespmem:s30+$0x10] =	vst v8  }
0x3e: {  	[tilespmem:s30+$0xFFFFFFE0] =	vst v6  }
0x3f: {  	v1 =	vld [tilespmem:s31+$0xFFFFFFF0];
	[tilespmem:s30+$0xFFFFFFF0] =	vst v7  }
0x40: {  	v6 =	vld [tilespmem:s31+$0x30];
	[tilespmem:s30+$0x0] =	vst v2  }
0x41: {  	v8 =	vld [tilespmem:s31+$0x10];
	[tilespmem:s30+$0x20] =	vst v3  }
0x42: {  	v7 =	vld [tilespmem:s31+$0xFFFFFFC0];
	[tilespmem:s30+$0xFFFFFFD0] =	vst v4;
	s30 =	smov.u32 s31  }
0x43: {  	v2 =	vld.idx.msk [tilespmem:v5+s15+$0x0], $0xffff  }
0x44: {  	v11 =	vld [tilespmem:s31+$0xFFFFFFE0]  }
0x45: {  	v3 =	vld [tilespmem:s31+$0x20]  }
.Ltmp0:
0x46: {  	v4 =	vld [tilespmem:s31+$0xFFFFFFD0];
	(pc) =	sbr.rel @p1 .LBB2_4-.Ltmp0, $3  }
0x47: {  	v5 =	vld [tilespmem:s31+$0x0];
	_ =	sdelay $0x1  }
0x48: {  	v7 =	vmul.f32 v7, v2;
	v9 =	vmul.f32 v6, v2  }
0x49: {  	v10 =	vmov s1;
	v8 =	vmul.f32 v8, v2;
	v6 =	vmul.f32 v11, v2  }
0x4a: {  	[tilespmem:s30+$0xFFFFFFC0] =	vst v7;
	v7 =	vand.u32 $0x7F, v10  }
0x4b: {  	[tilespmem:s30+$0x30] =	vst v9;
	v0 =	vadd.s32 v0, v7  }
0x4c: {  	v1 =	vmul.f32 v1, v2;
	[tilespmem:s30+$0x10] =	vst v8;
	v0 =	vbroadcast v0, $0x0  }
0x4d: {  	s0 =	sadd.s32 $0x80, s31;
	[tilespmem:s30+$0xFFFFFFE0] =	vst v6;
	v5 =	vmul.f32 v5, v2  }
0x4e: {  	v3 =	vmul.f32 v3, v2;
	v6 =	vld [tilespmem:s0+$0xFFFFFFF0];
	[tilespmem:s30+$0xFFFFFFF0] =	vst v1  }
0x4f: {  	v2 =	vmul.f32 v4, v2;
	v1 =	vld [tilespmem:s0+$0x30];
	[tilespmem:s30+$0x0] =	vst v5  }
0x50: {  	v4 =	vld [tilespmem:s0+$0x10];
	[tilespmem:s30+$0x20] =	vst v3  }
0x51: {  	v3 =	vld [tilespmem:s0+$0xFFFFFFC0];
	[tilespmem:s30+$0xFFFFFFD0] =	vst v2  }
0x52: {  	v0 =	vld.idx.msk [tilespmem:v0+s15+$0x0], $0xffff;
	_ =	sdelay $0x2  }
0x53: {  	v2 =	vld [tilespmem:s0+$0xFFFFFFE0];
	_ =	sdelay $0x1  }
0x54: {  	v5 =	vld [tilespmem:s0+$0x0];
	v1 =	vmul.f32 v1, v0  }
0x55: {  	v7 =	vld [tilespmem:s0+$0x20];
	v3 =	vmul.f32 v3, v0  }
0x56: {  	v8 =	vld [tilespmem:s0+$0xFFFFFFD0];
	v4 =	vmul.f32 v4, v0;
	[tilespmem:s0+$0x30] =	vst v1  }
0x57: {  	v1 =	vmul.f32 v2, v0;
	[tilespmem:s0+$0xFFFFFFC0] =	vst v3  }
0x58: {  	v2 =	vmul.f32 v6, v0;
	[tilespmem:s0+$0x10] =	vst v4  }
0x59: {  	v3 =	vmul.f32 v5, v0;
	[tilespmem:s0+$0xFFFFFFE0] =	vst v1  }
0x5a: {  	v1 =	vmul.f32 v7, v0;
	[tilespmem:s0+$0xFFFFFFF0] =	vst v2  }
0x5b: {  	v0 =	vmul.f32 v8, v0;
	[tilespmem:s0+$0x0] =	vst v3  }
0x5c: {  	s1 =	sand.u32 $0x3FFFFF00, s28;
	[tilespmem:s0+$0x20] =	vst v1  }
0x5d: {  	s31 =	sadd.s32 $0x16800, s1;
	[tilespmem:s0+$0xFFFFFFD0] =	vst v0  }
0x5e: {  	[spmem:s3] =	stream.indirect.scatter.add.f32 [tilespmem:s18], [sflag:$0x3], $0x80, s31, s17, $0xb8;
	[tilespmem:$0x1FC00] =	vst v63  }
0x5f: {  	s1 =	smin.u32 s29, $0x25;
	s30 =	simm.s32 $0x0;
	_ =	swait.ge [sflag:s13], $0x4000  }
0x60: {  	s0 =	sshll.u32 s1, $0x7;
	v1 =	vmov s30;
	[sflag:s13] =	ssyncset.done $0x0  }
0x61: {  	v0 =	vmov s26;
	s0 =	sadd.s32 $0x14100, s0;
	v1 =	vand.u32 $0x7F, v1;
	[sflag:s13] =	ssyncadd.s32 $0xFFFFC000  }
0x62: {  	v1 =	vadd.s32 v0, v1;
	[tilespmem:s18], [sflag:$0x1] =	stream.indirect.gather [hbm4b:s5+s17], $0x80, s0, s17, $0xb8;
	[tilespmem:$0x1FC00] =	vst v63  }
0x63: {  	v1 =	vbroadcast v1, $0x0;
	_ =	swait.ge [sflag:s21], $0x4000  }
0x64: {  	[sflag:s21] =	ssyncset.done $0x0  }
0x65: {  	s28 =	simm.s32 $0x1BC40;
	[sflag:s21] =	ssyncadd.s32 $0xFFFFC000  }
0x66: {  	v5 =	vld [tilespmem:s28+$0x30]  }
0x67: {  	v8 =	vld [tilespmem:s28+$0x10]  }
0x68: {  	v6 =	vld [tilespmem:s28+$0xFFFFFFC0]  }
0x69: {  	v2 =	vld.idx.msk [tilespmem:v1+s15+$0x0], $0xffff  }
0x6a: {  	v11 =	vld [tilespmem:s28+$0xFFFFFFE0]  }
0x6b: {  	v1 =	vld [tilespmem:s28+$0xFFFFFFF0]  }
0x6c: {  	v3 =	vld [tilespmem:s28+$0x20]  }
0x6d: {  	v4 =	vld [tilespmem:s28+$0xFFFFFFD0]  }
0x6e: {  	v9 =	vmul.f32 v5, v2;
	v5 =	vld [tilespmem:s28+$0x0]  }
0x6f: {  	s31 =	simm.s32 $0x1;
	v7 =	vmul.f32 v6, v2  }
0x70: {  	s29 =	simm.s32 $0x1BC40;
	v10 =	vmov s31;
	s0 =	simm.s32 $0x2;
	v6 =	vmul.f32 v11, v2;
	v8 =	vmul.f32 v8, v2  }
.LBB2_6:
0x71: {  	p1 =	sne.s32 s0, $0x7F  }
0x72: {  	v10 =	vand.u32 $0x7F, v10;
	v4 =	vmul.f32 v4, v2;
	v3 =	vmul.f32 v3, v2;
	[tilespmem:s28+$0x30] =	vst v9;
	s29 =	sadd.s32 $0x80, s29;
	s1 =	smov.u32 s0;
	s0 =	sadd.s32 $0x1, s0  }
0x73: {  	v9 =	vadd.s32 v0, v10;
	[tilespmem:s28+$0xFFFFFFC0] =	vst v7;
	v7 =	vmul.f32 v1, v2;
	v2 =	vmul.f32 v5, v2  }
0x74: {  	v5 =	vbroadcast v9, $0x0;
	[tilespmem:s28+$0x10] =	vst v8  }
0x75: {  	[tilespmem:s28+$0xFFFFFFE0] =	vst v6  }
0x76: {  	v1 =	vld [tilespmem:s29+$0xFFFFFFF0];
	[tilespmem:s28+$0xFFFFFFF0] =	vst v7  }
0x77: {  	v6 =	vld [tilespmem:s29+$0x30];
	[tilespmem:s28+$0x0] =	vst v2  }
0x78: {  	v8 =	vld [tilespmem:s29+$0x10];
	[tilespmem:s28+$0x20] =	vst v3  }
0x79: {  	v7 =	vld [tilespmem:s29+$0xFFFFFFC0];
	[tilespmem:s28+$0xFFFFFFD0] =	vst v4;
	s28 =	smov.u32 s29  }
0x7a: {  	v2 =	vld.idx.msk [tilespmem:v5+s15+$0x0], $0xffff  }
0x7b: {  	v11 =	vld [tilespmem:s29+$0xFFFFFFE0]  }
0x7c: {  	v3 =	vld [tilespmem:s29+$0x20]  }
.Ltmp1:
0x7d: {  	v4 =	vld [tilespmem:s29+$0xFFFFFFD0];
	(pc) =	sbr.rel @p1 .LBB2_6-.Ltmp1, $3  }
0x7e: {  	v5 =	vld [tilespmem:s29+$0x0];
	_ =	sdelay $0x1  }
0x7f: {  	v7 =	vmul.f32 v7, v2;
	v9 =	vmul.f32 v6, v2  }
0x80: {  	v10 =	vmov s1;
	v8 =	vmul.f32 v8, v2;
	v6 =	vmul.f32 v11, v2  }
0x81: {  	[tilespmem:s28+$0x30] =	vst v9;
	v53 =	vand.u32 $0x7F, v10  }
0x82: {  	[tilespmem:s28+$0xFFFFFFC0] =	vst v7;
	v0 =	vadd.s32 v0, v53  }
0x83: {  	v1 =	vmul.f32 v1, v2;
	[tilespmem:s28+$0x10] =	vst v8;
	v0 =	vbroadcast v0, $0x0  }
0x84: {  	s0 =	sadd.s32 $0x80, s29;
	[tilespmem:s28+$0xFFFFFFE0] =	vst v6;
	v5 =	vmul.f32 v5, v2  }
0x85: {  	v55 =	vmul.f32 v4, v2;
	v6 =	vld [tilespmem:s0+$0xFFFFFFF0];
	[tilespmem:s28+$0xFFFFFFF0] =	vst v1  }
0x86: {  	v3 =	vmul.f32 v3, v2;
	v54 =	vld [tilespmem:s0+$0x30];
	[tilespmem:s28+$0x0] =	vst v5  }
0x87: {  	v57 =	vld [tilespmem:s0+$0xFFFFFFC0];
	[tilespmem:s28+$0xFFFFFFD0] =	vst v55  }
0x88: {  	v56 =	vld [tilespmem:s0+$0x10];
	[tilespmem:s28+$0x20] =	vst v3  }
0x89: {  	v0 =	vld.idx.msk [tilespmem:v0+s15+$0x0], $0xffff;
	_ =	sdelay $0x2  }
0x8a: {  	v2 =	vld [tilespmem:s0+$0xFFFFFFE0];
	_ =	sdelay $0x1  }
0x8b: {  	v5 =	vld [tilespmem:s0+$0x0];
	v1 =	vmul.f32 v54, v0  }
0x8c: {  	v58 =	vld [tilespmem:s0+$0x20];
	v3 =	vmul.f32 v57, v0  }
0x8d: {  	v59 =	vld [tilespmem:s0+$0xFFFFFFD0];
	v4 =	vmul.f32 v56, v0;
	[tilespmem:s0+$0x30] =	vst v1  }
0x8e: {  	v60 =	vmul.f32 v2, v0;
	[tilespmem:s0+$0xFFFFFFC0] =	vst v3  }
0x8f: {  	v61 =	vmul.f32 v6, v0;
	[tilespmem:s0+$0x10] =	vst v4  }
0x90: {  	v62 =	vmul.f32 v5, v0;
	[tilespmem:s0+$0xFFFFFFE0] =	vst v60  }
0x91: {  	v63 =	vmul.f32 v58, v0;
	[tilespmem:s0+$0xFFFFFFF0] =	vst v61  }
0x92: {  	s25 =	sadd.s32 $0x1, s25;
	v0 =	vmul.f32 v59, v0;
	[tilespmem:s0+$0x0] =	vst v62  }
0x93: {  	p1 =	sne.s32 s25, $0x14;
	[tilespmem:s0+$0x20] =	vst v63  }
.Ltmp2:
0x94: {  	s31 =	sadd.s32 $0x16800, s26;
	[tilespmem:s0+$0xFFFFFFD0] =	vst v0;
	(pc) =	sbr.rel @p1 .LBB2_3-.Ltmp2, $4  }
0x95: {  	[spmem:s3] =	stream.indirect.scatter.add.f32 [tilespmem:s19], [sflag:$0x3], $0x80, s31, s17, $0xb8;
	[tilespmem:$0x1FC00] =	vst v63  }
0x96: {  	_ =	swait.ge [sflag:s13], $0x4000  }
0x97: {  	[sflag:s13] =	ssyncset.done $0x0  }
0x98: {  	[sflag:s13] =	ssyncadd.s32 $0xFFFFC000  }
0x99: {  	p1 =	slt.u32 @!p0 s23, $0x2  }
0x9a: {  	p1 =	por p0, !p1  }
.Ltmp3:
0x9b: {  	_ = 	snop;
	(pc) =	sbr.rel @!p1 .LBB2_2-.Ltmp3, $4  }
0x9c: {  	_ = 	snop  }
0x9d: {  	_ =	swait.ge [sflag:s20], $0x4000  }
0x9e: {  	[sflag:s20] =	ssyncset.done $0x0  }
0x9f: {  	s23 =	sadd.s32 $0x1, s23;
	[sflag:s20] =	ssyncadd.s32 $0xFFFFC000  }
0xa0: {  	s4 =	sadd.s32 $0x1, s4  }
0xa1: {  	p1 =	sne.s32 s4, s11  }
.Ltmp4:
0xa2: {  	[bflag:$0x0] =	sbarrier.arrive $0xFFFF;
	(pc) =	sbr.rel @p1 .LBB2_1-.Ltmp4, $4  }
0xa3: {  	[hbm:s22], [sflag:s9] =	dma.local [spmem:s12], $0x2800  }
0xa4: {  	_ =	swait.ge [sflag:s13], $0x2800  }
0xa5: {  	[sflag:s13] =	ssyncset.done $0x0  }
0xa6: {  	[sflag:s13] =	ssyncadd.s32 $0xFFFFD800  }
0xa7: {  	_ =	sfence.sel $0x180000  }
0xa8: {  	[bflag:$0x0] =	sbarrier.arrive $0xFFFF  }
0xa9: {  	_ =	strace $0x9000004A  }
0xaa: {  	s0 =	stileid.u32;
	[bflag:$0x2] =	sbarrier.arrive $0xFFFF  }
0xab: {  	p0 =	sne.s32 s0, $0x0;
	s0 =	rddreg [dreg:$0x3]  }
0xac: {  	s0 =	sadd.s32 @!p0 $0x100000, s0  }
0xad: {  	[sflag:s0] =	ssyncadd.tile.s32 @!p0 $0x1;
	_ =	shalt  }
.Lfunc_end2:
_tile_overlayer_lowered:
.L_overlay_start_2:
0xae: {  	(tag) =	ssettag $0x2  }
0xaf: {  	s0 =	rddreg [dreg:$0x0];
	s2 =	stileid.u32  }
0xb0: {  	s1 =	rddreg [dreg:$0x1];
	p0 =	sne.s32 s2, $0x0  }
0xb1: {  	s3 =	rddreg [dreg:$0x2];
	[bflag:$0x3] =	sbarrier.arrive $0xFFFF;
	s2 =	simm.s32 @!p0 $0x1C03  }
0xb2: {  	[timem:s3], [sflag:s2] =	dma.local @!p0 [hbm:s0], s1  }
0xb3: {  	s0 =	simm.s32 @!p0 $0x3  }
0xb4: {  	_ =	swait.ge @!p0 [sflag:s0], s1  }
0xb5: {  	s1 =	ssub.s32 @!p0 $0x0, s1;
	[sflag:s0] =	ssyncset.done @!p0 $0x0  }
0xb6: {  	[sflag:s0] =	ssyncadd.s32 @!p0 s1  }
0xb7: {  	[bflag:$0x3] =	sbarrier.arrive $0xFFFF  }
0xb8: {  	_ =	shalt  }

// kernel: kernel.17.cloned.1.call-start
scs
__scs_entry_jumppad:
0x0: {  	(pc) =	sbr.rel $0x88, $3  }
0x1: {  	(tag) =	ssettag $0x0;
	lr =	simm.s32 $0x1  }
0x2: {  	[smem:$0x3F90] =	sst lr;
	_ =	strace $0xD0000000  }
0x3: {  	_ = 	snop  }
0x4: {  	_ = 	snop  }
0x5: {  	_ = 	snop  }
0x6: {  	_ = 	snop  }
0x7: {  	_ = 	snop  }
__scs_overlays_trampoline_lowered:
0x8: {  	[smem:$0x3F9F] =	sst s0  }
0x9: {  	[smem:$0x3FA0] =	sst s1  }
0xa: {  	[smem:$0x3FA1] =	sst s2  }
0xb: {  	[smem:$0x3FA2] =	sst s3  }
0xc: {  	[smem:$0x3FA3] =	sst s4  }
0xd: {  	[smem:$0x3FA4] =	sst s5  }
0xe: {  	[smem:$0x3FA5] =	sst s6  }
0xf: {  	[smem:$0x3FA6] =	sst s7  }
0x10: {  	[smem:$0x3FA7] =	sst s8  }
0x11: {  	[smem:$0x3FA8] =	sst s9;
	s0 =	simm.s32 @!p0 $0x0  }
0x12: {  	s1 =	sld [smem:$0x3F8E];
	s0 =	simm.s32 @p0 $0x1  }
0x13: {  	[smem:$0x3FA9] =	sst s0;
	s0 =	simm.s32 @!p1 $0x0  }
0x14: {  	s2 =	sld [smem:$0x3F8D];
	s0 =	simm.s32 @p1 $0x1  }
0x15: {  	[smem:$0x3FAA] =	sst s0;
	s0 =	simm.s32 @!p2 $0x0  }
0x16: {  	s3 =	sld [smem:$0x3FDB];
	s0 =	simm.s32 @p2 $0x1  }
0x17: {  	s4 =	simm.s32 $0x1BF5;
	[smem:$0x3FAC] =	sst s0  }
0x18: {  	s0 =	sld [smem:$0x3F8F];
	_ =	swait.ge [sflag:s4], $0x0  }
0x19: {  	s7 =	sld [smem:$0x3F90]  }
0x1a: {  	s8 =	sadd.s32 $0xFFFFE003, lr  }
0x1b: {  	s9 =	sadd.s32 $0xFFFFFEF7, lr;
	s5 =	simm.s32 $0xFFFFFFFF;
	p2 =	slt.u32 s8, $0xFFFFF086  }
0x1c: {  	p1 =	slt.u32 s9, $0xF7A;
	s5 =	simm.s32 @!p2 $0x0  }
0x1d: {  	s5 =	simm.s32 @p1 $0x1;
	p0 =	seq.s32 s7, s2  }
0x1e: {  	s7 =	smul.u32 @!p0 $0xF7A, s2;
	p2 =	seq.s32 @!p0 s5, $0x0  }
0x1f: {  	s9 =	smul.u32 $0xF7A, s1;
	s8 =	simm.s32 @!p0 $0x1BF5;
	p2 =	por !p2, p0  }
0x20: {  	[sflag:s8] =	ssyncset.s32 @!p0 $0xFFFFF086;
	s6 =	sadd.s32 @!p0 s3, s7;
	s7 =	simm.s32 @!p0 $0x108  }
0x21: {  	s3 =	sadd.s32 s3, s9;
	s6 =	sadd.s32 @!p0 $0x88, s6;
	s7 =	simm.s32 @p2 $0x1082  }
0x22: {  	[simem:s7], [sflag:s8] =	dma.local @!p0 [hbm:s6], $0xF7A  }
0x23: {  	s9 =	sor.u32 $0xD0000000, s2;
	s6 =	simm.s32 $0x108;
	_ =	swait.ge @!p0 [sflag:s8], $0x0  }
0x24: {  	s3 =	sadd.s32 $0x88, s3;
	s6 =	simm.s32 @!p1 $0x1082;
	[sflag:s4] =	ssyncset.s32 $0xFFFFF086  }
0x25: {  	[simem:s6], [sflag:s4] =	dma.local [hbm:s3], $0xF7A  }
0x26: {  	[smem:$0x3F90] =	sst s1;
	(tag) =	ssettag s2;
	_ =	strace s9  }
0x27: {  	s1 =	sld [smem:$0x3FA0]  }
0x28: {  	s2 =	sld [smem:$0x3FA1]  }
0x29: {  	s4 =	sld [smem:$0x3FA3]  }
0x2a: {  	p0 =	seq.s32 s5, $0x0;
	s5 =	sld [smem:$0x3FA4]  }
0x2b: {  	s6 =	sld [smem:$0x3FA5]  }
0x2c: {  	s7 =	sld [smem:$0x3FA6]  }
0x2d: {  	s3 =	simm.s32 $0x108;
	s8 =	sld [smem:$0x3FA7]  }
0x2e: {  	s3 =	simm.s32 @!p0 $0x1082;
	s9 =	sld [smem:$0x3FA8]  }
0x2f: {  	lr =	sadd.s32 s0, s3;
	s0 =	sld [smem:$0x3F9F]  }
0x30: {  	s3 =	sld [smem:$0x3FA2]  }
0x31: {  	[smem:$0x3FAB] =	sst s10  }
0x32: {  	s10 =	sld [smem:$0x3FA9];
	_ =	sdelay $0x3  }
0x33: {  	p0 =	seq.s32 s10, $0x1;
	s10 =	sld [smem:$0x3FAB];
	_ =	sdelay $0x3  }
0x34: {  	[smem:$0x3FAB] =	sst s10  }
0x35: {  	s10 =	sld [smem:$0x3FAA];
	_ =	sdelay $0x3  }
0x36: {  	p1 =	seq.s32 s10, $0x1;
	s10 =	sld [smem:$0x3FAB];
	_ =	sdelay $0x3  }
0x37: {  	[smem:$0x3FAB] =	sst s10  }
0x38: {  	s10 =	sld [smem:$0x3FAC]  }
0x39: {  	_ = 	snop;
	(pc) =	sbr.ind lr, $3  }
0x3a: {  	_ = 	snop  }
0x3b: {  	_ = 	snop  }
0x3c: {  	p2 =	seq.s32 s10, $0x1;
	s10 =	sld [smem:$0x3FAB]  }
0x3d: {  	_ =	shalt  }
0x3e: {  	_ =	shalt  }
0x3f: {  	_ =	shalt  }
0x40: {  	_ =	shalt  }
0x41: {  	_ =	shalt  }
0x42: {  	_ =	shalt  }
0x43: {  	_ =	shalt  }
0x44: {  	_ =	shalt  }
0x45: {  	_ =	shalt  }
0x46: {  	_ =	shalt  }
0x47: {  	_ =	shalt  }
0x48: {  	_ =	shalt  }
0x49: {  	_ =	shalt  }
0x4a: {  	_ =	shalt  }
0x4b: {  	_ =	shalt  }
0x4c: {  	_ =	shalt  }
0x4d: {  	_ =	shalt  }
0x4e: {  	_ =	shalt  }
0x4f: {  	_ =	shalt  }
0x50: {  	_ =	shalt  }
0x51: {  	_ =	shalt  }
0x52: {  	_ =	shalt  }
0x53: {  	_ =	shalt  }
0x54: {  	_ =	shalt  }
0x55: {  	_ =	shalt  }
0x56: {  	_ =	shalt  }
0x57: {  	_ =	shalt  }
0x58: {  	_ =	shalt  }
0x59: {  	_ =	shalt  }
0x5a: {  	_ =	shalt  }
0x5b: {  	_ =	shalt  }
0x5c: {  	_ =	shalt  }
0x5d: {  	_ =	shalt  }
0x5e: {  	_ =	shalt  }
0x5f: {  	_ =	shalt  }
0x60: {  	_ =	shalt  }
0x61: {  	_ =	shalt  }
0x62: {  	_ =	shalt  }
0x63: {  	_ =	shalt  }
0x64: {  	_ =	shalt  }
0x65: {  	_ =	shalt  }
0x66: {  	_ =	shalt  }
0x67: {  	_ =	shalt  }
0x68: {  	_ =	shalt  }
0x69: {  	_ =	shalt  }
0x6a: {  	_ =	shalt  }
0x6b: {  	_ =	shalt  }
0x6c: {  	_ =	shalt  }
0x6d: {  	_ =	shalt  }
0x6e: {  	_ =	shalt  }
0x6f: {  	_ =	shalt  }
0x70: {  	_ =	shalt  }
0x71: {  	_ =	shalt  }
0x72: {  	_ =	shalt  }
0x73: {  	_ =	shalt  }
0x74: {  	_ =	shalt  }
0x75: {  	_ =	shalt  }
0x76: {  	_ =	shalt  }
0x77: {  	_ =	shalt  }
0x78: {  	_ =	shalt  }
0x79: {  	_ =	shalt  }
0x7a: {  	_ =	shalt  }
0x7b: {  	_ =	shalt  }
0x7c: {  	_ =	shalt  }
0x7d: {  	_ =	shalt  }
0x7e: {  	_ =	shalt  }
0x7f: {  	_ =	shalt  }
0x80: {  	_ =	shalt  }
0x81: {  	_ =	shalt  }
0x82: {  	_ =	shalt  }
0x83: {  	_ =	shalt  }
0x84: {  	_ =	shalt  }
0x85: {  	_ =	shalt  }
0x86: {  	_ =	shalt  }
0x87: {  	_ =	shalt  }
.Lfunc_end0:
.L_simem_size_0:
called_computation.2_lowered:
.L_overlay_start_0:
0x88: {  	s2 =	sld [smem:$0x3FD9]  }
0x89: {  	s3 =	sld [smem:$0x3FFE];
	_ =	sdelay $0x1  }
0x8a: {  	s1 =	srdreg.scid  }
0x8b: {  	s0 =	sand.u32 $0x1, s1  }
0x8c: {  	s17 =	sshll.u32 s0, $0xA;
	s2 =	sadd.s32 s3, s2  }
0x8d: {  	s2 =	sadd.s32 s2, s17  }
0x8e: {  	[smem:$0x3FB7] =	sst s2  }
0x8f: {  	_ = 	snop  }
0x90: {  	s2 =	sld [smem:$0x3FD0];
	(tm) =	ssettm $0x1  }
0x91: {  	s18 =	sld [smem:$0x3FFB];
	_ =	sdelay $0x3  }
0x92: {  	_ =	strace s18  }
0x93: {  	s3 =	sld [smem:$0x3FFC];
	_ =	sdelay $0x3  }
0x94: {  	_ =	strace s3  }
0x95: {  	s3 =	sld [smem:$0x3FFD];
	_ =	sdelay $0x3  }
0x96: {  	_ =	strace s3  }
0x97: {  	_ =	strace $0x8FFFFFFF  }
0x98: {  	s19 =	sld [smem:$0x3FDB];
	_ =	sdelay $0x1  }
0x99: {  	s4 =	simm.s32 $_scs_section_size  }
0x9a: {  	s5 =	simm.s32 $_size__tile_overlayer_lowered;
	s6 =	simm.s32 $_tile_overlayer_lowered  }
0x9b: {  	s22 =	simm.s32 $0x1BFF;
	s21 =	sshll.u32 s6, $0x1;
	s3 =	sadd.s32 s4, s19  }
0x9c: {  	s7 =	simm.s32 $0x0;
	s20 =	sshll.u32 s5, $0x1;
	s5 =	sadd.s32 s21, s3  }
0x9d: {  	[timem:s7], [sflag:s22] =	dma.local [hbm:s5], s20  }
0x9e: {  	_ =	swait.ge [sflag:s22], s20  }
0x9f: {  	s4 =	ssub.s32 $0x0, s20;
	[sflag:s22] =	ssyncset.done $0x0  }
0xa0: {  	[sflag:s22] =	ssyncadd.s32 s4;
	_ =	sdelay $0x1  }
0xa1: {  	s23 =	simm.s32 $0x1B8B  }
0xa2: {  	_ =	swait.ge [sflag:s23], $0x1  }
0xa3: {  	[sflag:s23] =	ssyncset.done $0x0  }
0xa4: {  	s25 =	simm.s32 $0x1B8E;
	s24 =	sld [smem:$0x3FFE];
	[sflag:s23] =	ssyncadd.s32 $0xFFFFFFFF  }
0xa5: {  	s26 =	simm.s32 $execute0_lowered;
	[smem:$0x3FD2] =	sst s25  }
0xa6: {  	s5 =	sshll.u32 s26, $0x1;
	_ =	strace $0x8000004C;
	[dreg:$0x1] =	wrdreg $0xFFFFFFFF  }
0xa7: {  	s28 =	simm.s32 $_size_execute0_lowered;
	s3 =	sadd.s32 s3, s5;
	[dreg:$0x0] =	wrdreg $0x0  }
0xa8: {  	s5 =	sshll.u32 s28, $0x1;
	[dreg:$0x2] =	wrdreg s3  }
0xa9: {  	[dreg:$0x3] =	wrdreg s5  }
0xaa: {  	[dreg:$0x4] =	wrdreg $0xC0  }
0xab: {  	_ =	task [dreg:s7], $0x5FFFF  }
0xac: {  	[dreg:$0x1] =	wrdreg $0xFFFFFFFF  }
0xad: {  	[dreg:$0x0] =	wrdreg $0x60  }
0xae: {  	[dreg:$0x2] =	wrdreg s24  }
0xaf: {  	[dreg:$0x3] =	wrdreg s2  }
0xb0: {  	[dreg:$0x4] =	wrdreg $0x0  }
0xb1: {  	[dreg:$0x5] =	wrdreg $0x9  }
0xb2: {  	_ =	task.clear_ibuf [dreg:s7], $0x6FFFF;
	_ =	strace $0x9000004C  }
0xb3: {  	s29 =	simm.s32 $0x9;
	_ =	strace $0x8000004E  }
0xb4: {  	_ =	swait.ge [sflag:s29], $0x1  }
0xb5: {  	[sflag:s29] =	ssyncadd.s32 $0xFFFFFFFF  }
0xb6: {  	_ =	strace $0x9000004E  }
0xb7: {  	_ =	sfence  }
0xb8: {  	s30 =	sld [smem:$0x0];
	_ =	sdelay $0x2  }
0xb9: {  	s31 =	sshll.u32 s1, $0xD;
	s1 =	sshrl.u32 s1, $0x2  }
0xba: {  	s3 =	sand.u32 $0x4000, s31;
	s1 =	sadd.s32 s1, s30  }
0xbb: {  	s0 =	sor.u32 s3, s0;
	s1 =	sshll.u32 s1, $0x11  }
0xbc: {  	s0 =	sor.u32 s1, s0  }
0xbd: {  	s0 =	sadd.s32 $0x8F2B, s0  }
0xbe: {  	[sflag:s0] =	ssyncadd.remote.s32 $0x1  }
0xbf: {  	_ =	sfence.sel $0xFFFF  }
0xc0: {  	[dreg:$0x0] =	wrdreg $0xFFFFFFFF;
	(pc) =	sbr.abs _section_cstart, $3  }
0xc1: {  	[dreg:$0x1] =	wrdreg $0xFFFFFFFF  }
0xc2: {  	_ =	task.clear_ibuf [dreg:s7], $0x2FFFF;
	_ =	strace $0x9FFFFFFF  }
0xc3: {  	(tm) =	ssettm $0x7FFFFFFF  }
tec
execute0_lowered:
.L_overlay_start_1:
0x0: {  	(tag) =	ssettag $0x1  }
0x1: {  	s0 =	rddreg [dreg:$0x0]  }
0x2: {  	s2 =	rddreg [dreg:$0x1]  }
0x3: {  	s3 =	rddreg [dreg:$0x2]  }
0x4: {  	s4 =	simm.s32 $0x0;
	s1 =	stileid.u32;
	s5 =	srdreg.scid  }
0x5: {  	s15 =	simm.s32 $0x15400;
	s16 =	simm.s32 $0x16800;
	s17 =	simm.s32 $0x80  }
0x6: {  	s18 =	simm.s32 $0x17C00;
	s19 =	simm.s32 $0x1BC00;
	s20 =	simm.s32 $0x1  }
0x7: {  	s21 =	simm.s32 $0x2;
	s24 =	simm.s32 $0x0;
	s22 =	smul.u32 $0x2800, s1  }
0x8: {  	[smem:$0x7FF] =	sst s4;
	s23 =	sand.u32 $0x1, s5;
	s9 =	smul.u32 $0x50000, s1  }
0x9: {  	s5 =	sadd.s32 $0x67E00, s0;
	s6 =	sadd.s32 $0x5DE00, s0;
	s13 =	smul.u32 $0x28, s1  }
0xa: {  	s7 =	sadd.s32 $0x53E00, s0;
	s31 =	sshll.u32 s1, $0x6;
	s14 =	smul.u32 $0x78, s1  }
0xb: {  	_ =	strace $0x8000004D;
	s8 =	smul.u32 $0x28000, s23;
	s11 =	ssub.s32 $0x2, s23  }
0xc: {  	p0 =	seq.s32 s23, $0x0;
	s10 =	sadd.s32 s22, s0;
	s30 =	sshrl.u32 s11, $0x1  }
0xd: {  	s9 =	sshrl.u32 s9, $0x2;
	s0 =	sadd.s32 s8, s0;
	s11 =	ssub.s32 s11, s30  }
0xe: {  	s12 =	sadd.s32 s9, s3;
	s8 =	sadd.s32 $0x2BE00, s10;
	s10 =	sadd.s32 $0x780, s13  }
0xf: {  	s9 =	sor.u32 $0x1C03, s31;
	s13 =	simm.s32 $0x3;
	s10 =	smov.u32 @p0 s14  }
0x10: {  	s0 =	sadd.s32 $0x1A0600, s0;
	s11 =	smax.u32 s11, $0x1;
	s12 =	sshrl.u32 s12, $0x3  }
0x11: {  	s14 =	simm.s32 $0x14000;
	p0 =	sne.s32 s23, $0x0;
	s22 =	sadd.s32 s22, s0  }
.LBB2_1:
0x12: {  	[spmem:s12], [sflag:s9] =	dma.local [hbm:s8], $0x2800  }
0x13: {  	_ =	swait.ge [sflag:s13], $0x2800  }
0x14: {  	[sflag:s13] =	ssyncset.done $0x0  }
0x15: {  	[sflag:s13] =	ssyncadd.s32 $0xFFFFD800  }
0x16: {  	s23 =	simm.s32 $0x0;
	[bflag:$0x0] =	sbarrier.arrive $0xFFFF  }
.LBB2_2:
0x17: {  	s0 =	smul.u32 $0x28, s23;
	_ =	sdelay $0x1  }
0x18: {  	s0 =	sadd.s32 s10, s0  }
0x19: {  	s0 =	sshll.u32 s0, $0x4  }
0x1a: {  	s25 =	sadd.s32 s6, s0  }
0x1b: {  	[tilespmem:s14], [sflag:$0x3] =	stream.linear.gather [hbm4b:s25+s24], $0x1400, $0x38;
	[tilespmem:$0x1FC00] =	vst v63  }
0x1c: {  	_ =	swait.ge [sflag:s13], $0x1400  }
0x1d: {  	[sflag:s13] =	ssyncset.done $0x0  }
0x1e: {  	s31 =	sadd.s32 s7, s0;
	[sflag:s13] =	ssyncadd.s32 $0xFFFFEC00  }
0x1f: {  	[tilespmem:s15], [sflag:$0x3] =	stream.linear.gather [hbm4b:s31+s24], $0x1400, $0x38;
	[tilespmem:$0x1FC00] =	vst v63  }
0x20: {  	_ =	swait.ge [sflag:s13], $0x1400  }
0x21: {  	[sflag:s13] =	ssyncset.done $0x0  }
0x22: {  	s0 =	sadd.s32 s2, s0;
	[sflag:s13] =	ssyncadd.s32 $0xFFFFEC00  }
0x23: {  	[tilespmem:s16], [sflag:$0x3] =	stream.linear.gather [hbm4b:s0+s24], $0x1400, $0x38;
	[tilespmem:$0x1FC00] =	vst v63  }
0x24: {  	_ =	swait.ge [sflag:s13], $0x1400  }
0x25: {  	[sflag:s13] =	ssyncset.done $0x0  }
0x26: {  	s25 =	simm.s32 $0x0;
	[sflag:s13] =	ssyncadd.s32 $0xFFFFEC00  }
0x27: {  	[tilespmem:s18], [sflag:$0x1] =	stream.indirect.gather [hbm4b:s5+s17], $0x80, s14, s17, $0xb8;
	[tilespmem:$0x1FC00] =	vst v63  }
.LBB2_3:
0x28: {  	s0 =	sshllo.u32 s25, $0x1  }
0x29: {  	s28 =	sshll.u32 s25, $0x8;
	v1 =	vmov s24;
	s26 =	sshll.u32 s0, $0x7  }
0x2a: {  	v0 =	vmov s28;
	v1 =	vand.u32 $0x7F, v1;
	s0 =	sadd.s32 $0x14000, s26  }
0x2b: {  	v1 =	vadd.s32 v0, v1;
	[tilespmem:s19], [sflag:$0x2] =	stream.indirect.gather [hbm4b:s5+s17], $0x80, s0, s17, $0xb8;
	[tilespmem:$0x1FC00] =	vst v63  }
0x2c: {  	v1 =	vbroadcast v1, $0x0;
	_ =	swait.ge [sflag:s20], $0x4000  }
0x2d: {  	[sflag:s20] =	ssyncset.done $0x0  }
0x2e: {  	s30 =	simm.s32 $0x17C40;
	[sflag:s20] =	ssyncadd.s32 $0xFFFFC000  }
0x2f: {  	v5 =	vld [tilespmem:s30+$0x30]  }
0x30: {  	v8 =	vld [tilespmem:s30+$0x10]  }
0x31: {  	v6 =	vld [tilespmem:s30+$0xFFFFFFC0]  }
0x32: {  	v2 =	vld.idx.msk [tilespmem:v1+s15+$0x0], $0xffff  }
0x33: {  	v11 =	vld [tilespmem:s30+$0xFFFFFFE0]  }
0x34: {  	v3 =	vld [tilespmem:s30+$0x20]  }
0x35: {  	v4 =	vld [tilespmem:s30+$0xFFFFFFD0]  }
0x36: {  	v1 =	vld [tilespmem:s30+$0xFFFFFFF0]  }
0x37: {  	v9 =	vmul.f32 v5, v2;
	v5 =	vld [tilespmem:s30+$0x0]  }
0x38: {  	s31 =	simm.s32 $0x1;
	v7 =	vmul.f32 v6, v2  }
0x39: {  	s29 =	sshll.u32 s25, $0x1;
	v10 =	vmov s31;
	s31 =	simm.s32 $0x17C40;
	s0 =	simm.s32 $0x2;
	v6 =	vmul.f32 v11, v2;
	v8 =	vmul.f32 v8, v2  }
.LBB2_4:
0x3a: {  	p1 =	sne.s32 s0, $0x7F  }
0x3b: {  	v10 =	vand.u32 $0x7F, v10;
	v4 =	vmul.f32 v4, v2;
	v3 =	vmul.f32 v3, v2;
	[tilespmem:s30+$0x30] =	vst v9;
	s31 =	sadd.s32 $0x80, s31;
	s1 =	smov.u32 s0;
	s0 =	sadd.s32 $0x1, s0  }
0x3c: {  	v9 =	vadd.s32 v0, v10;
	[tilespmem:s30+$0xFFFFFFC0] =	vst v7;
	v7 =	vmul.f32 v1, v2;
	v2 =	vmul.f32 v5, v2  }
0x3d: {  	v5 =	vbroadcast v9, $0x0;
	[tilespmem:s30+$0x10] =	vst v8  }
0x3e: {  	[tilespmem:s30+$0xFFFFFFE0] =	vst v6  }
0x3f: {  	v1 =	vld [tilespmem:s31+$0xFFFFFFF0];
	[tilespmem:s30+$0xFFFFFFF0] =	vst v7  }
0x40: {  	v6 =	vld [tilespmem:s31+$0x30];
	[tilespmem:s30+$0x0] =	vst v2  }
0x41: {  	v8 =	vld [tilespmem:s31+$0x10];
	[tilespmem:s30+$0x20] =	vst v3  }
0x42: {  	v7 =	vld [tilespmem:s31+$0xFFFFFFC0];
	[tilespmem:s30+$0xFFFFFFD0] =	vst v4;
	s30 =	smov.u32 s31  }
0x43: {  	v2 =	vld.idx.msk [tilespmem:v5+s15+$0x0], $0xffff  }
0x44: {  	v11 =	vld [tilespmem:s31+$0xFFFFFFE0]  }
0x45: {  	v3 =	vld [tilespmem:s31+$0x20]  }
.Ltmp0:
0x46: {  	v4 =	vld [tilespmem:s31+$0xFFFFFFD0];
	(pc) =	sbr.rel @p1 .LBB2_4-.Ltmp0, $3  }
0x47: {  	v5 =	vld [tilespmem:s31+$0x0];
	_ =	sdelay $0x1  }
0x48: {  	v7 =	vmul.f32 v7, v2;
	v9 =	vmul.f32 v6, v2  }
0x49: {  	v10 =	vmov s1;
	v8 =	vmul.f32 v8, v2;
	v6 =	vmul.f32 v11, v2  }
0x4a: {  	[tilespmem:s30+$0xFFFFFFC0] =	vst v7;
	v7 =	vand.u32 $0x7F, v10  }
0x4b: {  	[tilespmem:s30+$0x30] =	vst v9;
	v0 =	vadd.s32 v0, v7  }
0x4c: {  	v1 =	vmul.f32 v1, v2;
	[tilespmem:s30+$0x10] =	vst v8;
	v0 =	vbroadcast v0, $0x0  }
0x4d: {  	s0 =	sadd.s32 $0x80, s31;
	[tilespmem:s30+$0xFFFFFFE0] =	vst v6;
	v5 =	vmul.f32 v5, v2  }
0x4e: {  	v3 =	vmul.f32 v3, v2;
	v6 =	vld [tilespmem:s0+$0xFFFFFFF0];
	[tilespmem:s30+$0xFFFFFFF0] =	vst v1  }
0x4f: {  	v2 =	vmul.f32 v4, v2;
	v1 =	vld [tilespmem:s0+$0x30];
	[tilespmem:s30+$0x0] =	vst v5  }
0x50: {  	v4 =	vld [tilespmem:s0+$0x10];
	[tilespmem:s30+$0x20] =	vst v3  }
0x51: {  	v3 =	vld [tilespmem:s0+$0xFFFFFFC0];
	[tilespmem:s30+$0xFFFFFFD0] =	vst v2  }
0x52: {  	v0 =	vld.idx.msk [tilespmem:v0+s15+$0x0], $0xffff;
	_ =	sdelay $0x2  }
0x53: {  	v2 =	vld [tilespmem:s0+$0xFFFFFFE0];
	_ =	sdelay $0x1  }
0x54: {  	v5 =	vld [tilespmem:s0+$0x0];
	v1 =	vmul.f32 v1, v0  }
0x55: {  	v7 =	vld [tilespmem:s0+$0x20];
	v3 =	vmul.f32 v3, v0  }
0x56: {  	v8 =	vld [tilespmem:s0+$0xFFFFFFD0];
	v4 =	vmul.f32 v4, v0;
	[tilespmem:s0+$0x30] =	vst v1  }
0x57: {  	v1 =	vmul.f32 v2, v0;
	[tilespmem:s0+$0xFFFFFFC0] =	vst v3  }
0x58: {  	v2 =	vmul.f32 v6, v0;
	[tilespmem:s0+$0x10] =	vst v4  }
0x59: {  	v3 =	vmul.f32 v5, v0;
	[tilespmem:s0+$0xFFFFFFE0] =	vst v1  }
0x5a: {  	v1 =	vmul.f32 v7, v0;
	[tilespmem:s0+$0xFFFFFFF0] =	vst v2  }
0x5b: {  	v0 =	vmul.f32 v8, v0;
	[tilespmem:s0+$0x0] =	vst v3  }
0x5c: {  	s1 =	sand.u32 $0x3FFFFF00, s28;
	[tilespmem:s0+$0x20] =	vst v1  }
0x5d: {  	s31 =	sadd.s32 $0x16800, s1;
	[tilespmem:s0+$0xFFFFFFD0] =	vst v0  }
0x5e: {  	[spmem:s3] =	stream.indirect.scatter.add.f32 [tilespmem:s18], [sflag:$0x3], $0x80, s31, s17, $0xb8;
	[tilespmem:$0x1FC00] =	vst v63  }
0x5f: {  	s1 =	smin.u32 s29, $0x25;
	s30 =	simm.s32 $0x0;
	_ =	swait.ge [sflag:s13], $0x4000  }
0x60: {  	s0 =	sshll.u32 s1, $0x7;
	v1 =	vmov s30;
	[sflag:s13] =	ssyncset.done $0x0  }
0x61: {  	v0 =	vmov s26;
	s0 =	sadd.s32 $0x14100, s0;
	v1 =	vand.u32 $0x7F, v1;
	[sflag:s13] =	ssyncadd.s32 $0xFFFFC000  }
0x62: {  	v1 =	vadd.s32 v0, v1;
	[tilespmem:s18], [sflag:$0x1] =	stream.indirect.gather [hbm4b:s5+s17], $0x80, s0, s17, $0xb8;
	[tilespmem:$0x1FC00] =	vst v63  }
0x63: {  	v1 =	vbroadcast v1, $0x0;
	_ =	swait.ge [sflag:s21], $0x4000  }
0x64: {  	[sflag:s21] =	ssyncset.done $0x0  }
0x65: {  	s28 =	simm.s32 $0x1BC40;
	[sflag:s21] =	ssyncadd.s32 $0xFFFFC000  }
0x66: {  	v5 =	vld [tilespmem:s28+$0x30]  }
0x67: {  	v8 =	vld [tilespmem:s28+$0x10]  }
0x68: {  	v6 =	vld [tilespmem:s28+$0xFFFFFFC0]  }
0x69: {  	v2 =	vld.idx.msk [tilespmem:v1+s15+$0x0], $0xffff  }
0x6a: {  	v11 =	vld [tilespmem:s28+$0xFFFFFFE0]  }
0x6b: {  	v1 =	vld [tilespmem:s28+$0xFFFFFFF0]  }
0x6c: {  	v3 =	vld [tilespmem:s28+$0x20]  }
0x6d: {  	v4 =	vld [tilespmem:s28+$0xFFFFFFD0]  }
0x6e: {  	v9 =	vmul.f32 v5, v2;
	v5 =	vld [tilespmem:s28+$0x0]  }
0x6f: {  	s31 =	simm.s32 $0x1;
	v7 =	vmul.f32 v6, v2  }
0x70: {  	s29 =	simm.s32 $0x1BC40;
	v10 =	vmov s31;
	s0 =	simm.s32 $0x2;
	v6 =	vmul.f32 v11, v2;
	v8 =	vmul.f32 v8, v2  }
.LBB2_6:
0x71: {  	p1 =	sne.s32 s0, $0x7F  }
0x72: {  	v10 =	vand.u32 $0x7F, v10;
	v4 =	vmul.f32 v4, v2;
	v3 =	vmul.f32 v3, v2;
	[tilespmem:s28+$0x30] =	vst v9;
	s29 =	sadd.s32 $0x80, s29;
	s1 =	smov.u32 s0;
	s0 =	sadd.s32 $0x1, s0  }
0x73: {  	v9 =	vadd.s32 v0, v10;
	[tilespmem:s28+$0xFFFFFFC0] =	vst v7;
	v7 =	vmul.f32 v1, v2;
	v2 =	vmul.f32 v5, v2  }
0x74: {  	v5 =	vbroadcast v9, $0x0;
	[tilespmem:s28+$0x10] =	vst v8  }
0x75: {  	[tilespmem:s28+$0xFFFFFFE0] =	vst v6  }
0x76: {  	v1 =	vld [tilespmem:s29+$0xFFFFFFF0];
	[tilespmem:s28+$0xFFFFFFF0] =	vst v7  }
0x77: {  	v6 =	vld [tilespmem:s29+$0x30];
	[tilespmem:s28+$0x0] =	vst v2  }
0x78: {  	v8 =	vld [tilespmem:s29+$0x10];
	[tilespmem:s28+$0x20] =	vst v3  }
0x79: {  	v7 =	vld [tilespmem:s29+$0xFFFFFFC0];
	[tilespmem:s28+$0xFFFFFFD0] =	vst v4;
	s28 =	smov.u32 s29  }
0x7a: {  	v2 =	vld.idx.msk [tilespmem:v5+s15+$0x0], $0xffff  }
0x7b: {  	v11 =	vld [tilespmem:s29+$0xFFFFFFE0]  }
0x7c: {  	v3 =	vld [tilespmem:s29+$0x20]  }
.Ltmp1:
0x7d: {  	v4 =	vld [tilespmem:s29+$0xFFFFFFD0];
	(pc) =	sbr.rel @p1 .LBB2_6-.Ltmp1, $3  }
0x7e: {  	v5 =	vld [tilespmem:s29+$0x0];
	_ =	sdelay $0x1  }
0x7f: {  	v7 =	vmul.f32 v7, v2;
	v9 =	vmul.f32 v6, v2  }
0x80: {  	v10 =	vmov s1;
	v8 =	vmul.f32 v8, v2;
	v6 =	vmul.f32 v11, v2  }
0x81: {  	[tilespmem:s28+$0x30] =	vst v9;
	v53 =	vand.u32 $0x7F, v10  }
0x82: {  	[tilespmem:s28+$0xFFFFFFC0] =	vst v7;
	v0 =	vadd.s32 v0, v53  }
0x83: {  	v1 =	vmul.f32 v1, v2;
	[tilespmem:s28+$0x10] =	vst v8;
	v0 =	vbroadcast v0, $0x0  }
0x84: {  	s0 =	sadd.s32 $0x80, s29;
	[tilespmem:s28+$0xFFFFFFE0] =	vst v6;
	v5 =	vmul.f32 v5, v2  }
0x85: {  	v55 =	vmul.f32 v4, v2;
	v6 =	vld [tilespmem:s0+$0xFFFFFFF0];
	[tilespmem:s28+$0xFFFFFFF0] =	vst v1  }
0x86: {  	v3 =	vmul.f32 v3, v2;
	v54 =	vld [tilespmem:s0+$0x30];
	[tilespmem:s28+$0x0] =	vst v5  }
0x87: {  	v57 =	vld [tilespmem:s0+$0xFFFFFFC0];
	[tilespmem:s28+$0xFFFFFFD0] =	vst v55  }
0x88: {  	v56 =	vld [tilespmem:s0+$0x10];
	[tilespmem:s28+$0x20] =	vst v3  }
0x89: {  	v0 =	vld.idx.msk [tilespmem:v0+s15+$0x0], $0xffff;
	_ =	sdelay $0x2  }
0x8a: {  	v2 =	vld [tilespmem:s0+$0xFFFFFFE0];
	_ =	sdelay $0x1  }
0x8b: {  	v5 =	vld [tilespmem:s0+$0x0];
	v1 =	vmul.f32 v54, v0  }
0x8c: {  	v58 =	vld [tilespmem:s0+$0x20];
	v3 =	vmul.f32 v57, v0  }
0x8d: {  	v59 =	vld [tilespmem:s0+$0xFFFFFFD0];
	v4 =	vmul.f32 v56, v0;
	[tilespmem:s0+$0x30] =	vst v1  }
0x8e: {  	v60 =	vmul.f32 v2, v0;
	[tilespmem:s0+$0xFFFFFFC0] =	vst v3  }
0x8f: {  	v61 =	vmul.f32 v6, v0;
	[tilespmem:s0+$0x10] =	vst v4  }
0x90: {  	v62 =	vmul.f32 v5, v0;
	[tilespmem:s0+$0xFFFFFFE0] =	vst v60  }
0x91: {  	v63 =	vmul.f32 v58, v0;
	[tilespmem:s0+$0xFFFFFFF0] =	vst v61  }
0x92: {  	s25 =	sadd.s32 $0x1, s25;
	v0 =	vmul.f32 v59, v0;
	[tilespmem:s0+$0x0] =	vst v62  }
0x93: {  	p1 =	sne.s32 s25, $0x14;
	[tilespmem:s0+$0x20] =	vst v63  }
.Ltmp2:
0x94: {  	s31 =	sadd.s32 $0x16800, s26;
	[tilespmem:s0+$0xFFFFFFD0] =	vst v0;
	(pc) =	sbr.rel @p1 .LBB2_3-.Ltmp2, $4  }
0x95: {  	[spmem:s3] =	stream.indirect.scatter.add.f32 [tilespmem:s19], [sflag:$0x3], $0x80, s31, s17, $0xb8;
	[tilespmem:$0x1FC00] =	vst v63  }
0x96: {  	_ =	swait.ge [sflag:s13], $0x4000  }
0x97: {  	[sflag:s13] =	ssyncset.done $0x0  }
0x98: {  	[sflag:s13] =	ssyncadd.s32 $0xFFFFC000  }
0x99: {  	p1 =	slt.u32 @!p0 s23, $0x2  }
0x9a: {  	p1 =	por p0, !p1  }
.Ltmp3:
0x9b: {  	_ = 	snop;
	(pc) =	sbr.rel @!p1 .LBB2_2-.Ltmp3, $4  }
0x9c: {  	_ = 	snop  }
0x9d: {  	_ =	swait.ge [sflag:s20], $0x4000  }
0x9e: {  	[sflag:s20] =	ssyncset.done $0x0  }
0x9f: {  	s23 =	sadd.s32 $0x1, s23;
	[sflag:s20] =	ssyncadd.s32 $0xFFFFC000  }
0xa0: {  	s4 =	sadd.s32 $0x1, s4  }
0xa1: {  	p1 =	sne.s32 s4, s11  }
.Ltmp4:
0xa2: {  	[bflag:$0x0] =	sbarrier.arrive $0xFFFF;
	(pc) =	sbr.rel @p1 .LBB2_1-.Ltmp4, $4  }
0xa3: {  	[hbm:s22], [sflag:s9] =	dma.local [spmem:s12], $0x2800  }
0xa4: {  	_ =	swait.ge [sflag:s13], $0x2800  }
0xa5: {  	[sflag:s13] =	ssyncset.done $0x0  }
0xa6: {  	[sflag:s13] =	ssyncadd.s32 $0xFFFFD800  }
0xa7: {  	_ =	sfence.sel $0x180000  }
0xa8: {  	[bflag:$0x0] =	sbarrier.arrive $0xFFFF  }
0xa9: {  	_ =	strace $0x9000004D  }
0xaa: {  	s0 =	stileid.u32;
	[bflag:$0x2] =	sbarrier.arrive $0xFFFF  }
0xab: {  	p0 =	sne.s32 s0, $0x0;
	s0 =	rddreg [dreg:$0x3]  }
0xac: {  	s0 =	sadd.s32 @!p0 $0x100000, s0  }
0xad: {  	[sflag:s0] =	ssyncadd.tile.s32 @!p0 $0x1;
	_ =	shalt  }
.Lfunc_end2:
_tile_overlayer_lowered:
.L_overlay_start_2:
0xae: {  	(tag) =	ssettag $0x2  }
0xaf: {  	s0 =	rddreg [dreg:$0x0];
	s2 =	stileid.u32  }
0xb0: {  	s1 =	rddreg [dreg:$0x1];
	p0 =	sne.s32 s2, $0x0  }
0xb1: {  	s3 =	rddreg [dreg:$0x2];
	[bflag:$0x3] =	sbarrier.arrive $0xFFFF;
	s2 =	simm.s32 @!p0 $0x1C03  }
0xb2: {  	[timem:s3], [sflag:s2] =	dma.local @!p0 [hbm:s0], s1  }
0xb3: {  	s0 =	simm.s32 @!p0 $0x3  }
0xb4: {  	_ =	swait.ge @!p0 [sflag:s0], s1  }
0xb5: {  	s1 =	ssub.s32 @!p0 $0x0, s1;
	[sflag:s0] =	ssyncset.done @!p0 $0x0  }
0xb6: {  	[sflag:s0] =	ssyncadd.s32 @!p0 s1  }
0xb7: {  	[bflag:$0x3] =	sbarrier.arrive $0xFFFF  }
0xb8: {  	_ =	shalt  }

</sc_bundles>
